<compile_context>
chip_gen: v7x
topology: tpu7x:2x2x1
jax: 0.10.2.dev20260603
libtpu: 0.0.44.dev20260713+nightly
codegen_flags: <defaults>
</compile_context>

<pallas_src>
import functools

import jax
import jax.numpy as jnp
from jax import lax
from jax.experimental import pallas as pl
from jax.experimental.pallas import tpu as pltpu
from jax.experimental.pallas import tpu_sc as plsc

N = 256
S = 256
B = 8
K = 76

_DP = lax.Precision.DEFAULT

_RPW = 16
_WORKERS = N // _RPW
_SIGN = -2147483648


def _cos_key_kernel(emb_ref, embT_ref, sk_ref, sk4_ref):
    emb = emb_ref[...]
    embT = embT_ref[...]
    g = lax.dot_general(emb, emb, (((1,), (1,)), ((), ())),
                        precision=_DP, preferred_element_type=jnp.float32)
    nsq_col = jnp.sum(emb * emb, axis=1, keepdims=True)
    nsq_row = jnp.sum(embT * embT, axis=0, keepdims=True)
    cos = g / (jnp.sqrt(nsq_col) * jnp.sqrt(nsq_row) + 1e-8)
    bits = lax.bitcast_convert_type(cos, jnp.int32)
    sk = jnp.where(bits >= 0, bits, bits ^ jnp.int32(0x7FFFFFFF))
    sk_ref[...] = sk
    for tr in range(N // 8):
        for tc in range(N // 128):
            sk4_ref[tr, tc] = sk[8 * tr:8 * tr + 8, 128 * tc:128 * tc + 128]


def _topk_sc(sk4_hbm, kth_hbm, buf4, kvec):
    sid = lax.axis_index("s")
    cid = lax.axis_index("c")

    @pl.when(cid == 0)
    def _():
        c0 = sid * _RPW
        ci = sid // 8
        co = (sid % 8) * _RPW
        pltpu.sync_copy(
            sk4_hbm.at[:, pl.ds(ci, 1), :, pl.ds(co, _RPW)], buf4)

        def bit_body(t, kacc):
            sh = jnp.int32(31) - t.astype(jnp.int32)
            trial_u = kacc | (jnp.int32(1) << sh)
            trial_s = trial_u ^ jnp.int32(_SIGN)
            accs = [jnp.zeros((16,), jnp.int32) for _ in range(8)]
            for tr in range(N // 8):
                for rl in range(8):
                    accs[rl] = accs[rl] + (
                        buf4[tr, 0, rl] >= trial_s).astype(jnp.int32)
            a0, a1 = accs[0] + accs[1], accs[2] + accs[3]
            a2, a3 = accs[4] + accs[5], accs[6] + accs[7]
            cnt = (a0 + a1) + (a2 + a3)
            return jnp.where(cnt >= K, trial_u, kacc)

        k_u = lax.fori_loop(0, 32, bit_body, jnp.zeros((16,), jnp.int32))
        kvec[...] = k_u ^ jnp.int32(_SIGN)
        pltpu.sync_copy(kvec, kth_hbm.at[pl.ds(c0, _RPW)])


_topk_sc_call = functools.partial(
    pl.kernel,
    mesh=plsc.VectorSubcoreMesh(core_axis_name="c", subcore_axis_name="s"),
    out_type=jax.ShapeDtypeStruct((N,), jnp.int32),
    compiler_params=pltpu.CompilerParams(use_tc_tiling_on_sc=False,
                                         needs_layout_passes=False),
    scratch_types=[
        pltpu.VMEM((N // 8, 1, 8, _RPW), jnp.int32),
        pltpu.VMEM((16,), jnp.int32),
    ],
)(_topk_sc)


def _finish_kernel(x_ref, wt_ref, bias_ref, sk_ref, kth_ref, out_ref):
    sk = sk_ref[...]
    kth = kth_ref[...]

    gt = sk > kth
    eq = sk == kth
    g_cnt = jnp.sum(gt.astype(jnp.int32), axis=0, keepdims=True)
    need = (K - g_cnt).astype(jnp.float32)
    eqf = eq.astype(jnp.float32)
    cc = eqf
    for sh in (1, 2, 4, 8, 16, 32, 64, 128):
        cc = cc + jnp.concatenate(
            [jnp.zeros((sh, N), jnp.float32), cc[: N - sh, :]], axis=0)
    cc = cc - eqf
    mt = jnp.where(gt | (eq & (cc < need)), 1.0, 0.0)

    eyef = (lax.broadcasted_iota(jnp.int32, (N, N), 0)
            == lax.broadcasted_iota(jnp.int32, (N, N), 1)).astype(jnp.float32)
    m = lax.dot_general(mt, eyef, (((0,), (0,)), ((), ())),
                        precision=_DP, preferred_element_type=jnp.float32)
    adj = jnp.where(mt + m > 0, 1.0, 0.0)
    nbr = jnp.maximum(adj, eyef)
    common = lax.dot_general(nbr, nbr, (((1,), (1,)), ((), ())),
                             precision=_DP, preferred_element_type=jnp.float32)
    maxc = jnp.max(jnp.max(common, axis=1, keepdims=True), axis=0,
                   keepdims=True)
    coeff = jnp.where((adj > 0) & (common > 1), (common / maxc) * common, 0.0)

    a = mt * coeff
    deg = jnp.sum(a, axis=0, keepdims=True)
    dinv = jnp.where(deg > 0, lax.rsqrt(deg), 0.0)

    wt = wt_ref[...]
    bias = bias_ref[...]
    for b in range(B):
        xb = x_ref[b]
        h = lax.dot_general(wt, xb, (((1,), (0,)), ((), ())),
                            precision=_DP, preferred_element_type=jnp.float32)
        o = lax.dot_general(h * dinv, a, (((1,), (0,)), ((), ())),
                            precision=_DP, preferred_element_type=jnp.float32)
        out_ref[b] = o * dinv + bias


@jax.jit
def kernel(x, weight, bias, embedding):
    sk, sk4 = pl.pallas_call(
        _cos_key_kernel,
        out_shape=(jax.ShapeDtypeStruct((N, N), jnp.int32),
                   jax.ShapeDtypeStruct((N // 8, N // 128, 8, 128),
                                        jnp.int32)),
    )(embedding, embedding.T)
    kth = _topk_sc_call(sk4)
    out = pl.pallas_call(
        _finish_kernel,
        out_shape=jax.ShapeDtypeStruct((B, S, N), jnp.float32),
    )(x, weight.T, bias[:, None], sk, kth[None, :])
    return out

# --- scband reference (transcript-rebuilt; emitter-appended) ---
"""Pipeline reference for scband-graph-embedding-11836929868229 (READ-ONLY COPY).

The authoritative reference and input builder live on the scoring server;
editing this copy changes nothing except your own understanding.
"""

import jax, jax.numpy as jnp
import numpy as np

BATCH = 8
NUM_NODES = 256
SEQ_LEN = 256
EMBED_DIM = 64
TOPK = int(0.3 * NUM_NODES)  # 76


def setup_inputs(seed: int = 0) -> dict:
    key = jax.random.key(seed)
    k1, k2, k3 = jax.random.split(key, 3)
    x = jax.random.normal(k1, (BATCH, SEQ_LEN, NUM_NODES), dtype=jnp.float32)
    # glorot uniform for weight [in_channels=seq_len, out_channels=seq_len]
    lw = float(np.sqrt(6.0 / (SEQ_LEN + SEQ_LEN)))
    weight = jax.random.uniform(k2, (SEQ_LEN, SEQ_LEN), minval=-lw, maxval=lw, dtype=jnp.float32)
    bias = jnp.zeros((SEQ_LEN,), dtype=jnp.float32)
    # xavier uniform for embedding [num_nodes, embed_dim]
    le = float(np.sqrt(6.0 / (NUM_NODES + EMBED_DIM)))
    embedding = jax.random.uniform(k3, (NUM_NODES, EMBED_DIM), minval=-le, maxval=le, dtype=jnp.float32)
    return {"x": x, "weight": weight, "bias": bias, "embedding": embedding}


def _ada_gcn_forward(x, weight, bias, embedding):
    # x: [B, N, S] (already permuted)
    B, N, S = x.shape
    xf = x.reshape(-1, S)  # [B*N, S]

    # ---- compute_topk_graph ----
    w = embedding  # [N, D]
    cos = w @ w.T
    nrm = jnp.linalg.norm(w, axis=-1)
    cos = cos / (nrm[:, None] * nrm[None, :] + 1e-8)
    _, topk_idx = jax.lax.top_k(cos, TOPK)  # [N, TOPK]
    gated_j = topk_idx.reshape(-1)                       # src (per-graph)
    gated_i = jnp.repeat(jnp.arange(N), TOPK)            # dst (per-graph)
    offsets = jnp.arange(B) * N
    src = (gated_j[None, :] + offsets[:, None]).reshape(-1)
    dst = (gated_i[None, :] + offsets[:, None]).reshape(-1)

    # ---- compute_structural_coeff (lambda_val=1.0) ----
    s0 = src % N
    d0 = dst % N
    adj = jnp.zeros((N, N), dtype=jnp.float32).at[s0, d0].set(1.0)
    adj = jnp.clip(adj + adj.T, 0.0, 1.0)
    nbr = jnp.clip(adj + jnp.eye(N, dtype=jnp.float32), 0.0, 1.0)
    common = nbr @ nbr.T
    edge_mask = adj * (common > 1).astype(jnp.float32)
    max_common = common.max()
    coeff = jnp.where(edge_mask > 0, (common / max_common) * (common ** 1.0), 0.0)
    edge_weight = coeff[s0, d0]

    # ---- gcn_norm (no self loops added) ----
    M = B * N
    deg = jax.ops.segment_sum(edge_weight, dst, num_segments=M)
    deg_inv_sqrt = jnp.where(deg > 0, deg ** -0.5, 0.0)
    norm = deg_inv_sqrt[src] * edge_weight * deg_inv_sqrt[dst]

    # ---- linear + propagate (aggr='add') ----
    h = xf @ weight  # [B*N, S]
    msg = norm[:, None] * h[src]
    out = jax.ops.segment_sum(msg, dst, num_segments=M)
    out = out + bias
    return out.reshape(B, N, S)


def reference(x, weight, bias, embedding):
    # GraphEmbedding.forward: permute, num_levels=1 gc pass, permute back
    xp = jnp.transpose(x, (0, 2, 1))  # [B, N, S]
    xp = _ada_gcn_forward(xp, weight, bias, embedding)
    return jnp.transpose(xp, (0, 2, 1))  # [B, S, N]

if __name__ == "__main__":
    import jax
    _d = setup_inputs()
    print(jax.jit(kernel)(*tuple(_d.values())))

</pallas_src>

<mosaic_0001>
#map = affine_map<(d0, d1) -> (0, 0, 0, 0)>
#map1 = affine_map<(d0, d1) -> (0)>
module attributes {stable_mosaic.version = 14 : i64} {
  func.func @_topk_sc(%arg0: i32, %arg1: i32, %arg2: memref<32x2x8x128xi32, #tpu.memory_space<hbm>>, %arg3: memref<256xi32, #tpu.memory_space<hbm>>, %arg4: memref<32x1x8x16xi32, #tpu.memory_space<vmem>>, %arg5: memref<16xi32, #tpu.memory_space<vmem>>) attributes {dimension_semantics = [#tpu.dimension_semantics<core_parallel>, #tpu.dimension_semantics<subcore_parallel>], iteration_bounds = array<i64: 2, 16>, scalar_prefetch = 0 : i64, scratch_operands = 2 : i64, tpu.core_type = #tpu.core_type<sc_vector_subcore>, window_params = [{transform_indices = #map}, {transform_indices = #map1}]} {
    %eq3A = arith.constant 0 : i32
    %eq3A_0 = arith.cmpi eq, %arg0, %eq3A : i32
    %convert_element_type3A = arith.extui %eq3A_0 : i1 to i32
    %cond3A = arith.constant 0 : i32
    %cond3A_1 = arith.cmpi ne, %convert_element_type3A, %cond3A : i32
    scf.if %cond3A_1 {
      %mul3A = arith.constant 16 : i32
      %mul3A_2 = arith.muli %arg1, %mul3A : i32
      %jit3A = arith.constant 8 : i32
      %div3A = arith.divsi %arg1, %jit3A : i32
      %sign3A = arith.constant 0 : i32
      %sign3A_3 = arith.cmpi sgt, %arg1, %sign3A : i32
      %sign3A_4 = arith.extui %sign3A_3 : i1 to i32
      %sign3A_5 = arith.constant 0 : i32
      %sign3A_6 = arith.cmpi slt, %arg1, %sign3A_5 : i32
      %sign3A_7 = arith.extui %sign3A_6 : i1 to i32
      %sign3A_8 = arith.subi %sign3A_4, %sign3A_7 : i32
      %sign3A_9 = arith.constant 0 : i32
      %sign3A_10 = arith.cmpi sgt, %jit3A, %sign3A_9 : i32
      %sign3A_11 = arith.extui %sign3A_10 : i1 to i32
      %sign3A_12 = arith.constant 0 : i32
      %sign3A_13 = arith.cmpi slt, %jit3A, %sign3A_12 : i32
      %sign3A_14 = arith.extui %sign3A_13 : i1 to i32
      %sign3A_15 = arith.subi %sign3A_11, %sign3A_14 : i32
      %ne3A = arith.cmpi ne, %sign3A_8, %sign3A_15 : i32
      %rem3A = arith.remsi %arg1, %jit3A : i32
      %ne3A_16 = arith.constant 0 : i32
      %ne3A_17 = arith.cmpi ne, %rem3A, %ne3A_16 : i32
      %and3A = arith.andi %ne3A, %ne3A_17 : i1
      %sub3A = arith.constant 1 : i32
      %sub3A_18 = arith.subi %div3A, %sub3A : i32
      %select_n3A = arith.select %and3A, %sub3A_18, %div3A : i32
      %jit3A_19 = arith.constant 8 : i32
      %eq3A_20 = arith.constant 0 : i32
      %eq3A_21 = arith.cmpi eq, %jit3A_19, %eq3A_20 : i32
      %jit3A_22 = arith.constant 1 : i32
      %select_n3A_23 = arith.select %eq3A_21, %jit3A_22, %jit3A_19 : i32
      %rem3A_24 = arith.remsi %arg1, %select_n3A_23 : i32
      %ne3A_25 = arith.constant 0 : i32
      %ne3A_26 = arith.cmpi ne, %rem3A_24, %ne3A_25 : i32
      %lt3A = arith.constant 0 : i32
      %lt3A_27 = arith.cmpi slt, %rem3A_24, %lt3A : i32
      %lt3A_28 = arith.constant 0 : i32
      %lt3A_29 = arith.cmpi slt, %select_n3A_23, %lt3A_28 : i32
      %ne3A_30 = arith.xori %lt3A_27, %lt3A_29 : i1
      %and3A_31 = arith.andi %ne3A_30, %ne3A_26 : i1
      %add3A = arith.addi %rem3A_24, %select_n3A_23 : i32
      %select_n3A_32 = arith.select %and3A_31, %add3A, %rem3A_24 : i32
      %mul3A_33 = arith.constant 16 : i32
      %mul3A_34 = arith.muli %select_n3A_32, %mul3A_33 : i32
      "tpu.region"() ({
        %run_scoped3A = tpu.sem_alloc : memref<!tpu.dma_semaphore, #tpu.memory_space<semaphore_mem>>
        %dma_start3A = arith.constant 0 : i32
        %dma_start3A_44 = arith.constant 0 : i32
        %dma_start3A_45 = tpu.memref_slice %arg2[%dma_start3A, %select_n3A, %dma_start3A_44, %mul3A_34] : memref<32x2x8x128xi32, #tpu.memory_space<hbm>> -> memref<32x1x8x16xi32, #tpu.memory_space<hbm>>
        %dma_start3A_46 = arith.constant 0 : i32
        %dma_start3A_47 = arith.constant 0 : i32
        %dma_start3A_48 = tpu.memref_slice %arg2[%dma_start3A_46, %select_n3A, %dma_start3A_47, %mul3A_34] : memref<32x2x8x128xi32, #tpu.memory_space<hbm>> -> memref<32x1x8x16xi32, #tpu.memory_space<hbm>>
        tpu.enqueue_dma source(%dma_start3A_48 : memref<32x1x8x16xi32, #tpu.memory_space<hbm>>) target(%arg4 : memref<32x1x8x16xi32, #tpu.memory_space<vmem>>) target_semaphore(%run_scoped3A : memref<!tpu.dma_semaphore, #tpu.memory_space<semaphore_mem>>)
        %dma_wait3A = arith.constant 0 : i32
        %dma_wait3A_49 = arith.constant 0 : i32
        %dma_wait3A_50 = tpu.memref_slice %arg2[%dma_wait3A, %select_n3A, %dma_wait3A_49, %mul3A_34] : memref<32x2x8x128xi32, #tpu.memory_space<hbm>> -> memref<32x1x8x16xi32, #tpu.memory_space<hbm>>
        %dma_wait3A_51 = arith.constant 0 : i32
        %dma_wait3A_52 = arith.constant 0 : i32
        %dma_wait3A_53 = tpu.memref_slice %arg2[%dma_wait3A_51, %select_n3A, %dma_wait3A_52, %mul3A_34] : memref<32x2x8x128xi32, #tpu.memory_space<hbm>> -> memref<32x1x8x16xi32, #tpu.memory_space<hbm>>
        tpu.wait_dma2 semaphore(%run_scoped3A : memref<!tpu.dma_semaphore, #tpu.memory_space<semaphore_mem>>) src(%dma_wait3A_53 : memref<32x1x8x16xi32, #tpu.memory_space<hbm>>) dst(%arg4 : memref<32x1x8x16xi32, #tpu.memory_space<vmem>>)
        tpu.yield
      }) : () -> ()
      %broadcast_in_dim3A = arith.constant 0 : i32
      %broadcast_in_dim3A_35 = vector.broadcast %broadcast_in_dim3A : i32 to vector<16xi32>
      %scan3A = arith.constant 0 : i32
      %scan3A_36 = arith.constant 32 : i32
      %scan3A_37 = arith.addi %scan3A, %scan3A_36 : i32
      %scan3A_38 = arith.constant 1 : i32
      %scan3A_39 = scf.for %scan3A_44 = %scan3A to %scan3A_37 step %scan3A_38 iter_args(%scan3A_45 = %broadcast_in_dim3A_35) -> (vector<16xi32>)  : i32 {
        %sub3A_46 = arith.constant 31 : i32
        %sub3A_47 = arith.subi %sub3A_46, %scan3A_44 : i32
        %shift_left3A = arith.constant 1 : i32
        %shift_left3A_48 = arith.shli %shift_left3A, %sub3A_47 : i32
        %or3A = vector.broadcast %shift_left3A_48 : i32 to vector<16xi32>
        %or3A_49 = arith.ori %scan3A_45, %or3A : vector<16xi32>
        %xor3A_50 = arith.constant -2147483648 : i32
        %xor3A_51 = vector.broadcast %xor3A_50 : i32 to vector<16xi32>
        %xor3A_52 = arith.xori %or3A_49, %xor3A_51 : vector<16xi32>
        %broadcast_in_dim3A_53 = arith.constant 0 : i32
        %broadcast_in_dim3A_54 = vector.broadcast %broadcast_in_dim3A_53 : i32 to vector<16xi32>
        %broadcast_in_dim3A_55 = arith.constant 0 : i32
        %broadcast_in_dim3A_56 = vector.broadcast %broadcast_in_dim3A_55 : i32 to vector<16xi32>
        %broadcast_in_dim3A_57 = arith.constant 0 : i32
        %broadcast_in_dim3A_58 = vector.broadcast %broadcast_in_dim3A_57 : i32 to vector<16xi32>
        %broadcast_in_dim3A_59 = arith.constant 0 : i32
        %broadcast_in_dim3A_60 = vector.broadcast %broadcast_in_dim3A_59 : i32 to vector<16xi32>
        %broadcast_in_dim3A_61 = arith.constant 0 : i32
        %broadcast_in_dim3A_62 = vector.broadcast %broadcast_in_dim3A_61 : i32 to vector<16xi32>
        %broadcast_in_dim3A_63 = arith.constant 0 : i32
        %broadcast_in_dim3A_64 = vector.broadcast %broadcast_in_dim3A_63 : i32 to vector<16xi32>
        %broadcast_in_dim3A_65 = arith.constant 0 : i32
        %broadcast_in_dim3A_66 = vector.broadcast %broadcast_in_dim3A_65 : i32 to vector<16xi32>
        %broadcast_in_dim3A_67 = arith.constant 0 : i32
        %broadcast_in_dim3A_68 = vector.broadcast %broadcast_in_dim3A_67 : i32 to vector<16xi32>
        %get3A = arith.constant 0 : i32
        %get3A_69 = arith.constant 0 : i32
        %get3A_70 = arith.constant 0 : i32
        %get3A_71 = arith.index_cast %get3A : i32 to index
        %get3A_72 = arith.index_cast %get3A_69 : i32 to index
        %get3A_73 = arith.index_cast %get3A_70 : i32 to index
        %get3A_74 = arith.constant 0 : index
        %get3A_75 = tpu.vector_load %arg4[%get3A_71, %get3A_72, %get3A_73, %get3A_74] {strides = array<i32>} : memref<32x1x8x16xi32, #tpu.memory_space<vmem>>, vector<16xi32>,
        %ge3A = arith.cmpi sge, %get3A_75, %xor3A_52 : vector<16xi32>
        %convert_element_type3A_76 = arith.extui %ge3A : vector<16xi1> to vector<16xi32>
        %add3A_77 = arith.addi %broadcast_in_dim3A_54, %convert_element_type3A_76 : vector<16xi32>
        %get3A_78 = arith.constant 0 : i32
        %get3A_79 = arith.constant 0 : i32
        %get3A_80 = arith.constant 1 : i32
        %get3A_81 = arith.index_cast %get3A_78 : i32 to index
        %get3A_82 = arith.index_cast %get3A_79 : i32 to index
        %get3A_83 = arith.index_cast %get3A_80 : i32 to index
        %get3A_84 = arith.constant 0 : index
        %get3A_85 = tpu.vector_load %arg4[%get3A_81, %get3A_82, %get3A_83, %get3A_84] {strides = array<i32>} : memref<32x1x8x16xi32, #tpu.memory_space<vmem>>, vector<16xi32>,
        %ge3A_86 = arith.cmpi sge, %get3A_85, %xor3A_52 : vector<16xi32>
        %convert_element_type3A_87 = arith.extui %ge3A_86 : vector<16xi1> to vector<16xi32>
        %add3A_88 = arith.addi %broadcast_in_dim3A_56, %convert_element_type3A_87 : vector<16xi32>
        %get3A_89 = arith.constant 0 : i32
        %get3A_90 = arith.constant 0 : i32
        %get3A_91 = arith.constant 2 : i32
        %get3A_92 = arith.index_cast %get3A_89 : i32 to index
        %get3A_93 = arith.index_cast %get3A_90 : i32 to index
        %get3A_94 = arith.index_cast %get3A_91 : i32 to index
        %get3A_95 = arith.constant 0 : index
        %get3A_96 = tpu.vector_load %arg4[%get3A_92, %get3A_93, %get3A_94, %get3A_95] {strides = array<i32>} : memref<32x1x8x16xi32, #tpu.memory_space<vmem>>, vector<16xi32>,
        %ge3A_97 = arith.cmpi sge, %get3A_96, %xor3A_52 : vector<16xi32>
        %convert_element_type3A_98 = arith.extui %ge3A_97 : vector<16xi1> to vector<16xi32>
        %add3A_99 = arith.addi %broadcast_in_dim3A_58, %convert_element_type3A_98 : vector<16xi32>
        %get3A_100 = arith.constant 0 : i32
        %get3A_101 = arith.constant 0 : i32
        %get3A_102 = arith.constant 3 : i32
        %get3A_103 = arith.index_cast %get3A_100 : i32 to index
        %get3A_104 = arith.index_cast %get3A_101 : i32 to index
        %get3A_105 = arith.index_cast %get3A_102 : i32 to index
        %get3A_106 = arith.constant 0 : index
        %get3A_107 = tpu.vector_load %arg4[%get3A_103, %get3A_104, %get3A_105, %get3A_106] {strides = array<i32>} : memref<32x1x8x16xi32, #tpu.memory_space<vmem>>, vector<16xi32>,
        %ge3A_108 = arith.cmpi sge, %get3A_107, %xor3A_52 : vector<16xi32>
        %convert_element_type3A_109 = arith.extui %ge3A_108 : vector<16xi1> to vector<16xi32>
        %add3A_110 = arith.addi %broadcast_in_dim3A_60, %convert_element_type3A_109 : vector<16xi32>
        %get3A_111 = arith.constant 0 : i32
        %get3A_112 = arith.constant 0 : i32
        %get3A_113 = arith.constant 4 : i32
        %get3A_114 = arith.index_cast %get3A_111 : i32 to index
        %get3A_115 = arith.index_cast %get3A_112 : i32 to index
        %get3A_116 = arith.index_cast %get3A_113 : i32 to index
        %get3A_117 = arith.constant 0 : index
        %get3A_118 = tpu.vector_load %arg4[%get3A_114, %get3A_115, %get3A_116, %get3A_117] {strides = array<i32>} : memref<32x1x8x16xi32, #tpu.memory_space<vmem>>, vector<16xi32>,
        %ge3A_119 = arith.cmpi sge, %get3A_118, %xor3A_52 : vector<16xi32>
        %convert_element_type3A_120 = arith.extui %ge3A_119 : vector<16xi1> to vector<16xi32>
        %add3A_121 = arith.addi %broadcast_in_dim3A_62, %convert_element_type3A_120 : vector<16xi32>
        %get3A_122 = arith.constant 0 : i32
        %get3A_123 = arith.constant 0 : i32
        %get3A_124 = arith.constant 5 : i32
        %get3A_125 = arith.index_cast %get3A_122 : i32 to index
        %get3A_126 = arith.index_cast %get3A_123 : i32 to index
        %get3A_127 = arith.index_cast %get3A_124 : i32 to index
        %get3A_128 = arith.constant 0 : index
        %get3A_129 = tpu.vector_load %arg4[%get3A_125, %get3A_126, %get3A_127, %get3A_128] {strides = array<i32>} : memref<32x1x8x16xi32, #tpu.memory_space<vmem>>, vector<16xi32>,
        %ge3A_130 = arith.cmpi sge, %get3A_129, %xor3A_52 : vector<16xi32>
        %convert_element_type3A_131 = arith.extui %ge3A_130 : vector<16xi1> to vector<16xi32>
        %add3A_132 = arith.addi %broadcast_in_dim3A_64, %convert_element_type3A_131 : vector<16xi32>
        %get3A_133 = arith.constant 0 : i32
        %get3A_134 = arith.constant 0 : i32
        %get3A_135 = arith.constant 6 : i32
        %get3A_136 = arith.index_cast %get3A_133 : i32 to index
        %get3A_137 = arith.index_cast %get3A_134 : i32 to index
        %get3A_138 = arith.index_cast %get3A_135 : i32 to index
        %get3A_139 = arith.constant 0 : index
        %get3A_140 = tpu.vector_load %arg4[%get3A_136, %get3A_137, %get3A_138, %get3A_139] {strides = array<i32>} : memref<32x1x8x16xi32, #tpu.memory_space<vmem>>, vector<16xi32>,
        %ge3A_141 = arith.cmpi sge, %get3A_140, %xor3A_52 : vector<16xi32>
        %convert_element_type3A_142 = arith.extui %ge3A_141 : vector<16xi1> to vector<16xi32>
        %add3A_143 = arith.addi %broadcast_in_dim3A_66, %convert_element_type3A_142 : vector<16xi32>
        %get3A_144 = arith.constant 0 : i32
        %get3A_145 = arith.constant 0 : i32
        %get3A_146 = arith.constant 7 : i32
        %get3A_147 = arith.index_cast %get3A_144 : i32 to index
        %get3A_148 = arith.index_cast %get3A_145 : i32 to index
        %get3A_149 = arith.index_cast %get3A_146 : i32 to index
        %get3A_150 = arith.constant 0 : index
        %get3A_151 = tpu.vector_load %arg4[%get3A_147, %get3A_148, %get3A_149, %get3A_150] {strides = array<i32>} : memref<32x1x8x16xi32, #tpu.memory_space<vmem>>, vector<16xi32>,
        %ge3A_152 = arith.cmpi sge, %get3A_151, %xor3A_52 : vector<16xi32>
        %convert_element_type3A_153 = arith.extui %ge3A_152 : vector<16xi1> to vector<16xi32>
        %add3A_154 = arith.addi %broadcast_in_dim3A_68, %convert_element_type3A_153 : vector<16xi32>
        %get3A_155 = arith.constant 1 : i32
        %get3A_156 = arith.constant 0 : i32
        %get3A_157 = arith.constant 0 : i32
        %get3A_158 = arith.index_cast %get3A_155 : i32 to index
        %get3A_159 = arith.index_cast %get3A_156 : i32 to index
        %get3A_160 = arith.index_cast %get3A_157 : i32 to index
        %get3A_161 = arith.constant 0 : index
        %get3A_162 = tpu.vector_load %arg4[%get3A_158, %get3A_159, %get3A_160, %get3A_161] {strides = array<i32>} : memref<32x1x8x16xi32, #tpu.memory_space<vmem>>, vector<16xi32>,
        %ge3A_163 = arith.cmpi sge, %get3A_162, %xor3A_52 : vector<16xi32>
        %convert_element_type3A_164 = arith.extui %ge3A_163 : vector<16xi1> to vector<16xi32>
        %add3A_165 = arith.addi %add3A_77, %convert_element_type3A_164 : vector<16xi32>
        %get3A_166 = arith.constant 1 : i32
        %get3A_167 = arith.constant 0 : i32
        %get3A_168 = arith.constant 1 : i32
        %get3A_169 = arith.index_cast %get3A_166 : i32 to index
        %get3A_170 = arith.index_cast %get3A_167 : i32 to index
        %get3A_171 = arith.index_cast %get3A_168 : i32 to index
        %get3A_172 = arith.constant 0 : index
        %get3A_173 = tpu.vector_load %arg4[%get3A_169, %get3A_170, %get3A_171, %get3A_172] {strides = array<i32>} : memref<32x1x8x16xi32, #tpu.memory_space<vmem>>, vector<16xi32>,
        %ge3A_174 = arith.cmpi sge, %get3A_173, %xor3A_52 : vector<16xi32>
        %convert_element_type3A_175 = arith.extui %ge3A_174 : vector<16xi1> to vector<16xi32>
        %add3A_176 = arith.addi %add3A_88, %convert_element_type3A_175 : vector<16xi32>
        %get3A_177 = arith.constant 1 : i32
        %get3A_178 = arith.constant 0 : i32
        %get3A_179 = arith.constant 2 : i32
        %get3A_180 = arith.index_cast %get3A_177 : i32 to index
        %get3A_181 = arith.index_cast %get3A_178 : i32 to index
        %get3A_182 = arith.index_cast %get3A_179 : i32 to index
        %get3A_183 = arith.constant 0 : index
        %get3A_184 = tpu.vector_load %arg4[%get3A_180, %get3A_181, %get3A_182, %get3A_183] {strides = array<i32>} : memref<32x1x8x16xi32, #tpu.memory_space<vmem>>, vector<16xi32>,
        %ge3A_185 = arith.cmpi sge, %get3A_184, %xor3A_52 : vector<16xi32>
        %convert_element_type3A_186 = arith.extui %ge3A_185 : vector<16xi1> to vector<16xi32>
        %add3A_187 = arith.addi %add3A_99, %convert_element_type3A_186 : vector<16xi32>
        %get3A_188 = arith.constant 1 : i32
        %get3A_189 = arith.constant 0 : i32
        %get3A_190 = arith.constant 3 : i32
        %get3A_191 = arith.index_cast %get3A_188 : i32 to index
        %get3A_192 = arith.index_cast %get3A_189 : i32 to index
        %get3A_193 = arith.index_cast %get3A_190 : i32 to index
        %get3A_194 = arith.constant 0 : index
        %get3A_195 = tpu.vector_load %arg4[%get3A_191, %get3A_192, %get3A_193, %get3A_194] {strides = array<i32>} : memref<32x1x8x16xi32, #tpu.memory_space<vmem>>, vector<16xi32>,
        %ge3A_196 = arith.cmpi sge, %get3A_195, %xor3A_52 : vector<16xi32>
        %convert_element_type3A_197 = arith.extui %ge3A_196 : vector<16xi1> to vector<16xi32>
        %add3A_198 = arith.addi %add3A_110, %convert_element_type3A_197 : vector<16xi32>
        %get3A_199 = arith.constant 1 : i32
        %get3A_200 = arith.constant 0 : i32
        %get3A_201 = arith.constant 4 : i32
        %get3A_202 = arith.index_cast %get3A_199 : i32 to index
        %get3A_203 = arith.index_cast %get3A_200 : i32 to index
        %get3A_204 = arith.index_cast %get3A_201 : i32 to index
        %get3A_205 = arith.constant 0 : index
        %get3A_206 = tpu.vector_load %arg4[%get3A_202, %get3A_203, %get3A_204, %get3A_205] {strides = array<i32>} : memref<32x1x8x16xi32, #tpu.memory_space<vmem>>, vector<16xi32>,
        %ge3A_207 = arith.cmpi sge, %get3A_206, %xor3A_52 : vector<16xi32>
        %convert_element_type3A_208 = arith.extui %ge3A_207 : vector<16xi1> to vector<16xi32>
        %add3A_209 = arith.addi %add3A_121, %convert_element_type3A_208 : vector<16xi32>
        %get3A_210 = arith.constant 1 : i32
        %get3A_211 = arith.constant 0 : i32
        %get3A_212 = arith.constant 5 : i32
        %get3A_213 = arith.index_cast %get3A_210 : i32 to index
        %get3A_214 = arith.index_cast %get3A_211 : i32 to index
        %get3A_215 = arith.index_cast %get3A_212 : i32 to index
        %get3A_216 = arith.constant 0 : index
        %get3A_217 = tpu.vector_load %arg4[%get3A_213, %get3A_214, %get3A_215, %get3A_216] {strides = array<i32>} : memref<32x1x8x16xi32, #tpu.memory_space<vmem>>, vector<16xi32>,
        %ge3A_218 = arith.cmpi sge, %get3A_217, %xor3A_52 : vector<16xi32>
        %convert_element_type3A_219 = arith.extui %ge3A_218 : vector<16xi1> to vector<16xi32>
        %add3A_220 = arith.addi %add3A_132, %convert_element_type3A_219 : vector<16xi32>
        %get3A_221 = arith.constant 1 : i32
        %get3A_222 = arith.constant 0 : i32
        %get3A_223 = arith.constant 6 : i32
        %get3A_224 = arith.index_cast %get3A_221 : i32 to index
        %get3A_225 = arith.index_cast %get3A_222 : i32 to index
        %get3A_226 = arith.index_cast %get3A_223 : i32 to index
        %get3A_227 = arith.constant 0 : index
        %get3A_228 = tpu.vector_load %arg4[%get3A_224, %get3A_225, %get3A_226, %get3A_227] {strides = array<i32>} : memref<32x1x8x16xi32, #tpu.memory_space<vmem>>, vector<16xi32>,
        %ge3A_229 = arith.cmpi sge, %get3A_228, %xor3A_52 : vector<16xi32>
        %convert_element_type3A_230 = arith.extui %ge3A_229 : vector<16xi1> to vector<16xi32>
        %add3A_231 = arith.addi %add3A_143, %convert_element_type3A_230 : vector<16xi32>
        %get3A_232 = arith.constant 1 : i32
        %get3A_233 = arith.constant 0 : i32
        %get3A_234 = arith.constant 7 : i32
        %get3A_235 = arith.index_cast %get3A_232 : i32 to index
        %get3A_236 = arith.index_cast %get3A_233 : i32 to index
        %get3A_237 = arith.index_cast %get3A_234 : i32 to index
        %get3A_238 = arith.constant 0 : index
        %get3A_239 = tpu.vector_load %arg4[%get3A_235, %get3A_236, %get3A_237, %get3A_238] {strides = array<i32>} : memref<32x1x8x16xi32, #tpu.memory_space<vmem>>, vector<16xi32>,
        %ge3A_240 = arith.cmpi sge, %get3A_239, %xor3A_52 : vector<16xi32>
        %convert_element_type3A_241 = arith.extui %ge3A_240 : vector<16xi1> to vector<16xi32>
        %add3A_242 = arith.addi %add3A_154, %convert_element_type3A_241 : vector<16xi32>
        %get3A_243 = arith.constant 2 : i32
        %get3A_244 = arith.constant 0 : i32
        %get3A_245 = arith.constant 0 : i32
        %get3A_246 = arith.index_cast %get3A_243 : i32 to index
        %get3A_247 = arith.index_cast %get3A_244 : i32 to index
        %get3A_248 = arith.index_cast %get3A_245 : i32 to index
        %get3A_249 = arith.constant 0 : index
        %get3A_250 = tpu.vector_load %arg4[%get3A_246, %get3A_247, %get3A_248, %get3A_249] {strides = array<i32>} : memref<32x1x8x16xi32, #tpu.memory_space<vmem>>, vector<16xi32>,
        %ge3A_251 = arith.cmpi sge, %get3A_250, %xor3A_52 : vector<16xi32>
        %convert_element_type3A_252 = arith.extui %ge3A_251 : vector<16xi1> to vector<16xi32>
        %add3A_253 = arith.addi %add3A_165, %convert_element_type3A_252 : vector<16xi32>
        %get3A_254 = arith.constant 2 : i32
        %get3A_255 = arith.constant 0 : i32
        %get3A_256 = arith.constant 1 : i32
        %get3A_257 = arith.index_cast %get3A_254 : i32 to index
        %get3A_258 = arith.index_cast %get3A_255 : i32 to index
        %get3A_259 = arith.index_cast %get3A_256 : i32 to index
        %get3A_260 = arith.constant 0 : index
        %get3A_261 = tpu.vector_load %arg4[%get3A_257, %get3A_258, %get3A_259, %get3A_260] {strides = array<i32>} : memref<32x1x8x16xi32, #tpu.memory_space<vmem>>, vector<16xi32>,
        %ge3A_262 = arith.cmpi sge, %get3A_261, %xor3A_52 : vector<16xi32>
        %convert_element_type3A_263 = arith.extui %ge3A_262 : vector<16xi1> to vector<16xi32>
        %add3A_264 = arith.addi %add3A_176, %convert_element_type3A_263 : vector<16xi32>
        %get3A_265 = arith.constant 2 : i32
        %get3A_266 = arith.constant 0 : i32
        %get3A_267 = arith.constant 2 : i32
        %get3A_268 = arith.index_cast %get3A_265 : i32 to index
        %get3A_269 = arith.index_cast %get3A_266 : i32 to index
        %get3A_270 = arith.index_cast %get3A_267 : i32 to index
        %get3A_271 = arith.constant 0 : index
        %get3A_272 = tpu.vector_load %arg4[%get3A_268, %get3A_269, %get3A_270, %get3A_271] {strides = array<i32>} : memref<32x1x8x16xi32, #tpu.memory_space<vmem>>, vector<16xi32>,
        %ge3A_273 = arith.cmpi sge, %get3A_272, %xor3A_52 : vector<16xi32>
        %convert_element_type3A_274 = arith.extui %ge3A_273 : vector<16xi1> to vector<16xi32>
        %add3A_275 = arith.addi %add3A_187, %convert_element_type3A_274 : vector<16xi32>
        %get3A_276 = arith.constant 2 : i32
        %get3A_277 = arith.constant 0 : i32
        %get3A_278 = arith.constant 3 : i32
        %get3A_279 = arith.index_cast %get3A_276 : i32 to index
        %get3A_280 = arith.index_cast %get3A_277 : i32 to index
        %get3A_281 = arith.index_cast %get3A_278 : i32 to index
        %get3A_282 = arith.constant 0 : index
        %get3A_283 = tpu.vector_load %arg4[%get3A_279, %get3A_280, %get3A_281, %get3A_282] {strides = array<i32>} : memref<32x1x8x16xi32, #tpu.memory_space<vmem>>, vector<16xi32>,
        %ge3A_284 = arith.cmpi sge, %get3A_283, %xor3A_52 : vector<16xi32>
        %convert_element_type3A_285 = arith.extui %ge3A_284 : vector<16xi1> to vector<16xi32>
        %add3A_286 = arith.addi %add3A_198, %convert_element_type3A_285 : vector<16xi32>
        %get3A_287 = arith.constant 2 : i32
        %get3A_288 = arith.constant 0 : i32
        %get3A_289 = arith.constant 4 : i32
        %get3A_290 = arith.index_cast %get3A_287 : i32 to index
        %get3A_291 = arith.index_cast %get3A_288 : i32 to index
        %get3A_292 = arith.index_cast %get3A_289 : i32 to index
        %get3A_293 = arith.constant 0 : index
        %get3A_294 = tpu.vector_load %arg4[%get3A_290, %get3A_291, %get3A_292, %get3A_293] {strides = array<i32>} : memref<32x1x8x16xi32, #tpu.memory_space<vmem>>, vector<16xi32>,
        %ge3A_295 = arith.cmpi sge, %get3A_294, %xor3A_52 : vector<16xi32>
        %convert_element_type3A_296 = arith.extui %ge3A_295 : vector<16xi1> to vector<16xi32>
        %add3A_297 = arith.addi %add3A_209, %convert_element_type3A_296 : vector<16xi32>
        %get3A_298 = arith.constant 2 : i32
        %get3A_299 = arith.constant 0 : i32
        %get3A_300 = arith.constant 5 : i32
        %get3A_301 = arith.index_cast %get3A_298 : i32 to index
        %get3A_302 = arith.index_cast %get3A_299 : i32 to index
        %get3A_303 = arith.index_cast %get3A_300 : i32 to index
        %get3A_304 = arith.constant 0 : index
        %get3A_305 = tpu.vector_load %arg4[%get3A_301, %get3A_302, %get3A_303, %get3A_304] {strides = array<i32>} : memref<32x1x8x16xi32, #tpu.memory_space<vmem>>, vector<16xi32>,
        %ge3A_306 = arith.cmpi sge, %get3A_305, %xor3A_52 : vector<16xi32>
        %convert_element_type3A_307 = arith.extui %ge3A_306 : vector<16xi1> to vector<16xi32>
        %add3A_308 = arith.addi %add3A_220, %convert_element_type3A_307 : vector<16xi32>
        %get3A_309 = arith.constant 2 : i32
        %get3A_310 = arith.constant 0 : i32
        %get3A_311 = arith.constant 6 : i32
        %get3A_312 = arith.index_cast %get3A_309 : i32 to index
        %get3A_313 = arith.index_cast %get3A_310 : i32 to index
        %get3A_314 = arith.index_cast %get3A_311 : i32 to index
        %get3A_315 = arith.constant 0 : index
        %get3A_316 = tpu.vector_load %arg4[%get3A_312, %get3A_313, %get3A_314, %get3A_315] {strides = array<i32>} : memref<32x1x8x16xi32, #tpu.memory_space<vmem>>, vector<16xi32>,
        %ge3A_317 = arith.cmpi sge, %get3A_316, %xor3A_52 : vector<16xi32>
        %convert_element_type3A_318 = arith.extui %ge3A_317 : vector<16xi1> to vector<16xi32>
        %add3A_319 = arith.addi %add3A_231, %convert_element_type3A_318 : vector<16xi32>
        %get3A_320 = arith.constant 2 : i32
        %get3A_321 = arith.constant 0 : i32
        %get3A_322 = arith.constant 7 : i32
        %get3A_323 = arith.index_cast %get3A_320 : i32 to index
        %get3A_324 = arith.index_cast %get3A_321 : i32 to index
        %get3A_325 = arith.index_cast %get3A_322 : i32 to index
        %get3A_326 = arith.constant 0 : index
        %get3A_327 = tpu.vector_load %arg4[%get3A_323, %get3A_324, %get3A_325, %get3A_326] {strides = array<i32>} : memref<32x1x8x16xi32, #tpu.memory_space<vmem>>, vector<16xi32>,
        %ge3A_328 = arith.cmpi sge, %get3A_327, %xor3A_52 : vector<16xi32>
        %convert_element_type3A_329 = arith.extui %ge3A_328 : vector<16xi1> to vector<16xi32>
        %add3A_330 = arith.addi %add3A_242, %convert_element_type3A_329 : vector<16xi32>
        %get3A_331 = arith.constant 3 : i32
        %get3A_332 = arith.constant 0 : i32
        %get3A_333 = arith.constant 0 : i32
        %get3A_334 = arith.index_cast %get3A_331 : i32 to index
        %get3A_335 = arith.index_cast %get3A_332 : i32 to index
        %get3A_336 = arith.index_cast %get3A_333 : i32 to index
        %get3A_337 = arith.constant 0 : index
        %get3A_338 = tpu.vector_load %arg4[%get3A_334, %get3A_335, %get3A_336, %get3A_337] {strides = array<i32>} : memref<32x1x8x16xi32, #tpu.memory_space<vmem>>, vector<16xi32>,
        %ge3A_339 = arith.cmpi sge, %get3A_338, %xor3A_52 : vector<16xi32>
        %convert_element_type3A_340 = arith.extui %ge3A_339 : vector<16xi1> to vector<16xi32>
        %add3A_341 = arith.addi %add3A_253, %convert_element_type3A_340 : vector<16xi32>
        %get3A_342 = arith.constant 3 : i32
        %get3A_343 = arith.constant 0 : i32
        %get3A_344 = arith.constant 1 : i32
        %get3A_345 = arith.index_cast %get3A_342 : i32 to index
        %get3A_346 = arith.index_cast %get3A_343 : i32 to index
        %get3A_347 = arith.index_cast %get3A_344 : i32 to index
        %get3A_348 = arith.constant 0 : index
        %get3A_349 = tpu.vector_load %arg4[%get3A_345, %get3A_346, %get3A_347, %get3A_348] {strides = array<i32>} : memref<32x1x8x16xi32, #tpu.memory_space<vmem>>, vector<16xi32>,
        %ge3A_350 = arith.cmpi sge, %get3A_349, %xor3A_52 : vector<16xi32>
        %convert_element_type3A_351 = arith.extui %ge3A_350 : vector<16xi1> to vector<16xi32>
        %add3A_352 = arith.addi %add3A_264, %convert_element_type3A_351 : vector<16xi32>
        %get3A_353 = arith.constant 3 : i32
        %get3A_354 = arith.constant 0 : i32
        %get3A_355 = arith.constant 2 : i32
        %get3A_356 = arith.index_cast %get3A_353 : i32 to index
        %get3A_357 = arith.index_cast %get3A_354 : i32 to index
        %get3A_358 = arith.index_cast %get3A_355 : i32 to index
        %get3A_359 = arith.constant 0 : index
        %get3A_360 = tpu.vector_load %arg4[%get3A_356, %get3A_357, %get3A_358, %get3A_359] {strides = array<i32>} : memref<32x1x8x16xi32, #tpu.memory_space<vmem>>, vector<16xi32>,
        %ge3A_361 = arith.cmpi sge, %get3A_360, %xor3A_52 : vector<16xi32>
        %convert_element_type3A_362 = arith.extui %ge3A_361 : vector<16xi1> to vector<16xi32>
        %add3A_363 = arith.addi %add3A_275, %convert_element_type3A_362 : vector<16xi32>
        %get3A_364 = arith.constant 3 : i32
        %get3A_365 = arith.constant 0 : i32
        %get3A_366 = arith.constant 3 : i32
        %get3A_367 = arith.index_cast %get3A_364 : i32 to index
        %get3A_368 = arith.index_cast %get3A_365 : i32 to index
        %get3A_369 = arith.index_cast %get3A_366 : i32 to index
        %get3A_370 = arith.constant 0 : index
        %get3A_371 = tpu.vector_load %arg4[%get3A_367, %get3A_368, %get3A_369, %get3A_370] {strides = array<i32>} : memref<32x1x8x16xi32, #tpu.memory_space<vmem>>, vector<16xi32>,
        %ge3A_372 = arith.cmpi sge, %get3A_371, %xor3A_52 : vector<16xi32>
        %convert_element_type3A_373 = arith.extui %ge3A_372 : vector<16xi1> to vector<16xi32>
        %add3A_374 = arith.addi %add3A_286, %convert_element_type3A_373 : vector<16xi32>
        %get3A_375 = arith.constant 3 : i32
        %get3A_376 = arith.constant 0 : i32
        %get3A_377 = arith.constant 4 : i32
        %get3A_378 = arith.index_cast %get3A_375 : i32 to index
        %get3A_379 = arith.index_cast %get3A_376 : i32 to index
        %get3A_380 = arith.index_cast %get3A_377 : i32 to index
        %get3A_381 = arith.constant 0 : index
        %get3A_382 = tpu.vector_load %arg4[%get3A_378, %get3A_379, %get3A_380, %get3A_381] {strides = array<i32>} : memref<32x1x8x16xi32, #tpu.memory_space<vmem>>, vector<16xi32>,
        %ge3A_383 = arith.cmpi sge, %get3A_382, %xor3A_52 : vector<16xi32>
        %convert_element_type3A_384 = arith.extui %ge3A_383 : vector<16xi1> to vector<16xi32>
        %add3A_385 = arith.addi %add3A_297, %convert_element_type3A_384 : vector<16xi32>
        %get3A_386 = arith.constant 3 : i32
        %get3A_387 = arith.constant 0 : i32
        %get3A_388 = arith.constant 5 : i32
        %get3A_389 = arith.index_cast %get3A_386 : i32 to index
        %get3A_390 = arith.index_cast %get3A_387 : i32 to index
        %get3A_391 = arith.index_cast %get3A_388 : i32 to index
        %get3A_392 = arith.constant 0 : index
        %get3A_393 = tpu.vector_load %arg4[%get3A_389, %get3A_390, %get3A_391, %get3A_392] {strides = array<i32>} : memref<32x1x8x16xi32, #tpu.memory_space<vmem>>, vector<16xi32>,
        %ge3A_394 = arith.cmpi sge, %get3A_393, %xor3A_52 : vector<16xi32>
        %convert_element_type3A_395 = arith.extui %ge3A_394 : vector<16xi1> to vector<16xi32>
        %add3A_396 = arith.addi %add3A_308, %convert_element_type3A_395 : vector<16xi32>
        %get3A_397 = arith.constant 3 : i32
        %get3A_398 = arith.constant 0 : i32
        %get3A_399 = arith.constant 6 : i32
        %get3A_400 = arith.index_cast %get3A_397 : i32 to index
        %get3A_401 = arith.index_cast %get3A_398 : i32 to index
        %get3A_402 = arith.index_cast %get3A_399 : i32 to index
        %get3A_403 = arith.constant 0 : index
        %get3A_404 = tpu.vector_load %arg4[%get3A_400, %get3A_401, %get3A_402, %get3A_403] {strides = array<i32>} : memref<32x1x8x16xi32, #tpu.memory_space<vmem>>, vector<16xi32>,
        %ge3A_405 = arith.cmpi sge, %get3A_404, %xor3A_52 : vector<16xi32>
        %convert_element_type3A_406 = arith.extui %ge3A_405 : vector<16xi1> to vector<16xi32>
        %add3A_407 = arith.addi %add3A_319, %convert_element_type3A_406 : vector<16xi32>
        %get3A_408 = arith.constant 3 : i32
        %get3A_409 = arith.constant 0 : i32
        %get3A_410 = arith.constant 7 : i32
        %get3A_411 = arith.index_cast %get3A_408 : i32 to index
        %get3A_412 = arith.index_cast %get3A_409 : i32 to index
        %get3A_413 = arith.index_cast %get3A_410 : i32 to index
        %get3A_414 = arith.constant 0 : index
        %get3A_415 = tpu.vector_load %arg4[%get3A_411, %get3A_412, %get3A_413, %get3A_414] {strides = array<i32>} : memref<32x1x8x16xi32, #tpu.memory_space<vmem>>, vector<16xi32>,
        %ge3A_416 = arith.cmpi sge, %get3A_415, %xor3A_52 : vector<16xi32>
        %convert_element_type3A_417 = arith.extui %ge3A_416 : vector<16xi1> to vector<16xi32>
        %add3A_418 = arith.addi %add3A_330, %convert_element_type3A_417 : vector<16xi32>
        %get3A_419 = arith.constant 4 : i32
        %get3A_420 = arith.constant 0 : i32
        %get3A_421 = arith.constant 0 : i32
        %get3A_422 = arith.index_cast %get3A_419 : i32 to index
        %get3A_423 = arith.index_cast %get3A_420 : i32 to index
        %get3A_424 = arith.index_cast %get3A_421 : i32 to index
        %get3A_425 = arith.constant 0 : index
        %get3A_426 = tpu.vector_load %arg4[%get3A_422, %get3A_423, %get3A_424, %get3A_425] {strides = array<i32>} : memref<32x1x8x16xi32, #tpu.memory_space<vmem>>, vector<16xi32>,
        %ge3A_427 = arith.cmpi sge, %get3A_426, %xor3A_52 : vector<16xi32>
        %convert_element_type3A_428 = arith.extui %ge3A_427 : vector<16xi1> to vector<16xi32>
        %add3A_429 = arith.addi %add3A_341, %convert_element_type3A_428 : vector<16xi32>
        %get3A_430 = arith.constant 4 : i32
        %get3A_431 = arith.constant 0 : i32
        %get3A_432 = arith.constant 1 : i32
        %get3A_433 = arith.index_cast %get3A_430 : i32 to index
        %get3A_434 = arith.index_cast %get3A_431 : i32 to index
        %get3A_435 = arith.index_cast %get3A_432 : i32 to index
        %get3A_436 = arith.constant 0 : index
        %get3A_437 = tpu.vector_load %arg4[%get3A_433, %get3A_434, %get3A_435, %get3A_436] {strides = array<i32>} : memref<32x1x8x16xi32, #tpu.memory_space<vmem>>, vector<16xi32>,
        %ge3A_438 = arith.cmpi sge, %get3A_437, %xor3A_52 : vector<16xi32>
        %convert_element_type3A_439 = arith.extui %ge3A_438 : vector<16xi1> to vector<16xi32>
        %add3A_440 = arith.addi %add3A_352, %convert_element_type3A_439 : vector<16xi32>
        %get3A_441 = arith.constant 4 : i32
        %get3A_442 = arith.constant 0 : i32
        %get3A_443 = arith.constant 2 : i32
        %get3A_444 = arith.index_cast %get3A_441 : i32 to index
        %get3A_445 = arith.index_cast %get3A_442 : i32 to index
        %get3A_446 = arith.index_cast %get3A_443 : i32 to index
        %get3A_447 = arith.constant 0 : index
        %get3A_448 = tpu.vector_load %arg4[%get3A_444, %get3A_445, %get3A_446, %get3A_447] {strides = array<i32>} : memref<32x1x8x16xi32, #tpu.memory_space<vmem>>, vector<16xi32>,
        %ge3A_449 = arith.cmpi sge, %get3A_448, %xor3A_52 : vector<16xi32>
        %convert_element_type3A_450 = arith.extui %ge3A_449 : vector<16xi1> to vector<16xi32>
        %add3A_451 = arith.addi %add3A_363, %convert_element_type3A_450 : vector<16xi32>
        %get3A_452 = arith.constant 4 : i32
        %get3A_453 = arith.constant 0 : i32
        %get3A_454 = arith.constant 3 : i32
        %get3A_455 = arith.index_cast %get3A_452 : i32 to index
        %get3A_456 = arith.index_cast %get3A_453 : i32 to index
        %get3A_457 = arith.index_cast %get3A_454 : i32 to index
        %get3A_458 = arith.constant 0 : index
        %get3A_459 = tpu.vector_load %arg4[%get3A_455, %get3A_456, %get3A_457, %get3A_458] {strides = array<i32>} : memref<32x1x8x16xi32, #tpu.memory_space<vmem>>, vector<16xi32>,
        %ge3A_460 = arith.cmpi sge, %get3A_459, %xor3A_52 : vector<16xi32>
        %convert_element_type3A_461 = arith.extui %ge3A_460 : vector<16xi1> to vector<16xi32>
        %add3A_462 = arith.addi %add3A_374, %convert_element_type3A_461 : vector<16xi32>
        %get3A_463 = arith.constant 4 : i32
        %get3A_464 = arith.constant 0 : i32
        %get3A_465 = arith.constant 4 : i32
        %get3A_466 = arith.index_cast %get3A_463 : i32 to index
        %get3A_467 = arith.index_cast %get3A_464 : i32 to index
        %get3A_468 = arith.index_cast %get3A_465 : i32 to index
        %get3A_469 = arith.constant 0 : index
        %get3A_470 = tpu.vector_load %arg4[%get3A_466, %get3A_467, %get3A_468, %get3A_469] {strides = array<i32>} : memref<32x1x8x16xi32, #tpu.memory_space<vmem>>, vector<16xi32>,
        %ge3A_471 = arith.cmpi sge, %get3A_470, %xor3A_52 : vector<16xi32>
        %convert_element_type3A_472 = arith.extui %ge3A_471 : vector<16xi1> to vector<16xi32>
        %add3A_473 = arith.addi %add3A_385, %convert_element_type3A_472 : vector<16xi32>
        %get3A_474 = arith.constant 4 : i32
        %get3A_475 = arith.constant 0 : i32
        %get3A_476 = arith.constant 5 : i32
        %get3A_477 = arith.index_cast %get3A_474 : i32 to index
        %get3A_478 = arith.index_cast %get3A_475 : i32 to index
        %get3A_479 = arith.index_cast %get3A_476 : i32 to index
        %get3A_480 = arith.constant 0 : index
        %get3A_481 = tpu.vector_load %arg4[%get3A_477, %get3A_478, %get3A_479, %get3A_480] {strides = array<i32>} : memref<32x1x8x16xi32, #tpu.memory_space<vmem>>, vector<16xi32>,
        %ge3A_482 = arith.cmpi sge, %get3A_481, %xor3A_52 : vector<16xi32>
        %convert_element_type3A_483 = arith.extui %ge3A_482 : vector<16xi1> to vector<16xi32>
        %add3A_484 = arith.addi %add3A_396, %convert_element_type3A_483 : vector<16xi32>
        %get3A_485 = arith.constant 4 : i32
        %get3A_486 = arith.constant 0 : i32
        %get3A_487 = arith.constant 6 : i32
        %get3A_488 = arith.index_cast %get3A_485 : i32 to index
        %get3A_489 = arith.index_cast %get3A_486 : i32 to index
        %get3A_490 = arith.index_cast %get3A_487 : i32 to index
        %get3A_491 = arith.constant 0 : index
        %get3A_492 = tpu.vector_load %arg4[%get3A_488, %get3A_489, %get3A_490, %get3A_491] {strides = array<i32>} : memref<32x1x8x16xi32, #tpu.memory_space<vmem>>, vector<16xi32>,
        %ge3A_493 = arith.cmpi sge, %get3A_492, %xor3A_52 : vector<16xi32>
        %convert_element_type3A_494 = arith.extui %ge3A_493 : vector<16xi1> to vector<16xi32>
        %add3A_495 = arith.addi %add3A_407, %convert_element_type3A_494 : vector<16xi32>
        %get3A_496 = arith.constant 4 : i32
        %get3A_497 = arith.constant 0 : i32
        %get3A_498 = arith.constant 7 : i32
        %get3A_499 = arith.index_cast %get3A_496 : i32 to index
        %get3A_500 = arith.index_cast %get3A_497 : i32 to index
        %get3A_501 = arith.index_cast %get3A_498 : i32 to index
        %get3A_502 = arith.constant 0 : index
        %get3A_503 = tpu.vector_load %arg4[%get3A_499, %get3A_500, %get3A_501, %get3A_502] {strides = array<i32>} : memref<32x1x8x16xi32, #tpu.memory_space<vmem>>, vector<16xi32>,
        %ge3A_504 = arith.cmpi sge, %get3A_503, %xor3A_52 : vector<16xi32>
        %convert_element_type3A_505 = arith.extui %ge3A_504 : vector<16xi1> to vector<16xi32>
        %add3A_506 = arith.addi %add3A_418, %convert_element_type3A_505 : vector<16xi32>
        %get3A_507 = arith.constant 5 : i32
        %get3A_508 = arith.constant 0 : i32
        %get3A_509 = arith.constant 0 : i32
        %get3A_510 = arith.index_cast %get3A_507 : i32 to index
        %get3A_511 = arith.index_cast %get3A_508 : i32 to index
        %get3A_512 = arith.index_cast %get3A_509 : i32 to index
        %get3A_513 = arith.constant 0 : index
        %get3A_514 = tpu.vector_load %arg4[%get3A_510, %get3A_511, %get3A_512, %get3A_513] {strides = array<i32>} : memref<32x1x8x16xi32, #tpu.memory_space<vmem>>, vector<16xi32>,
        %ge3A_515 = arith.cmpi sge, %get3A_514, %xor3A_52 : vector<16xi32>
        %convert_element_type3A_516 = arith.extui %ge3A_515 : vector<16xi1> to vector<16xi32>
        %add3A_517 = arith.addi %add3A_429, %convert_element_type3A_516 : vector<16xi32>
        %get3A_518 = arith.constant 5 : i32
        %get3A_519 = arith.constant 0 : i32
        %get3A_520 = arith.constant 1 : i32
        %get3A_521 = arith.index_cast %get3A_518 : i32 to index
        %get3A_522 = arith.index_cast %get3A_519 : i32 to index
        %get3A_523 = arith.index_cast %get3A_520 : i32 to index
        %get3A_524 = arith.constant 0 : index
        %get3A_525 = tpu.vector_load %arg4[%get3A_521, %get3A_522, %get3A_523, %get3A_524] {strides = array<i32>} : memref<32x1x8x16xi32, #tpu.memory_space<vmem>>, vector<16xi32>,
        %ge3A_526 = arith.cmpi sge, %get3A_525, %xor3A_52 : vector<16xi32>
        %convert_element_type3A_527 = arith.extui %ge3A_526 : vector<16xi1> to vector<16xi32>
        %add3A_528 = arith.addi %add3A_440, %convert_element_type3A_527 : vector<16xi32>
        %get3A_529 = arith.constant 5 : i32
        %get3A_530 = arith.constant 0 : i32
        %get3A_531 = arith.constant 2 : i32
        %get3A_532 = arith.index_cast %get3A_529 : i32 to index
        %get3A_533 = arith.index_cast %get3A_530 : i32 to index
        %get3A_534 = arith.index_cast %get3A_531 : i32 to index
        %get3A_535 = arith.constant 0 : index
        %get3A_536 = tpu.vector_load %arg4[%get3A_532, %get3A_533, %get3A_534, %get3A_535] {strides = array<i32>} : memref<32x1x8x16xi32, #tpu.memory_space<vmem>>, vector<16xi32>,
        %ge3A_537 = arith.cmpi sge, %get3A_536, %xor3A_52 : vector<16xi32>
        %convert_element_type3A_538 = arith.extui %ge3A_537 : vector<16xi1> to vector<16xi32>
        %add3A_539 = arith.addi %add3A_451, %convert_element_type3A_538 : vector<16xi32>
        %get3A_540 = arith.constant 5 : i32
        %get3A_541 = arith.constant 0 : i32
        %get3A_542 = arith.constant 3 : i32
        %get3A_543 = arith.index_cast %get3A_540 : i32 to index
        %get3A_544 = arith.index_cast %get3A_541 : i32 to index
        %get3A_545 = arith.index_cast %get3A_542 : i32 to index
        %get3A_546 = arith.constant 0 : index
        %get3A_547 = tpu.vector_load %arg4[%get3A_543, %get3A_544, %get3A_545, %get3A_546] {strides = array<i32>} : memref<32x1x8x16xi32, #tpu.memory_space<vmem>>, vector<16xi32>,
        %ge3A_548 = arith.cmpi sge, %get3A_547, %xor3A_52 : vector<16xi32>
        %convert_element_type3A_549 = arith.extui %ge3A_548 : vector<16xi1> to vector<16xi32>
        %add3A_550 = arith.addi %add3A_462, %convert_element_type3A_549 : vector<16xi32>
        %get3A_551 = arith.constant 5 : i32
        %get3A_552 = arith.constant 0 : i32
        %get3A_553 = arith.constant 4 : i32
        %get3A_554 = arith.index_cast %get3A_551 : i32 to index
        %get3A_555 = arith.index_cast %get3A_552 : i32 to index
        %get3A_556 = arith.index_cast %get3A_553 : i32 to index
        %get3A_557 = arith.constant 0 : index
        %get3A_558 = tpu.vector_load %arg4[%get3A_554, %get3A_555, %get3A_556, %get3A_557] {strides = array<i32>} : memref<32x1x8x16xi32, #tpu.memory_space<vmem>>, vector<16xi32>,
        %ge3A_559 = arith.cmpi sge, %get3A_558, %xor3A_52 : vector<16xi32>
        %convert_element_type3A_560 = arith.extui %ge3A_559 : vector<16xi1> to vector<16xi32>
        %add3A_561 = arith.addi %add3A_473, %convert_element_type3A_560 : vector<16xi32>
        %get3A_562 = arith.constant 5 : i32
        %get3A_563 = arith.constant 0 : i32
        %get3A_564 = arith.constant 5 : i32
        %get3A_565 = arith.index_cast %get3A_562 : i32 to index
        %get3A_566 = arith.index_cast %get3A_563 : i32 to index
        %get3A_567 = arith.index_cast %get3A_564 : i32 to index
        %get3A_568 = arith.constant 0 : index
        %get3A_569 = tpu.vector_load %arg4[%get3A_565, %get3A_566, %get3A_567, %get3A_568] {strides = array<i32>} : memref<32x1x8x16xi32, #tpu.memory_space<vmem>>, vector<16xi32>,
        %ge3A_570 = arith.cmpi sge, %get3A_569, %xor3A_52 : vector<16xi32>
        %convert_element_type3A_571 = arith.extui %ge3A_570 : vector<16xi1> to vector<16xi32>
        %add3A_572 = arith.addi %add3A_484, %convert_element_type3A_571 : vector<16xi32>
        %get3A_573 = arith.constant 5 : i32
        %get3A_574 = arith.constant 0 : i32
        %get3A_575 = arith.constant 6 : i32
        %get3A_576 = arith.index_cast %get3A_573 : i32 to index
        %get3A_577 = arith.index_cast %get3A_574 : i32 to index
        %get3A_578 = arith.index_cast %get3A_575 : i32 to index
        %get3A_579 = arith.constant 0 : index
        %get3A_580 = tpu.vector_load %arg4[%get3A_576, %get3A_577, %get3A_578, %get3A_579] {strides = array<i32>} : memref<32x1x8x16xi32, #tpu.memory_space<vmem>>, vector<16xi32>,
        %ge3A_581 = arith.cmpi sge, %get3A_580, %xor3A_52 : vector<16xi32>
        %convert_element_type3A_582 = arith.extui %ge3A_581 : vector<16xi1> to vector<16xi32>
        %add3A_583 = arith.addi %add3A_495, %convert_element_type3A_582 : vector<16xi32>
        %get3A_584 = arith.constant 5 : i32
        %get3A_585 = arith.constant 0 : i32
        %get3A_586 = arith.constant 7 : i32
        %get3A_587 = arith.index_cast %get3A_584 : i32 to index
        %get3A_588 = arith.index_cast %get3A_585 : i32 to index
        %get3A_589 = arith.index_cast %get3A_586 : i32 to index
        %get3A_590 = arith.constant 0 : index
        %get3A_591 = tpu.vector_load %arg4[%get3A_587, %get3A_588, %get3A_589, %get3A_590] {strides = array<i32>} : memref<32x1x8x16xi32, #tpu.memory_space<vmem>>, vector<16xi32>,
        %ge3A_592 = arith.cmpi sge, %get3A_591, %xor3A_52 : vector<16xi32>
        %convert_element_type3A_593 = arith.extui %ge3A_592 : vector<16xi1> to vector<16xi32>
        %add3A_594 = arith.addi %add3A_506, %convert_element_type3A_593 : vector<16xi32>
        %get3A_595 = arith.constant 6 : i32
        %get3A_596 = arith.constant 0 : i32
        %get3A_597 = arith.constant 0 : i32
        %get3A_598 = arith.index_cast %get3A_595 : i32 to index
        %get3A_599 = arith.index_cast %get3A_596 : i32 to index
        %get3A_600 = arith.index_cast %get3A_597 : i32 to index
        %get3A_601 = arith.constant 0 : index
        %get3A_602 = tpu.vector_load %arg4[%get3A_598, %get3A_599, %get3A_600, %get3A_601] {strides = array<i32>} : memref<32x1x8x16xi32, #tpu.memory_space<vmem>>, vector<16xi32>,
        %ge3A_603 = arith.cmpi sge, %get3A_602, %xor3A_52 : vector<16xi32>
        %convert_element_type3A_604 = arith.extui %ge3A_603 : vector<16xi1> to vector<16xi32>
        %add3A_605 = arith.addi %add3A_517, %convert_element_type3A_604 : vector<16xi32>
        %get3A_606 = arith.constant 6 : i32
        %get3A_607 = arith.constant 0 : i32
        %get3A_608 = arith.constant 1 : i32
        %get3A_609 = arith.index_cast %get3A_606 : i32 to index
        %get3A_610 = arith.index_cast %get3A_607 : i32 to index
        %get3A_611 = arith.index_cast %get3A_608 : i32 to index
        %get3A_612 = arith.constant 0 : index
        %get3A_613 = tpu.vector_load %arg4[%get3A_609, %get3A_610, %get3A_611, %get3A_612] {strides = array<i32>} : memref<32x1x8x16xi32, #tpu.memory_space<vmem>>, vector<16xi32>,
        %ge3A_614 = arith.cmpi sge, %get3A_613, %xor3A_52 : vector<16xi32>
        %convert_element_type3A_615 = arith.extui %ge3A_614 : vector<16xi1> to vector<16xi32>
        %add3A_616 = arith.addi %add3A_528, %convert_element_type3A_615 : vector<16xi32>
        %get3A_617 = arith.constant 6 : i32
        %get3A_618 = arith.constant 0 : i32
        %get3A_619 = arith.constant 2 : i32
        %get3A_620 = arith.index_cast %get3A_617 : i32 to index
        %get3A_621 = arith.index_cast %get3A_618 : i32 to index
        %get3A_622 = arith.index_cast %get3A_619 : i32 to index
        %get3A_623 = arith.constant 0 : index
        %get3A_624 = tpu.vector_load %arg4[%get3A_620, %get3A_621, %get3A_622, %get3A_623] {strides = array<i32>} : memref<32x1x8x16xi32, #tpu.memory_space<vmem>>, vector<16xi32>,
        %ge3A_625 = arith.cmpi sge, %get3A_624, %xor3A_52 : vector<16xi32>
        %convert_element_type3A_626 = arith.extui %ge3A_625 : vector<16xi1> to vector<16xi32>
        %add3A_627 = arith.addi %add3A_539, %convert_element_type3A_626 : vector<16xi32>
        %get3A_628 = arith.constant 6 : i32
        %get3A_629 = arith.constant 0 : i32
        %get3A_630 = arith.constant 3 : i32
        %get3A_631 = arith.index_cast %get3A_628 : i32 to index
        %get3A_632 = arith.index_cast %get3A_629 : i32 to index
        %get3A_633 = arith.index_cast %get3A_630 : i32 to index
        %get3A_634 = arith.constant 0 : index
        %get3A_635 = tpu.vector_load %arg4[%get3A_631, %get3A_632, %get3A_633, %get3A_634] {strides = array<i32>} : memref<32x1x8x16xi32, #tpu.memory_space<vmem>>, vector<16xi32>,
        %ge3A_636 = arith.cmpi sge, %get3A_635, %xor3A_52 : vector<16xi32>
        %convert_element_type3A_637 = arith.extui %ge3A_636 : vector<16xi1> to vector<16xi32>
        %add3A_638 = arith.addi %add3A_550, %convert_element_type3A_637 : vector<16xi32>
        %get3A_639 = arith.constant 6 : i32
        %get3A_640 = arith.constant 0 : i32
        %get3A_641 = arith.constant 4 : i32
        %get3A_642 = arith.index_cast %get3A_639 : i32 to index
        %get3A_643 = arith.index_cast %get3A_640 : i32 to index
        %get3A_644 = arith.index_cast %get3A_641 : i32 to index
        %get3A_645 = arith.constant 0 : index
        %get3A_646 = tpu.vector_load %arg4[%get3A_642, %get3A_643, %get3A_644, %get3A_645] {strides = array<i32>} : memref<32x1x8x16xi32, #tpu.memory_space<vmem>>, vector<16xi32>,
        %ge3A_647 = arith.cmpi sge, %get3A_646, %xor3A_52 : vector<16xi32>
        %convert_element_type3A_648 = arith.extui %ge3A_647 : vector<16xi1> to vector<16xi32>
        %add3A_649 = arith.addi %add3A_561, %convert_element_type3A_648 : vector<16xi32>
        %get3A_650 = arith.constant 6 : i32
        %get3A_651 = arith.constant 0 : i32
        %get3A_652 = arith.constant 5 : i32
        %get3A_653 = arith.index_cast %get3A_650 : i32 to index
        %get3A_654 = arith.index_cast %get3A_651 : i32 to index
        %get3A_655 = arith.index_cast %get3A_652 : i32 to index
        %get3A_656 = arith.constant 0 : index
        %get3A_657 = tpu.vector_load %arg4[%get3A_653, %get3A_654, %get3A_655, %get3A_656] {strides = array<i32>} : memref<32x1x8x16xi32, #tpu.memory_space<vmem>>, vector<16xi32>,
        %ge3A_658 = arith.cmpi sge, %get3A_657, %xor3A_52 : vector<16xi32>
        %convert_element_type3A_659 = arith.extui %ge3A_658 : vector<16xi1> to vector<16xi32>
        %add3A_660 = arith.addi %add3A_572, %convert_element_type3A_659 : vector<16xi32>
        %get3A_661 = arith.constant 6 : i32
        %get3A_662 = arith.constant 0 : i32
        %get3A_663 = arith.constant 6 : i32
        %get3A_664 = arith.index_cast %get3A_661 : i32 to index
        %get3A_665 = arith.index_cast %get3A_662 : i32 to index
        %get3A_666 = arith.index_cast %get3A_663 : i32 to index
        %get3A_667 = arith.constant 0 : index
        %get3A_668 = tpu.vector_load %arg4[%get3A_664, %get3A_665, %get3A_666, %get3A_667] {strides = array<i32>} : memref<32x1x8x16xi32, #tpu.memory_space<vmem>>, vector<16xi32>,
        %ge3A_669 = arith.cmpi sge, %get3A_668, %xor3A_52 : vector<16xi32>
        %convert_element_type3A_670 = arith.extui %ge3A_669 : vector<16xi1> to vector<16xi32>
        %add3A_671 = arith.addi %add3A_583, %convert_element_type3A_670 : vector<16xi32>
        %get3A_672 = arith.constant 6 : i32
        %get3A_673 = arith.constant 0 : i32
        %get3A_674 = arith.constant 7 : i32
        %get3A_675 = arith.index_cast %get3A_672 : i32 to index
        %get3A_676 = arith.index_cast %get3A_673 : i32 to index
        %get3A_677 = arith.index_cast %get3A_674 : i32 to index
        %get3A_678 = arith.constant 0 : index
        %get3A_679 = tpu.vector_load %arg4[%get3A_675, %get3A_676, %get3A_677, %get3A_678] {strides = array<i32>} : memref<32x1x8x16xi32, #tpu.memory_space<vmem>>, vector<16xi32>,
        %ge3A_680 = arith.cmpi sge, %get3A_679, %xor3A_52 : vector<16xi32>
        %convert_element_type3A_681 = arith.extui %ge3A_680 : vector<16xi1> to vector<16xi32>
        %add3A_682 = arith.addi %add3A_594, %convert_element_type3A_681 : vector<16xi32>
        %get3A_683 = arith.constant 7 : i32
        %get3A_684 = arith.constant 0 : i32
        %get3A_685 = arith.constant 0 : i32
        %get3A_686 = arith.index_cast %get3A_683 : i32 to index
        %get3A_687 = arith.index_cast %get3A_684 : i32 to index
        %get3A_688 = arith.index_cast %get3A_685 : i32 to index
        %get3A_689 = arith.constant 0 : index
        %get3A_690 = tpu.vector_load %arg4[%get3A_686, %get3A_687, %get3A_688, %get3A_689] {strides = array<i32>} : memref<32x1x8x16xi32, #tpu.memory_space<vmem>>, vector<16xi32>,
        %ge3A_691 = arith.cmpi sge, %get3A_690, %xor3A_52 : vector<16xi32>
        %convert_element_type3A_692 = arith.extui %ge3A_691 : vector<16xi1> to vector<16xi32>
        %add3A_693 = arith.addi %add3A_605, %convert_element_type3A_692 : vector<16xi32>
        %get3A_694 = arith.constant 7 : i32
        %get3A_695 = arith.constant 0 : i32
        %get3A_696 = arith.constant 1 : i32
        %get3A_697 = arith.index_cast %get3A_694 : i32 to index
        %get3A_698 = arith.index_cast %get3A_695 : i32 to index
        %get3A_699 = arith.index_cast %get3A_696 : i32 to index
        %get3A_700 = arith.constant 0 : index
        %get3A_701 = tpu.vector_load %arg4[%get3A_697, %get3A_698, %get3A_699, %get3A_700] {strides = array<i32>} : memref<32x1x8x16xi32, #tpu.memory_space<vmem>>, vector<16xi32>,
        %ge3A_702 = arith.cmpi sge, %get3A_701, %xor3A_52 : vector<16xi32>
        %convert_element_type3A_703 = arith.extui %ge3A_702 : vector<16xi1> to vector<16xi32>
        %add3A_704 = arith.addi %add3A_616, %convert_element_type3A_703 : vector<16xi32>
        %get3A_705 = arith.constant 7 : i32
        %get3A_706 = arith.constant 0 : i32
        %get3A_707 = arith.constant 2 : i32
        %get3A_708 = arith.index_cast %get3A_705 : i32 to index
        %get3A_709 = arith.index_cast %get3A_706 : i32 to index
        %get3A_710 = arith.index_cast %get3A_707 : i32 to index
        %get3A_711 = arith.constant 0 : index
        %get3A_712 = tpu.vector_load %arg4[%get3A_708, %get3A_709, %get3A_710, %get3A_711] {strides = array<i32>} : memref<32x1x8x16xi32, #tpu.memory_space<vmem>>, vector<16xi32>,
        %ge3A_713 = arith.cmpi sge, %get3A_712, %xor3A_52 : vector<16xi32>
        %convert_element_type3A_714 = arith.extui %ge3A_713 : vector<16xi1> to vector<16xi32>
        %add3A_715 = arith.addi %add3A_627, %convert_element_type3A_714 : vector<16xi32>
        %get3A_716 = arith.constant 7 : i32
        %get3A_717 = arith.constant 0 : i32
        %get3A_718 = arith.constant 3 : i32
        %get3A_719 = arith.index_cast %get3A_716 : i32 to index
        %get3A_720 = arith.index_cast %get3A_717 : i32 to index
        %get3A_721 = arith.index_cast %get3A_718 : i32 to index
        %get3A_722 = arith.constant 0 : index
        %get3A_723 = tpu.vector_load %arg4[%get3A_719, %get3A_720, %get3A_721, %get3A_722] {strides = array<i32>} : memref<32x1x8x16xi32, #tpu.memory_space<vmem>>, vector<16xi32>,
        %ge3A_724 = arith.cmpi sge, %get3A_723, %xor3A_52 : vector<16xi32>
        %convert_element_type3A_725 = arith.extui %ge3A_724 : vector<16xi1> to vector<16xi32>
        %add3A_726 = arith.addi %add3A_638, %convert_element_type3A_725 : vector<16xi32>
        %get3A_727 = arith.constant 7 : i32
        %get3A_728 = arith.constant 0 : i32
        %get3A_729 = arith.constant 4 : i32
        %get3A_730 = arith.index_cast %get3A_727 : i32 to index
        %get3A_731 = arith.index_cast %get3A_728 : i32 to index
        %get3A_732 = arith.index_cast %get3A_729 : i32 to index
        %get3A_733 = arith.constant 0 : index
        %get3A_734 = tpu.vector_load %arg4[%get3A_730, %get3A_731, %get3A_732, %get3A_733] {strides = array<i32>} : memref<32x1x8x16xi32, #tpu.memory_space<vmem>>, vector<16xi32>,
        %ge3A_735 = arith.cmpi sge, %get3A_734, %xor3A_52 : vector<16xi32>
        %convert_element_type3A_736 = arith.extui %ge3A_735 : vector<16xi1> to vector<16xi32>
        %add3A_737 = arith.addi %add3A_649, %convert_element_type3A_736 : vector<16xi32>
        %get3A_738 = arith.constant 7 : i32
        %get3A_739 = arith.constant 0 : i32
        %get3A_740 = arith.constant 5 : i32
        %get3A_741 = arith.index_cast %get3A_738 : i32 to index
        %get3A_742 = arith.index_cast %get3A_739 : i32 to index
        %get3A_743 = arith.index_cast %get3A_740 : i32 to index
        %get3A_744 = arith.constant 0 : index
        %get3A_745 = tpu.vector_load %arg4[%get3A_741, %get3A_742, %get3A_743, %get3A_744] {strides = array<i32>} : memref<32x1x8x16xi32, #tpu.memory_space<vmem>>, vector<16xi32>,
        %ge3A_746 = arith.cmpi sge, %get3A_745, %xor3A_52 : vector<16xi32>
        %convert_element_type3A_747 = arith.extui %ge3A_746 : vector<16xi1> to vector<16xi32>
        %add3A_748 = arith.addi %add3A_660, %convert_element_type3A_747 : vector<16xi32>
        %get3A_749 = arith.constant 7 : i32
        %get3A_750 = arith.constant 0 : i32
        %get3A_751 = arith.constant 6 : i32
        %get3A_752 = arith.index_cast %get3A_749 : i32 to index
        %get3A_753 = arith.index_cast %get3A_750 : i32 to index
        %get3A_754 = arith.index_cast %get3A_751 : i32 to index
        %get3A_755 = arith.constant 0 : index
        %get3A_756 = tpu.vector_load %arg4[%get3A_752, %get3A_753, %get3A_754, %get3A_755] {strides = array<i32>} : memref<32x1x8x16xi32, #tpu.memory_space<vmem>>, vector<16xi32>,
        %ge3A_757 = arith.cmpi sge, %get3A_756, %xor3A_52 : vector<16xi32>
        %convert_element_type3A_758 = arith.extui %ge3A_757 : vector<16xi1> to vector<16xi32>
        %add3A_759 = arith.addi %add3A_671, %convert_element_type3A_758 : vector<16xi32>
        %get3A_760 = arith.constant 7 : i32
        %get3A_761 = arith.constant 0 : i32
        %get3A_762 = arith.constant 7 : i32
        %get3A_763 = arith.index_cast %get3A_760 : i32 to index
        %get3A_764 = arith.index_cast %get3A_761 : i32 to index
        %get3A_765 = arith.index_cast %get3A_762 : i32 to index
        %get3A_766 = arith.constant 0 : index
        %get3A_767 = tpu.vector_load %arg4[%get3A_763, %get3A_764, %get3A_765, %get3A_766] {strides = array<i32>} : memref<32x1x8x16xi32, #tpu.memory_space<vmem>>, vector<16xi32>,
        %ge3A_768 = arith.cmpi sge, %get3A_767, %xor3A_52 : vector<16xi32>
        %convert_element_type3A_769 = arith.extui %ge3A_768 : vector<16xi1> to vector<16xi32>
        %add3A_770 = arith.addi %add3A_682, %convert_element_type3A_769 : vector<16xi32>
        %get3A_771 = arith.constant 8 : i32
        %get3A_772 = arith.constant 0 : i32
        %get3A_773 = arith.constant 0 : i32
        %get3A_774 = arith.index_cast %get3A_771 : i32 to index
        %get3A_775 = arith.index_cast %get3A_772 : i32 to index
        %get3A_776 = arith.index_cast %get3A_773 : i32 to index
        %get3A_777 = arith.constant 0 : index
        %get3A_778 = tpu.vector_load %arg4[%get3A_774, %get3A_775, %get3A_776, %get3A_777] {strides = array<i32>} : memref<32x1x8x16xi32, #tpu.memory_space<vmem>>, vector<16xi32>,
        %ge3A_779 = arith.cmpi sge, %get3A_778, %xor3A_52 : vector<16xi32>
        %convert_element_type3A_780 = arith.extui %ge3A_779 : vector<16xi1> to vector<16xi32>
        %add3A_781 = arith.addi %add3A_693, %convert_element_type3A_780 : vector<16xi32>
        %get3A_782 = arith.constant 8 : i32
        %get3A_783 = arith.constant 0 : i32
        %get3A_784 = arith.constant 1 : i32
        %get3A_785 = arith.index_cast %get3A_782 : i32 to index
        %get3A_786 = arith.index_cast %get3A_783 : i32 to index
        %get3A_787 = arith.index_cast %get3A_784 : i32 to index
        %get3A_788 = arith.constant 0 : index
        %get3A_789 = tpu.vector_load %arg4[%get3A_785, %get3A_786, %get3A_787, %get3A_788] {strides = array<i32>} : memref<32x1x8x16xi32, #tpu.memory_space<vmem>>, vector<16xi32>,
        %ge3A_790 = arith.cmpi sge, %get3A_789, %xor3A_52 : vector<16xi32>
        %convert_element_type3A_791 = arith.extui %ge3A_790 : vector<16xi1> to vector<16xi32>
        %add3A_792 = arith.addi %add3A_704, %convert_element_type3A_791 : vector<16xi32>
        %get3A_793 = arith.constant 8 : i32
        %get3A_794 = arith.constant 0 : i32
        %get3A_795 = arith.constant 2 : i32
        %get3A_796 = arith.index_cast %get3A_793 : i32 to index
        %get3A_797 = arith.index_cast %get3A_794 : i32 to index
        %get3A_798 = arith.index_cast %get3A_795 : i32 to index
        %get3A_799 = arith.constant 0 : index
        %get3A_800 = tpu.vector_load %arg4[%get3A_796, %get3A_797, %get3A_798, %get3A_799] {strides = array<i32>} : memref<32x1x8x16xi32, #tpu.memory_space<vmem>>, vector<16xi32>,
        %ge3A_801 = arith.cmpi sge, %get3A_800, %xor3A_52 : vector<16xi32>
        %convert_element_type3A_802 = arith.extui %ge3A_801 : vector<16xi1> to vector<16xi32>
        %add3A_803 = arith.addi %add3A_715, %convert_element_type3A_802 : vector<16xi32>
        %get3A_804 = arith.constant 8 : i32
        %get3A_805 = arith.constant 0 : i32
        %get3A_806 = arith.constant 3 : i32
        %get3A_807 = arith.index_cast %get3A_804 : i32 to index
        %get3A_808 = arith.index_cast %get3A_805 : i32 to index
        %get3A_809 = arith.index_cast %get3A_806 : i32 to index
        %get3A_810 = arith.constant 0 : index
        %get3A_811 = tpu.vector_load %arg4[%get3A_807, %get3A_808, %get3A_809, %get3A_810] {strides = array<i32>} : memref<32x1x8x16xi32, #tpu.memory_space<vmem>>, vector<16xi32>,
        %ge3A_812 = arith.cmpi sge, %get3A_811, %xor3A_52 : vector<16xi32>
        %convert_element_type3A_813 = arith.extui %ge3A_812 : vector<16xi1> to vector<16xi32>
        %add3A_814 = arith.addi %add3A_726, %convert_element_type3A_813 : vector<16xi32>
        %get3A_815 = arith.constant 8 : i32
        %get3A_816 = arith.constant 0 : i32
        %get3A_817 = arith.constant 4 : i32
        %get3A_818 = arith.index_cast %get3A_815 : i32 to index
        %get3A_819 = arith.index_cast %get3A_816 : i32 to index
        %get3A_820 = arith.index_cast %get3A_817 : i32 to index
        %get3A_821 = arith.constant 0 : index
        %get3A_822 = tpu.vector_load %arg4[%get3A_818, %get3A_819, %get3A_820, %get3A_821] {strides = array<i32>} : memref<32x1x8x16xi32, #tpu.memory_space<vmem>>, vector<16xi32>,
        %ge3A_823 = arith.cmpi sge, %get3A_822, %xor3A_52 : vector<16xi32>
        %convert_element_type3A_824 = arith.extui %ge3A_823 : vector<16xi1> to vector<16xi32>
        %add3A_825 = arith.addi %add3A_737, %convert_element_type3A_824 : vector<16xi32>
        %get3A_826 = arith.constant 8 : i32
        %get3A_827 = arith.constant 0 : i32
        %get3A_828 = arith.constant 5 : i32
        %get3A_829 = arith.index_cast %get3A_826 : i32 to index
        %get3A_830 = arith.index_cast %get3A_827 : i32 to index
        %get3A_831 = arith.index_cast %get3A_828 : i32 to index
        %get3A_832 = arith.constant 0 : index
        %get3A_833 = tpu.vector_load %arg4[%get3A_829, %get3A_830, %get3A_831, %get3A_832] {strides = array<i32>} : memref<32x1x8x16xi32, #tpu.memory_space<vmem>>, vector<16xi32>,
        %ge3A_834 = arith.cmpi sge, %get3A_833, %xor3A_52 : vector<16xi32>
        %convert_element_type3A_835 = arith.extui %ge3A_834 : vector<16xi1> to vector<16xi32>
        %add3A_836 = arith.addi %add3A_748, %convert_element_type3A_835 : vector<16xi32>
        %get3A_837 = arith.constant 8 : i32
        %get3A_838 = arith.constant 0 : i32
        %get3A_839 = arith.constant 6 : i32
        %get3A_840 = arith.index_cast %get3A_837 : i32 to index
        %get3A_841 = arith.index_cast %get3A_838 : i32 to index
        %get3A_842 = arith.index_cast %get3A_839 : i32 to index
        %get3A_843 = arith.constant 0 : index
        %get3A_844 = tpu.vector_load %arg4[%get3A_840, %get3A_841, %get3A_842, %get3A_843] {strides = array<i32>} : memref<32x1x8x16xi32, #tpu.memory_space<vmem>>, vector<16xi32>,
        %ge3A_845 = arith.cmpi sge, %get3A_844, %xor3A_52 : vector<16xi32>
        %convert_element_type3A_846 = arith.extui %ge3A_845 : vector<16xi1> to vector<16xi32>
        %add3A_847 = arith.addi %add3A_759, %convert_element_type3A_846 : vector<16xi32>
        %get3A_848 = arith.constant 8 : i32
        %get3A_849 = arith.constant 0 : i32
        %get3A_850 = arith.constant 7 : i32
        %get3A_851 = arith.index_cast %get3A_848 : i32 to index
        %get3A_852 = arith.index_cast %get3A_849 : i32 to index
        %get3A_853 = arith.index_cast %get3A_850 : i32 to index
        %get3A_854 = arith.constant 0 : index
        %get3A_855 = tpu.vector_load %arg4[%get3A_851, %get3A_852, %get3A_853, %get3A_854] {strides = array<i32>} : memref<32x1x8x16xi32, #tpu.memory_space<vmem>>, vector<16xi32>,
        %ge3A_856 = arith.cmpi sge, %get3A_855, %xor3A_52 : vector<16xi32>
        %convert_element_type3A_857 = arith.extui %ge3A_856 : vector<16xi1> to vector<16xi32>
        %add3A_858 = arith.addi %add3A_770, %convert_element_type3A_857 : vector<16xi32>
        %get3A_859 = arith.constant 9 : i32
        %get3A_860 = arith.constant 0 : i32
        %get3A_861 = arith.constant 0 : i32
        %get3A_862 = arith.index_cast %get3A_859 : i32 to index
        %get3A_863 = arith.index_cast %get3A_860 : i32 to index
        %get3A_864 = arith.index_cast %get3A_861 : i32 to index
        %get3A_865 = arith.constant 0 : index
        %get3A_866 = tpu.vector_load %arg4[%get3A_862, %get3A_863, %get3A_864, %get3A_865] {strides = array<i32>} : memref<32x1x8x16xi32, #tpu.memory_space<vmem>>, vector<16xi32>,
        %ge3A_867 = arith.cmpi sge, %get3A_866, %xor3A_52 : vector<16xi32>
        %convert_element_type3A_868 = arith.extui %ge3A_867 : vector<16xi1> to vector<16xi32>
        %add3A_869 = arith.addi %add3A_781, %convert_element_type3A_868 : vector<16xi32>
        %get3A_870 = arith.constant 9 : i32
        %get3A_871 = arith.constant 0 : i32
        %get3A_872 = arith.constant 1 : i32
        %get3A_873 = arith.index_cast %get3A_870 : i32 to index
        %get3A_874 = arith.index_cast %get3A_871 : i32 to index
        %get3A_875 = arith.index_cast %get3A_872 : i32 to index
        %get3A_876 = arith.constant 0 : index
        %get3A_877 = tpu.vector_load %arg4[%get3A_873, %get3A_874, %get3A_875, %get3A_876] {strides = array<i32>} : memref<32x1x8x16xi32, #tpu.memory_space<vmem>>, vector<16xi32>,
        %ge3A_878 = arith.cmpi sge, %get3A_877, %xor3A_52 : vector<16xi32>
        %convert_element_type3A_879 = arith.extui %ge3A_878 : vector<16xi1> to vector<16xi32>
        %add3A_880 = arith.addi %add3A_792, %convert_element_type3A_879 : vector<16xi32>
        %get3A_881 = arith.constant 9 : i32
        %get3A_882 = arith.constant 0 : i32
        %get3A_883 = arith.constant 2 : i32
        %get3A_884 = arith.index_cast %get3A_881 : i32 to index
        %get3A_885 = arith.index_cast %get3A_882 : i32 to index
        %get3A_886 = arith.index_cast %get3A_883 : i32 to index
        %get3A_887 = arith.constant 0 : index
        %get3A_888 = tpu.vector_load %arg4[%get3A_884, %get3A_885, %get3A_886, %get3A_887] {strides = array<i32>} : memref<32x1x8x16xi32, #tpu.memory_space<vmem>>, vector<16xi32>,
        %ge3A_889 = arith.cmpi sge, %get3A_888, %xor3A_52 : vector<16xi32>
        %convert_element_type3A_890 = arith.extui %ge3A_889 : vector<16xi1> to vector<16xi32>
        %add3A_891 = arith.addi %add3A_803, %convert_element_type3A_890 : vector<16xi32>
        %get3A_892 = arith.constant 9 : i32
        %get3A_893 = arith.constant 0 : i32
        %get3A_894 = arith.constant 3 : i32
        %get3A_895 = arith.index_cast %get3A_892 : i32 to index
        %get3A_896 = arith.index_cast %get3A_893 : i32 to index
        %get3A_897 = arith.index_cast %get3A_894 : i32 to index
        %get3A_898 = arith.constant 0 : index
        %get3A_899 = tpu.vector_load %arg4[%get3A_895, %get3A_896, %get3A_897, %get3A_898] {strides = array<i32>} : memref<32x1x8x16xi32, #tpu.memory_space<vmem>>, vector<16xi32>,
        %ge3A_900 = arith.cmpi sge, %get3A_899, %xor3A_52 : vector<16xi32>
        %convert_element_type3A_901 = arith.extui %ge3A_900 : vector<16xi1> to vector<16xi32>
        %add3A_902 = arith.addi %add3A_814, %convert_element_type3A_901 : vector<16xi32>
        %get3A_903 = arith.constant 9 : i32
        %get3A_904 = arith.constant 0 : i32
        %get3A_905 = arith.constant 4 : i32
        %get3A_906 = arith.index_cast %get3A_903 : i32 to index
        %get3A_907 = arith.index_cast %get3A_904 : i32 to index
        %get3A_908 = arith.index_cast %get3A_905 : i32 to index
        %get3A_909 = arith.constant 0 : index
        %get3A_910 = tpu.vector_load %arg4[%get3A_906, %get3A_907, %get3A_908, %get3A_909] {strides = array<i32>} : memref<32x1x8x16xi32, #tpu.memory_space<vmem>>, vector<16xi32>,
        %ge3A_911 = arith.cmpi sge, %get3A_910, %xor3A_52 : vector<16xi32>
        %convert_element_type3A_912 = arith.extui %ge3A_911 : vector<16xi1> to vector<16xi32>
        %add3A_913 = arith.addi %add3A_825, %convert_element_type3A_912 : vector<16xi32>
        %get3A_914 = arith.constant 9 : i32
        %get3A_915 = arith.constant 0 : i32
        %get3A_916 = arith.constant 5 : i32
        %get3A_917 = arith.index_cast %get3A_914 : i32 to index
        %get3A_918 = arith.index_cast %get3A_915 : i32 to index
        %get3A_919 = arith.index_cast %get3A_916 : i32 to index
        %get3A_920 = arith.constant 0 : index
        %get3A_921 = tpu.vector_load %arg4[%get3A_917, %get3A_918, %get3A_919, %get3A_920] {strides = array<i32>} : memref<32x1x8x16xi32, #tpu.memory_space<vmem>>, vector<16xi32>,
        %ge3A_922 = arith.cmpi sge, %get3A_921, %xor3A_52 : vector<16xi32>
        %convert_element_type3A_923 = arith.extui %ge3A_922 : vector<16xi1> to vector<16xi32>
        %add3A_924 = arith.addi %add3A_836, %convert_element_type3A_923 : vector<16xi32>
        %get3A_925 = arith.constant 9 : i32
        %get3A_926 = arith.constant 0 : i32
        %get3A_927 = arith.constant 6 : i32
        %get3A_928 = arith.index_cast %get3A_925 : i32 to index
        %get3A_929 = arith.index_cast %get3A_926 : i32 to index
        %get3A_930 = arith.index_cast %get3A_927 : i32 to index
        %get3A_931 = arith.constant 0 : index
        %get3A_932 = tpu.vector_load %arg4[%get3A_928, %get3A_929, %get3A_930, %get3A_931] {strides = array<i32>} : memref<32x1x8x16xi32, #tpu.memory_space<vmem>>, vector<16xi32>,
        %ge3A_933 = arith.cmpi sge, %get3A_932, %xor3A_52 : vector<16xi32>
        %convert_element_type3A_934 = arith.extui %ge3A_933 : vector<16xi1> to vector<16xi32>
        %add3A_935 = arith.addi %add3A_847, %convert_element_type3A_934 : vector<16xi32>
        %get3A_936 = arith.constant 9 : i32
        %get3A_937 = arith.constant 0 : i32
        %get3A_938 = arith.constant 7 : i32
        %get3A_939 = arith.index_cast %get3A_936 : i32 to index
        %get3A_940 = arith.index_cast %get3A_937 : i32 to index
        %get3A_941 = arith.index_cast %get3A_938 : i32 to index
        %get3A_942 = arith.constant 0 : index
        %get3A_943 = tpu.vector_load %arg4[%get3A_939, %get3A_940, %get3A_941, %get3A_942] {strides = array<i32>} : memref<32x1x8x16xi32, #tpu.memory_space<vmem>>, vector<16xi32>,
        %ge3A_944 = arith.cmpi sge, %get3A_943, %xor3A_52 : vector<16xi32>
        %convert_element_type3A_945 = arith.extui %ge3A_944 : vector<16xi1> to vector<16xi32>
        %add3A_946 = arith.addi %add3A_858, %convert_element_type3A_945 : vector<16xi32>
        %get3A_947 = arith.constant 10 : i32
        %get3A_948 = arith.constant 0 : i32
        %get3A_949 = arith.constant 0 : i32
        %get3A_950 = arith.index_cast %get3A_947 : i32 to index
        %get3A_951 = arith.index_cast %get3A_948 : i32 to index
        %get3A_952 = arith.index_cast %get3A_949 : i32 to index
        %get3A_953 = arith.constant 0 : index
        %get3A_954 = tpu.vector_load %arg4[%get3A_950, %get3A_951, %get3A_952, %get3A_953] {strides = array<i32>} : memref<32x1x8x16xi32, #tpu.memory_space<vmem>>, vector<16xi32>,
        %ge3A_955 = arith.cmpi sge, %get3A_954, %xor3A_52 : vector<16xi32>
        %convert_element_type3A_956 = arith.extui %ge3A_955 : vector<16xi1> to vector<16xi32>
        %add3A_957 = arith.addi %add3A_869, %convert_element_type3A_956 : vector<16xi32>
        %get3A_958 = arith.constant 10 : i32
        %get3A_959 = arith.constant 0 : i32
        %get3A_960 = arith.constant 1 : i32
        %get3A_961 = arith.index_cast %get3A_958 : i32 to index
        %get3A_962 = arith.index_cast %get3A_959 : i32 to index
        %get3A_963 = arith.index_cast %get3A_960 : i32 to index
        %get3A_964 = arith.constant 0 : index
        %get3A_965 = tpu.vector_load %arg4[%get3A_961, %get3A_962, %get3A_963, %get3A_964] {strides = array<i32>} : memref<32x1x8x16xi32, #tpu.memory_space<vmem>>, vector<16xi32>,
        %ge3A_966 = arith.cmpi sge, %get3A_965, %xor3A_52 : vector<16xi32>
        %convert_element_type3A_967 = arith.extui %ge3A_966 : vector<16xi1> to vector<16xi32>
        %add3A_968 = arith.addi %add3A_880, %convert_element_type3A_967 : vector<16xi32>
        %get3A_969 = arith.constant 10 : i32
        %get3A_970 = arith.constant 0 : i32
        %get3A_971 = arith.constant 2 : i32
        %get3A_972 = arith.index_cast %get3A_969 : i32 to index
        %get3A_973 = arith.index_cast %get3A_970 : i32 to index
        %get3A_974 = arith.index_cast %get3A_971 : i32 to index
        %get3A_975 = arith.constant 0 : index
        %get3A_976 = tpu.vector_load %arg4[%get3A_972, %get3A_973, %get3A_974, %get3A_975] {strides = array<i32>} : memref<32x1x8x16xi32, #tpu.memory_space<vmem>>, vector<16xi32>,
        %ge3A_977 = arith.cmpi sge, %get3A_976, %xor3A_52 : vector<16xi32>
        %convert_element_type3A_978 = arith.extui %ge3A_977 : vector<16xi1> to vector<16xi32>
        %add3A_979 = arith.addi %add3A_891, %convert_element_type3A_978 : vector<16xi32>
        %get3A_980 = arith.constant 10 : i32
        %get3A_981 = arith.constant 0 : i32
        %get3A_982 = arith.constant 3 : i32
        %get3A_983 = arith.index_cast %get3A_980 : i32 to index
        %get3A_984 = arith.index_cast %get3A_981 : i32 to index
        %get3A_985 = arith.index_cast %get3A_982 : i32 to index
        %get3A_986 = arith.constant 0 : index
        %get3A_987 = tpu.vector_load %arg4[%get3A_983, %get3A_984, %get3A_985, %get3A_986] {strides = array<i32>} : memref<32x1x8x16xi32, #tpu.memory_space<vmem>>, vector<16xi32>,
        %ge3A_988 = arith.cmpi sge, %get3A_987, %xor3A_52 : vector<16xi32>
        %convert_element_type3A_989 = arith.extui %ge3A_988 : vector<16xi1> to vector<16xi32>
        %add3A_990 = arith.addi %add3A_902, %convert_element_type3A_989 : vector<16xi32>
        %get3A_991 = arith.constant 10 : i32
        %get3A_992 = arith.constant 0 : i32
        %get3A_993 = arith.constant 4 : i32
        %get3A_994 = arith.index_cast %get3A_991 : i32 to index
        %get3A_995 = arith.index_cast %get3A_992 : i32 to index
        %get3A_996 = arith.index_cast %get3A_993 : i32 to index
        %get3A_997 = arith.constant 0 : index
        %get3A_998 = tpu.vector_load %arg4[%get3A_994, %get3A_995, %get3A_996, %get3A_997] {strides = array<i32>} : memref<32x1x8x16xi32, #tpu.memory_space<vmem>>, vector<16xi32>,
        %ge3A_999 = arith.cmpi sge, %get3A_998, %xor3A_52 : vector<16xi32>
        %convert_element_type3A_1000 = arith.extui %ge3A_999 : vector<16xi1> to vector<16xi32>
        %add3A_1001 = arith.addi %add3A_913, %convert_element_type3A_1000 : vector<16xi32>
        %get3A_1002 = arith.constant 10 : i32
        %get3A_1003 = arith.constant 0 : i32
        %get3A_1004 = arith.constant 5 : i32
        %get3A_1005 = arith.index_cast %get3A_1002 : i32 to index
        %get3A_1006 = arith.index_cast %get3A_1003 : i32 to index
        %get3A_1007 = arith.index_cast %get3A_1004 : i32 to index
        %get3A_1008 = arith.constant 0 : index
        %get3A_1009 = tpu.vector_load %arg4[%get3A_1005, %get3A_1006, %get3A_1007, %get3A_1008] {strides = array<i32>} : memref<32x1x8x16xi32, #tpu.memory_space<vmem>>, vector<16xi32>,
        %ge3A_1010 = arith.cmpi sge, %get3A_1009, %xor3A_52 : vector<16xi32>
        %convert_element_type3A_1011 = arith.extui %ge3A_1010 : vector<16xi1> to vector<16xi32>
        %add3A_1012 = arith.addi %add3A_924, %convert_element_type3A_1011 : vector<16xi32>
        %get3A_1013 = arith.constant 10 : i32
        %get3A_1014 = arith.constant 0 : i32
        %get3A_1015 = arith.constant 6 : i32
        %get3A_1016 = arith.index_cast %get3A_1013 : i32 to index
        %get3A_1017 = arith.index_cast %get3A_1014 : i32 to index
        %get3A_1018 = arith.index_cast %get3A_1015 : i32 to index
        %get3A_1019 = arith.constant 0 : index
        %get3A_1020 = tpu.vector_load %arg4[%get3A_1016, %get3A_1017, %get3A_1018, %get3A_1019] {strides = array<i32>} : memref<32x1x8x16xi32, #tpu.memory_space<vmem>>, vector<16xi32>,
        %ge3A_1021 = arith.cmpi sge, %get3A_1020, %xor3A_52 : vector<16xi32>
        %convert_element_type3A_1022 = arith.extui %ge3A_1021 : vector<16xi1> to vector<16xi32>
        %add3A_1023 = arith.addi %add3A_935, %convert_element_type3A_1022 : vector<16xi32>
        %get3A_1024 = arith.constant 10 : i32
        %get3A_1025 = arith.constant 0 : i32
        %get3A_1026 = arith.constant 7 : i32
        %get3A_1027 = arith.index_cast %get3A_1024 : i32 to index
        %get3A_1028 = arith.index_cast %get3A_1025 : i32 to index
        %get3A_1029 = arith.index_cast %get3A_1026 : i32 to index
        %get3A_1030 = arith.constant 0 : index
        %get3A_1031 = tpu.vector_load %arg4[%get3A_1027, %get3A_1028, %get3A_1029, %get3A_1030] {strides = array<i32>} : memref<32x1x8x16xi32, #tpu.memory_space<vmem>>, vector<16xi32>,
        %ge3A_1032 = arith.cmpi sge, %get3A_1031, %xor3A_52 : vector<16xi32>
        %convert_element_type3A_1033 = arith.extui %ge3A_1032 : vector<16xi1> to vector<16xi32>
        %add3A_1034 = arith.addi %add3A_946, %convert_element_type3A_1033 : vector<16xi32>
        %get3A_1035 = arith.constant 11 : i32
        %get3A_1036 = arith.constant 0 : i32
        %get3A_1037 = arith.constant 0 : i32
        %get3A_1038 = arith.index_cast %get3A_1035 : i32 to index
        %get3A_1039 = arith.index_cast %get3A_1036 : i32 to index
        %get3A_1040 = arith.index_cast %get3A_1037 : i32 to index
        %get3A_1041 = arith.constant 0 : index
        %get3A_1042 = tpu.vector_load %arg4[%get3A_1038, %get3A_1039, %get3A_1040, %get3A_1041] {strides = array<i32>} : memref<32x1x8x16xi32, #tpu.memory_space<vmem>>, vector<16xi32>,
        %ge3A_1043 = arith.cmpi sge, %get3A_1042, %xor3A_52 : vector<16xi32>
        %convert_element_type3A_1044 = arith.extui %ge3A_1043 : vector<16xi1> to vector<16xi32>
        %add3A_1045 = arith.addi %add3A_957, %convert_element_type3A_1044 : vector<16xi32>
        %get3A_1046 = arith.constant 11 : i32
        %get3A_1047 = arith.constant 0 : i32
        %get3A_1048 = arith.constant 1 : i32
        %get3A_1049 = arith.index_cast %get3A_1046 : i32 to index
        %get3A_1050 = arith.index_cast %get3A_1047 : i32 to index
        %get3A_1051 = arith.index_cast %get3A_1048 : i32 to index
        %get3A_1052 = arith.constant 0 : index
        %get3A_1053 = tpu.vector_load %arg4[%get3A_1049, %get3A_1050, %get3A_1051, %get3A_1052] {strides = array<i32>} : memref<32x1x8x16xi32, #tpu.memory_space<vmem>>, vector<16xi32>,
        %ge3A_1054 = arith.cmpi sge, %get3A_1053, %xor3A_52 : vector<16xi32>
        %convert_element_type3A_1055 = arith.extui %ge3A_1054 : vector<16xi1> to vector<16xi32>
        %add3A_1056 = arith.addi %add3A_968, %convert_element_type3A_1055 : vector<16xi32>
        %get3A_1057 = arith.constant 11 : i32
        %get3A_1058 = arith.constant 0 : i32
        %get3A_1059 = arith.constant 2 : i32
        %get3A_1060 = arith.index_cast %get3A_1057 : i32 to index
        %get3A_1061 = arith.index_cast %get3A_1058 : i32 to index
        %get3A_1062 = arith.index_cast %get3A_1059 : i32 to index
        %get3A_1063 = arith.constant 0 : index
        %get3A_1064 = tpu.vector_load %arg4[%get3A_1060, %get3A_1061, %get3A_1062, %get3A_1063] {strides = array<i32>} : memref<32x1x8x16xi32, #tpu.memory_space<vmem>>, vector<16xi32>,
        %ge3A_1065 = arith.cmpi sge, %get3A_1064, %xor3A_52 : vector<16xi32>
        %convert_element_type3A_1066 = arith.extui %ge3A_1065 : vector<16xi1> to vector<16xi32>
        %add3A_1067 = arith.addi %add3A_979, %convert_element_type3A_1066 : vector<16xi32>
        %get3A_1068 = arith.constant 11 : i32
        %get3A_1069 = arith.constant 0 : i32
        %get3A_1070 = arith.constant 3 : i32
        %get3A_1071 = arith.index_cast %get3A_1068 : i32 to index
        %get3A_1072 = arith.index_cast %get3A_1069 : i32 to index
        %get3A_1073 = arith.index_cast %get3A_1070 : i32 to index
        %get3A_1074 = arith.constant 0 : index
        %get3A_1075 = tpu.vector_load %arg4[%get3A_1071, %get3A_1072, %get3A_1073, %get3A_1074] {strides = array<i32>} : memref<32x1x8x16xi32, #tpu.memory_space<vmem>>, vector<16xi32>,
        %ge3A_1076 = arith.cmpi sge, %get3A_1075, %xor3A_52 : vector<16xi32>
        %convert_element_type3A_1077 = arith.extui %ge3A_1076 : vector<16xi1> to vector<16xi32>
        %add3A_1078 = arith.addi %add3A_990, %convert_element_type3A_1077 : vector<16xi32>
        %get3A_1079 = arith.constant 11 : i32
        %get3A_1080 = arith.constant 0 : i32
        %get3A_1081 = arith.constant 4 : i32
        %get3A_1082 = arith.index_cast %get3A_1079 : i32 to index
        %get3A_1083 = arith.index_cast %get3A_1080 : i32 to index
        %get3A_1084 = arith.index_cast %get3A_1081 : i32 to index
        %get3A_1085 = arith.constant 0 : index
        %get3A_1086 = tpu.vector_load %arg4[%get3A_1082, %get3A_1083, %get3A_1084, %get3A_1085] {strides = array<i32>} : memref<32x1x8x16xi32, #tpu.memory_space<vmem>>, vector<16xi32>,
        %ge3A_1087 = arith.cmpi sge, %get3A_1086, %xor3A_52 : vector<16xi32>
        %convert_element_type3A_1088 = arith.extui %ge3A_1087 : vector<16xi1> to vector<16xi32>
        %add3A_1089 = arith.addi %add3A_1001, %convert_element_type3A_1088 : vector<16xi32>
        %get3A_1090 = arith.constant 11 : i32
        %get3A_1091 = arith.constant 0 : i32
        %get3A_1092 = arith.constant 5 : i32
        %get3A_1093 = arith.index_cast %get3A_1090 : i32 to index
        %get3A_1094 = arith.index_cast %get3A_1091 : i32 to index
        %get3A_1095 = arith.index_cast %get3A_1092 : i32 to index
        %get3A_1096 = arith.constant 0 : index
        %get3A_1097 = tpu.vector_load %arg4[%get3A_1093, %get3A_1094, %get3A_1095, %get3A_1096] {strides = array<i32>} : memref<32x1x8x16xi32, #tpu.memory_space<vmem>>, vector<16xi32>,
        %ge3A_1098 = arith.cmpi sge, %get3A_1097, %xor3A_52 : vector<16xi32>
        %convert_element_type3A_1099 = arith.extui %ge3A_1098 : vector<16xi1> to vector<16xi32>
        %add3A_1100 = arith.addi %add3A_1012, %convert_element_type3A_1099 : vector<16xi32>
        %get3A_1101 = arith.constant 11 : i32
        %get3A_1102 = arith.constant 0 : i32
        %get3A_1103 = arith.constant 6 : i32
        %get3A_1104 = arith.index_cast %get3A_1101 : i32 to index
        %get3A_1105 = arith.index_cast %get3A_1102 : i32 to index
        %get3A_1106 = arith.index_cast %get3A_1103 : i32 to index
        %get3A_1107 = arith.constant 0 : index
        %get3A_1108 = tpu.vector_load %arg4[%get3A_1104, %get3A_1105, %get3A_1106, %get3A_1107] {strides = array<i32>} : memref<32x1x8x16xi32, #tpu.memory_space<vmem>>, vector<16xi32>,
        %ge3A_1109 = arith.cmpi sge, %get3A_1108, %xor3A_52 : vector<16xi32>
        %convert_element_type3A_1110 = arith.extui %ge3A_1109 : vector<16xi1> to vector<16xi32>
        %add3A_1111 = arith.addi %add3A_1023, %convert_element_type3A_1110 : vector<16xi32>
        %get3A_1112 = arith.constant 11 : i32
        %get3A_1113 = arith.constant 0 : i32
        %get3A_1114 = arith.constant 7 : i32
        %get3A_1115 = arith.index_cast %get3A_1112 : i32 to index
        %get3A_1116 = arith.index_cast %get3A_1113 : i32 to index
        %get3A_1117 = arith.index_cast %get3A_1114 : i32 to index
        %get3A_1118 = arith.constant 0 : index
        %get3A_1119 = tpu.vector_load %arg4[%get3A_1115, %get3A_1116, %get3A_1117, %get3A_1118] {strides = array<i32>} : memref<32x1x8x16xi32, #tpu.memory_space<vmem>>, vector<16xi32>,
        %ge3A_1120 = arith.cmpi sge, %get3A_1119, %xor3A_52 : vector<16xi32>
        %convert_element_type3A_1121 = arith.extui %ge3A_1120 : vector<16xi1> to vector<16xi32>
        %add3A_1122 = arith.addi %add3A_1034, %convert_element_type3A_1121 : vector<16xi32>
        %get3A_1123 = arith.constant 12 : i32
        %get3A_1124 = arith.constant 0 : i32
        %get3A_1125 = arith.constant 0 : i32
        %get3A_1126 = arith.index_cast %get3A_1123 : i32 to index
        %get3A_1127 = arith.index_cast %get3A_1124 : i32 to index
        %get3A_1128 = arith.index_cast %get3A_1125 : i32 to index
        %get3A_1129 = arith.constant 0 : index
        %get3A_1130 = tpu.vector_load %arg4[%get3A_1126, %get3A_1127, %get3A_1128, %get3A_1129] {strides = array<i32>} : memref<32x1x8x16xi32, #tpu.memory_space<vmem>>, vector<16xi32>,
        %ge3A_1131 = arith.cmpi sge, %get3A_1130, %xor3A_52 : vector<16xi32>
        %convert_element_type3A_1132 = arith.extui %ge3A_1131 : vector<16xi1> to vector<16xi32>
        %add3A_1133 = arith.addi %add3A_1045, %convert_element_type3A_1132 : vector<16xi32>
        %get3A_1134 = arith.constant 12 : i32
        %get3A_1135 = arith.constant 0 : i32
        %get3A_1136 = arith.constant 1 : i32
        %get3A_1137 = arith.index_cast %get3A_1134 : i32 to index
        %get3A_1138 = arith.index_cast %get3A_1135 : i32 to index
        %get3A_1139 = arith.index_cast %get3A_1136 : i32 to index
        %get3A_1140 = arith.constant 0 : index
        %get3A_1141 = tpu.vector_load %arg4[%get3A_1137, %get3A_1138, %get3A_1139, %get3A_1140] {strides = array<i32>} : memref<32x1x8x16xi32, #tpu.memory_space<vmem>>, vector<16xi32>,
        %ge3A_1142 = arith.cmpi sge, %get3A_1141, %xor3A_52 : vector<16xi32>
        %convert_element_type3A_1143 = arith.extui %ge3A_1142 : vector<16xi1> to vector<16xi32>
        %add3A_1144 = arith.addi %add3A_1056, %convert_element_type3A_1143 : vector<16xi32>
        %get3A_1145 = arith.constant 12 : i32
        %get3A_1146 = arith.constant 0 : i32
        %get3A_1147 = arith.constant 2 : i32
        %get3A_1148 = arith.index_cast %get3A_1145 : i32 to index
        %get3A_1149 = arith.index_cast %get3A_1146 : i32 to index
        %get3A_1150 = arith.index_cast %get3A_1147 : i32 to index
        %get3A_1151 = arith.constant 0 : index
        %get3A_1152 = tpu.vector_load %arg4[%get3A_1148, %get3A_1149, %get3A_1150, %get3A_1151] {strides = array<i32>} : memref<32x1x8x16xi32, #tpu.memory_space<vmem>>, vector<16xi32>,
        %ge3A_1153 = arith.cmpi sge, %get3A_1152, %xor3A_52 : vector<16xi32>
        %convert_element_type3A_1154 = arith.extui %ge3A_1153 : vector<16xi1> to vector<16xi32>
        %add3A_1155 = arith.addi %add3A_1067, %convert_element_type3A_1154 : vector<16xi32>
        %get3A_1156 = arith.constant 12 : i32
        %get3A_1157 = arith.constant 0 : i32
        %get3A_1158 = arith.constant 3 : i32
        %get3A_1159 = arith.index_cast %get3A_1156 : i32 to index
        %get3A_1160 = arith.index_cast %get3A_1157 : i32 to index
        %get3A_1161 = arith.index_cast %get3A_1158 : i32 to index
        %get3A_1162 = arith.constant 0 : index
        %get3A_1163 = tpu.vector_load %arg4[%get3A_1159, %get3A_1160, %get3A_1161, %get3A_1162] {strides = array<i32>} : memref<32x1x8x16xi32, #tpu.memory_space<vmem>>, vector<16xi32>,
        %ge3A_1164 = arith.cmpi sge, %get3A_1163, %xor3A_52 : vector<16xi32>
        %convert_element_type3A_1165 = arith.extui %ge3A_1164 : vector<16xi1> to vector<16xi32>
        %add3A_1166 = arith.addi %add3A_1078, %convert_element_type3A_1165 : vector<16xi32>
        %get3A_1167 = arith.constant 12 : i32
        %get3A_1168 = arith.constant 0 : i32
        %get3A_1169 = arith.constant 4 : i32
        %get3A_1170 = arith.index_cast %get3A_1167 : i32 to index
        %get3A_1171 = arith.index_cast %get3A_1168 : i32 to index
        %get3A_1172 = arith.index_cast %get3A_1169 : i32 to index
        %get3A_1173 = arith.constant 0 : index
        %get3A_1174 = tpu.vector_load %arg4[%get3A_1170, %get3A_1171, %get3A_1172, %get3A_1173] {strides = array<i32>} : memref<32x1x8x16xi32, #tpu.memory_space<vmem>>, vector<16xi32>,
        %ge3A_1175 = arith.cmpi sge, %get3A_1174, %xor3A_52 : vector<16xi32>
        %convert_element_type3A_1176 = arith.extui %ge3A_1175 : vector<16xi1> to vector<16xi32>
        %add3A_1177 = arith.addi %add3A_1089, %convert_element_type3A_1176 : vector<16xi32>
        %get3A_1178 = arith.constant 12 : i32
        %get3A_1179 = arith.constant 0 : i32
        %get3A_1180 = arith.constant 5 : i32
        %get3A_1181 = arith.index_cast %get3A_1178 : i32 to index
        %get3A_1182 = arith.index_cast %get3A_1179 : i32 to index
        %get3A_1183 = arith.index_cast %get3A_1180 : i32 to index
        %get3A_1184 = arith.constant 0 : index
        %get3A_1185 = tpu.vector_load %arg4[%get3A_1181, %get3A_1182, %get3A_1183, %get3A_1184] {strides = array<i32>} : memref<32x1x8x16xi32, #tpu.memory_space<vmem>>, vector<16xi32>,
        %ge3A_1186 = arith.cmpi sge, %get3A_1185, %xor3A_52 : vector<16xi32>
        %convert_element_type3A_1187 = arith.extui %ge3A_1186 : vector<16xi1> to vector<16xi32>
        %add3A_1188 = arith.addi %add3A_1100, %convert_element_type3A_1187 : vector<16xi32>
        %get3A_1189 = arith.constant 12 : i32
        %get3A_1190 = arith.constant 0 : i32
        %get3A_1191 = arith.constant 6 : i32
        %get3A_1192 = arith.index_cast %get3A_1189 : i32 to index
        %get3A_1193 = arith.index_cast %get3A_1190 : i32 to index
        %get3A_1194 = arith.index_cast %get3A_1191 : i32 to index
        %get3A_1195 = arith.constant 0 : index
        %get3A_1196 = tpu.vector_load %arg4[%get3A_1192, %get3A_1193, %get3A_1194, %get3A_1195] {strides = array<i32>} : memref<32x1x8x16xi32, #tpu.memory_space<vmem>>, vector<16xi32>,
        %ge3A_1197 = arith.cmpi sge, %get3A_1196, %xor3A_52 : vector<16xi32>
        %convert_element_type3A_1198 = arith.extui %ge3A_1197 : vector<16xi1> to vector<16xi32>
        %add3A_1199 = arith.addi %add3A_1111, %convert_element_type3A_1198 : vector<16xi32>
        %get3A_1200 = arith.constant 12 : i32
        %get3A_1201 = arith.constant 0 : i32
        %get3A_1202 = arith.constant 7 : i32
        %get3A_1203 = arith.index_cast %get3A_1200 : i32 to index
        %get3A_1204 = arith.index_cast %get3A_1201 : i32 to index
        %get3A_1205 = arith.index_cast %get3A_1202 : i32 to index
        %get3A_1206 = arith.constant 0 : index
        %get3A_1207 = tpu.vector_load %arg4[%get3A_1203, %get3A_1204, %get3A_1205, %get3A_1206] {strides = array<i32>} : memref<32x1x8x16xi32, #tpu.memory_space<vmem>>, vector<16xi32>,
        %ge3A_1208 = arith.cmpi sge, %get3A_1207, %xor3A_52 : vector<16xi32>
        %convert_element_type3A_1209 = arith.extui %ge3A_1208 : vector<16xi1> to vector<16xi32>
        %add3A_1210 = arith.addi %add3A_1122, %convert_element_type3A_1209 : vector<16xi32>
        %get3A_1211 = arith.constant 13 : i32
        %get3A_1212 = arith.constant 0 : i32
        %get3A_1213 = arith.constant 0 : i32
        %get3A_1214 = arith.index_cast %get3A_1211 : i32 to index
        %get3A_1215 = arith.index_cast %get3A_1212 : i32 to index
        %get3A_1216 = arith.index_cast %get3A_1213 : i32 to index
        %get3A_1217 = arith.constant 0 : index
        %get3A_1218 = tpu.vector_load %arg4[%get3A_1214, %get3A_1215, %get3A_1216, %get3A_1217] {strides = array<i32>} : memref<32x1x8x16xi32, #tpu.memory_space<vmem>>, vector<16xi32>,
        %ge3A_1219 = arith.cmpi sge, %get3A_1218, %xor3A_52 : vector<16xi32>
        %convert_element_type3A_1220 = arith.extui %ge3A_1219 : vector<16xi1> to vector<16xi32>
        %add3A_1221 = arith.addi %add3A_1133, %convert_element_type3A_1220 : vector<16xi32>
        %get3A_1222 = arith.constant 13 : i32
        %get3A_1223 = arith.constant 0 : i32
        %get3A_1224 = arith.constant 1 : i32
        %get3A_1225 = arith.index_cast %get3A_1222 : i32 to index
        %get3A_1226 = arith.index_cast %get3A_1223 : i32 to index
        %get3A_1227 = arith.index_cast %get3A_1224 : i32 to index
        %get3A_1228 = arith.constant 0 : index
        %get3A_1229 = tpu.vector_load %arg4[%get3A_1225, %get3A_1226, %get3A_1227, %get3A_1228] {strides = array<i32>} : memref<32x1x8x16xi32, #tpu.memory_space<vmem>>, vector<16xi32>,
        %ge3A_1230 = arith.cmpi sge, %get3A_1229, %xor3A_52 : vector<16xi32>
        %convert_element_type3A_1231 = arith.extui %ge3A_1230 : vector<16xi1> to vector<16xi32>
        %add3A_1232 = arith.addi %add3A_1144, %convert_element_type3A_1231 : vector<16xi32>
        %get3A_1233 = arith.constant 13 : i32
        %get3A_1234 = arith.constant 0 : i32
        %get3A_1235 = arith.constant 2 : i32
        %get3A_1236 = arith.index_cast %get3A_1233 : i32 to index
        %get3A_1237 = arith.index_cast %get3A_1234 : i32 to index
        %get3A_1238 = arith.index_cast %get3A_1235 : i32 to index
        %get3A_1239 = arith.constant 0 : index
        %get3A_1240 = tpu.vector_load %arg4[%get3A_1236, %get3A_1237, %get3A_1238, %get3A_1239] {strides = array<i32>} : memref<32x1x8x16xi32, #tpu.memory_space<vmem>>, vector<16xi32>,
        %ge3A_1241 = arith.cmpi sge, %get3A_1240, %xor3A_52 : vector<16xi32>
        %convert_element_type3A_1242 = arith.extui %ge3A_1241 : vector<16xi1> to vector<16xi32>
        %add3A_1243 = arith.addi %add3A_1155, %convert_element_type3A_1242 : vector<16xi32>
        %get3A_1244 = arith.constant 13 : i32
        %get3A_1245 = arith.constant 0 : i32
        %get3A_1246 = arith.constant 3 : i32
        %get3A_1247 = arith.index_cast %get3A_1244 : i32 to index
        %get3A_1248 = arith.index_cast %get3A_1245 : i32 to index
        %get3A_1249 = arith.index_cast %get3A_1246 : i32 to index
        %get3A_1250 = arith.constant 0 : index
        %get3A_1251 = tpu.vector_load %arg4[%get3A_1247, %get3A_1248, %get3A_1249, %get3A_1250] {strides = array<i32>} : memref<32x1x8x16xi32, #tpu.memory_space<vmem>>, vector<16xi32>,
        %ge3A_1252 = arith.cmpi sge, %get3A_1251, %xor3A_52 : vector<16xi32>
        %convert_element_type3A_1253 = arith.extui %ge3A_1252 : vector<16xi1> to vector<16xi32>
        %add3A_1254 = arith.addi %add3A_1166, %convert_element_type3A_1253 : vector<16xi32>
        %get3A_1255 = arith.constant 13 : i32
        %get3A_1256 = arith.constant 0 : i32
        %get3A_1257 = arith.constant 4 : i32
        %get3A_1258 = arith.index_cast %get3A_1255 : i32 to index
        %get3A_1259 = arith.index_cast %get3A_1256 : i32 to index
        %get3A_1260 = arith.index_cast %get3A_1257 : i32 to index
        %get3A_1261 = arith.constant 0 : index
        %get3A_1262 = tpu.vector_load %arg4[%get3A_1258, %get3A_1259, %get3A_1260, %get3A_1261] {strides = array<i32>} : memref<32x1x8x16xi32, #tpu.memory_space<vmem>>, vector<16xi32>,
        %ge3A_1263 = arith.cmpi sge, %get3A_1262, %xor3A_52 : vector<16xi32>
        %convert_element_type3A_1264 = arith.extui %ge3A_1263 : vector<16xi1> to vector<16xi32>
        %add3A_1265 = arith.addi %add3A_1177, %convert_element_type3A_1264 : vector<16xi32>
        %get3A_1266 = arith.constant 13 : i32
        %get3A_1267 = arith.constant 0 : i32
        %get3A_1268 = arith.constant 5 : i32
        %get3A_1269 = arith.index_cast %get3A_1266 : i32 to index
        %get3A_1270 = arith.index_cast %get3A_1267 : i32 to index
        %get3A_1271 = arith.index_cast %get3A_1268 : i32 to index
        %get3A_1272 = arith.constant 0 : index
        %get3A_1273 = tpu.vector_load %arg4[%get3A_1269, %get3A_1270, %get3A_1271, %get3A_1272] {strides = array<i32>} : memref<32x1x8x16xi32, #tpu.memory_space<vmem>>, vector<16xi32>,
        %ge3A_1274 = arith.cmpi sge, %get3A_1273, %xor3A_52 : vector<16xi32>
        %convert_element_type3A_1275 = arith.extui %ge3A_1274 : vector<16xi1> to vector<16xi32>
        %add3A_1276 = arith.addi %add3A_1188, %convert_element_type3A_1275 : vector<16xi32>
        %get3A_1277 = arith.constant 13 : i32
        %get3A_1278 = arith.constant 0 : i32
        %get3A_1279 = arith.constant 6 : i32
        %get3A_1280 = arith.index_cast %get3A_1277 : i32 to index
        %get3A_1281 = arith.index_cast %get3A_1278 : i32 to index
        %get3A_1282 = arith.index_cast %get3A_1279 : i32 to index
        %get3A_1283 = arith.constant 0 : index
        %get3A_1284 = tpu.vector_load %arg4[%get3A_1280, %get3A_1281, %get3A_1282, %get3A_1283] {strides = array<i32>} : memref<32x1x8x16xi32, #tpu.memory_space<vmem>>, vector<16xi32>,
        %ge3A_1285 = arith.cmpi sge, %get3A_1284, %xor3A_52 : vector<16xi32>
        %convert_element_type3A_1286 = arith.extui %ge3A_1285 : vector<16xi1> to vector<16xi32>
        %add3A_1287 = arith.addi %add3A_1199, %convert_element_type3A_1286 : vector<16xi32>
        %get3A_1288 = arith.constant 13 : i32
        %get3A_1289 = arith.constant 0 : i32
        %get3A_1290 = arith.constant 7 : i32
        %get3A_1291 = arith.index_cast %get3A_1288 : i32 to index
        %get3A_1292 = arith.index_cast %get3A_1289 : i32 to index
        %get3A_1293 = arith.index_cast %get3A_1290 : i32 to index
        %get3A_1294 = arith.constant 0 : index
        %get3A_1295 = tpu.vector_load %arg4[%get3A_1291, %get3A_1292, %get3A_1293, %get3A_1294] {strides = array<i32>} : memref<32x1x8x16xi32, #tpu.memory_space<vmem>>, vector<16xi32>,
        %ge3A_1296 = arith.cmpi sge, %get3A_1295, %xor3A_52 : vector<16xi32>
        %convert_element_type3A_1297 = arith.extui %ge3A_1296 : vector<16xi1> to vector<16xi32>
        %add3A_1298 = arith.addi %add3A_1210, %convert_element_type3A_1297 : vector<16xi32>
        %get3A_1299 = arith.constant 14 : i32
        %get3A_1300 = arith.constant 0 : i32
        %get3A_1301 = arith.constant 0 : i32
        %get3A_1302 = arith.index_cast %get3A_1299 : i32 to index
        %get3A_1303 = arith.index_cast %get3A_1300 : i32 to index
        %get3A_1304 = arith.index_cast %get3A_1301 : i32 to index
        %get3A_1305 = arith.constant 0 : index
        %get3A_1306 = tpu.vector_load %arg4[%get3A_1302, %get3A_1303, %get3A_1304, %get3A_1305] {strides = array<i32>} : memref<32x1x8x16xi32, #tpu.memory_space<vmem>>, vector<16xi32>,
        %ge3A_1307 = arith.cmpi sge, %get3A_1306, %xor3A_52 : vector<16xi32>
        %convert_element_type3A_1308 = arith.extui %ge3A_1307 : vector<16xi1> to vector<16xi32>
        %add3A_1309 = arith.addi %add3A_1221, %convert_element_type3A_1308 : vector<16xi32>
        %get3A_1310 = arith.constant 14 : i32
        %get3A_1311 = arith.constant 0 : i32
        %get3A_1312 = arith.constant 1 : i32
        %get3A_1313 = arith.index_cast %get3A_1310 : i32 to index
        %get3A_1314 = arith.index_cast %get3A_1311 : i32 to index
        %get3A_1315 = arith.index_cast %get3A_1312 : i32 to index
        %get3A_1316 = arith.constant 0 : index
        %get3A_1317 = tpu.vector_load %arg4[%get3A_1313, %get3A_1314, %get3A_1315, %get3A_1316] {strides = array<i32>} : memref<32x1x8x16xi32, #tpu.memory_space<vmem>>, vector<16xi32>,
        %ge3A_1318 = arith.cmpi sge, %get3A_1317, %xor3A_52 : vector<16xi32>
        %convert_element_type3A_1319 = arith.extui %ge3A_1318 : vector<16xi1> to vector<16xi32>
        %add3A_1320 = arith.addi %add3A_1232, %convert_element_type3A_1319 : vector<16xi32>
        %get3A_1321 = arith.constant 14 : i32
        %get3A_1322 = arith.constant 0 : i32
        %get3A_1323 = arith.constant 2 : i32
        %get3A_1324 = arith.index_cast %get3A_1321 : i32 to index
        %get3A_1325 = arith.index_cast %get3A_1322 : i32 to index
        %get3A_1326 = arith.index_cast %get3A_1323 : i32 to index
        %get3A_1327 = arith.constant 0 : index
        %get3A_1328 = tpu.vector_load %arg4[%get3A_1324, %get3A_1325, %get3A_1326, %get3A_1327] {strides = array<i32>} : memref<32x1x8x16xi32, #tpu.memory_space<vmem>>, vector<16xi32>,
        %ge3A_1329 = arith.cmpi sge, %get3A_1328, %xor3A_52 : vector<16xi32>
        %convert_element_type3A_1330 = arith.extui %ge3A_1329 : vector<16xi1> to vector<16xi32>
        %add3A_1331 = arith.addi %add3A_1243, %convert_element_type3A_1330 : vector<16xi32>
        %get3A_1332 = arith.constant 14 : i32
        %get3A_1333 = arith.constant 0 : i32
        %get3A_1334 = arith.constant 3 : i32
        %get3A_1335 = arith.index_cast %get3A_1332 : i32 to index
        %get3A_1336 = arith.index_cast %get3A_1333 : i32 to index
        %get3A_1337 = arith.index_cast %get3A_1334 : i32 to index
        %get3A_1338 = arith.constant 0 : index
        %get3A_1339 = tpu.vector_load %arg4[%get3A_1335, %get3A_1336, %get3A_1337, %get3A_1338] {strides = array<i32>} : memref<32x1x8x16xi32, #tpu.memory_space<vmem>>, vector<16xi32>,
        %ge3A_1340 = arith.cmpi sge, %get3A_1339, %xor3A_52 : vector<16xi32>
        %convert_element_type3A_1341 = arith.extui %ge3A_1340 : vector<16xi1> to vector<16xi32>
        %add3A_1342 = arith.addi %add3A_1254, %convert_element_type3A_1341 : vector<16xi32>
        %get3A_1343 = arith.constant 14 : i32
        %get3A_1344 = arith.constant 0 : i32
        %get3A_1345 = arith.constant 4 : i32
        %get3A_1346 = arith.index_cast %get3A_1343 : i32 to index
        %get3A_1347 = arith.index_cast %get3A_1344 : i32 to index
        %get3A_1348 = arith.index_cast %get3A_1345 : i32 to index
        %get3A_1349 = arith.constant 0 : index
        %get3A_1350 = tpu.vector_load %arg4[%get3A_1346, %get3A_1347, %get3A_1348, %get3A_1349] {strides = array<i32>} : memref<32x1x8x16xi32, #tpu.memory_space<vmem>>, vector<16xi32>,
        %ge3A_1351 = arith.cmpi sge, %get3A_1350, %xor3A_52 : vector<16xi32>
        %convert_element_type3A_1352 = arith.extui %ge3A_1351 : vector<16xi1> to vector<16xi32>
        %add3A_1353 = arith.addi %add3A_1265, %convert_element_type3A_1352 : vector<16xi32>
        %get3A_1354 = arith.constant 14 : i32
        %get3A_1355 = arith.constant 0 : i32
        %get3A_1356 = arith.constant 5 : i32
        %get3A_1357 = arith.index_cast %get3A_1354 : i32 to index
        %get3A_1358 = arith.index_cast %get3A_1355 : i32 to index
        %get3A_1359 = arith.index_cast %get3A_1356 : i32 to index
        %get3A_1360 = arith.constant 0 : index
        %get3A_1361 = tpu.vector_load %arg4[%get3A_1357, %get3A_1358, %get3A_1359, %get3A_1360] {strides = array<i32>} : memref<32x1x8x16xi32, #tpu.memory_space<vmem>>, vector<16xi32>,
        %ge3A_1362 = arith.cmpi sge, %get3A_1361, %xor3A_52 : vector<16xi32>
        %convert_element_type3A_1363 = arith.extui %ge3A_1362 : vector<16xi1> to vector<16xi32>
        %add3A_1364 = arith.addi %add3A_1276, %convert_element_type3A_1363 : vector<16xi32>
        %get3A_1365 = arith.constant 14 : i32
        %get3A_1366 = arith.constant 0 : i32
        %get3A_1367 = arith.constant 6 : i32
        %get3A_1368 = arith.index_cast %get3A_1365 : i32 to index
        %get3A_1369 = arith.index_cast %get3A_1366 : i32 to index
        %get3A_1370 = arith.index_cast %get3A_1367 : i32 to index
        %get3A_1371 = arith.constant 0 : index
        %get3A_1372 = tpu.vector_load %arg4[%get3A_1368, %get3A_1369, %get3A_1370, %get3A_1371] {strides = array<i32>} : memref<32x1x8x16xi32, #tpu.memory_space<vmem>>, vector<16xi32>,
        %ge3A_1373 = arith.cmpi sge, %get3A_1372, %xor3A_52 : vector<16xi32>
        %convert_element_type3A_1374 = arith.extui %ge3A_1373 : vector<16xi1> to vector<16xi32>
        %add3A_1375 = arith.addi %add3A_1287, %convert_element_type3A_1374 : vector<16xi32>
        %get3A_1376 = arith.constant 14 : i32
        %get3A_1377 = arith.constant 0 : i32
        %get3A_1378 = arith.constant 7 : i32
        %get3A_1379 = arith.index_cast %get3A_1376 : i32 to index
        %get3A_1380 = arith.index_cast %get3A_1377 : i32 to index
        %get3A_1381 = arith.index_cast %get3A_1378 : i32 to index
        %get3A_1382 = arith.constant 0 : index
        %get3A_1383 = tpu.vector_load %arg4[%get3A_1379, %get3A_1380, %get3A_1381, %get3A_1382] {strides = array<i32>} : memref<32x1x8x16xi32, #tpu.memory_space<vmem>>, vector<16xi32>,
        %ge3A_1384 = arith.cmpi sge, %get3A_1383, %xor3A_52 : vector<16xi32>
        %convert_element_type3A_1385 = arith.extui %ge3A_1384 : vector<16xi1> to vector<16xi32>
        %add3A_1386 = arith.addi %add3A_1298, %convert_element_type3A_1385 : vector<16xi32>
        %get3A_1387 = arith.constant 15 : i32
        %get3A_1388 = arith.constant 0 : i32
        %get3A_1389 = arith.constant 0 : i32
        %get3A_1390 = arith.index_cast %get3A_1387 : i32 to index
        %get3A_1391 = arith.index_cast %get3A_1388 : i32 to index
        %get3A_1392 = arith.index_cast %get3A_1389 : i32 to index
        %get3A_1393 = arith.constant 0 : index
        %get3A_1394 = tpu.vector_load %arg4[%get3A_1390, %get3A_1391, %get3A_1392, %get3A_1393] {strides = array<i32>} : memref<32x1x8x16xi32, #tpu.memory_space<vmem>>, vector<16xi32>,
        %ge3A_1395 = arith.cmpi sge, %get3A_1394, %xor3A_52 : vector<16xi32>
        %convert_element_type3A_1396 = arith.extui %ge3A_1395 : vector<16xi1> to vector<16xi32>
        %add3A_1397 = arith.addi %add3A_1309, %convert_element_type3A_1396 : vector<16xi32>
        %get3A_1398 = arith.constant 15 : i32
        %get3A_1399 = arith.constant 0 : i32
        %get3A_1400 = arith.constant 1 : i32
        %get3A_1401 = arith.index_cast %get3A_1398 : i32 to index
        %get3A_1402 = arith.index_cast %get3A_1399 : i32 to index
        %get3A_1403 = arith.index_cast %get3A_1400 : i32 to index
        %get3A_1404 = arith.constant 0 : index
        %get3A_1405 = tpu.vector_load %arg4[%get3A_1401, %get3A_1402, %get3A_1403, %get3A_1404] {strides = array<i32>} : memref<32x1x8x16xi32, #tpu.memory_space<vmem>>, vector<16xi32>,
        %ge3A_1406 = arith.cmpi sge, %get3A_1405, %xor3A_52 : vector<16xi32>
        %convert_element_type3A_1407 = arith.extui %ge3A_1406 : vector<16xi1> to vector<16xi32>
        %add3A_1408 = arith.addi %add3A_1320, %convert_element_type3A_1407 : vector<16xi32>
        %get3A_1409 = arith.constant 15 : i32
        %get3A_1410 = arith.constant 0 : i32
        %get3A_1411 = arith.constant 2 : i32
        %get3A_1412 = arith.index_cast %get3A_1409 : i32 to index
        %get3A_1413 = arith.index_cast %get3A_1410 : i32 to index
        %get3A_1414 = arith.index_cast %get3A_1411 : i32 to index
        %get3A_1415 = arith.constant 0 : index
        %get3A_1416 = tpu.vector_load %arg4[%get3A_1412, %get3A_1413, %get3A_1414, %get3A_1415] {strides = array<i32>} : memref<32x1x8x16xi32, #tpu.memory_space<vmem>>, vector<16xi32>,
        %ge3A_1417 = arith.cmpi sge, %get3A_1416, %xor3A_52 : vector<16xi32>
        %convert_element_type3A_1418 = arith.extui %ge3A_1417 : vector<16xi1> to vector<16xi32>
        %add3A_1419 = arith.addi %add3A_1331, %convert_element_type3A_1418 : vector<16xi32>
        %get3A_1420 = arith.constant 15 : i32
        %get3A_1421 = arith.constant 0 : i32
        %get3A_1422 = arith.constant 3 : i32
        %get3A_1423 = arith.index_cast %get3A_1420 : i32 to index
        %get3A_1424 = arith.index_cast %get3A_1421 : i32 to index
        %get3A_1425 = arith.index_cast %get3A_1422 : i32 to index
        %get3A_1426 = arith.constant 0 : index
        %get3A_1427 = tpu.vector_load %arg4[%get3A_1423, %get3A_1424, %get3A_1425, %get3A_1426] {strides = array<i32>} : memref<32x1x8x16xi32, #tpu.memory_space<vmem>>, vector<16xi32>,
        %ge3A_1428 = arith.cmpi sge, %get3A_1427, %xor3A_52 : vector<16xi32>
        %convert_element_type3A_1429 = arith.extui %ge3A_1428 : vector<16xi1> to vector<16xi32>
        %add3A_1430 = arith.addi %add3A_1342, %convert_element_type3A_1429 : vector<16xi32>
        %get3A_1431 = arith.constant 15 : i32
        %get3A_1432 = arith.constant 0 : i32
        %get3A_1433 = arith.constant 4 : i32
        %get3A_1434 = arith.index_cast %get3A_1431 : i32 to index
        %get3A_1435 = arith.index_cast %get3A_1432 : i32 to index
        %get3A_1436 = arith.index_cast %get3A_1433 : i32 to index
        %get3A_1437 = arith.constant 0 : index
        %get3A_1438 = tpu.vector_load %arg4[%get3A_1434, %get3A_1435, %get3A_1436, %get3A_1437] {strides = array<i32>} : memref<32x1x8x16xi32, #tpu.memory_space<vmem>>, vector<16xi32>,
        %ge3A_1439 = arith.cmpi sge, %get3A_1438, %xor3A_52 : vector<16xi32>
        %convert_element_type3A_1440 = arith.extui %ge3A_1439 : vector<16xi1> to vector<16xi32>
        %add3A_1441 = arith.addi %add3A_1353, %convert_element_type3A_1440 : vector<16xi32>
        %get3A_1442 = arith.constant 15 : i32
        %get3A_1443 = arith.constant 0 : i32
        %get3A_1444 = arith.constant 5 : i32
        %get3A_1445 = arith.index_cast %get3A_1442 : i32 to index
        %get3A_1446 = arith.index_cast %get3A_1443 : i32 to index
        %get3A_1447 = arith.index_cast %get3A_1444 : i32 to index
        %get3A_1448 = arith.constant 0 : index
        %get3A_1449 = tpu.vector_load %arg4[%get3A_1445, %get3A_1446, %get3A_1447, %get3A_1448] {strides = array<i32>} : memref<32x1x8x16xi32, #tpu.memory_space<vmem>>, vector<16xi32>,
        %ge3A_1450 = arith.cmpi sge, %get3A_1449, %xor3A_52 : vector<16xi32>
        %convert_element_type3A_1451 = arith.extui %ge3A_1450 : vector<16xi1> to vector<16xi32>
        %add3A_1452 = arith.addi %add3A_1364, %convert_element_type3A_1451 : vector<16xi32>
        %get3A_1453 = arith.constant 15 : i32
        %get3A_1454 = arith.constant 0 : i32
        %get3A_1455 = arith.constant 6 : i32
        %get3A_1456 = arith.index_cast %get3A_1453 : i32 to index
        %get3A_1457 = arith.index_cast %get3A_1454 : i32 to index
        %get3A_1458 = arith.index_cast %get3A_1455 : i32 to index
        %get3A_1459 = arith.constant 0 : index
        %get3A_1460 = tpu.vector_load %arg4[%get3A_1456, %get3A_1457, %get3A_1458, %get3A_1459] {strides = array<i32>} : memref<32x1x8x16xi32, #tpu.memory_space<vmem>>, vector<16xi32>,
        %ge3A_1461 = arith.cmpi sge, %get3A_1460, %xor3A_52 : vector<16xi32>
        %convert_element_type3A_1462 = arith.extui %ge3A_1461 : vector<16xi1> to vector<16xi32>
        %add3A_1463 = arith.addi %add3A_1375, %convert_element_type3A_1462 : vector<16xi32>
        %get3A_1464 = arith.constant 15 : i32
        %get3A_1465 = arith.constant 0 : i32
        %get3A_1466 = arith.constant 7 : i32
        %get3A_1467 = arith.index_cast %get3A_1464 : i32 to index
        %get3A_1468 = arith.index_cast %get3A_1465 : i32 to index
        %get3A_1469 = arith.index_cast %get3A_1466 : i32 to index
        %get3A_1470 = arith.constant 0 : index
        %get3A_1471 = tpu.vector_load %arg4[%get3A_1467, %get3A_1468, %get3A_1469, %get3A_1470] {strides = array<i32>} : memref<32x1x8x16xi32, #tpu.memory_space<vmem>>, vector<16xi32>,
        %ge3A_1472 = arith.cmpi sge, %get3A_1471, %xor3A_52 : vector<16xi32>
        %convert_element_type3A_1473 = arith.extui %ge3A_1472 : vector<16xi1> to vector<16xi32>
        %add3A_1474 = arith.addi %add3A_1386, %convert_element_type3A_1473 : vector<16xi32>
        %get3A_1475 = arith.constant 16 : i32
        %get3A_1476 = arith.constant 0 : i32
        %get3A_1477 = arith.constant 0 : i32
        %get3A_1478 = arith.index_cast %get3A_1475 : i32 to index
        %get3A_1479 = arith.index_cast %get3A_1476 : i32 to index
        %get3A_1480 = arith.index_cast %get3A_1477 : i32 to index
        %get3A_1481 = arith.constant 0 : index
        %get3A_1482 = tpu.vector_load %arg4[%get3A_1478, %get3A_1479, %get3A_1480, %get3A_1481] {strides = array<i32>} : memref<32x1x8x16xi32, #tpu.memory_space<vmem>>, vector<16xi32>,
        %ge3A_1483 = arith.cmpi sge, %get3A_1482, %xor3A_52 : vector<16xi32>
        %convert_element_type3A_1484 = arith.extui %ge3A_1483 : vector<16xi1> to vector<16xi32>
        %add3A_1485 = arith.addi %add3A_1397, %convert_element_type3A_1484 : vector<16xi32>
        %get3A_1486 = arith.constant 16 : i32
        %get3A_1487 = arith.constant 0 : i32
        %get3A_1488 = arith.constant 1 : i32
        %get3A_1489 = arith.index_cast %get3A_1486 : i32 to index
        %get3A_1490 = arith.index_cast %get3A_1487 : i32 to index
        %get3A_1491 = arith.index_cast %get3A_1488 : i32 to index
        %get3A_1492 = arith.constant 0 : index
        %get3A_1493 = tpu.vector_load %arg4[%get3A_1489, %get3A_1490, %get3A_1491, %get3A_1492] {strides = array<i32>} : memref<32x1x8x16xi32, #tpu.memory_space<vmem>>, vector<16xi32>,
        %ge3A_1494 = arith.cmpi sge, %get3A_1493, %xor3A_52 : vector<16xi32>
        %convert_element_type3A_1495 = arith.extui %ge3A_1494 : vector<16xi1> to vector<16xi32>
        %add3A_1496 = arith.addi %add3A_1408, %convert_element_type3A_1495 : vector<16xi32>
        %get3A_1497 = arith.constant 16 : i32
        %get3A_1498 = arith.constant 0 : i32
        %get3A_1499 = arith.constant 2 : i32
        %get3A_1500 = arith.index_cast %get3A_1497 : i32 to index
        %get3A_1501 = arith.index_cast %get3A_1498 : i32 to index
        %get3A_1502 = arith.index_cast %get3A_1499 : i32 to index
        %get3A_1503 = arith.constant 0 : index
        %get3A_1504 = tpu.vector_load %arg4[%get3A_1500, %get3A_1501, %get3A_1502, %get3A_1503] {strides = array<i32>} : memref<32x1x8x16xi32, #tpu.memory_space<vmem>>, vector<16xi32>,
        %ge3A_1505 = arith.cmpi sge, %get3A_1504, %xor3A_52 : vector<16xi32>
        %convert_element_type3A_1506 = arith.extui %ge3A_1505 : vector<16xi1> to vector<16xi32>
        %add3A_1507 = arith.addi %add3A_1419, %convert_element_type3A_1506 : vector<16xi32>
        %get3A_1508 = arith.constant 16 : i32
        %get3A_1509 = arith.constant 0 : i32
        %get3A_1510 = arith.constant 3 : i32
        %get3A_1511 = arith.index_cast %get3A_1508 : i32 to index
        %get3A_1512 = arith.index_cast %get3A_1509 : i32 to index
        %get3A_1513 = arith.index_cast %get3A_1510 : i32 to index
        %get3A_1514 = arith.constant 0 : index
        %get3A_1515 = tpu.vector_load %arg4[%get3A_1511, %get3A_1512, %get3A_1513, %get3A_1514] {strides = array<i32>} : memref<32x1x8x16xi32, #tpu.memory_space<vmem>>, vector<16xi32>,
        %ge3A_1516 = arith.cmpi sge, %get3A_1515, %xor3A_52 : vector<16xi32>
        %convert_element_type3A_1517 = arith.extui %ge3A_1516 : vector<16xi1> to vector<16xi32>
        %add3A_1518 = arith.addi %add3A_1430, %convert_element_type3A_1517 : vector<16xi32>
        %get3A_1519 = arith.constant 16 : i32
        %get3A_1520 = arith.constant 0 : i32
        %get3A_1521 = arith.constant 4 : i32
        %get3A_1522 = arith.index_cast %get3A_1519 : i32 to index
        %get3A_1523 = arith.index_cast %get3A_1520 : i32 to index
        %get3A_1524 = arith.index_cast %get3A_1521 : i32 to index
        %get3A_1525 = arith.constant 0 : index
        %get3A_1526 = tpu.vector_load %arg4[%get3A_1522, %get3A_1523, %get3A_1524, %get3A_1525] {strides = array<i32>} : memref<32x1x8x16xi32, #tpu.memory_space<vmem>>, vector<16xi32>,
        %ge3A_1527 = arith.cmpi sge, %get3A_1526, %xor3A_52 : vector<16xi32>
        %convert_element_type3A_1528 = arith.extui %ge3A_1527 : vector<16xi1> to vector<16xi32>
        %add3A_1529 = arith.addi %add3A_1441, %convert_element_type3A_1528 : vector<16xi32>
        %get3A_1530 = arith.constant 16 : i32
        %get3A_1531 = arith.constant 0 : i32
        %get3A_1532 = arith.constant 5 : i32
        %get3A_1533 = arith.index_cast %get3A_1530 : i32 to index
        %get3A_1534 = arith.index_cast %get3A_1531 : i32 to index
        %get3A_1535 = arith.index_cast %get3A_1532 : i32 to index
        %get3A_1536 = arith.constant 0 : index
        %get3A_1537 = tpu.vector_load %arg4[%get3A_1533, %get3A_1534, %get3A_1535, %get3A_1536] {strides = array<i32>} : memref<32x1x8x16xi32, #tpu.memory_space<vmem>>, vector<16xi32>,
        %ge3A_1538 = arith.cmpi sge, %get3A_1537, %xor3A_52 : vector<16xi32>
        %convert_element_type3A_1539 = arith.extui %ge3A_1538 : vector<16xi1> to vector<16xi32>
        %add3A_1540 = arith.addi %add3A_1452, %convert_element_type3A_1539 : vector<16xi32>
        %get3A_1541 = arith.constant 16 : i32
        %get3A_1542 = arith.constant 0 : i32
        %get3A_1543 = arith.constant 6 : i32
        %get3A_1544 = arith.index_cast %get3A_1541 : i32 to index
        %get3A_1545 = arith.index_cast %get3A_1542 : i32 to index
        %get3A_1546 = arith.index_cast %get3A_1543 : i32 to index
        %get3A_1547 = arith.constant 0 : index
        %get3A_1548 = tpu.vector_load %arg4[%get3A_1544, %get3A_1545, %get3A_1546, %get3A_1547] {strides = array<i32>} : memref<32x1x8x16xi32, #tpu.memory_space<vmem>>, vector<16xi32>,
        %ge3A_1549 = arith.cmpi sge, %get3A_1548, %xor3A_52 : vector<16xi32>
        %convert_element_type3A_1550 = arith.extui %ge3A_1549 : vector<16xi1> to vector<16xi32>
        %add3A_1551 = arith.addi %add3A_1463, %convert_element_type3A_1550 : vector<16xi32>
        %get3A_1552 = arith.constant 16 : i32
        %get3A_1553 = arith.constant 0 : i32
        %get3A_1554 = arith.constant 7 : i32
        %get3A_1555 = arith.index_cast %get3A_1552 : i32 to index
        %get3A_1556 = arith.index_cast %get3A_1553 : i32 to index
        %get3A_1557 = arith.index_cast %get3A_1554 : i32 to index
        %get3A_1558 = arith.constant 0 : index
        %get3A_1559 = tpu.vector_load %arg4[%get3A_1555, %get3A_1556, %get3A_1557, %get3A_1558] {strides = array<i32>} : memref<32x1x8x16xi32, #tpu.memory_space<vmem>>, vector<16xi32>,
        %ge3A_1560 = arith.cmpi sge, %get3A_1559, %xor3A_52 : vector<16xi32>
        %convert_element_type3A_1561 = arith.extui %ge3A_1560 : vector<16xi1> to vector<16xi32>
        %add3A_1562 = arith.addi %add3A_1474, %convert_element_type3A_1561 : vector<16xi32>
        %get3A_1563 = arith.constant 17 : i32
        %get3A_1564 = arith.constant 0 : i32
        %get3A_1565 = arith.constant 0 : i32
        %get3A_1566 = arith.index_cast %get3A_1563 : i32 to index
        %get3A_1567 = arith.index_cast %get3A_1564 : i32 to index
        %get3A_1568 = arith.index_cast %get3A_1565 : i32 to index
        %get3A_1569 = arith.constant 0 : index
        %get3A_1570 = tpu.vector_load %arg4[%get3A_1566, %get3A_1567, %get3A_1568, %get3A_1569] {strides = array<i32>} : memref<32x1x8x16xi32, #tpu.memory_space<vmem>>, vector<16xi32>,
        %ge3A_1571 = arith.cmpi sge, %get3A_1570, %xor3A_52 : vector<16xi32>
        %convert_element_type3A_1572 = arith.extui %ge3A_1571 : vector<16xi1> to vector<16xi32>
        %add3A_1573 = arith.addi %add3A_1485, %convert_element_type3A_1572 : vector<16xi32>
        %get3A_1574 = arith.constant 17 : i32
        %get3A_1575 = arith.constant 0 : i32
        %get3A_1576 = arith.constant 1 : i32
        %get3A_1577 = arith.index_cast %get3A_1574 : i32 to index
        %get3A_1578 = arith.index_cast %get3A_1575 : i32 to index
        %get3A_1579 = arith.index_cast %get3A_1576 : i32 to index
        %get3A_1580 = arith.constant 0 : index
        %get3A_1581 = tpu.vector_load %arg4[%get3A_1577, %get3A_1578, %get3A_1579, %get3A_1580] {strides = array<i32>} : memref<32x1x8x16xi32, #tpu.memory_space<vmem>>, vector<16xi32>,
        %ge3A_1582 = arith.cmpi sge, %get3A_1581, %xor3A_52 : vector<16xi32>
        %convert_element_type3A_1583 = arith.extui %ge3A_1582 : vector<16xi1> to vector<16xi32>
        %add3A_1584 = arith.addi %add3A_1496, %convert_element_type3A_1583 : vector<16xi32>
        %get3A_1585 = arith.constant 17 : i32
        %get3A_1586 = arith.constant 0 : i32
        %get3A_1587 = arith.constant 2 : i32
        %get3A_1588 = arith.index_cast %get3A_1585 : i32 to index
        %get3A_1589 = arith.index_cast %get3A_1586 : i32 to index
        %get3A_1590 = arith.index_cast %get3A_1587 : i32 to index
        %get3A_1591 = arith.constant 0 : index
        %get3A_1592 = tpu.vector_load %arg4[%get3A_1588, %get3A_1589, %get3A_1590, %get3A_1591] {strides = array<i32>} : memref<32x1x8x16xi32, #tpu.memory_space<vmem>>, vector<16xi32>,
        %ge3A_1593 = arith.cmpi sge, %get3A_1592, %xor3A_52 : vector<16xi32>
        %convert_element_type3A_1594 = arith.extui %ge3A_1593 : vector<16xi1> to vector<16xi32>
        %add3A_1595 = arith.addi %add3A_1507, %convert_element_type3A_1594 : vector<16xi32>
        %get3A_1596 = arith.constant 17 : i32
        %get3A_1597 = arith.constant 0 : i32
        %get3A_1598 = arith.constant 3 : i32
        %get3A_1599 = arith.index_cast %get3A_1596 : i32 to index
        %get3A_1600 = arith.index_cast %get3A_1597 : i32 to index
        %get3A_1601 = arith.index_cast %get3A_1598 : i32 to index
        %get3A_1602 = arith.constant 0 : index
        %get3A_1603 = tpu.vector_load %arg4[%get3A_1599, %get3A_1600, %get3A_1601, %get3A_1602] {strides = array<i32>} : memref<32x1x8x16xi32, #tpu.memory_space<vmem>>, vector<16xi32>,
        %ge3A_1604 = arith.cmpi sge, %get3A_1603, %xor3A_52 : vector<16xi32>
        %convert_element_type3A_1605 = arith.extui %ge3A_1604 : vector<16xi1> to vector<16xi32>
        %add3A_1606 = arith.addi %add3A_1518, %convert_element_type3A_1605 : vector<16xi32>
        %get3A_1607 = arith.constant 17 : i32
        %get3A_1608 = arith.constant 0 : i32
        %get3A_1609 = arith.constant 4 : i32
        %get3A_1610 = arith.index_cast %get3A_1607 : i32 to index
        %get3A_1611 = arith.index_cast %get3A_1608 : i32 to index
        %get3A_1612 = arith.index_cast %get3A_1609 : i32 to index
        %get3A_1613 = arith.constant 0 : index
        %get3A_1614 = tpu.vector_load %arg4[%get3A_1610, %get3A_1611, %get3A_1612, %get3A_1613] {strides = array<i32>} : memref<32x1x8x16xi32, #tpu.memory_space<vmem>>, vector<16xi32>,
        %ge3A_1615 = arith.cmpi sge, %get3A_1614, %xor3A_52 : vector<16xi32>
        %convert_element_type3A_1616 = arith.extui %ge3A_1615 : vector<16xi1> to vector<16xi32>
        %add3A_1617 = arith.addi %add3A_1529, %convert_element_type3A_1616 : vector<16xi32>
        %get3A_1618 = arith.constant 17 : i32
        %get3A_1619 = arith.constant 0 : i32
        %get3A_1620 = arith.constant 5 : i32
        %get3A_1621 = arith.index_cast %get3A_1618 : i32 to index
        %get3A_1622 = arith.index_cast %get3A_1619 : i32 to index
        %get3A_1623 = arith.index_cast %get3A_1620 : i32 to index
        %get3A_1624 = arith.constant 0 : index
        %get3A_1625 = tpu.vector_load %arg4[%get3A_1621, %get3A_1622, %get3A_1623, %get3A_1624] {strides = array<i32>} : memref<32x1x8x16xi32, #tpu.memory_space<vmem>>, vector<16xi32>,
        %ge3A_1626 = arith.cmpi sge, %get3A_1625, %xor3A_52 : vector<16xi32>
        %convert_element_type3A_1627 = arith.extui %ge3A_1626 : vector<16xi1> to vector<16xi32>
        %add3A_1628 = arith.addi %add3A_1540, %convert_element_type3A_1627 : vector<16xi32>
        %get3A_1629 = arith.constant 17 : i32
        %get3A_1630 = arith.constant 0 : i32
        %get3A_1631 = arith.constant 6 : i32
        %get3A_1632 = arith.index_cast %get3A_1629 : i32 to index
        %get3A_1633 = arith.index_cast %get3A_1630 : i32 to index
        %get3A_1634 = arith.index_cast %get3A_1631 : i32 to index
        %get3A_1635 = arith.constant 0 : index
        %get3A_1636 = tpu.vector_load %arg4[%get3A_1632, %get3A_1633, %get3A_1634, %get3A_1635] {strides = array<i32>} : memref<32x1x8x16xi32, #tpu.memory_space<vmem>>, vector<16xi32>,
        %ge3A_1637 = arith.cmpi sge, %get3A_1636, %xor3A_52 : vector<16xi32>
        %convert_element_type3A_1638 = arith.extui %ge3A_1637 : vector<16xi1> to vector<16xi32>
        %add3A_1639 = arith.addi %add3A_1551, %convert_element_type3A_1638 : vector<16xi32>
        %get3A_1640 = arith.constant 17 : i32
        %get3A_1641 = arith.constant 0 : i32
        %get3A_1642 = arith.constant 7 : i32
        %get3A_1643 = arith.index_cast %get3A_1640 : i32 to index
        %get3A_1644 = arith.index_cast %get3A_1641 : i32 to index
        %get3A_1645 = arith.index_cast %get3A_1642 : i32 to index
        %get3A_1646 = arith.constant 0 : index
        %get3A_1647 = tpu.vector_load %arg4[%get3A_1643, %get3A_1644, %get3A_1645, %get3A_1646] {strides = array<i32>} : memref<32x1x8x16xi32, #tpu.memory_space<vmem>>, vector<16xi32>,
        %ge3A_1648 = arith.cmpi sge, %get3A_1647, %xor3A_52 : vector<16xi32>
        %convert_element_type3A_1649 = arith.extui %ge3A_1648 : vector<16xi1> to vector<16xi32>
        %add3A_1650 = arith.addi %add3A_1562, %convert_element_type3A_1649 : vector<16xi32>
        %get3A_1651 = arith.constant 18 : i32
        %get3A_1652 = arith.constant 0 : i32
        %get3A_1653 = arith.constant 0 : i32
        %get3A_1654 = arith.index_cast %get3A_1651 : i32 to index
        %get3A_1655 = arith.index_cast %get3A_1652 : i32 to index
        %get3A_1656 = arith.index_cast %get3A_1653 : i32 to index
        %get3A_1657 = arith.constant 0 : index
        %get3A_1658 = tpu.vector_load %arg4[%get3A_1654, %get3A_1655, %get3A_1656, %get3A_1657] {strides = array<i32>} : memref<32x1x8x16xi32, #tpu.memory_space<vmem>>, vector<16xi32>,
        %ge3A_1659 = arith.cmpi sge, %get3A_1658, %xor3A_52 : vector<16xi32>
        %convert_element_type3A_1660 = arith.extui %ge3A_1659 : vector<16xi1> to vector<16xi32>
        %add3A_1661 = arith.addi %add3A_1573, %convert_element_type3A_1660 : vector<16xi32>
        %get3A_1662 = arith.constant 18 : i32
        %get3A_1663 = arith.constant 0 : i32
        %get3A_1664 = arith.constant 1 : i32
        %get3A_1665 = arith.index_cast %get3A_1662 : i32 to index
        %get3A_1666 = arith.index_cast %get3A_1663 : i32 to index
        %get3A_1667 = arith.index_cast %get3A_1664 : i32 to index
        %get3A_1668 = arith.constant 0 : index
        %get3A_1669 = tpu.vector_load %arg4[%get3A_1665, %get3A_1666, %get3A_1667, %get3A_1668] {strides = array<i32>} : memref<32x1x8x16xi32, #tpu.memory_space<vmem>>, vector<16xi32>,
        %ge3A_1670 = arith.cmpi sge, %get3A_1669, %xor3A_52 : vector<16xi32>
        %convert_element_type3A_1671 = arith.extui %ge3A_1670 : vector<16xi1> to vector<16xi32>
        %add3A_1672 = arith.addi %add3A_1584, %convert_element_type3A_1671 : vector<16xi32>
        %get3A_1673 = arith.constant 18 : i32
        %get3A_1674 = arith.constant 0 : i32
        %get3A_1675 = arith.constant 2 : i32
        %get3A_1676 = arith.index_cast %get3A_1673 : i32 to index
        %get3A_1677 = arith.index_cast %get3A_1674 : i32 to index
        %get3A_1678 = arith.index_cast %get3A_1675 : i32 to index
        %get3A_1679 = arith.constant 0 : index
        %get3A_1680 = tpu.vector_load %arg4[%get3A_1676, %get3A_1677, %get3A_1678, %get3A_1679] {strides = array<i32>} : memref<32x1x8x16xi32, #tpu.memory_space<vmem>>, vector<16xi32>,
        %ge3A_1681 = arith.cmpi sge, %get3A_1680, %xor3A_52 : vector<16xi32>
        %convert_element_type3A_1682 = arith.extui %ge3A_1681 : vector<16xi1> to vector<16xi32>
        %add3A_1683 = arith.addi %add3A_1595, %convert_element_type3A_1682 : vector<16xi32>
        %get3A_1684 = arith.constant 18 : i32
        %get3A_1685 = arith.constant 0 : i32
        %get3A_1686 = arith.constant 3 : i32
        %get3A_1687 = arith.index_cast %get3A_1684 : i32 to index
        %get3A_1688 = arith.index_cast %get3A_1685 : i32 to index
        %get3A_1689 = arith.index_cast %get3A_1686 : i32 to index
        %get3A_1690 = arith.constant 0 : index
        %get3A_1691 = tpu.vector_load %arg4[%get3A_1687, %get3A_1688, %get3A_1689, %get3A_1690] {strides = array<i32>} : memref<32x1x8x16xi32, #tpu.memory_space<vmem>>, vector<16xi32>,
        %ge3A_1692 = arith.cmpi sge, %get3A_1691, %xor3A_52 : vector<16xi32>
        %convert_element_type3A_1693 = arith.extui %ge3A_1692 : vector<16xi1> to vector<16xi32>
        %add3A_1694 = arith.addi %add3A_1606, %convert_element_type3A_1693 : vector<16xi32>
        %get3A_1695 = arith.constant 18 : i32
        %get3A_1696 = arith.constant 0 : i32
        %get3A_1697 = arith.constant 4 : i32
        %get3A_1698 = arith.index_cast %get3A_1695 : i32 to index
        %get3A_1699 = arith.index_cast %get3A_1696 : i32 to index
        %get3A_1700 = arith.index_cast %get3A_1697 : i32 to index
        %get3A_1701 = arith.constant 0 : index
        %get3A_1702 = tpu.vector_load %arg4[%get3A_1698, %get3A_1699, %get3A_1700, %get3A_1701] {strides = array<i32>} : memref<32x1x8x16xi32, #tpu.memory_space<vmem>>, vector<16xi32>,
        %ge3A_1703 = arith.cmpi sge, %get3A_1702, %xor3A_52 : vector<16xi32>
        %convert_element_type3A_1704 = arith.extui %ge3A_1703 : vector<16xi1> to vector<16xi32>
        %add3A_1705 = arith.addi %add3A_1617, %convert_element_type3A_1704 : vector<16xi32>
        %get3A_1706 = arith.constant 18 : i32
        %get3A_1707 = arith.constant 0 : i32
        %get3A_1708 = arith.constant 5 : i32
        %get3A_1709 = arith.index_cast %get3A_1706 : i32 to index
        %get3A_1710 = arith.index_cast %get3A_1707 : i32 to index
        %get3A_1711 = arith.index_cast %get3A_1708 : i32 to index
        %get3A_1712 = arith.constant 0 : index
        %get3A_1713 = tpu.vector_load %arg4[%get3A_1709, %get3A_1710, %get3A_1711, %get3A_1712] {strides = array<i32>} : memref<32x1x8x16xi32, #tpu.memory_space<vmem>>, vector<16xi32>,
        %ge3A_1714 = arith.cmpi sge, %get3A_1713, %xor3A_52 : vector<16xi32>
        %convert_element_type3A_1715 = arith.extui %ge3A_1714 : vector<16xi1> to vector<16xi32>
        %add3A_1716 = arith.addi %add3A_1628, %convert_element_type3A_1715 : vector<16xi32>
        %get3A_1717 = arith.constant 18 : i32
        %get3A_1718 = arith.constant 0 : i32
        %get3A_1719 = arith.constant 6 : i32
        %get3A_1720 = arith.index_cast %get3A_1717 : i32 to index
        %get3A_1721 = arith.index_cast %get3A_1718 : i32 to index
        %get3A_1722 = arith.index_cast %get3A_1719 : i32 to index
        %get3A_1723 = arith.constant 0 : index
        %get3A_1724 = tpu.vector_load %arg4[%get3A_1720, %get3A_1721, %get3A_1722, %get3A_1723] {strides = array<i32>} : memref<32x1x8x16xi32, #tpu.memory_space<vmem>>, vector<16xi32>,
        %ge3A_1725 = arith.cmpi sge, %get3A_1724, %xor3A_52 : vector<16xi32>
        %convert_element_type3A_1726 = arith.extui %ge3A_1725 : vector<16xi1> to vector<16xi32>
        %add3A_1727 = arith.addi %add3A_1639, %convert_element_type3A_1726 : vector<16xi32>
        %get3A_1728 = arith.constant 18 : i32
        %get3A_1729 = arith.constant 0 : i32
        %get3A_1730 = arith.constant 7 : i32
        %get3A_1731 = arith.index_cast %get3A_1728 : i32 to index
        %get3A_1732 = arith.index_cast %get3A_1729 : i32 to index
        %get3A_1733 = arith.index_cast %get3A_1730 : i32 to index
        %get3A_1734 = arith.constant 0 : index
        %get3A_1735 = tpu.vector_load %arg4[%get3A_1731, %get3A_1732, %get3A_1733, %get3A_1734] {strides = array<i32>} : memref<32x1x8x16xi32, #tpu.memory_space<vmem>>, vector<16xi32>,
        %ge3A_1736 = arith.cmpi sge, %get3A_1735, %xor3A_52 : vector<16xi32>
        %convert_element_type3A_1737 = arith.extui %ge3A_1736 : vector<16xi1> to vector<16xi32>
        %add3A_1738 = arith.addi %add3A_1650, %convert_element_type3A_1737 : vector<16xi32>
        %get3A_1739 = arith.constant 19 : i32
        %get3A_1740 = arith.constant 0 : i32
        %get3A_1741 = arith.constant 0 : i32
        %get3A_1742 = arith.index_cast %get3A_1739 : i32 to index
        %get3A_1743 = arith.index_cast %get3A_1740 : i32 to index
        %get3A_1744 = arith.index_cast %get3A_1741 : i32 to index
        %get3A_1745 = arith.constant 0 : index
        %get3A_1746 = tpu.vector_load %arg4[%get3A_1742, %get3A_1743, %get3A_1744, %get3A_1745] {strides = array<i32>} : memref<32x1x8x16xi32, #tpu.memory_space<vmem>>, vector<16xi32>,
        %ge3A_1747 = arith.cmpi sge, %get3A_1746, %xor3A_52 : vector<16xi32>
        %convert_element_type3A_1748 = arith.extui %ge3A_1747 : vector<16xi1> to vector<16xi32>
        %add3A_1749 = arith.addi %add3A_1661, %convert_element_type3A_1748 : vector<16xi32>
        %get3A_1750 = arith.constant 19 : i32
        %get3A_1751 = arith.constant 0 : i32
        %get3A_1752 = arith.constant 1 : i32
        %get3A_1753 = arith.index_cast %get3A_1750 : i32 to index
        %get3A_1754 = arith.index_cast %get3A_1751 : i32 to index
        %get3A_1755 = arith.index_cast %get3A_1752 : i32 to index
        %get3A_1756 = arith.constant 0 : index
        %get3A_1757 = tpu.vector_load %arg4[%get3A_1753, %get3A_1754, %get3A_1755, %get3A_1756] {strides = array<i32>} : memref<32x1x8x16xi32, #tpu.memory_space<vmem>>, vector<16xi32>,
        %ge3A_1758 = arith.cmpi sge, %get3A_1757, %xor3A_52 : vector<16xi32>
        %convert_element_type3A_1759 = arith.extui %ge3A_1758 : vector<16xi1> to vector<16xi32>
        %add3A_1760 = arith.addi %add3A_1672, %convert_element_type3A_1759 : vector<16xi32>
        %get3A_1761 = arith.constant 19 : i32
        %get3A_1762 = arith.constant 0 : i32
        %get3A_1763 = arith.constant 2 : i32
        %get3A_1764 = arith.index_cast %get3A_1761 : i32 to index
        %get3A_1765 = arith.index_cast %get3A_1762 : i32 to index
        %get3A_1766 = arith.index_cast %get3A_1763 : i32 to index
        %get3A_1767 = arith.constant 0 : index
        %get3A_1768 = tpu.vector_load %arg4[%get3A_1764, %get3A_1765, %get3A_1766, %get3A_1767] {strides = array<i32>} : memref<32x1x8x16xi32, #tpu.memory_space<vmem>>, vector<16xi32>,
        %ge3A_1769 = arith.cmpi sge, %get3A_1768, %xor3A_52 : vector<16xi32>
        %convert_element_type3A_1770 = arith.extui %ge3A_1769 : vector<16xi1> to vector<16xi32>
        %add3A_1771 = arith.addi %add3A_1683, %convert_element_type3A_1770 : vector<16xi32>
        %get3A_1772 = arith.constant 19 : i32
        %get3A_1773 = arith.constant 0 : i32
        %get3A_1774 = arith.constant 3 : i32
        %get3A_1775 = arith.index_cast %get3A_1772 : i32 to index
        %get3A_1776 = arith.index_cast %get3A_1773 : i32 to index
        %get3A_1777 = arith.index_cast %get3A_1774 : i32 to index
        %get3A_1778 = arith.constant 0 : index
        %get3A_1779 = tpu.vector_load %arg4[%get3A_1775, %get3A_1776, %get3A_1777, %get3A_1778] {strides = array<i32>} : memref<32x1x8x16xi32, #tpu.memory_space<vmem>>, vector<16xi32>,
        %ge3A_1780 = arith.cmpi sge, %get3A_1779, %xor3A_52 : vector<16xi32>
        %convert_element_type3A_1781 = arith.extui %ge3A_1780 : vector<16xi1> to vector<16xi32>
        %add3A_1782 = arith.addi %add3A_1694, %convert_element_type3A_1781 : vector<16xi32>
        %get3A_1783 = arith.constant 19 : i32
        %get3A_1784 = arith.constant 0 : i32
        %get3A_1785 = arith.constant 4 : i32
        %get3A_1786 = arith.index_cast %get3A_1783 : i32 to index
        %get3A_1787 = arith.index_cast %get3A_1784 : i32 to index
        %get3A_1788 = arith.index_cast %get3A_1785 : i32 to index
        %get3A_1789 = arith.constant 0 : index
        %get3A_1790 = tpu.vector_load %arg4[%get3A_1786, %get3A_1787, %get3A_1788, %get3A_1789] {strides = array<i32>} : memref<32x1x8x16xi32, #tpu.memory_space<vmem>>, vector<16xi32>,
        %ge3A_1791 = arith.cmpi sge, %get3A_1790, %xor3A_52 : vector<16xi32>
        %convert_element_type3A_1792 = arith.extui %ge3A_1791 : vector<16xi1> to vector<16xi32>
        %add3A_1793 = arith.addi %add3A_1705, %convert_element_type3A_1792 : vector<16xi32>
        %get3A_1794 = arith.constant 19 : i32
        %get3A_1795 = arith.constant 0 : i32
        %get3A_1796 = arith.constant 5 : i32
        %get3A_1797 = arith.index_cast %get3A_1794 : i32 to index
        %get3A_1798 = arith.index_cast %get3A_1795 : i32 to index
        %get3A_1799 = arith.index_cast %get3A_1796 : i32 to index
        %get3A_1800 = arith.constant 0 : index
        %get3A_1801 = tpu.vector_load %arg4[%get3A_1797, %get3A_1798, %get3A_1799, %get3A_1800] {strides = array<i32>} : memref<32x1x8x16xi32, #tpu.memory_space<vmem>>, vector<16xi32>,
        %ge3A_1802 = arith.cmpi sge, %get3A_1801, %xor3A_52 : vector<16xi32>
        %convert_element_type3A_1803 = arith.extui %ge3A_1802 : vector<16xi1> to vector<16xi32>
        %add3A_1804 = arith.addi %add3A_1716, %convert_element_type3A_1803 : vector<16xi32>
        %get3A_1805 = arith.constant 19 : i32
        %get3A_1806 = arith.constant 0 : i32
        %get3A_1807 = arith.constant 6 : i32
        %get3A_1808 = arith.index_cast %get3A_1805 : i32 to index
        %get3A_1809 = arith.index_cast %get3A_1806 : i32 to index
        %get3A_1810 = arith.index_cast %get3A_1807 : i32 to index
        %get3A_1811 = arith.constant 0 : index
        %get3A_1812 = tpu.vector_load %arg4[%get3A_1808, %get3A_1809, %get3A_1810, %get3A_1811] {strides = array<i32>} : memref<32x1x8x16xi32, #tpu.memory_space<vmem>>, vector<16xi32>,
        %ge3A_1813 = arith.cmpi sge, %get3A_1812, %xor3A_52 : vector<16xi32>
        %convert_element_type3A_1814 = arith.extui %ge3A_1813 : vector<16xi1> to vector<16xi32>
        %add3A_1815 = arith.addi %add3A_1727, %convert_element_type3A_1814 : vector<16xi32>
        %get3A_1816 = arith.constant 19 : i32
        %get3A_1817 = arith.constant 0 : i32
        %get3A_1818 = arith.constant 7 : i32
        %get3A_1819 = arith.index_cast %get3A_1816 : i32 to index
        %get3A_1820 = arith.index_cast %get3A_1817 : i32 to index
        %get3A_1821 = arith.index_cast %get3A_1818 : i32 to index
        %get3A_1822 = arith.constant 0 : index
        %get3A_1823 = tpu.vector_load %arg4[%get3A_1819, %get3A_1820, %get3A_1821, %get3A_1822] {strides = array<i32>} : memref<32x1x8x16xi32, #tpu.memory_space<vmem>>, vector<16xi32>,
        %ge3A_1824 = arith.cmpi sge, %get3A_1823, %xor3A_52 : vector<16xi32>
        %convert_element_type3A_1825 = arith.extui %ge3A_1824 : vector<16xi1> to vector<16xi32>
        %add3A_1826 = arith.addi %add3A_1738, %convert_element_type3A_1825 : vector<16xi32>
        %get3A_1827 = arith.constant 20 : i32
        %get3A_1828 = arith.constant 0 : i32
        %get3A_1829 = arith.constant 0 : i32
        %get3A_1830 = arith.index_cast %get3A_1827 : i32 to index
        %get3A_1831 = arith.index_cast %get3A_1828 : i32 to index
        %get3A_1832 = arith.index_cast %get3A_1829 : i32 to index
        %get3A_1833 = arith.constant 0 : index
        %get3A_1834 = tpu.vector_load %arg4[%get3A_1830, %get3A_1831, %get3A_1832, %get3A_1833] {strides = array<i32>} : memref<32x1x8x16xi32, #tpu.memory_space<vmem>>, vector<16xi32>,
        %ge3A_1835 = arith.cmpi sge, %get3A_1834, %xor3A_52 : vector<16xi32>
        %convert_element_type3A_1836 = arith.extui %ge3A_1835 : vector<16xi1> to vector<16xi32>
        %add3A_1837 = arith.addi %add3A_1749, %convert_element_type3A_1836 : vector<16xi32>
        %get3A_1838 = arith.constant 20 : i32
        %get3A_1839 = arith.constant 0 : i32
        %get3A_1840 = arith.constant 1 : i32
        %get3A_1841 = arith.index_cast %get3A_1838 : i32 to index
        %get3A_1842 = arith.index_cast %get3A_1839 : i32 to index
        %get3A_1843 = arith.index_cast %get3A_1840 : i32 to index
        %get3A_1844 = arith.constant 0 : index
        %get3A_1845 = tpu.vector_load %arg4[%get3A_1841, %get3A_1842, %get3A_1843, %get3A_1844] {strides = array<i32>} : memref<32x1x8x16xi32, #tpu.memory_space<vmem>>, vector<16xi32>,
        %ge3A_1846 = arith.cmpi sge, %get3A_1845, %xor3A_52 : vector<16xi32>
        %convert_element_type3A_1847 = arith.extui %ge3A_1846 : vector<16xi1> to vector<16xi32>
        %add3A_1848 = arith.addi %add3A_1760, %convert_element_type3A_1847 : vector<16xi32>
        %get3A_1849 = arith.constant 20 : i32
        %get3A_1850 = arith.constant 0 : i32
        %get3A_1851 = arith.constant 2 : i32
        %get3A_1852 = arith.index_cast %get3A_1849 : i32 to index
        %get3A_1853 = arith.index_cast %get3A_1850 : i32 to index
        %get3A_1854 = arith.index_cast %get3A_1851 : i32 to index
        %get3A_1855 = arith.constant 0 : index
        %get3A_1856 = tpu.vector_load %arg4[%get3A_1852, %get3A_1853, %get3A_1854, %get3A_1855] {strides = array<i32>} : memref<32x1x8x16xi32, #tpu.memory_space<vmem>>, vector<16xi32>,
        %ge3A_1857 = arith.cmpi sge, %get3A_1856, %xor3A_52 : vector<16xi32>
        %convert_element_type3A_1858 = arith.extui %ge3A_1857 : vector<16xi1> to vector<16xi32>
        %add3A_1859 = arith.addi %add3A_1771, %convert_element_type3A_1858 : vector<16xi32>
        %get3A_1860 = arith.constant 20 : i32
        %get3A_1861 = arith.constant 0 : i32
        %get3A_1862 = arith.constant 3 : i32
        %get3A_1863 = arith.index_cast %get3A_1860 : i32 to index
        %get3A_1864 = arith.index_cast %get3A_1861 : i32 to index
        %get3A_1865 = arith.index_cast %get3A_1862 : i32 to index
        %get3A_1866 = arith.constant 0 : index
        %get3A_1867 = tpu.vector_load %arg4[%get3A_1863, %get3A_1864, %get3A_1865, %get3A_1866] {strides = array<i32>} : memref<32x1x8x16xi32, #tpu.memory_space<vmem>>, vector<16xi32>,
        %ge3A_1868 = arith.cmpi sge, %get3A_1867, %xor3A_52 : vector<16xi32>
        %convert_element_type3A_1869 = arith.extui %ge3A_1868 : vector<16xi1> to vector<16xi32>
        %add3A_1870 = arith.addi %add3A_1782, %convert_element_type3A_1869 : vector<16xi32>
        %get3A_1871 = arith.constant 20 : i32
        %get3A_1872 = arith.constant 0 : i32
        %get3A_1873 = arith.constant 4 : i32
        %get3A_1874 = arith.index_cast %get3A_1871 : i32 to index
        %get3A_1875 = arith.index_cast %get3A_1872 : i32 to index
        %get3A_1876 = arith.index_cast %get3A_1873 : i32 to index
        %get3A_1877 = arith.constant 0 : index
        %get3A_1878 = tpu.vector_load %arg4[%get3A_1874, %get3A_1875, %get3A_1876, %get3A_1877] {strides = array<i32>} : memref<32x1x8x16xi32, #tpu.memory_space<vmem>>, vector<16xi32>,
        %ge3A_1879 = arith.cmpi sge, %get3A_1878, %xor3A_52 : vector<16xi32>
        %convert_element_type3A_1880 = arith.extui %ge3A_1879 : vector<16xi1> to vector<16xi32>
        %add3A_1881 = arith.addi %add3A_1793, %convert_element_type3A_1880 : vector<16xi32>
        %get3A_1882 = arith.constant 20 : i32
        %get3A_1883 = arith.constant 0 : i32
        %get3A_1884 = arith.constant 5 : i32
        %get3A_1885 = arith.index_cast %get3A_1882 : i32 to index
        %get3A_1886 = arith.index_cast %get3A_1883 : i32 to index
        %get3A_1887 = arith.index_cast %get3A_1884 : i32 to index
        %get3A_1888 = arith.constant 0 : index
        %get3A_1889 = tpu.vector_load %arg4[%get3A_1885, %get3A_1886, %get3A_1887, %get3A_1888] {strides = array<i32>} : memref<32x1x8x16xi32, #tpu.memory_space<vmem>>, vector<16xi32>,
        %ge3A_1890 = arith.cmpi sge, %get3A_1889, %xor3A_52 : vector<16xi32>
        %convert_element_type3A_1891 = arith.extui %ge3A_1890 : vector<16xi1> to vector<16xi32>
        %add3A_1892 = arith.addi %add3A_1804, %convert_element_type3A_1891 : vector<16xi32>
        %get3A_1893 = arith.constant 20 : i32
        %get3A_1894 = arith.constant 0 : i32
        %get3A_1895 = arith.constant 6 : i32
        %get3A_1896 = arith.index_cast %get3A_1893 : i32 to index
        %get3A_1897 = arith.index_cast %get3A_1894 : i32 to index
        %get3A_1898 = arith.index_cast %get3A_1895 : i32 to index
        %get3A_1899 = arith.constant 0 : index
        %get3A_1900 = tpu.vector_load %arg4[%get3A_1896, %get3A_1897, %get3A_1898, %get3A_1899] {strides = array<i32>} : memref<32x1x8x16xi32, #tpu.memory_space<vmem>>, vector<16xi32>,
        %ge3A_1901 = arith.cmpi sge, %get3A_1900, %xor3A_52 : vector<16xi32>
        %convert_element_type3A_1902 = arith.extui %ge3A_1901 : vector<16xi1> to vector<16xi32>
        %add3A_1903 = arith.addi %add3A_1815, %convert_element_type3A_1902 : vector<16xi32>
        %get3A_1904 = arith.constant 20 : i32
        %get3A_1905 = arith.constant 0 : i32
        %get3A_1906 = arith.constant 7 : i32
        %get3A_1907 = arith.index_cast %get3A_1904 : i32 to index
        %get3A_1908 = arith.index_cast %get3A_1905 : i32 to index
        %get3A_1909 = arith.index_cast %get3A_1906 : i32 to index
        %get3A_1910 = arith.constant 0 : index
        %get3A_1911 = tpu.vector_load %arg4[%get3A_1907, %get3A_1908, %get3A_1909, %get3A_1910] {strides = array<i32>} : memref<32x1x8x16xi32, #tpu.memory_space<vmem>>, vector<16xi32>,
        %ge3A_1912 = arith.cmpi sge, %get3A_1911, %xor3A_52 : vector<16xi32>
        %convert_element_type3A_1913 = arith.extui %ge3A_1912 : vector<16xi1> to vector<16xi32>
        %add3A_1914 = arith.addi %add3A_1826, %convert_element_type3A_1913 : vector<16xi32>
        %get3A_1915 = arith.constant 21 : i32
        %get3A_1916 = arith.constant 0 : i32
        %get3A_1917 = arith.constant 0 : i32
        %get3A_1918 = arith.index_cast %get3A_1915 : i32 to index
        %get3A_1919 = arith.index_cast %get3A_1916 : i32 to index
        %get3A_1920 = arith.index_cast %get3A_1917 : i32 to index
        %get3A_1921 = arith.constant 0 : index
        %get3A_1922 = tpu.vector_load %arg4[%get3A_1918, %get3A_1919, %get3A_1920, %get3A_1921] {strides = array<i32>} : memref<32x1x8x16xi32, #tpu.memory_space<vmem>>, vector<16xi32>,
        %ge3A_1923 = arith.cmpi sge, %get3A_1922, %xor3A_52 : vector<16xi32>
        %convert_element_type3A_1924 = arith.extui %ge3A_1923 : vector<16xi1> to vector<16xi32>
        %add3A_1925 = arith.addi %add3A_1837, %convert_element_type3A_1924 : vector<16xi32>
        %get3A_1926 = arith.constant 21 : i32
        %get3A_1927 = arith.constant 0 : i32
        %get3A_1928 = arith.constant 1 : i32
        %get3A_1929 = arith.index_cast %get3A_1926 : i32 to index
        %get3A_1930 = arith.index_cast %get3A_1927 : i32 to index
        %get3A_1931 = arith.index_cast %get3A_1928 : i32 to index
        %get3A_1932 = arith.constant 0 : index
        %get3A_1933 = tpu.vector_load %arg4[%get3A_1929, %get3A_1930, %get3A_1931, %get3A_1932] {strides = array<i32>} : memref<32x1x8x16xi32, #tpu.memory_space<vmem>>, vector<16xi32>,
        %ge3A_1934 = arith.cmpi sge, %get3A_1933, %xor3A_52 : vector<16xi32>
        %convert_element_type3A_1935 = arith.extui %ge3A_1934 : vector<16xi1> to vector<16xi32>
        %add3A_1936 = arith.addi %add3A_1848, %convert_element_type3A_1935 : vector<16xi32>
        %get3A_1937 = arith.constant 21 : i32
        %get3A_1938 = arith.constant 0 : i32
        %get3A_1939 = arith.constant 2 : i32
        %get3A_1940 = arith.index_cast %get3A_1937 : i32 to index
        %get3A_1941 = arith.index_cast %get3A_1938 : i32 to index
        %get3A_1942 = arith.index_cast %get3A_1939 : i32 to index
        %get3A_1943 = arith.constant 0 : index
        %get3A_1944 = tpu.vector_load %arg4[%get3A_1940, %get3A_1941, %get3A_1942, %get3A_1943] {strides = array<i32>} : memref<32x1x8x16xi32, #tpu.memory_space<vmem>>, vector<16xi32>,
        %ge3A_1945 = arith.cmpi sge, %get3A_1944, %xor3A_52 : vector<16xi32>
        %convert_element_type3A_1946 = arith.extui %ge3A_1945 : vector<16xi1> to vector<16xi32>
        %add3A_1947 = arith.addi %add3A_1859, %convert_element_type3A_1946 : vector<16xi32>
        %get3A_1948 = arith.constant 21 : i32
        %get3A_1949 = arith.constant 0 : i32
        %get3A_1950 = arith.constant 3 : i32
        %get3A_1951 = arith.index_cast %get3A_1948 : i32 to index
        %get3A_1952 = arith.index_cast %get3A_1949 : i32 to index
        %get3A_1953 = arith.index_cast %get3A_1950 : i32 to index
        %get3A_1954 = arith.constant 0 : index
        %get3A_1955 = tpu.vector_load %arg4[%get3A_1951, %get3A_1952, %get3A_1953, %get3A_1954] {strides = array<i32>} : memref<32x1x8x16xi32, #tpu.memory_space<vmem>>, vector<16xi32>,
        %ge3A_1956 = arith.cmpi sge, %get3A_1955, %xor3A_52 : vector<16xi32>
        %convert_element_type3A_1957 = arith.extui %ge3A_1956 : vector<16xi1> to vector<16xi32>
        %add3A_1958 = arith.addi %add3A_1870, %convert_element_type3A_1957 : vector<16xi32>
        %get3A_1959 = arith.constant 21 : i32
        %get3A_1960 = arith.constant 0 : i32
        %get3A_1961 = arith.constant 4 : i32
        %get3A_1962 = arith.index_cast %get3A_1959 : i32 to index
        %get3A_1963 = arith.index_cast %get3A_1960 : i32 to index
        %get3A_1964 = arith.index_cast %get3A_1961 : i32 to index
        %get3A_1965 = arith.constant 0 : index
        %get3A_1966 = tpu.vector_load %arg4[%get3A_1962, %get3A_1963, %get3A_1964, %get3A_1965] {strides = array<i32>} : memref<32x1x8x16xi32, #tpu.memory_space<vmem>>, vector<16xi32>,
        %ge3A_1967 = arith.cmpi sge, %get3A_1966, %xor3A_52 : vector<16xi32>
        %convert_element_type3A_1968 = arith.extui %ge3A_1967 : vector<16xi1> to vector<16xi32>
        %add3A_1969 = arith.addi %add3A_1881, %convert_element_type3A_1968 : vector<16xi32>
        %get3A_1970 = arith.constant 21 : i32
        %get3A_1971 = arith.constant 0 : i32
        %get3A_1972 = arith.constant 5 : i32
        %get3A_1973 = arith.index_cast %get3A_1970 : i32 to index
        %get3A_1974 = arith.index_cast %get3A_1971 : i32 to index
        %get3A_1975 = arith.index_cast %get3A_1972 : i32 to index
        %get3A_1976 = arith.constant 0 : index
        %get3A_1977 = tpu.vector_load %arg4[%get3A_1973, %get3A_1974, %get3A_1975, %get3A_1976] {strides = array<i32>} : memref<32x1x8x16xi32, #tpu.memory_space<vmem>>, vector<16xi32>,
        %ge3A_1978 = arith.cmpi sge, %get3A_1977, %xor3A_52 : vector<16xi32>
        %convert_element_type3A_1979 = arith.extui %ge3A_1978 : vector<16xi1> to vector<16xi32>
        %add3A_1980 = arith.addi %add3A_1892, %convert_element_type3A_1979 : vector<16xi32>
        %get3A_1981 = arith.constant 21 : i32
        %get3A_1982 = arith.constant 0 : i32
        %get3A_1983 = arith.constant 6 : i32
        %get3A_1984 = arith.index_cast %get3A_1981 : i32 to index
        %get3A_1985 = arith.index_cast %get3A_1982 : i32 to index
        %get3A_1986 = arith.index_cast %get3A_1983 : i32 to index
        %get3A_1987 = arith.constant 0 : index
        %get3A_1988 = tpu.vector_load %arg4[%get3A_1984, %get3A_1985, %get3A_1986, %get3A_1987] {strides = array<i32>} : memref<32x1x8x16xi32, #tpu.memory_space<vmem>>, vector<16xi32>,
        %ge3A_1989 = arith.cmpi sge, %get3A_1988, %xor3A_52 : vector<16xi32>
        %convert_element_type3A_1990 = arith.extui %ge3A_1989 : vector<16xi1> to vector<16xi32>
        %add3A_1991 = arith.addi %add3A_1903, %convert_element_type3A_1990 : vector<16xi32>
        %get3A_1992 = arith.constant 21 : i32
        %get3A_1993 = arith.constant 0 : i32
        %get3A_1994 = arith.constant 7 : i32
        %get3A_1995 = arith.index_cast %get3A_1992 : i32 to index
        %get3A_1996 = arith.index_cast %get3A_1993 : i32 to index
        %get3A_1997 = arith.index_cast %get3A_1994 : i32 to index
        %get3A_1998 = arith.constant 0 : index
        %get3A_1999 = tpu.vector_load %arg4[%get3A_1995, %get3A_1996, %get3A_1997, %get3A_1998] {strides = array<i32>} : memref<32x1x8x16xi32, #tpu.memory_space<vmem>>, vector<16xi32>,
        %ge3A_2000 = arith.cmpi sge, %get3A_1999, %xor3A_52 : vector<16xi32>
        %convert_element_type3A_2001 = arith.extui %ge3A_2000 : vector<16xi1> to vector<16xi32>
        %add3A_2002 = arith.addi %add3A_1914, %convert_element_type3A_2001 : vector<16xi32>
        %get3A_2003 = arith.constant 22 : i32
        %get3A_2004 = arith.constant 0 : i32
        %get3A_2005 = arith.constant 0 : i32
        %get3A_2006 = arith.index_cast %get3A_2003 : i32 to index
        %get3A_2007 = arith.index_cast %get3A_2004 : i32 to index
        %get3A_2008 = arith.index_cast %get3A_2005 : i32 to index
        %get3A_2009 = arith.constant 0 : index
        %get3A_2010 = tpu.vector_load %arg4[%get3A_2006, %get3A_2007, %get3A_2008, %get3A_2009] {strides = array<i32>} : memref<32x1x8x16xi32, #tpu.memory_space<vmem>>, vector<16xi32>,
        %ge3A_2011 = arith.cmpi sge, %get3A_2010, %xor3A_52 : vector<16xi32>
        %convert_element_type3A_2012 = arith.extui %ge3A_2011 : vector<16xi1> to vector<16xi32>
        %add3A_2013 = arith.addi %add3A_1925, %convert_element_type3A_2012 : vector<16xi32>
        %get3A_2014 = arith.constant 22 : i32
        %get3A_2015 = arith.constant 0 : i32
        %get3A_2016 = arith.constant 1 : i32
        %get3A_2017 = arith.index_cast %get3A_2014 : i32 to index
        %get3A_2018 = arith.index_cast %get3A_2015 : i32 to index
        %get3A_2019 = arith.index_cast %get3A_2016 : i32 to index
        %get3A_2020 = arith.constant 0 : index
        %get3A_2021 = tpu.vector_load %arg4[%get3A_2017, %get3A_2018, %get3A_2019, %get3A_2020] {strides = array<i32>} : memref<32x1x8x16xi32, #tpu.memory_space<vmem>>, vector<16xi32>,
        %ge3A_2022 = arith.cmpi sge, %get3A_2021, %xor3A_52 : vector<16xi32>
        %convert_element_type3A_2023 = arith.extui %ge3A_2022 : vector<16xi1> to vector<16xi32>
        %add3A_2024 = arith.addi %add3A_1936, %convert_element_type3A_2023 : vector<16xi32>
        %get3A_2025 = arith.constant 22 : i32
        %get3A_2026 = arith.constant 0 : i32
        %get3A_2027 = arith.constant 2 : i32
        %get3A_2028 = arith.index_cast %get3A_2025 : i32 to index
        %get3A_2029 = arith.index_cast %get3A_2026 : i32 to index
        %get3A_2030 = arith.index_cast %get3A_2027 : i32 to index
        %get3A_2031 = arith.constant 0 : index
        %get3A_2032 = tpu.vector_load %arg4[%get3A_2028, %get3A_2029, %get3A_2030, %get3A_2031] {strides = array<i32>} : memref<32x1x8x16xi32, #tpu.memory_space<vmem>>, vector<16xi32>,
        %ge3A_2033 = arith.cmpi sge, %get3A_2032, %xor3A_52 : vector<16xi32>
        %convert_element_type3A_2034 = arith.extui %ge3A_2033 : vector<16xi1> to vector<16xi32>
        %add3A_2035 = arith.addi %add3A_1947, %convert_element_type3A_2034 : vector<16xi32>
        %get3A_2036 = arith.constant 22 : i32
        %get3A_2037 = arith.constant 0 : i32
        %get3A_2038 = arith.constant 3 : i32
        %get3A_2039 = arith.index_cast %get3A_2036 : i32 to index
        %get3A_2040 = arith.index_cast %get3A_2037 : i32 to index
        %get3A_2041 = arith.index_cast %get3A_2038 : i32 to index
        %get3A_2042 = arith.constant 0 : index
        %get3A_2043 = tpu.vector_load %arg4[%get3A_2039, %get3A_2040, %get3A_2041, %get3A_2042] {strides = array<i32>} : memref<32x1x8x16xi32, #tpu.memory_space<vmem>>, vector<16xi32>,
        %ge3A_2044 = arith.cmpi sge, %get3A_2043, %xor3A_52 : vector<16xi32>
        %convert_element_type3A_2045 = arith.extui %ge3A_2044 : vector<16xi1> to vector<16xi32>
        %add3A_2046 = arith.addi %add3A_1958, %convert_element_type3A_2045 : vector<16xi32>
        %get3A_2047 = arith.constant 22 : i32
        %get3A_2048 = arith.constant 0 : i32
        %get3A_2049 = arith.constant 4 : i32
        %get3A_2050 = arith.index_cast %get3A_2047 : i32 to index
        %get3A_2051 = arith.index_cast %get3A_2048 : i32 to index
        %get3A_2052 = arith.index_cast %get3A_2049 : i32 to index
        %get3A_2053 = arith.constant 0 : index
        %get3A_2054 = tpu.vector_load %arg4[%get3A_2050, %get3A_2051, %get3A_2052, %get3A_2053] {strides = array<i32>} : memref<32x1x8x16xi32, #tpu.memory_space<vmem>>, vector<16xi32>,
        %ge3A_2055 = arith.cmpi sge, %get3A_2054, %xor3A_52 : vector<16xi32>
        %convert_element_type3A_2056 = arith.extui %ge3A_2055 : vector<16xi1> to vector<16xi32>
        %add3A_2057 = arith.addi %add3A_1969, %convert_element_type3A_2056 : vector<16xi32>
        %get3A_2058 = arith.constant 22 : i32
        %get3A_2059 = arith.constant 0 : i32
        %get3A_2060 = arith.constant 5 : i32
        %get3A_2061 = arith.index_cast %get3A_2058 : i32 to index
        %get3A_2062 = arith.index_cast %get3A_2059 : i32 to index
        %get3A_2063 = arith.index_cast %get3A_2060 : i32 to index
        %get3A_2064 = arith.constant 0 : index
        %get3A_2065 = tpu.vector_load %arg4[%get3A_2061, %get3A_2062, %get3A_2063, %get3A_2064] {strides = array<i32>} : memref<32x1x8x16xi32, #tpu.memory_space<vmem>>, vector<16xi32>,
        %ge3A_2066 = arith.cmpi sge, %get3A_2065, %xor3A_52 : vector<16xi32>
        %convert_element_type3A_2067 = arith.extui %ge3A_2066 : vector<16xi1> to vector<16xi32>
        %add3A_2068 = arith.addi %add3A_1980, %convert_element_type3A_2067 : vector<16xi32>
        %get3A_2069 = arith.constant 22 : i32
        %get3A_2070 = arith.constant 0 : i32
        %get3A_2071 = arith.constant 6 : i32
        %get3A_2072 = arith.index_cast %get3A_2069 : i32 to index
        %get3A_2073 = arith.index_cast %get3A_2070 : i32 to index
        %get3A_2074 = arith.index_cast %get3A_2071 : i32 to index
        %get3A_2075 = arith.constant 0 : index
        %get3A_2076 = tpu.vector_load %arg4[%get3A_2072, %get3A_2073, %get3A_2074, %get3A_2075] {strides = array<i32>} : memref<32x1x8x16xi32, #tpu.memory_space<vmem>>, vector<16xi32>,
        %ge3A_2077 = arith.cmpi sge, %get3A_2076, %xor3A_52 : vector<16xi32>
        %convert_element_type3A_2078 = arith.extui %ge3A_2077 : vector<16xi1> to vector<16xi32>
        %add3A_2079 = arith.addi %add3A_1991, %convert_element_type3A_2078 : vector<16xi32>
        %get3A_2080 = arith.constant 22 : i32
        %get3A_2081 = arith.constant 0 : i32
        %get3A_2082 = arith.constant 7 : i32
        %get3A_2083 = arith.index_cast %get3A_2080 : i32 to index
        %get3A_2084 = arith.index_cast %get3A_2081 : i32 to index
        %get3A_2085 = arith.index_cast %get3A_2082 : i32 to index
        %get3A_2086 = arith.constant 0 : index
        %get3A_2087 = tpu.vector_load %arg4[%get3A_2083, %get3A_2084, %get3A_2085, %get3A_2086] {strides = array<i32>} : memref<32x1x8x16xi32, #tpu.memory_space<vmem>>, vector<16xi32>,
        %ge3A_2088 = arith.cmpi sge, %get3A_2087, %xor3A_52 : vector<16xi32>
        %convert_element_type3A_2089 = arith.extui %ge3A_2088 : vector<16xi1> to vector<16xi32>
        %add3A_2090 = arith.addi %add3A_2002, %convert_element_type3A_2089 : vector<16xi32>
        %get3A_2091 = arith.constant 23 : i32
        %get3A_2092 = arith.constant 0 : i32
        %get3A_2093 = arith.constant 0 : i32
        %get3A_2094 = arith.index_cast %get3A_2091 : i32 to index
        %get3A_2095 = arith.index_cast %get3A_2092 : i32 to index
        %get3A_2096 = arith.index_cast %get3A_2093 : i32 to index
        %get3A_2097 = arith.constant 0 : index
        %get3A_2098 = tpu.vector_load %arg4[%get3A_2094, %get3A_2095, %get3A_2096, %get3A_2097] {strides = array<i32>} : memref<32x1x8x16xi32, #tpu.memory_space<vmem>>, vector<16xi32>,
        %ge3A_2099 = arith.cmpi sge, %get3A_2098, %xor3A_52 : vector<16xi32>
        %convert_element_type3A_2100 = arith.extui %ge3A_2099 : vector<16xi1> to vector<16xi32>
        %add3A_2101 = arith.addi %add3A_2013, %convert_element_type3A_2100 : vector<16xi32>
        %get3A_2102 = arith.constant 23 : i32
        %get3A_2103 = arith.constant 0 : i32
        %get3A_2104 = arith.constant 1 : i32
        %get3A_2105 = arith.index_cast %get3A_2102 : i32 to index
        %get3A_2106 = arith.index_cast %get3A_2103 : i32 to index
        %get3A_2107 = arith.index_cast %get3A_2104 : i32 to index
        %get3A_2108 = arith.constant 0 : index
        %get3A_2109 = tpu.vector_load %arg4[%get3A_2105, %get3A_2106, %get3A_2107, %get3A_2108] {strides = array<i32>} : memref<32x1x8x16xi32, #tpu.memory_space<vmem>>, vector<16xi32>,
        %ge3A_2110 = arith.cmpi sge, %get3A_2109, %xor3A_52 : vector<16xi32>
        %convert_element_type3A_2111 = arith.extui %ge3A_2110 : vector<16xi1> to vector<16xi32>
        %add3A_2112 = arith.addi %add3A_2024, %convert_element_type3A_2111 : vector<16xi32>
        %get3A_2113 = arith.constant 23 : i32
        %get3A_2114 = arith.constant 0 : i32
        %get3A_2115 = arith.constant 2 : i32
        %get3A_2116 = arith.index_cast %get3A_2113 : i32 to index
        %get3A_2117 = arith.index_cast %get3A_2114 : i32 to index
        %get3A_2118 = arith.index_cast %get3A_2115 : i32 to index
        %get3A_2119 = arith.constant 0 : index
        %get3A_2120 = tpu.vector_load %arg4[%get3A_2116, %get3A_2117, %get3A_2118, %get3A_2119] {strides = array<i32>} : memref<32x1x8x16xi32, #tpu.memory_space<vmem>>, vector<16xi32>,
        %ge3A_2121 = arith.cmpi sge, %get3A_2120, %xor3A_52 : vector<16xi32>
        %convert_element_type3A_2122 = arith.extui %ge3A_2121 : vector<16xi1> to vector<16xi32>
        %add3A_2123 = arith.addi %add3A_2035, %convert_element_type3A_2122 : vector<16xi32>
        %get3A_2124 = arith.constant 23 : i32
        %get3A_2125 = arith.constant 0 : i32
        %get3A_2126 = arith.constant 3 : i32
        %get3A_2127 = arith.index_cast %get3A_2124 : i32 to index
        %get3A_2128 = arith.index_cast %get3A_2125 : i32 to index
        %get3A_2129 = arith.index_cast %get3A_2126 : i32 to index
        %get3A_2130 = arith.constant 0 : index
        %get3A_2131 = tpu.vector_load %arg4[%get3A_2127, %get3A_2128, %get3A_2129, %get3A_2130] {strides = array<i32>} : memref<32x1x8x16xi32, #tpu.memory_space<vmem>>, vector<16xi32>,
        %ge3A_2132 = arith.cmpi sge, %get3A_2131, %xor3A_52 : vector<16xi32>
        %convert_element_type3A_2133 = arith.extui %ge3A_2132 : vector<16xi1> to vector<16xi32>
        %add3A_2134 = arith.addi %add3A_2046, %convert_element_type3A_2133 : vector<16xi32>
        %get3A_2135 = arith.constant 23 : i32
        %get3A_2136 = arith.constant 0 : i32
        %get3A_2137 = arith.constant 4 : i32
        %get3A_2138 = arith.index_cast %get3A_2135 : i32 to index
        %get3A_2139 = arith.index_cast %get3A_2136 : i32 to index
        %get3A_2140 = arith.index_cast %get3A_2137 : i32 to index
        %get3A_2141 = arith.constant 0 : index
        %get3A_2142 = tpu.vector_load %arg4[%get3A_2138, %get3A_2139, %get3A_2140, %get3A_2141] {strides = array<i32>} : memref<32x1x8x16xi32, #tpu.memory_space<vmem>>, vector<16xi32>,
        %ge3A_2143 = arith.cmpi sge, %get3A_2142, %xor3A_52 : vector<16xi32>
        %convert_element_type3A_2144 = arith.extui %ge3A_2143 : vector<16xi1> to vector<16xi32>
        %add3A_2145 = arith.addi %add3A_2057, %convert_element_type3A_2144 : vector<16xi32>
        %get3A_2146 = arith.constant 23 : i32
        %get3A_2147 = arith.constant 0 : i32
        %get3A_2148 = arith.constant 5 : i32
        %get3A_2149 = arith.index_cast %get3A_2146 : i32 to index
        %get3A_2150 = arith.index_cast %get3A_2147 : i32 to index
        %get3A_2151 = arith.index_cast %get3A_2148 : i32 to index
        %get3A_2152 = arith.constant 0 : index
        %get3A_2153 = tpu.vector_load %arg4[%get3A_2149, %get3A_2150, %get3A_2151, %get3A_2152] {strides = array<i32>} : memref<32x1x8x16xi32, #tpu.memory_space<vmem>>, vector<16xi32>,
        %ge3A_2154 = arith.cmpi sge, %get3A_2153, %xor3A_52 : vector<16xi32>
        %convert_element_type3A_2155 = arith.extui %ge3A_2154 : vector<16xi1> to vector<16xi32>
        %add3A_2156 = arith.addi %add3A_2068, %convert_element_type3A_2155 : vector<16xi32>
        %get3A_2157 = arith.constant 23 : i32
        %get3A_2158 = arith.constant 0 : i32
        %get3A_2159 = arith.constant 6 : i32
        %get3A_2160 = arith.index_cast %get3A_2157 : i32 to index
        %get3A_2161 = arith.index_cast %get3A_2158 : i32 to index
        %get3A_2162 = arith.index_cast %get3A_2159 : i32 to index
        %get3A_2163 = arith.constant 0 : index
        %get3A_2164 = tpu.vector_load %arg4[%get3A_2160, %get3A_2161, %get3A_2162, %get3A_2163] {strides = array<i32>} : memref<32x1x8x16xi32, #tpu.memory_space<vmem>>, vector<16xi32>,
        %ge3A_2165 = arith.cmpi sge, %get3A_2164, %xor3A_52 : vector<16xi32>
        %convert_element_type3A_2166 = arith.extui %ge3A_2165 : vector<16xi1> to vector<16xi32>
        %add3A_2167 = arith.addi %add3A_2079, %convert_element_type3A_2166 : vector<16xi32>
        %get3A_2168 = arith.constant 23 : i32
        %get3A_2169 = arith.constant 0 : i32
        %get3A_2170 = arith.constant 7 : i32
        %get3A_2171 = arith.index_cast %get3A_2168 : i32 to index
        %get3A_2172 = arith.index_cast %get3A_2169 : i32 to index
        %get3A_2173 = arith.index_cast %get3A_2170 : i32 to index
        %get3A_2174 = arith.constant 0 : index
        %get3A_2175 = tpu.vector_load %arg4[%get3A_2171, %get3A_2172, %get3A_2173, %get3A_2174] {strides = array<i32>} : memref<32x1x8x16xi32, #tpu.memory_space<vmem>>, vector<16xi32>,
        %ge3A_2176 = arith.cmpi sge, %get3A_2175, %xor3A_52 : vector<16xi32>
        %convert_element_type3A_2177 = arith.extui %ge3A_2176 : vector<16xi1> to vector<16xi32>
        %add3A_2178 = arith.addi %add3A_2090, %convert_element_type3A_2177 : vector<16xi32>
        %get3A_2179 = arith.constant 24 : i32
        %get3A_2180 = arith.constant 0 : i32
        %get3A_2181 = arith.constant 0 : i32
        %get3A_2182 = arith.index_cast %get3A_2179 : i32 to index
        %get3A_2183 = arith.index_cast %get3A_2180 : i32 to index
        %get3A_2184 = arith.index_cast %get3A_2181 : i32 to index
        %get3A_2185 = arith.constant 0 : index
        %get3A_2186 = tpu.vector_load %arg4[%get3A_2182, %get3A_2183, %get3A_2184, %get3A_2185] {strides = array<i32>} : memref<32x1x8x16xi32, #tpu.memory_space<vmem>>, vector<16xi32>,
        %ge3A_2187 = arith.cmpi sge, %get3A_2186, %xor3A_52 : vector<16xi32>
        %convert_element_type3A_2188 = arith.extui %ge3A_2187 : vector<16xi1> to vector<16xi32>
        %add3A_2189 = arith.addi %add3A_2101, %convert_element_type3A_2188 : vector<16xi32>
        %get3A_2190 = arith.constant 24 : i32
        %get3A_2191 = arith.constant 0 : i32
        %get3A_2192 = arith.constant 1 : i32
        %get3A_2193 = arith.index_cast %get3A_2190 : i32 to index
        %get3A_2194 = arith.index_cast %get3A_2191 : i32 to index
        %get3A_2195 = arith.index_cast %get3A_2192 : i32 to index
        %get3A_2196 = arith.constant 0 : index
        %get3A_2197 = tpu.vector_load %arg4[%get3A_2193, %get3A_2194, %get3A_2195, %get3A_2196] {strides = array<i32>} : memref<32x1x8x16xi32, #tpu.memory_space<vmem>>, vector<16xi32>,
        %ge3A_2198 = arith.cmpi sge, %get3A_2197, %xor3A_52 : vector<16xi32>
        %convert_element_type3A_2199 = arith.extui %ge3A_2198 : vector<16xi1> to vector<16xi32>
        %add3A_2200 = arith.addi %add3A_2112, %convert_element_type3A_2199 : vector<16xi32>
        %get3A_2201 = arith.constant 24 : i32
        %get3A_2202 = arith.constant 0 : i32
        %get3A_2203 = arith.constant 2 : i32
        %get3A_2204 = arith.index_cast %get3A_2201 : i32 to index
        %get3A_2205 = arith.index_cast %get3A_2202 : i32 to index
        %get3A_2206 = arith.index_cast %get3A_2203 : i32 to index
        %get3A_2207 = arith.constant 0 : index
        %get3A_2208 = tpu.vector_load %arg4[%get3A_2204, %get3A_2205, %get3A_2206, %get3A_2207] {strides = array<i32>} : memref<32x1x8x16xi32, #tpu.memory_space<vmem>>, vector<16xi32>,
        %ge3A_2209 = arith.cmpi sge, %get3A_2208, %xor3A_52 : vector<16xi32>
        %convert_element_type3A_2210 = arith.extui %ge3A_2209 : vector<16xi1> to vector<16xi32>
        %add3A_2211 = arith.addi %add3A_2123, %convert_element_type3A_2210 : vector<16xi32>
        %get3A_2212 = arith.constant 24 : i32
        %get3A_2213 = arith.constant 0 : i32
        %get3A_2214 = arith.constant 3 : i32
        %get3A_2215 = arith.index_cast %get3A_2212 : i32 to index
        %get3A_2216 = arith.index_cast %get3A_2213 : i32 to index
        %get3A_2217 = arith.index_cast %get3A_2214 : i32 to index
        %get3A_2218 = arith.constant 0 : index
        %get3A_2219 = tpu.vector_load %arg4[%get3A_2215, %get3A_2216, %get3A_2217, %get3A_2218] {strides = array<i32>} : memref<32x1x8x16xi32, #tpu.memory_space<vmem>>, vector<16xi32>,
        %ge3A_2220 = arith.cmpi sge, %get3A_2219, %xor3A_52 : vector<16xi32>
        %convert_element_type3A_2221 = arith.extui %ge3A_2220 : vector<16xi1> to vector<16xi32>
        %add3A_2222 = arith.addi %add3A_2134, %convert_element_type3A_2221 : vector<16xi32>
        %get3A_2223 = arith.constant 24 : i32
        %get3A_2224 = arith.constant 0 : i32
        %get3A_2225 = arith.constant 4 : i32
        %get3A_2226 = arith.index_cast %get3A_2223 : i32 to index
        %get3A_2227 = arith.index_cast %get3A_2224 : i32 to index
        %get3A_2228 = arith.index_cast %get3A_2225 : i32 to index
        %get3A_2229 = arith.constant 0 : index
        %get3A_2230 = tpu.vector_load %arg4[%get3A_2226, %get3A_2227, %get3A_2228, %get3A_2229] {strides = array<i32>} : memref<32x1x8x16xi32, #tpu.memory_space<vmem>>, vector<16xi32>,
        %ge3A_2231 = arith.cmpi sge, %get3A_2230, %xor3A_52 : vector<16xi32>
        %convert_element_type3A_2232 = arith.extui %ge3A_2231 : vector<16xi1> to vector<16xi32>
        %add3A_2233 = arith.addi %add3A_2145, %convert_element_type3A_2232 : vector<16xi32>
        %get3A_2234 = arith.constant 24 : i32
        %get3A_2235 = arith.constant 0 : i32
        %get3A_2236 = arith.constant 5 : i32
        %get3A_2237 = arith.index_cast %get3A_2234 : i32 to index
        %get3A_2238 = arith.index_cast %get3A_2235 : i32 to index
        %get3A_2239 = arith.index_cast %get3A_2236 : i32 to index
        %get3A_2240 = arith.constant 0 : index
        %get3A_2241 = tpu.vector_load %arg4[%get3A_2237, %get3A_2238, %get3A_2239, %get3A_2240] {strides = array<i32>} : memref<32x1x8x16xi32, #tpu.memory_space<vmem>>, vector<16xi32>,
        %ge3A_2242 = arith.cmpi sge, %get3A_2241, %xor3A_52 : vector<16xi32>
        %convert_element_type3A_2243 = arith.extui %ge3A_2242 : vector<16xi1> to vector<16xi32>
        %add3A_2244 = arith.addi %add3A_2156, %convert_element_type3A_2243 : vector<16xi32>
        %get3A_2245 = arith.constant 24 : i32
        %get3A_2246 = arith.constant 0 : i32
        %get3A_2247 = arith.constant 6 : i32
        %get3A_2248 = arith.index_cast %get3A_2245 : i32 to index
        %get3A_2249 = arith.index_cast %get3A_2246 : i32 to index
        %get3A_2250 = arith.index_cast %get3A_2247 : i32 to index
        %get3A_2251 = arith.constant 0 : index
        %get3A_2252 = tpu.vector_load %arg4[%get3A_2248, %get3A_2249, %get3A_2250, %get3A_2251] {strides = array<i32>} : memref<32x1x8x16xi32, #tpu.memory_space<vmem>>, vector<16xi32>,
        %ge3A_2253 = arith.cmpi sge, %get3A_2252, %xor3A_52 : vector<16xi32>
        %convert_element_type3A_2254 = arith.extui %ge3A_2253 : vector<16xi1> to vector<16xi32>
        %add3A_2255 = arith.addi %add3A_2167, %convert_element_type3A_2254 : vector<16xi32>
        %get3A_2256 = arith.constant 24 : i32
        %get3A_2257 = arith.constant 0 : i32
        %get3A_2258 = arith.constant 7 : i32
        %get3A_2259 = arith.index_cast %get3A_2256 : i32 to index
        %get3A_2260 = arith.index_cast %get3A_2257 : i32 to index
        %get3A_2261 = arith.index_cast %get3A_2258 : i32 to index
        %get3A_2262 = arith.constant 0 : index
        %get3A_2263 = tpu.vector_load %arg4[%get3A_2259, %get3A_2260, %get3A_2261, %get3A_2262] {strides = array<i32>} : memref<32x1x8x16xi32, #tpu.memory_space<vmem>>, vector<16xi32>,
        %ge3A_2264 = arith.cmpi sge, %get3A_2263, %xor3A_52 : vector<16xi32>
        %convert_element_type3A_2265 = arith.extui %ge3A_2264 : vector<16xi1> to vector<16xi32>
        %add3A_2266 = arith.addi %add3A_2178, %convert_element_type3A_2265 : vector<16xi32>
        %get3A_2267 = arith.constant 25 : i32
        %get3A_2268 = arith.constant 0 : i32
        %get3A_2269 = arith.constant 0 : i32
        %get3A_2270 = arith.index_cast %get3A_2267 : i32 to index
        %get3A_2271 = arith.index_cast %get3A_2268 : i32 to index
        %get3A_2272 = arith.index_cast %get3A_2269 : i32 to index
        %get3A_2273 = arith.constant 0 : index
        %get3A_2274 = tpu.vector_load %arg4[%get3A_2270, %get3A_2271, %get3A_2272, %get3A_2273] {strides = array<i32>} : memref<32x1x8x16xi32, #tpu.memory_space<vmem>>, vector<16xi32>,
        %ge3A_2275 = arith.cmpi sge, %get3A_2274, %xor3A_52 : vector<16xi32>
        %convert_element_type3A_2276 = arith.extui %ge3A_2275 : vector<16xi1> to vector<16xi32>
        %add3A_2277 = arith.addi %add3A_2189, %convert_element_type3A_2276 : vector<16xi32>
        %get3A_2278 = arith.constant 25 : i32
        %get3A_2279 = arith.constant 0 : i32
        %get3A_2280 = arith.constant 1 : i32
        %get3A_2281 = arith.index_cast %get3A_2278 : i32 to index
        %get3A_2282 = arith.index_cast %get3A_2279 : i32 to index
        %get3A_2283 = arith.index_cast %get3A_2280 : i32 to index
        %get3A_2284 = arith.constant 0 : index
        %get3A_2285 = tpu.vector_load %arg4[%get3A_2281, %get3A_2282, %get3A_2283, %get3A_2284] {strides = array<i32>} : memref<32x1x8x16xi32, #tpu.memory_space<vmem>>, vector<16xi32>,
        %ge3A_2286 = arith.cmpi sge, %get3A_2285, %xor3A_52 : vector<16xi32>
        %convert_element_type3A_2287 = arith.extui %ge3A_2286 : vector<16xi1> to vector<16xi32>
        %add3A_2288 = arith.addi %add3A_2200, %convert_element_type3A_2287 : vector<16xi32>
        %get3A_2289 = arith.constant 25 : i32
        %get3A_2290 = arith.constant 0 : i32
        %get3A_2291 = arith.constant 2 : i32
        %get3A_2292 = arith.index_cast %get3A_2289 : i32 to index
        %get3A_2293 = arith.index_cast %get3A_2290 : i32 to index
        %get3A_2294 = arith.index_cast %get3A_2291 : i32 to index
        %get3A_2295 = arith.constant 0 : index
        %get3A_2296 = tpu.vector_load %arg4[%get3A_2292, %get3A_2293, %get3A_2294, %get3A_2295] {strides = array<i32>} : memref<32x1x8x16xi32, #tpu.memory_space<vmem>>, vector<16xi32>,
        %ge3A_2297 = arith.cmpi sge, %get3A_2296, %xor3A_52 : vector<16xi32>
        %convert_element_type3A_2298 = arith.extui %ge3A_2297 : vector<16xi1> to vector<16xi32>
        %add3A_2299 = arith.addi %add3A_2211, %convert_element_type3A_2298 : vector<16xi32>
        %get3A_2300 = arith.constant 25 : i32
        %get3A_2301 = arith.constant 0 : i32
        %get3A_2302 = arith.constant 3 : i32
        %get3A_2303 = arith.index_cast %get3A_2300 : i32 to index
        %get3A_2304 = arith.index_cast %get3A_2301 : i32 to index
        %get3A_2305 = arith.index_cast %get3A_2302 : i32 to index
        %get3A_2306 = arith.constant 0 : index
        %get3A_2307 = tpu.vector_load %arg4[%get3A_2303, %get3A_2304, %get3A_2305, %get3A_2306] {strides = array<i32>} : memref<32x1x8x16xi32, #tpu.memory_space<vmem>>, vector<16xi32>,
        %ge3A_2308 = arith.cmpi sge, %get3A_2307, %xor3A_52 : vector<16xi32>
        %convert_element_type3A_2309 = arith.extui %ge3A_2308 : vector<16xi1> to vector<16xi32>
        %add3A_2310 = arith.addi %add3A_2222, %convert_element_type3A_2309 : vector<16xi32>
        %get3A_2311 = arith.constant 25 : i32
        %get3A_2312 = arith.constant 0 : i32
        %get3A_2313 = arith.constant 4 : i32
        %get3A_2314 = arith.index_cast %get3A_2311 : i32 to index
        %get3A_2315 = arith.index_cast %get3A_2312 : i32 to index
        %get3A_2316 = arith.index_cast %get3A_2313 : i32 to index
        %get3A_2317 = arith.constant 0 : index
        %get3A_2318 = tpu.vector_load %arg4[%get3A_2314, %get3A_2315, %get3A_2316, %get3A_2317] {strides = array<i32>} : memref<32x1x8x16xi32, #tpu.memory_space<vmem>>, vector<16xi32>,
        %ge3A_2319 = arith.cmpi sge, %get3A_2318, %xor3A_52 : vector<16xi32>
        %convert_element_type3A_2320 = arith.extui %ge3A_2319 : vector<16xi1> to vector<16xi32>
        %add3A_2321 = arith.addi %add3A_2233, %convert_element_type3A_2320 : vector<16xi32>
        %get3A_2322 = arith.constant 25 : i32
        %get3A_2323 = arith.constant 0 : i32
        %get3A_2324 = arith.constant 5 : i32
        %get3A_2325 = arith.index_cast %get3A_2322 : i32 to index
        %get3A_2326 = arith.index_cast %get3A_2323 : i32 to index
        %get3A_2327 = arith.index_cast %get3A_2324 : i32 to index
        %get3A_2328 = arith.constant 0 : index
        %get3A_2329 = tpu.vector_load %arg4[%get3A_2325, %get3A_2326, %get3A_2327, %get3A_2328] {strides = array<i32>} : memref<32x1x8x16xi32, #tpu.memory_space<vmem>>, vector<16xi32>,
        %ge3A_2330 = arith.cmpi sge, %get3A_2329, %xor3A_52 : vector<16xi32>
        %convert_element_type3A_2331 = arith.extui %ge3A_2330 : vector<16xi1> to vector<16xi32>
        %add3A_2332 = arith.addi %add3A_2244, %convert_element_type3A_2331 : vector<16xi32>
        %get3A_2333 = arith.constant 25 : i32
        %get3A_2334 = arith.constant 0 : i32
        %get3A_2335 = arith.constant 6 : i32
        %get3A_2336 = arith.index_cast %get3A_2333 : i32 to index
        %get3A_2337 = arith.index_cast %get3A_2334 : i32 to index
        %get3A_2338 = arith.index_cast %get3A_2335 : i32 to index
        %get3A_2339 = arith.constant 0 : index
        %get3A_2340 = tpu.vector_load %arg4[%get3A_2336, %get3A_2337, %get3A_2338, %get3A_2339] {strides = array<i32>} : memref<32x1x8x16xi32, #tpu.memory_space<vmem>>, vector<16xi32>,
        %ge3A_2341 = arith.cmpi sge, %get3A_2340, %xor3A_52 : vector<16xi32>
        %convert_element_type3A_2342 = arith.extui %ge3A_2341 : vector<16xi1> to vector<16xi32>
        %add3A_2343 = arith.addi %add3A_2255, %convert_element_type3A_2342 : vector<16xi32>
        %get3A_2344 = arith.constant 25 : i32
        %get3A_2345 = arith.constant 0 : i32
        %get3A_2346 = arith.constant 7 : i32
        %get3A_2347 = arith.index_cast %get3A_2344 : i32 to index
        %get3A_2348 = arith.index_cast %get3A_2345 : i32 to index
        %get3A_2349 = arith.index_cast %get3A_2346 : i32 to index
        %get3A_2350 = arith.constant 0 : index
        %get3A_2351 = tpu.vector_load %arg4[%get3A_2347, %get3A_2348, %get3A_2349, %get3A_2350] {strides = array<i32>} : memref<32x1x8x16xi32, #tpu.memory_space<vmem>>, vector<16xi32>,
        %ge3A_2352 = arith.cmpi sge, %get3A_2351, %xor3A_52 : vector<16xi32>
        %convert_element_type3A_2353 = arith.extui %ge3A_2352 : vector<16xi1> to vector<16xi32>
        %add3A_2354 = arith.addi %add3A_2266, %convert_element_type3A_2353 : vector<16xi32>
        %get3A_2355 = arith.constant 26 : i32
        %get3A_2356 = arith.constant 0 : i32
        %get3A_2357 = arith.constant 0 : i32
        %get3A_2358 = arith.index_cast %get3A_2355 : i32 to index
        %get3A_2359 = arith.index_cast %get3A_2356 : i32 to index
        %get3A_2360 = arith.index_cast %get3A_2357 : i32 to index
        %get3A_2361 = arith.constant 0 : index
        %get3A_2362 = tpu.vector_load %arg4[%get3A_2358, %get3A_2359, %get3A_2360, %get3A_2361] {strides = array<i32>} : memref<32x1x8x16xi32, #tpu.memory_space<vmem>>, vector<16xi32>,
        %ge3A_2363 = arith.cmpi sge, %get3A_2362, %xor3A_52 : vector<16xi32>
        %convert_element_type3A_2364 = arith.extui %ge3A_2363 : vector<16xi1> to vector<16xi32>
        %add3A_2365 = arith.addi %add3A_2277, %convert_element_type3A_2364 : vector<16xi32>
        %get3A_2366 = arith.constant 26 : i32
        %get3A_2367 = arith.constant 0 : i32
        %get3A_2368 = arith.constant 1 : i32
        %get3A_2369 = arith.index_cast %get3A_2366 : i32 to index
        %get3A_2370 = arith.index_cast %get3A_2367 : i32 to index
        %get3A_2371 = arith.index_cast %get3A_2368 : i32 to index
        %get3A_2372 = arith.constant 0 : index
        %get3A_2373 = tpu.vector_load %arg4[%get3A_2369, %get3A_2370, %get3A_2371, %get3A_2372] {strides = array<i32>} : memref<32x1x8x16xi32, #tpu.memory_space<vmem>>, vector<16xi32>,
        %ge3A_2374 = arith.cmpi sge, %get3A_2373, %xor3A_52 : vector<16xi32>
        %convert_element_type3A_2375 = arith.extui %ge3A_2374 : vector<16xi1> to vector<16xi32>
        %add3A_2376 = arith.addi %add3A_2288, %convert_element_type3A_2375 : vector<16xi32>
        %get3A_2377 = arith.constant 26 : i32
        %get3A_2378 = arith.constant 0 : i32
        %get3A_2379 = arith.constant 2 : i32
        %get3A_2380 = arith.index_cast %get3A_2377 : i32 to index
        %get3A_2381 = arith.index_cast %get3A_2378 : i32 to index
        %get3A_2382 = arith.index_cast %get3A_2379 : i32 to index
        %get3A_2383 = arith.constant 0 : index
        %get3A_2384 = tpu.vector_load %arg4[%get3A_2380, %get3A_2381, %get3A_2382, %get3A_2383] {strides = array<i32>} : memref<32x1x8x16xi32, #tpu.memory_space<vmem>>, vector<16xi32>,
        %ge3A_2385 = arith.cmpi sge, %get3A_2384, %xor3A_52 : vector<16xi32>
        %convert_element_type3A_2386 = arith.extui %ge3A_2385 : vector<16xi1> to vector<16xi32>
        %add3A_2387 = arith.addi %add3A_2299, %convert_element_type3A_2386 : vector<16xi32>
        %get3A_2388 = arith.constant 26 : i32
        %get3A_2389 = arith.constant 0 : i32
        %get3A_2390 = arith.constant 3 : i32
        %get3A_2391 = arith.index_cast %get3A_2388 : i32 to index
        %get3A_2392 = arith.index_cast %get3A_2389 : i32 to index
        %get3A_2393 = arith.index_cast %get3A_2390 : i32 to index
        %get3A_2394 = arith.constant 0 : index
        %get3A_2395 = tpu.vector_load %arg4[%get3A_2391, %get3A_2392, %get3A_2393, %get3A_2394] {strides = array<i32>} : memref<32x1x8x16xi32, #tpu.memory_space<vmem>>, vector<16xi32>,
        %ge3A_2396 = arith.cmpi sge, %get3A_2395, %xor3A_52 : vector<16xi32>
        %convert_element_type3A_2397 = arith.extui %ge3A_2396 : vector<16xi1> to vector<16xi32>
        %add3A_2398 = arith.addi %add3A_2310, %convert_element_type3A_2397 : vector<16xi32>
        %get3A_2399 = arith.constant 26 : i32
        %get3A_2400 = arith.constant 0 : i32
        %get3A_2401 = arith.constant 4 : i32
        %get3A_2402 = arith.index_cast %get3A_2399 : i32 to index
        %get3A_2403 = arith.index_cast %get3A_2400 : i32 to index
        %get3A_2404 = arith.index_cast %get3A_2401 : i32 to index
        %get3A_2405 = arith.constant 0 : index
        %get3A_2406 = tpu.vector_load %arg4[%get3A_2402, %get3A_2403, %get3A_2404, %get3A_2405] {strides = array<i32>} : memref<32x1x8x16xi32, #tpu.memory_space<vmem>>, vector<16xi32>,
        %ge3A_2407 = arith.cmpi sge, %get3A_2406, %xor3A_52 : vector<16xi32>
        %convert_element_type3A_2408 = arith.extui %ge3A_2407 : vector<16xi1> to vector<16xi32>
        %add3A_2409 = arith.addi %add3A_2321, %convert_element_type3A_2408 : vector<16xi32>
        %get3A_2410 = arith.constant 26 : i32
        %get3A_2411 = arith.constant 0 : i32
        %get3A_2412 = arith.constant 5 : i32
        %get3A_2413 = arith.index_cast %get3A_2410 : i32 to index
        %get3A_2414 = arith.index_cast %get3A_2411 : i32 to index
        %get3A_2415 = arith.index_cast %get3A_2412 : i32 to index
        %get3A_2416 = arith.constant 0 : index
        %get3A_2417 = tpu.vector_load %arg4[%get3A_2413, %get3A_2414, %get3A_2415, %get3A_2416] {strides = array<i32>} : memref<32x1x8x16xi32, #tpu.memory_space<vmem>>, vector<16xi32>,
        %ge3A_2418 = arith.cmpi sge, %get3A_2417, %xor3A_52 : vector<16xi32>
        %convert_element_type3A_2419 = arith.extui %ge3A_2418 : vector<16xi1> to vector<16xi32>
        %add3A_2420 = arith.addi %add3A_2332, %convert_element_type3A_2419 : vector<16xi32>
        %get3A_2421 = arith.constant 26 : i32
        %get3A_2422 = arith.constant 0 : i32
        %get3A_2423 = arith.constant 6 : i32
        %get3A_2424 = arith.index_cast %get3A_2421 : i32 to index
        %get3A_2425 = arith.index_cast %get3A_2422 : i32 to index
        %get3A_2426 = arith.index_cast %get3A_2423 : i32 to index
        %get3A_2427 = arith.constant 0 : index
        %get3A_2428 = tpu.vector_load %arg4[%get3A_2424, %get3A_2425, %get3A_2426, %get3A_2427] {strides = array<i32>} : memref<32x1x8x16xi32, #tpu.memory_space<vmem>>, vector<16xi32>,
        %ge3A_2429 = arith.cmpi sge, %get3A_2428, %xor3A_52 : vector<16xi32>
        %convert_element_type3A_2430 = arith.extui %ge3A_2429 : vector<16xi1> to vector<16xi32>
        %add3A_2431 = arith.addi %add3A_2343, %convert_element_type3A_2430 : vector<16xi32>
        %get3A_2432 = arith.constant 26 : i32
        %get3A_2433 = arith.constant 0 : i32
        %get3A_2434 = arith.constant 7 : i32
        %get3A_2435 = arith.index_cast %get3A_2432 : i32 to index
        %get3A_2436 = arith.index_cast %get3A_2433 : i32 to index
        %get3A_2437 = arith.index_cast %get3A_2434 : i32 to index
        %get3A_2438 = arith.constant 0 : index
        %get3A_2439 = tpu.vector_load %arg4[%get3A_2435, %get3A_2436, %get3A_2437, %get3A_2438] {strides = array<i32>} : memref<32x1x8x16xi32, #tpu.memory_space<vmem>>, vector<16xi32>,
        %ge3A_2440 = arith.cmpi sge, %get3A_2439, %xor3A_52 : vector<16xi32>
        %convert_element_type3A_2441 = arith.extui %ge3A_2440 : vector<16xi1> to vector<16xi32>
        %add3A_2442 = arith.addi %add3A_2354, %convert_element_type3A_2441 : vector<16xi32>
        %get3A_2443 = arith.constant 27 : i32
        %get3A_2444 = arith.constant 0 : i32
        %get3A_2445 = arith.constant 0 : i32
        %get3A_2446 = arith.index_cast %get3A_2443 : i32 to index
        %get3A_2447 = arith.index_cast %get3A_2444 : i32 to index
        %get3A_2448 = arith.index_cast %get3A_2445 : i32 to index
        %get3A_2449 = arith.constant 0 : index
        %get3A_2450 = tpu.vector_load %arg4[%get3A_2446, %get3A_2447, %get3A_2448, %get3A_2449] {strides = array<i32>} : memref<32x1x8x16xi32, #tpu.memory_space<vmem>>, vector<16xi32>,
        %ge3A_2451 = arith.cmpi sge, %get3A_2450, %xor3A_52 : vector<16xi32>
        %convert_element_type3A_2452 = arith.extui %ge3A_2451 : vector<16xi1> to vector<16xi32>
        %add3A_2453 = arith.addi %add3A_2365, %convert_element_type3A_2452 : vector<16xi32>
        %get3A_2454 = arith.constant 27 : i32
        %get3A_2455 = arith.constant 0 : i32
        %get3A_2456 = arith.constant 1 : i32
        %get3A_2457 = arith.index_cast %get3A_2454 : i32 to index
        %get3A_2458 = arith.index_cast %get3A_2455 : i32 to index
        %get3A_2459 = arith.index_cast %get3A_2456 : i32 to index
        %get3A_2460 = arith.constant 0 : index
        %get3A_2461 = tpu.vector_load %arg4[%get3A_2457, %get3A_2458, %get3A_2459, %get3A_2460] {strides = array<i32>} : memref<32x1x8x16xi32, #tpu.memory_space<vmem>>, vector<16xi32>,
        %ge3A_2462 = arith.cmpi sge, %get3A_2461, %xor3A_52 : vector<16xi32>
        %convert_element_type3A_2463 = arith.extui %ge3A_2462 : vector<16xi1> to vector<16xi32>
        %add3A_2464 = arith.addi %add3A_2376, %convert_element_type3A_2463 : vector<16xi32>
        %get3A_2465 = arith.constant 27 : i32
        %get3A_2466 = arith.constant 0 : i32
        %get3A_2467 = arith.constant 2 : i32
        %get3A_2468 = arith.index_cast %get3A_2465 : i32 to index
        %get3A_2469 = arith.index_cast %get3A_2466 : i32 to index
        %get3A_2470 = arith.index_cast %get3A_2467 : i32 to index
        %get3A_2471 = arith.constant 0 : index
        %get3A_2472 = tpu.vector_load %arg4[%get3A_2468, %get3A_2469, %get3A_2470, %get3A_2471] {strides = array<i32>} : memref<32x1x8x16xi32, #tpu.memory_space<vmem>>, vector<16xi32>,
        %ge3A_2473 = arith.cmpi sge, %get3A_2472, %xor3A_52 : vector<16xi32>
        %convert_element_type3A_2474 = arith.extui %ge3A_2473 : vector<16xi1> to vector<16xi32>
        %add3A_2475 = arith.addi %add3A_2387, %convert_element_type3A_2474 : vector<16xi32>
        %get3A_2476 = arith.constant 27 : i32
        %get3A_2477 = arith.constant 0 : i32
        %get3A_2478 = arith.constant 3 : i32
        %get3A_2479 = arith.index_cast %get3A_2476 : i32 to index
        %get3A_2480 = arith.index_cast %get3A_2477 : i32 to index
        %get3A_2481 = arith.index_cast %get3A_2478 : i32 to index
        %get3A_2482 = arith.constant 0 : index
        %get3A_2483 = tpu.vector_load %arg4[%get3A_2479, %get3A_2480, %get3A_2481, %get3A_2482] {strides = array<i32>} : memref<32x1x8x16xi32, #tpu.memory_space<vmem>>, vector<16xi32>,
        %ge3A_2484 = arith.cmpi sge, %get3A_2483, %xor3A_52 : vector<16xi32>
        %convert_element_type3A_2485 = arith.extui %ge3A_2484 : vector<16xi1> to vector<16xi32>
        %add3A_2486 = arith.addi %add3A_2398, %convert_element_type3A_2485 : vector<16xi32>
        %get3A_2487 = arith.constant 27 : i32
        %get3A_2488 = arith.constant 0 : i32
        %get3A_2489 = arith.constant 4 : i32
        %get3A_2490 = arith.index_cast %get3A_2487 : i32 to index
        %get3A_2491 = arith.index_cast %get3A_2488 : i32 to index
        %get3A_2492 = arith.index_cast %get3A_2489 : i32 to index
        %get3A_2493 = arith.constant 0 : index
        %get3A_2494 = tpu.vector_load %arg4[%get3A_2490, %get3A_2491, %get3A_2492, %get3A_2493] {strides = array<i32>} : memref<32x1x8x16xi32, #tpu.memory_space<vmem>>, vector<16xi32>,
        %ge3A_2495 = arith.cmpi sge, %get3A_2494, %xor3A_52 : vector<16xi32>
        %convert_element_type3A_2496 = arith.extui %ge3A_2495 : vector<16xi1> to vector<16xi32>
        %add3A_2497 = arith.addi %add3A_2409, %convert_element_type3A_2496 : vector<16xi32>
        %get3A_2498 = arith.constant 27 : i32
        %get3A_2499 = arith.constant 0 : i32
        %get3A_2500 = arith.constant 5 : i32
        %get3A_2501 = arith.index_cast %get3A_2498 : i32 to index
        %get3A_2502 = arith.index_cast %get3A_2499 : i32 to index
        %get3A_2503 = arith.index_cast %get3A_2500 : i32 to index
        %get3A_2504 = arith.constant 0 : index
        %get3A_2505 = tpu.vector_load %arg4[%get3A_2501, %get3A_2502, %get3A_2503, %get3A_2504] {strides = array<i32>} : memref<32x1x8x16xi32, #tpu.memory_space<vmem>>, vector<16xi32>,
        %ge3A_2506 = arith.cmpi sge, %get3A_2505, %xor3A_52 : vector<16xi32>
        %convert_element_type3A_2507 = arith.extui %ge3A_2506 : vector<16xi1> to vector<16xi32>
        %add3A_2508 = arith.addi %add3A_2420, %convert_element_type3A_2507 : vector<16xi32>
        %get3A_2509 = arith.constant 27 : i32
        %get3A_2510 = arith.constant 0 : i32
        %get3A_2511 = arith.constant 6 : i32
        %get3A_2512 = arith.index_cast %get3A_2509 : i32 to index
        %get3A_2513 = arith.index_cast %get3A_2510 : i32 to index
        %get3A_2514 = arith.index_cast %get3A_2511 : i32 to index
        %get3A_2515 = arith.constant 0 : index
        %get3A_2516 = tpu.vector_load %arg4[%get3A_2512, %get3A_2513, %get3A_2514, %get3A_2515] {strides = array<i32>} : memref<32x1x8x16xi32, #tpu.memory_space<vmem>>, vector<16xi32>,
        %ge3A_2517 = arith.cmpi sge, %get3A_2516, %xor3A_52 : vector<16xi32>
        %convert_element_type3A_2518 = arith.extui %ge3A_2517 : vector<16xi1> to vector<16xi32>
        %add3A_2519 = arith.addi %add3A_2431, %convert_element_type3A_2518 : vector<16xi32>
        %get3A_2520 = arith.constant 27 : i32
        %get3A_2521 = arith.constant 0 : i32
        %get3A_2522 = arith.constant 7 : i32
        %get3A_2523 = arith.index_cast %get3A_2520 : i32 to index
        %get3A_2524 = arith.index_cast %get3A_2521 : i32 to index
        %get3A_2525 = arith.index_cast %get3A_2522 : i32 to index
        %get3A_2526 = arith.constant 0 : index
        %get3A_2527 = tpu.vector_load %arg4[%get3A_2523, %get3A_2524, %get3A_2525, %get3A_2526] {strides = array<i32>} : memref<32x1x8x16xi32, #tpu.memory_space<vmem>>, vector<16xi32>,
        %ge3A_2528 = arith.cmpi sge, %get3A_2527, %xor3A_52 : vector<16xi32>
        %convert_element_type3A_2529 = arith.extui %ge3A_2528 : vector<16xi1> to vector<16xi32>
        %add3A_2530 = arith.addi %add3A_2442, %convert_element_type3A_2529 : vector<16xi32>
        %get3A_2531 = arith.constant 28 : i32
        %get3A_2532 = arith.constant 0 : i32
        %get3A_2533 = arith.constant 0 : i32
        %get3A_2534 = arith.index_cast %get3A_2531 : i32 to index
        %get3A_2535 = arith.index_cast %get3A_2532 : i32 to index
        %get3A_2536 = arith.index_cast %get3A_2533 : i32 to index
        %get3A_2537 = arith.constant 0 : index
        %get3A_2538 = tpu.vector_load %arg4[%get3A_2534, %get3A_2535, %get3A_2536, %get3A_2537] {strides = array<i32>} : memref<32x1x8x16xi32, #tpu.memory_space<vmem>>, vector<16xi32>,
        %ge3A_2539 = arith.cmpi sge, %get3A_2538, %xor3A_52 : vector<16xi32>
        %convert_element_type3A_2540 = arith.extui %ge3A_2539 : vector<16xi1> to vector<16xi32>
        %add3A_2541 = arith.addi %add3A_2453, %convert_element_type3A_2540 : vector<16xi32>
        %get3A_2542 = arith.constant 28 : i32
        %get3A_2543 = arith.constant 0 : i32
        %get3A_2544 = arith.constant 1 : i32
        %get3A_2545 = arith.index_cast %get3A_2542 : i32 to index
        %get3A_2546 = arith.index_cast %get3A_2543 : i32 to index
        %get3A_2547 = arith.index_cast %get3A_2544 : i32 to index
        %get3A_2548 = arith.constant 0 : index
        %get3A_2549 = tpu.vector_load %arg4[%get3A_2545, %get3A_2546, %get3A_2547, %get3A_2548] {strides = array<i32>} : memref<32x1x8x16xi32, #tpu.memory_space<vmem>>, vector<16xi32>,
        %ge3A_2550 = arith.cmpi sge, %get3A_2549, %xor3A_52 : vector<16xi32>
        %convert_element_type3A_2551 = arith.extui %ge3A_2550 : vector<16xi1> to vector<16xi32>
        %add3A_2552 = arith.addi %add3A_2464, %convert_element_type3A_2551 : vector<16xi32>
        %get3A_2553 = arith.constant 28 : i32
        %get3A_2554 = arith.constant 0 : i32
        %get3A_2555 = arith.constant 2 : i32
        %get3A_2556 = arith.index_cast %get3A_2553 : i32 to index
        %get3A_2557 = arith.index_cast %get3A_2554 : i32 to index
        %get3A_2558 = arith.index_cast %get3A_2555 : i32 to index
        %get3A_2559 = arith.constant 0 : index
        %get3A_2560 = tpu.vector_load %arg4[%get3A_2556, %get3A_2557, %get3A_2558, %get3A_2559] {strides = array<i32>} : memref<32x1x8x16xi32, #tpu.memory_space<vmem>>, vector<16xi32>,
        %ge3A_2561 = arith.cmpi sge, %get3A_2560, %xor3A_52 : vector<16xi32>
        %convert_element_type3A_2562 = arith.extui %ge3A_2561 : vector<16xi1> to vector<16xi32>
        %add3A_2563 = arith.addi %add3A_2475, %convert_element_type3A_2562 : vector<16xi32>
        %get3A_2564 = arith.constant 28 : i32
        %get3A_2565 = arith.constant 0 : i32
        %get3A_2566 = arith.constant 3 : i32
        %get3A_2567 = arith.index_cast %get3A_2564 : i32 to index
        %get3A_2568 = arith.index_cast %get3A_2565 : i32 to index
        %get3A_2569 = arith.index_cast %get3A_2566 : i32 to index
        %get3A_2570 = arith.constant 0 : index
        %get3A_2571 = tpu.vector_load %arg4[%get3A_2567, %get3A_2568, %get3A_2569, %get3A_2570] {strides = array<i32>} : memref<32x1x8x16xi32, #tpu.memory_space<vmem>>, vector<16xi32>,
        %ge3A_2572 = arith.cmpi sge, %get3A_2571, %xor3A_52 : vector<16xi32>
        %convert_element_type3A_2573 = arith.extui %ge3A_2572 : vector<16xi1> to vector<16xi32>
        %add3A_2574 = arith.addi %add3A_2486, %convert_element_type3A_2573 : vector<16xi32>
        %get3A_2575 = arith.constant 28 : i32
        %get3A_2576 = arith.constant 0 : i32
        %get3A_2577 = arith.constant 4 : i32
        %get3A_2578 = arith.index_cast %get3A_2575 : i32 to index
        %get3A_2579 = arith.index_cast %get3A_2576 : i32 to index
        %get3A_2580 = arith.index_cast %get3A_2577 : i32 to index
        %get3A_2581 = arith.constant 0 : index
        %get3A_2582 = tpu.vector_load %arg4[%get3A_2578, %get3A_2579, %get3A_2580, %get3A_2581] {strides = array<i32>} : memref<32x1x8x16xi32, #tpu.memory_space<vmem>>, vector<16xi32>,
        %ge3A_2583 = arith.cmpi sge, %get3A_2582, %xor3A_52 : vector<16xi32>
        %convert_element_type3A_2584 = arith.extui %ge3A_2583 : vector<16xi1> to vector<16xi32>
        %add3A_2585 = arith.addi %add3A_2497, %convert_element_type3A_2584 : vector<16xi32>
        %get3A_2586 = arith.constant 28 : i32
        %get3A_2587 = arith.constant 0 : i32
        %get3A_2588 = arith.constant 5 : i32
        %get3A_2589 = arith.index_cast %get3A_2586 : i32 to index
        %get3A_2590 = arith.index_cast %get3A_2587 : i32 to index
        %get3A_2591 = arith.index_cast %get3A_2588 : i32 to index
        %get3A_2592 = arith.constant 0 : index
        %get3A_2593 = tpu.vector_load %arg4[%get3A_2589, %get3A_2590, %get3A_2591, %get3A_2592] {strides = array<i32>} : memref<32x1x8x16xi32, #tpu.memory_space<vmem>>, vector<16xi32>,
        %ge3A_2594 = arith.cmpi sge, %get3A_2593, %xor3A_52 : vector<16xi32>
        %convert_element_type3A_2595 = arith.extui %ge3A_2594 : vector<16xi1> to vector<16xi32>
        %add3A_2596 = arith.addi %add3A_2508, %convert_element_type3A_2595 : vector<16xi32>
        %get3A_2597 = arith.constant 28 : i32
        %get3A_2598 = arith.constant 0 : i32
        %get3A_2599 = arith.constant 6 : i32
        %get3A_2600 = arith.index_cast %get3A_2597 : i32 to index
        %get3A_2601 = arith.index_cast %get3A_2598 : i32 to index
        %get3A_2602 = arith.index_cast %get3A_2599 : i32 to index
        %get3A_2603 = arith.constant 0 : index
        %get3A_2604 = tpu.vector_load %arg4[%get3A_2600, %get3A_2601, %get3A_2602, %get3A_2603] {strides = array<i32>} : memref<32x1x8x16xi32, #tpu.memory_space<vmem>>, vector<16xi32>,
        %ge3A_2605 = arith.cmpi sge, %get3A_2604, %xor3A_52 : vector<16xi32>
        %convert_element_type3A_2606 = arith.extui %ge3A_2605 : vector<16xi1> to vector<16xi32>
        %add3A_2607 = arith.addi %add3A_2519, %convert_element_type3A_2606 : vector<16xi32>
        %get3A_2608 = arith.constant 28 : i32
        %get3A_2609 = arith.constant 0 : i32
        %get3A_2610 = arith.constant 7 : i32
        %get3A_2611 = arith.index_cast %get3A_2608 : i32 to index
        %get3A_2612 = arith.index_cast %get3A_2609 : i32 to index
        %get3A_2613 = arith.index_cast %get3A_2610 : i32 to index
        %get3A_2614 = arith.constant 0 : index
        %get3A_2615 = tpu.vector_load %arg4[%get3A_2611, %get3A_2612, %get3A_2613, %get3A_2614] {strides = array<i32>} : memref<32x1x8x16xi32, #tpu.memory_space<vmem>>, vector<16xi32>,
        %ge3A_2616 = arith.cmpi sge, %get3A_2615, %xor3A_52 : vector<16xi32>
        %convert_element_type3A_2617 = arith.extui %ge3A_2616 : vector<16xi1> to vector<16xi32>
        %add3A_2618 = arith.addi %add3A_2530, %convert_element_type3A_2617 : vector<16xi32>
        %get3A_2619 = arith.constant 29 : i32
        %get3A_2620 = arith.constant 0 : i32
        %get3A_2621 = arith.constant 0 : i32
        %get3A_2622 = arith.index_cast %get3A_2619 : i32 to index
        %get3A_2623 = arith.index_cast %get3A_2620 : i32 to index
        %get3A_2624 = arith.index_cast %get3A_2621 : i32 to index
        %get3A_2625 = arith.constant 0 : index
        %get3A_2626 = tpu.vector_load %arg4[%get3A_2622, %get3A_2623, %get3A_2624, %get3A_2625] {strides = array<i32>} : memref<32x1x8x16xi32, #tpu.memory_space<vmem>>, vector<16xi32>,
        %ge3A_2627 = arith.cmpi sge, %get3A_2626, %xor3A_52 : vector<16xi32>
        %convert_element_type3A_2628 = arith.extui %ge3A_2627 : vector<16xi1> to vector<16xi32>
        %add3A_2629 = arith.addi %add3A_2541, %convert_element_type3A_2628 : vector<16xi32>
        %get3A_2630 = arith.constant 29 : i32
        %get3A_2631 = arith.constant 0 : i32
        %get3A_2632 = arith.constant 1 : i32
        %get3A_2633 = arith.index_cast %get3A_2630 : i32 to index
        %get3A_2634 = arith.index_cast %get3A_2631 : i32 to index
        %get3A_2635 = arith.index_cast %get3A_2632 : i32 to index
        %get3A_2636 = arith.constant 0 : index
        %get3A_2637 = tpu.vector_load %arg4[%get3A_2633, %get3A_2634, %get3A_2635, %get3A_2636] {strides = array<i32>} : memref<32x1x8x16xi32, #tpu.memory_space<vmem>>, vector<16xi32>,
        %ge3A_2638 = arith.cmpi sge, %get3A_2637, %xor3A_52 : vector<16xi32>
        %convert_element_type3A_2639 = arith.extui %ge3A_2638 : vector<16xi1> to vector<16xi32>
        %add3A_2640 = arith.addi %add3A_2552, %convert_element_type3A_2639 : vector<16xi32>
        %get3A_2641 = arith.constant 29 : i32
        %get3A_2642 = arith.constant 0 : i32
        %get3A_2643 = arith.constant 2 : i32
        %get3A_2644 = arith.index_cast %get3A_2641 : i32 to index
        %get3A_2645 = arith.index_cast %get3A_2642 : i32 to index
        %get3A_2646 = arith.index_cast %get3A_2643 : i32 to index
        %get3A_2647 = arith.constant 0 : index
        %get3A_2648 = tpu.vector_load %arg4[%get3A_2644, %get3A_2645, %get3A_2646, %get3A_2647] {strides = array<i32>} : memref<32x1x8x16xi32, #tpu.memory_space<vmem>>, vector<16xi32>,
        %ge3A_2649 = arith.cmpi sge, %get3A_2648, %xor3A_52 : vector<16xi32>
        %convert_element_type3A_2650 = arith.extui %ge3A_2649 : vector<16xi1> to vector<16xi32>
        %add3A_2651 = arith.addi %add3A_2563, %convert_element_type3A_2650 : vector<16xi32>
        %get3A_2652 = arith.constant 29 : i32
        %get3A_2653 = arith.constant 0 : i32
        %get3A_2654 = arith.constant 3 : i32
        %get3A_2655 = arith.index_cast %get3A_2652 : i32 to index
        %get3A_2656 = arith.index_cast %get3A_2653 : i32 to index
        %get3A_2657 = arith.index_cast %get3A_2654 : i32 to index
        %get3A_2658 = arith.constant 0 : index
        %get3A_2659 = tpu.vector_load %arg4[%get3A_2655, %get3A_2656, %get3A_2657, %get3A_2658] {strides = array<i32>} : memref<32x1x8x16xi32, #tpu.memory_space<vmem>>, vector<16xi32>,
        %ge3A_2660 = arith.cmpi sge, %get3A_2659, %xor3A_52 : vector<16xi32>
        %convert_element_type3A_2661 = arith.extui %ge3A_2660 : vector<16xi1> to vector<16xi32>
        %add3A_2662 = arith.addi %add3A_2574, %convert_element_type3A_2661 : vector<16xi32>
        %get3A_2663 = arith.constant 29 : i32
        %get3A_2664 = arith.constant 0 : i32
        %get3A_2665 = arith.constant 4 : i32
        %get3A_2666 = arith.index_cast %get3A_2663 : i32 to index
        %get3A_2667 = arith.index_cast %get3A_2664 : i32 to index
        %get3A_2668 = arith.index_cast %get3A_2665 : i32 to index
        %get3A_2669 = arith.constant 0 : index
        %get3A_2670 = tpu.vector_load %arg4[%get3A_2666, %get3A_2667, %get3A_2668, %get3A_2669] {strides = array<i32>} : memref<32x1x8x16xi32, #tpu.memory_space<vmem>>, vector<16xi32>,
        %ge3A_2671 = arith.cmpi sge, %get3A_2670, %xor3A_52 : vector<16xi32>
        %convert_element_type3A_2672 = arith.extui %ge3A_2671 : vector<16xi1> to vector<16xi32>
        %add3A_2673 = arith.addi %add3A_2585, %convert_element_type3A_2672 : vector<16xi32>
        %get3A_2674 = arith.constant 29 : i32
        %get3A_2675 = arith.constant 0 : i32
        %get3A_2676 = arith.constant 5 : i32
        %get3A_2677 = arith.index_cast %get3A_2674 : i32 to index
        %get3A_2678 = arith.index_cast %get3A_2675 : i32 to index
        %get3A_2679 = arith.index_cast %get3A_2676 : i32 to index
        %get3A_2680 = arith.constant 0 : index
        %get3A_2681 = tpu.vector_load %arg4[%get3A_2677, %get3A_2678, %get3A_2679, %get3A_2680] {strides = array<i32>} : memref<32x1x8x16xi32, #tpu.memory_space<vmem>>, vector<16xi32>,
        %ge3A_2682 = arith.cmpi sge, %get3A_2681, %xor3A_52 : vector<16xi32>
        %convert_element_type3A_2683 = arith.extui %ge3A_2682 : vector<16xi1> to vector<16xi32>
        %add3A_2684 = arith.addi %add3A_2596, %convert_element_type3A_2683 : vector<16xi32>
        %get3A_2685 = arith.constant 29 : i32
        %get3A_2686 = arith.constant 0 : i32
        %get3A_2687 = arith.constant 6 : i32
        %get3A_2688 = arith.index_cast %get3A_2685 : i32 to index
        %get3A_2689 = arith.index_cast %get3A_2686 : i32 to index
        %get3A_2690 = arith.index_cast %get3A_2687 : i32 to index
        %get3A_2691 = arith.constant 0 : index
        %get3A_2692 = tpu.vector_load %arg4[%get3A_2688, %get3A_2689, %get3A_2690, %get3A_2691] {strides = array<i32>} : memref<32x1x8x16xi32, #tpu.memory_space<vmem>>, vector<16xi32>,
        %ge3A_2693 = arith.cmpi sge, %get3A_2692, %xor3A_52 : vector<16xi32>
        %convert_element_type3A_2694 = arith.extui %ge3A_2693 : vector<16xi1> to vector<16xi32>
        %add3A_2695 = arith.addi %add3A_2607, %convert_element_type3A_2694 : vector<16xi32>
        %get3A_2696 = arith.constant 29 : i32
        %get3A_2697 = arith.constant 0 : i32
        %get3A_2698 = arith.constant 7 : i32
        %get3A_2699 = arith.index_cast %get3A_2696 : i32 to index
        %get3A_2700 = arith.index_cast %get3A_2697 : i32 to index
        %get3A_2701 = arith.index_cast %get3A_2698 : i32 to index
        %get3A_2702 = arith.constant 0 : index
        %get3A_2703 = tpu.vector_load %arg4[%get3A_2699, %get3A_2700, %get3A_2701, %get3A_2702] {strides = array<i32>} : memref<32x1x8x16xi32, #tpu.memory_space<vmem>>, vector<16xi32>,
        %ge3A_2704 = arith.cmpi sge, %get3A_2703, %xor3A_52 : vector<16xi32>
        %convert_element_type3A_2705 = arith.extui %ge3A_2704 : vector<16xi1> to vector<16xi32>
        %add3A_2706 = arith.addi %add3A_2618, %convert_element_type3A_2705 : vector<16xi32>
        %get3A_2707 = arith.constant 30 : i32
        %get3A_2708 = arith.constant 0 : i32
        %get3A_2709 = arith.constant 0 : i32
        %get3A_2710 = arith.index_cast %get3A_2707 : i32 to index
        %get3A_2711 = arith.index_cast %get3A_2708 : i32 to index
        %get3A_2712 = arith.index_cast %get3A_2709 : i32 to index
        %get3A_2713 = arith.constant 0 : index
        %get3A_2714 = tpu.vector_load %arg4[%get3A_2710, %get3A_2711, %get3A_2712, %get3A_2713] {strides = array<i32>} : memref<32x1x8x16xi32, #tpu.memory_space<vmem>>, vector<16xi32>,
        %ge3A_2715 = arith.cmpi sge, %get3A_2714, %xor3A_52 : vector<16xi32>
        %convert_element_type3A_2716 = arith.extui %ge3A_2715 : vector<16xi1> to vector<16xi32>
        %add3A_2717 = arith.addi %add3A_2629, %convert_element_type3A_2716 : vector<16xi32>
        %get3A_2718 = arith.constant 30 : i32
        %get3A_2719 = arith.constant 0 : i32
        %get3A_2720 = arith.constant 1 : i32
        %get3A_2721 = arith.index_cast %get3A_2718 : i32 to index
        %get3A_2722 = arith.index_cast %get3A_2719 : i32 to index
        %get3A_2723 = arith.index_cast %get3A_2720 : i32 to index
        %get3A_2724 = arith.constant 0 : index
        %get3A_2725 = tpu.vector_load %arg4[%get3A_2721, %get3A_2722, %get3A_2723, %get3A_2724] {strides = array<i32>} : memref<32x1x8x16xi32, #tpu.memory_space<vmem>>, vector<16xi32>,
        %ge3A_2726 = arith.cmpi sge, %get3A_2725, %xor3A_52 : vector<16xi32>
        %convert_element_type3A_2727 = arith.extui %ge3A_2726 : vector<16xi1> to vector<16xi32>
        %add3A_2728 = arith.addi %add3A_2640, %convert_element_type3A_2727 : vector<16xi32>
        %get3A_2729 = arith.constant 30 : i32
        %get3A_2730 = arith.constant 0 : i32
        %get3A_2731 = arith.constant 2 : i32
        %get3A_2732 = arith.index_cast %get3A_2729 : i32 to index
        %get3A_2733 = arith.index_cast %get3A_2730 : i32 to index
        %get3A_2734 = arith.index_cast %get3A_2731 : i32 to index
        %get3A_2735 = arith.constant 0 : index
        %get3A_2736 = tpu.vector_load %arg4[%get3A_2732, %get3A_2733, %get3A_2734, %get3A_2735] {strides = array<i32>} : memref<32x1x8x16xi32, #tpu.memory_space<vmem>>, vector<16xi32>,
        %ge3A_2737 = arith.cmpi sge, %get3A_2736, %xor3A_52 : vector<16xi32>
        %convert_element_type3A_2738 = arith.extui %ge3A_2737 : vector<16xi1> to vector<16xi32>
        %add3A_2739 = arith.addi %add3A_2651, %convert_element_type3A_2738 : vector<16xi32>
        %get3A_2740 = arith.constant 30 : i32
        %get3A_2741 = arith.constant 0 : i32
        %get3A_2742 = arith.constant 3 : i32
        %get3A_2743 = arith.index_cast %get3A_2740 : i32 to index
        %get3A_2744 = arith.index_cast %get3A_2741 : i32 to index
        %get3A_2745 = arith.index_cast %get3A_2742 : i32 to index
        %get3A_2746 = arith.constant 0 : index
        %get3A_2747 = tpu.vector_load %arg4[%get3A_2743, %get3A_2744, %get3A_2745, %get3A_2746] {strides = array<i32>} : memref<32x1x8x16xi32, #tpu.memory_space<vmem>>, vector<16xi32>,
        %ge3A_2748 = arith.cmpi sge, %get3A_2747, %xor3A_52 : vector<16xi32>
        %convert_element_type3A_2749 = arith.extui %ge3A_2748 : vector<16xi1> to vector<16xi32>
        %add3A_2750 = arith.addi %add3A_2662, %convert_element_type3A_2749 : vector<16xi32>
        %get3A_2751 = arith.constant 30 : i32
        %get3A_2752 = arith.constant 0 : i32
        %get3A_2753 = arith.constant 4 : i32
        %get3A_2754 = arith.index_cast %get3A_2751 : i32 to index
        %get3A_2755 = arith.index_cast %get3A_2752 : i32 to index
        %get3A_2756 = arith.index_cast %get3A_2753 : i32 to index
        %get3A_2757 = arith.constant 0 : index
        %get3A_2758 = tpu.vector_load %arg4[%get3A_2754, %get3A_2755, %get3A_2756, %get3A_2757] {strides = array<i32>} : memref<32x1x8x16xi32, #tpu.memory_space<vmem>>, vector<16xi32>,
        %ge3A_2759 = arith.cmpi sge, %get3A_2758, %xor3A_52 : vector<16xi32>
        %convert_element_type3A_2760 = arith.extui %ge3A_2759 : vector<16xi1> to vector<16xi32>
        %add3A_2761 = arith.addi %add3A_2673, %convert_element_type3A_2760 : vector<16xi32>
        %get3A_2762 = arith.constant 30 : i32
        %get3A_2763 = arith.constant 0 : i32
        %get3A_2764 = arith.constant 5 : i32
        %get3A_2765 = arith.index_cast %get3A_2762 : i32 to index
        %get3A_2766 = arith.index_cast %get3A_2763 : i32 to index
        %get3A_2767 = arith.index_cast %get3A_2764 : i32 to index
        %get3A_2768 = arith.constant 0 : index
        %get3A_2769 = tpu.vector_load %arg4[%get3A_2765, %get3A_2766, %get3A_2767, %get3A_2768] {strides = array<i32>} : memref<32x1x8x16xi32, #tpu.memory_space<vmem>>, vector<16xi32>,
        %ge3A_2770 = arith.cmpi sge, %get3A_2769, %xor3A_52 : vector<16xi32>
        %convert_element_type3A_2771 = arith.extui %ge3A_2770 : vector<16xi1> to vector<16xi32>
        %add3A_2772 = arith.addi %add3A_2684, %convert_element_type3A_2771 : vector<16xi32>
        %get3A_2773 = arith.constant 30 : i32
        %get3A_2774 = arith.constant 0 : i32
        %get3A_2775 = arith.constant 6 : i32
        %get3A_2776 = arith.index_cast %get3A_2773 : i32 to index
        %get3A_2777 = arith.index_cast %get3A_2774 : i32 to index
        %get3A_2778 = arith.index_cast %get3A_2775 : i32 to index
        %get3A_2779 = arith.constant 0 : index
        %get3A_2780 = tpu.vector_load %arg4[%get3A_2776, %get3A_2777, %get3A_2778, %get3A_2779] {strides = array<i32>} : memref<32x1x8x16xi32, #tpu.memory_space<vmem>>, vector<16xi32>,
        %ge3A_2781 = arith.cmpi sge, %get3A_2780, %xor3A_52 : vector<16xi32>
        %convert_element_type3A_2782 = arith.extui %ge3A_2781 : vector<16xi1> to vector<16xi32>
        %add3A_2783 = arith.addi %add3A_2695, %convert_element_type3A_2782 : vector<16xi32>
        %get3A_2784 = arith.constant 30 : i32
        %get3A_2785 = arith.constant 0 : i32
        %get3A_2786 = arith.constant 7 : i32
        %get3A_2787 = arith.index_cast %get3A_2784 : i32 to index
        %get3A_2788 = arith.index_cast %get3A_2785 : i32 to index
        %get3A_2789 = arith.index_cast %get3A_2786 : i32 to index
        %get3A_2790 = arith.constant 0 : index
        %get3A_2791 = tpu.vector_load %arg4[%get3A_2787, %get3A_2788, %get3A_2789, %get3A_2790] {strides = array<i32>} : memref<32x1x8x16xi32, #tpu.memory_space<vmem>>, vector<16xi32>,
        %ge3A_2792 = arith.cmpi sge, %get3A_2791, %xor3A_52 : vector<16xi32>
        %convert_element_type3A_2793 = arith.extui %ge3A_2792 : vector<16xi1> to vector<16xi32>
        %add3A_2794 = arith.addi %add3A_2706, %convert_element_type3A_2793 : vector<16xi32>
        %get3A_2795 = arith.constant 31 : i32
        %get3A_2796 = arith.constant 0 : i32
        %get3A_2797 = arith.constant 0 : i32
        %get3A_2798 = arith.index_cast %get3A_2795 : i32 to index
        %get3A_2799 = arith.index_cast %get3A_2796 : i32 to index
        %get3A_2800 = arith.index_cast %get3A_2797 : i32 to index
        %get3A_2801 = arith.constant 0 : index
        %get3A_2802 = tpu.vector_load %arg4[%get3A_2798, %get3A_2799, %get3A_2800, %get3A_2801] {strides = array<i32>} : memref<32x1x8x16xi32, #tpu.memory_space<vmem>>, vector<16xi32>,
        %ge3A_2803 = arith.cmpi sge, %get3A_2802, %xor3A_52 : vector<16xi32>
        %convert_element_type3A_2804 = arith.extui %ge3A_2803 : vector<16xi1> to vector<16xi32>
        %add3A_2805 = arith.addi %add3A_2717, %convert_element_type3A_2804 : vector<16xi32>
        %get3A_2806 = arith.constant 31 : i32
        %get3A_2807 = arith.constant 0 : i32
        %get3A_2808 = arith.constant 1 : i32
        %get3A_2809 = arith.index_cast %get3A_2806 : i32 to index
        %get3A_2810 = arith.index_cast %get3A_2807 : i32 to index
        %get3A_2811 = arith.index_cast %get3A_2808 : i32 to index
        %get3A_2812 = arith.constant 0 : index
        %get3A_2813 = tpu.vector_load %arg4[%get3A_2809, %get3A_2810, %get3A_2811, %get3A_2812] {strides = array<i32>} : memref<32x1x8x16xi32, #tpu.memory_space<vmem>>, vector<16xi32>,
        %ge3A_2814 = arith.cmpi sge, %get3A_2813, %xor3A_52 : vector<16xi32>
        %convert_element_type3A_2815 = arith.extui %ge3A_2814 : vector<16xi1> to vector<16xi32>
        %add3A_2816 = arith.addi %add3A_2728, %convert_element_type3A_2815 : vector<16xi32>
        %get3A_2817 = arith.constant 31 : i32
        %get3A_2818 = arith.constant 0 : i32
        %get3A_2819 = arith.constant 2 : i32
        %get3A_2820 = arith.index_cast %get3A_2817 : i32 to index
        %get3A_2821 = arith.index_cast %get3A_2818 : i32 to index
        %get3A_2822 = arith.index_cast %get3A_2819 : i32 to index
        %get3A_2823 = arith.constant 0 : index
        %get3A_2824 = tpu.vector_load %arg4[%get3A_2820, %get3A_2821, %get3A_2822, %get3A_2823] {strides = array<i32>} : memref<32x1x8x16xi32, #tpu.memory_space<vmem>>, vector<16xi32>,
        %ge3A_2825 = arith.cmpi sge, %get3A_2824, %xor3A_52 : vector<16xi32>
        %convert_element_type3A_2826 = arith.extui %ge3A_2825 : vector<16xi1> to vector<16xi32>
        %add3A_2827 = arith.addi %add3A_2739, %convert_element_type3A_2826 : vector<16xi32>
        %get3A_2828 = arith.constant 31 : i32
        %get3A_2829 = arith.constant 0 : i32
        %get3A_2830 = arith.constant 3 : i32
        %get3A_2831 = arith.index_cast %get3A_2828 : i32 to index
        %get3A_2832 = arith.index_cast %get3A_2829 : i32 to index
        %get3A_2833 = arith.index_cast %get3A_2830 : i32 to index
        %get3A_2834 = arith.constant 0 : index
        %get3A_2835 = tpu.vector_load %arg4[%get3A_2831, %get3A_2832, %get3A_2833, %get3A_2834] {strides = array<i32>} : memref<32x1x8x16xi32, #tpu.memory_space<vmem>>, vector<16xi32>,
        %ge3A_2836 = arith.cmpi sge, %get3A_2835, %xor3A_52 : vector<16xi32>
        %convert_element_type3A_2837 = arith.extui %ge3A_2836 : vector<16xi1> to vector<16xi32>
        %add3A_2838 = arith.addi %add3A_2750, %convert_element_type3A_2837 : vector<16xi32>
        %get3A_2839 = arith.constant 31 : i32
        %get3A_2840 = arith.constant 0 : i32
        %get3A_2841 = arith.constant 4 : i32
        %get3A_2842 = arith.index_cast %get3A_2839 : i32 to index
        %get3A_2843 = arith.index_cast %get3A_2840 : i32 to index
        %get3A_2844 = arith.index_cast %get3A_2841 : i32 to index
        %get3A_2845 = arith.constant 0 : index
        %get3A_2846 = tpu.vector_load %arg4[%get3A_2842, %get3A_2843, %get3A_2844, %get3A_2845] {strides = array<i32>} : memref<32x1x8x16xi32, #tpu.memory_space<vmem>>, vector<16xi32>,
        %ge3A_2847 = arith.cmpi sge, %get3A_2846, %xor3A_52 : vector<16xi32>
        %convert_element_type3A_2848 = arith.extui %ge3A_2847 : vector<16xi1> to vector<16xi32>
        %add3A_2849 = arith.addi %add3A_2761, %convert_element_type3A_2848 : vector<16xi32>
        %get3A_2850 = arith.constant 31 : i32
        %get3A_2851 = arith.constant 0 : i32
        %get3A_2852 = arith.constant 5 : i32
        %get3A_2853 = arith.index_cast %get3A_2850 : i32 to index
        %get3A_2854 = arith.index_cast %get3A_2851 : i32 to index
        %get3A_2855 = arith.index_cast %get3A_2852 : i32 to index
        %get3A_2856 = arith.constant 0 : index
        %get3A_2857 = tpu.vector_load %arg4[%get3A_2853, %get3A_2854, %get3A_2855, %get3A_2856] {strides = array<i32>} : memref<32x1x8x16xi32, #tpu.memory_space<vmem>>, vector<16xi32>,
        %ge3A_2858 = arith.cmpi sge, %get3A_2857, %xor3A_52 : vector<16xi32>
        %convert_element_type3A_2859 = arith.extui %ge3A_2858 : vector<16xi1> to vector<16xi32>
        %add3A_2860 = arith.addi %add3A_2772, %convert_element_type3A_2859 : vector<16xi32>
        %get3A_2861 = arith.constant 31 : i32
        %get3A_2862 = arith.constant 0 : i32
        %get3A_2863 = arith.constant 6 : i32
        %get3A_2864 = arith.index_cast %get3A_2861 : i32 to index
        %get3A_2865 = arith.index_cast %get3A_2862 : i32 to index
        %get3A_2866 = arith.index_cast %get3A_2863 : i32 to index
        %get3A_2867 = arith.constant 0 : index
        %get3A_2868 = tpu.vector_load %arg4[%get3A_2864, %get3A_2865, %get3A_2866, %get3A_2867] {strides = array<i32>} : memref<32x1x8x16xi32, #tpu.memory_space<vmem>>, vector<16xi32>,
        %ge3A_2869 = arith.cmpi sge, %get3A_2868, %xor3A_52 : vector<16xi32>
        %convert_element_type3A_2870 = arith.extui %ge3A_2869 : vector<16xi1> to vector<16xi32>
        %add3A_2871 = arith.addi %add3A_2783, %convert_element_type3A_2870 : vector<16xi32>
        %get3A_2872 = arith.constant 31 : i32
        %get3A_2873 = arith.constant 0 : i32
        %get3A_2874 = arith.constant 7 : i32
        %get3A_2875 = arith.index_cast %get3A_2872 : i32 to index
        %get3A_2876 = arith.index_cast %get3A_2873 : i32 to index
        %get3A_2877 = arith.index_cast %get3A_2874 : i32 to index
        %get3A_2878 = arith.constant 0 : index
        %get3A_2879 = tpu.vector_load %arg4[%get3A_2875, %get3A_2876, %get3A_2877, %get3A_2878] {strides = array<i32>} : memref<32x1x8x16xi32, #tpu.memory_space<vmem>>, vector<16xi32>,
        %ge3A_2880 = arith.cmpi sge, %get3A_2879, %xor3A_52 : vector<16xi32>
        %convert_element_type3A_2881 = arith.extui %ge3A_2880 : vector<16xi1> to vector<16xi32>
        %add3A_2882 = arith.addi %add3A_2794, %convert_element_type3A_2881 : vector<16xi32>
        %add3A_2883 = arith.addi %add3A_2805, %add3A_2816 : vector<16xi32>
        %add3A_2884 = arith.addi %add3A_2827, %add3A_2838 : vector<16xi32>
        %add3A_2885 = arith.addi %add3A_2849, %add3A_2860 : vector<16xi32>
        %add3A_2886 = arith.addi %add3A_2871, %add3A_2882 : vector<16xi32>
        %add3A_2887 = arith.addi %add3A_2883, %add3A_2884 : vector<16xi32>
        %add3A_2888 = arith.addi %add3A_2885, %add3A_2886 : vector<16xi32>
        %add3A_2889 = arith.addi %add3A_2887, %add3A_2888 : vector<16xi32>
        %ge3A_2890 = arith.constant 76 : i32
        %ge3A_2891 = vector.broadcast %ge3A_2890 : i32 to vector<16xi32>
        %ge3A_2892 = arith.cmpi sge, %add3A_2889, %ge3A_2891 : vector<16xi32>
        %select_n3A_2893 = arith.select %ge3A_2892, %or3A_49, %scan3A_45 : vector<16xi1>, vector<16xi32>
        scf.yield %select_n3A_2893 : vector<16xi32>
      }
      %scan3A_40 = arith.constant 32 : i32
      %xor3A = arith.constant -2147483648 : i32
      %xor3A_41 = vector.broadcast %xor3A : i32 to vector<16xi32>
      %xor3A_42 = arith.xori %scan3A_39, %xor3A_41 : vector<16xi32>
      %swap3A = arith.constant 0 : index
      %swap3A_43 = tpu.vector_load %arg5[%swap3A] {strides = array<i32>} : memref<16xi32, #tpu.memory_space<vmem>>, vector<16xi32>,
      tpu.vector_store %arg5[%swap3A], %xor3A_42 {strides = array<i32>} : memref<16xi32, #tpu.memory_space<vmem>>, vector<16xi32>,
      "tpu.region"() ({
        %run_scoped3A = tpu.sem_alloc : memref<!tpu.dma_semaphore, #tpu.memory_space<semaphore_mem>>
        %dma_start3A = tpu.memref_slice %arg3[%mul3A_2] : memref<256xi32, #tpu.memory_space<hbm>> -> memref<16xi32, #tpu.memory_space<hbm>>
        %dma_start3A_44 = tpu.memref_slice %arg3[%mul3A_2] : memref<256xi32, #tpu.memory_space<hbm>> -> memref<16xi32, #tpu.memory_space<hbm>>
        tpu.enqueue_dma source(%arg5 : memref<16xi32, #tpu.memory_space<vmem>>) target(%dma_start3A_44 : memref<16xi32, #tpu.memory_space<hbm>>) target_semaphore(%run_scoped3A : memref<!tpu.dma_semaphore, #tpu.memory_space<semaphore_mem>>)
        %dma_wait3A = tpu.memref_slice %arg3[%mul3A_2] : memref<256xi32, #tpu.memory_space<hbm>> -> memref<16xi32, #tpu.memory_space<hbm>>
        %dma_wait3A_45 = tpu.memref_slice %arg3[%mul3A_2] : memref<256xi32, #tpu.memory_space<hbm>> -> memref<16xi32, #tpu.memory_space<hbm>>
        tpu.wait_dma2 semaphore(%run_scoped3A : memref<!tpu.dma_semaphore, #tpu.memory_space<semaphore_mem>>) src(%arg5 : memref<16xi32, #tpu.memory_space<vmem>>) dst(%dma_wait3A_45 : memref<16xi32, #tpu.memory_space<hbm>>)
        tpu.yield
      }) : () -> ()
    } else {
    }
    return
  }
}

module attributes {stable_mosaic.version = 14 : i64} {
  func.func @_cos_key_kernel(%arg0: memref<256x64xf32, #tpu.memory_space<vmem>>, %arg1: memref<64x256xf32, #tpu.memory_space<vmem>>, %arg2: memref<256x256xi32, #tpu.memory_space<vmem>>, %arg3: memref<32x2x8x128xi32, #tpu.memory_space<vmem>>) attributes {dimension_semantics = [], scalar_prefetch = 0 : i64, scratch_operands = 0 : i64, tpu.core_type = #tpu.core_type<tc>} {
    %get3A = arith.constant 0 : index
    %get3A_0 = arith.constant 0 : index
    %get3A_1 = vector.load %arg0[%get3A, %get3A_0] : memref<256x64xf32, #tpu.memory_space<vmem>>, vector<256x64xf32>
    %get3A_2 = arith.constant 0 : index
    %get3A_3 = arith.constant 0 : index
    %get3A_4 = vector.load %arg1[%get3A_2, %get3A_3] : memref<64x256xf32, #tpu.memory_space<vmem>>, vector<64x256xf32>
    %dot_general3A = arith.constant dense<0.000000e+00> : vector<256x256xf32>
    %dot_general3A_5 = tpu.matmul %get3A_1, %get3A_1, %dot_general3A {dimension_numbers = #tpu.dot_dimension_numbers<[1], [1], [0], [0], [0, 0, 1, 0], [], []>, transpose_lhs_hint = false} : vector<256x64xf32>, vector<256x64xf32>, vector<256x256xf32> -> vector<256x256xf32>
    %mul3A = arith.mulf %get3A_1, %get3A_1 : vector<256x64xf32>
    %reduce_sum3A = arith.constant dense<0.000000e+00> : vector<256xf32>
    %reduce_sum3A_6 = vector.multi_reduction <add>, %mul3A, %reduce_sum3A [1] : vector<256x64xf32> to vector<256xf32>
    %broadcast_in_dim3A = vector.shape_cast %reduce_sum3A_6 : vector<256xf32> to vector<256x1xf32>
    %mul3A_7 = arith.mulf %get3A_4, %get3A_4 : vector<64x256xf32>
    %reduce_sum3A_8 = arith.constant dense<0.000000e+00> : vector<256xf32>
    %reduce_sum3A_9 = vector.multi_reduction <add>, %mul3A_7, %reduce_sum3A_8 [0] : vector<64x256xf32> to vector<256xf32>
    %broadcast_in_dim3A_10 = vector.shape_cast %reduce_sum3A_9 : vector<256xf32> to vector<1x256xf32>
    %sqrt3A = math.sqrt %broadcast_in_dim3A : vector<256x1xf32>
    %sqrt3A_11 = math.sqrt %broadcast_in_dim3A_10 : vector<1x256xf32>
    %mul3A_12 = vector.broadcast %sqrt3A : vector<256x1xf32> to vector<256x256xf32>
    %mul3A_13 = vector.broadcast %sqrt3A_11 : vector<1x256xf32> to vector<256x256xf32>
    %mul3A_14 = arith.mulf %mul3A_12, %mul3A_13 : vector<256x256xf32>
    %add3A = arith.constant 9.99999993E-9 : f32
    %add3A_15 = vector.broadcast %add3A : f32 to vector<256x256xf32>
    %add3A_16 = arith.addf %mul3A_14, %add3A_15 : vector<256x256xf32>
    %div3A = arith.divf %dot_general3A_5, %add3A_16 : vector<256x256xf32>
    %bitcast_convert_type3A = tpu.bitcast %div3A : vector<256x256xf32> -> vector<256x256xi32>
    %ge3A = arith.constant 0 : i32
    %ge3A_17 = vector.broadcast %ge3A : i32 to vector<256x256xi32>
    %ge3A_18 = arith.cmpi sge, %bitcast_convert_type3A, %ge3A_17 : vector<256x256xi32>
    %xor3A = arith.constant 2147483647 : i32
    %xor3A_19 = vector.broadcast %xor3A : i32 to vector<256x256xi32>
    %xor3A_20 = arith.xori %bitcast_convert_type3A, %xor3A_19 : vector<256x256xi32>
    %select_n3A = arith.select %ge3A_18, %bitcast_convert_type3A, %xor3A_20 : vector<256x256xi1>, vector<256x256xi32>
    %swap3A = arith.constant 0 : index
    %swap3A_21 = arith.constant 0 : index
    %swap3A_22 = vector.load %arg2[%swap3A, %swap3A_21] : memref<256x256xi32, #tpu.memory_space<vmem>>, vector<256x256xi32>
    tpu.vector_store %arg2[%swap3A, %swap3A_21], %select_n3A {strides = array<i32>} : memref<256x256xi32, #tpu.memory_space<vmem>>, vector<256x256xi32>,
    %slice3A = vector.extract_strided_slice %select_n3A {offsets = [0, 0], sizes = [8, 128], strides = [1, 1]} : vector<256x256xi32> to vector<8x128xi32>
    %swap3A_23 = arith.constant 0 : index
    %swap3A_24 = arith.constant 0 : index
    %swap3A_25 = arith.constant 0 : index
    %swap3A_26 = arith.constant 0 : index
    %swap3A_27 = vector.load %arg3[%swap3A_23, %swap3A_24, %swap3A_25, %swap3A_26] : memref<32x2x8x128xi32, #tpu.memory_space<vmem>>, vector<1x1x8x128xi32>
    %swap3A_28 = vector.shape_cast %swap3A_27 : vector<1x1x8x128xi32> to vector<8x128xi32>
    %swap3A_29 = vector.shape_cast %slice3A : vector<8x128xi32> to vector<1x1x8x128xi32>
    tpu.vector_store %arg3[%swap3A_23, %swap3A_24, %swap3A_25, %swap3A_26], %swap3A_29 {strides = array<i32>} : memref<32x2x8x128xi32, #tpu.memory_space<vmem>>, vector<1x1x8x128xi32>,
    %slice3A_30 = vector.extract_strided_slice %select_n3A {offsets = [0, 128], sizes = [8, 128], strides = [1, 1]} : vector<256x256xi32> to vector<8x128xi32>
    %swap3A_31 = arith.constant 0 : index
    %swap3A_32 = arith.constant 1 : index
    %swap3A_33 = arith.constant 0 : index
    %swap3A_34 = arith.constant 0 : index
    %swap3A_35 = vector.load %arg3[%swap3A_31, %swap3A_32, %swap3A_33, %swap3A_34] : memref<32x2x8x128xi32, #tpu.memory_space<vmem>>, vector<1x1x8x128xi32>
    %swap3A_36 = vector.shape_cast %swap3A_35 : vector<1x1x8x128xi32> to vector<8x128xi32>
    %swap3A_37 = vector.shape_cast %slice3A_30 : vector<8x128xi32> to vector<1x1x8x128xi32>
    tpu.vector_store %arg3[%swap3A_31, %swap3A_32, %swap3A_33, %swap3A_34], %swap3A_37 {strides = array<i32>} : memref<32x2x8x128xi32, #tpu.memory_space<vmem>>, vector<1x1x8x128xi32>,
    %slice3A_38 = vector.extract_strided_slice %select_n3A {offsets = [8, 0], sizes = [8, 128], strides = [1, 1]} : vector<256x256xi32> to vector<8x128xi32>
    %swap3A_39 = arith.constant 1 : index
    %swap3A_40 = arith.constant 0 : index
    %swap3A_41 = arith.constant 0 : index
    %swap3A_42 = arith.constant 0 : index
    %swap3A_43 = vector.load %arg3[%swap3A_39, %swap3A_40, %swap3A_41, %swap3A_42] : memref<32x2x8x128xi32, #tpu.memory_space<vmem>>, vector<1x1x8x128xi32>
    %swap3A_44 = vector.shape_cast %swap3A_43 : vector<1x1x8x128xi32> to vector<8x128xi32>
    %swap3A_45 = vector.shape_cast %slice3A_38 : vector<8x128xi32> to vector<1x1x8x128xi32>
    tpu.vector_store %arg3[%swap3A_39, %swap3A_40, %swap3A_41, %swap3A_42], %swap3A_45 {strides = array<i32>} : memref<32x2x8x128xi32, #tpu.memory_space<vmem>>, vector<1x1x8x128xi32>,
    %slice3A_46 = vector.extract_strided_slice %select_n3A {offsets = [8, 128], sizes = [8, 128], strides = [1, 1]} : vector<256x256xi32> to vector<8x128xi32>
    %swap3A_47 = arith.constant 1 : index
    %swap3A_48 = arith.constant 1 : index
    %swap3A_49 = arith.constant 0 : index
    %swap3A_50 = arith.constant 0 : index
    %swap3A_51 = vector.load %arg3[%swap3A_47, %swap3A_48, %swap3A_49, %swap3A_50] : memref<32x2x8x128xi32, #tpu.memory_space<vmem>>, vector<1x1x8x128xi32>
    %swap3A_52 = vector.shape_cast %swap3A_51 : vector<1x1x8x128xi32> to vector<8x128xi32>
    %swap3A_53 = vector.shape_cast %slice3A_46 : vector<8x128xi32> to vector<1x1x8x128xi32>
    tpu.vector_store %arg3[%swap3A_47, %swap3A_48, %swap3A_49, %swap3A_50], %swap3A_53 {strides = array<i32>} : memref<32x2x8x128xi32, #tpu.memory_space<vmem>>, vector<1x1x8x128xi32>,
    %slice3A_54 = vector.extract_strided_slice %select_n3A {offsets = [16, 0], sizes = [8, 128], strides = [1, 1]} : vector<256x256xi32> to vector<8x128xi32>
    %swap3A_55 = arith.constant 2 : index
    %swap3A_56 = arith.constant 0 : index
    %swap3A_57 = arith.constant 0 : index
    %swap3A_58 = arith.constant 0 : index
    %swap3A_59 = vector.load %arg3[%swap3A_55, %swap3A_56, %swap3A_57, %swap3A_58] : memref<32x2x8x128xi32, #tpu.memory_space<vmem>>, vector<1x1x8x128xi32>
    %swap3A_60 = vector.shape_cast %swap3A_59 : vector<1x1x8x128xi32> to vector<8x128xi32>
    %swap3A_61 = vector.shape_cast %slice3A_54 : vector<8x128xi32> to vector<1x1x8x128xi32>
    tpu.vector_store %arg3[%swap3A_55, %swap3A_56, %swap3A_57, %swap3A_58], %swap3A_61 {strides = array<i32>} : memref<32x2x8x128xi32, #tpu.memory_space<vmem>>, vector<1x1x8x128xi32>,
    %slice3A_62 = vector.extract_strided_slice %select_n3A {offsets = [16, 128], sizes = [8, 128], strides = [1, 1]} : vector<256x256xi32> to vector<8x128xi32>
    %swap3A_63 = arith.constant 2 : index
    %swap3A_64 = arith.constant 1 : index
    %swap3A_65 = arith.constant 0 : index
    %swap3A_66 = arith.constant 0 : index
    %swap3A_67 = vector.load %arg3[%swap3A_63, %swap3A_64, %swap3A_65, %swap3A_66] : memref<32x2x8x128xi32, #tpu.memory_space<vmem>>, vector<1x1x8x128xi32>
    %swap3A_68 = vector.shape_cast %swap3A_67 : vector<1x1x8x128xi32> to vector<8x128xi32>
    %swap3A_69 = vector.shape_cast %slice3A_62 : vector<8x128xi32> to vector<1x1x8x128xi32>
    tpu.vector_store %arg3[%swap3A_63, %swap3A_64, %swap3A_65, %swap3A_66], %swap3A_69 {strides = array<i32>} : memref<32x2x8x128xi32, #tpu.memory_space<vmem>>, vector<1x1x8x128xi32>,
    %slice3A_70 = vector.extract_strided_slice %select_n3A {offsets = [24, 0], sizes = [8, 128], strides = [1, 1]} : vector<256x256xi32> to vector<8x128xi32>
    %swap3A_71 = arith.constant 3 : index
    %swap3A_72 = arith.constant 0 : index
    %swap3A_73 = arith.constant 0 : index
    %swap3A_74 = arith.constant 0 : index
    %swap3A_75 = vector.load %arg3[%swap3A_71, %swap3A_72, %swap3A_73, %swap3A_74] : memref<32x2x8x128xi32, #tpu.memory_space<vmem>>, vector<1x1x8x128xi32>
    %swap3A_76 = vector.shape_cast %swap3A_75 : vector<1x1x8x128xi32> to vector<8x128xi32>
    %swap3A_77 = vector.shape_cast %slice3A_70 : vector<8x128xi32> to vector<1x1x8x128xi32>
    tpu.vector_store %arg3[%swap3A_71, %swap3A_72, %swap3A_73, %swap3A_74], %swap3A_77 {strides = array<i32>} : memref<32x2x8x128xi32, #tpu.memory_space<vmem>>, vector<1x1x8x128xi32>,
    %slice3A_78 = vector.extract_strided_slice %select_n3A {offsets = [24, 128], sizes = [8, 128], strides = [1, 1]} : vector<256x256xi32> to vector<8x128xi32>
    %swap3A_79 = arith.constant 3 : index
    %swap3A_80 = arith.constant 1 : index
    %swap3A_81 = arith.constant 0 : index
    %swap3A_82 = arith.constant 0 : index
    %swap3A_83 = vector.load %arg3[%swap3A_79, %swap3A_80, %swap3A_81, %swap3A_82] : memref<32x2x8x128xi32, #tpu.memory_space<vmem>>, vector<1x1x8x128xi32>
    %swap3A_84 = vector.shape_cast %swap3A_83 : vector<1x1x8x128xi32> to vector<8x128xi32>
    %swap3A_85 = vector.shape_cast %slice3A_78 : vector<8x128xi32> to vector<1x1x8x128xi32>
    tpu.vector_store %arg3[%swap3A_79, %swap3A_80, %swap3A_81, %swap3A_82], %swap3A_85 {strides = array<i32>} : memref<32x2x8x128xi32, #tpu.memory_space<vmem>>, vector<1x1x8x128xi32>,
    %slice3A_86 = vector.extract_strided_slice %select_n3A {offsets = [32, 0], sizes = [8, 128], strides = [1, 1]} : vector<256x256xi32> to vector<8x128xi32>
    %swap3A_87 = arith.constant 4 : index
    %swap3A_88 = arith.constant 0 : index
    %swap3A_89 = arith.constant 0 : index
    %swap3A_90 = arith.constant 0 : index
    %swap3A_91 = vector.load %arg3[%swap3A_87, %swap3A_88, %swap3A_89, %swap3A_90] : memref<32x2x8x128xi32, #tpu.memory_space<vmem>>, vector<1x1x8x128xi32>
    %swap3A_92 = vector.shape_cast %swap3A_91 : vector<1x1x8x128xi32> to vector<8x128xi32>
    %swap3A_93 = vector.shape_cast %slice3A_86 : vector<8x128xi32> to vector<1x1x8x128xi32>
    tpu.vector_store %arg3[%swap3A_87, %swap3A_88, %swap3A_89, %swap3A_90], %swap3A_93 {strides = array<i32>} : memref<32x2x8x128xi32, #tpu.memory_space<vmem>>, vector<1x1x8x128xi32>,
    %slice3A_94 = vector.extract_strided_slice %select_n3A {offsets = [32, 128], sizes = [8, 128], strides = [1, 1]} : vector<256x256xi32> to vector<8x128xi32>
    %swap3A_95 = arith.constant 4 : index
    %swap3A_96 = arith.constant 1 : index
    %swap3A_97 = arith.constant 0 : index
    %swap3A_98 = arith.constant 0 : index
    %swap3A_99 = vector.load %arg3[%swap3A_95, %swap3A_96, %swap3A_97, %swap3A_98] : memref<32x2x8x128xi32, #tpu.memory_space<vmem>>, vector<1x1x8x128xi32>
    %swap3A_100 = vector.shape_cast %swap3A_99 : vector<1x1x8x128xi32> to vector<8x128xi32>
    %swap3A_101 = vector.shape_cast %slice3A_94 : vector<8x128xi32> to vector<1x1x8x128xi32>
    tpu.vector_store %arg3[%swap3A_95, %swap3A_96, %swap3A_97, %swap3A_98], %swap3A_101 {strides = array<i32>} : memref<32x2x8x128xi32, #tpu.memory_space<vmem>>, vector<1x1x8x128xi32>,
    %slice3A_102 = vector.extract_strided_slice %select_n3A {offsets = [40, 0], sizes = [8, 128], strides = [1, 1]} : vector<256x256xi32> to vector<8x128xi32>
    %swap3A_103 = arith.constant 5 : index
    %swap3A_104 = arith.constant 0 : index
    %swap3A_105 = arith.constant 0 : index
    %swap3A_106 = arith.constant 0 : index
    %swap3A_107 = vector.load %arg3[%swap3A_103, %swap3A_104, %swap3A_105, %swap3A_106] : memref<32x2x8x128xi32, #tpu.memory_space<vmem>>, vector<1x1x8x128xi32>
    %swap3A_108 = vector.shape_cast %swap3A_107 : vector<1x1x8x128xi32> to vector<8x128xi32>
    %swap3A_109 = vector.shape_cast %slice3A_102 : vector<8x128xi32> to vector<1x1x8x128xi32>
    tpu.vector_store %arg3[%swap3A_103, %swap3A_104, %swap3A_105, %swap3A_106], %swap3A_109 {strides = array<i32>} : memref<32x2x8x128xi32, #tpu.memory_space<vmem>>, vector<1x1x8x128xi32>,
    %slice3A_110 = vector.extract_strided_slice %select_n3A {offsets = [40, 128], sizes = [8, 128], strides = [1, 1]} : vector<256x256xi32> to vector<8x128xi32>
    %swap3A_111 = arith.constant 5 : index
    %swap3A_112 = arith.constant 1 : index
    %swap3A_113 = arith.constant 0 : index
    %swap3A_114 = arith.constant 0 : index
    %swap3A_115 = vector.load %arg3[%swap3A_111, %swap3A_112, %swap3A_113, %swap3A_114] : memref<32x2x8x128xi32, #tpu.memory_space<vmem>>, vector<1x1x8x128xi32>
    %swap3A_116 = vector.shape_cast %swap3A_115 : vector<1x1x8x128xi32> to vector<8x128xi32>
    %swap3A_117 = vector.shape_cast %slice3A_110 : vector<8x128xi32> to vector<1x1x8x128xi32>
    tpu.vector_store %arg3[%swap3A_111, %swap3A_112, %swap3A_113, %swap3A_114], %swap3A_117 {strides = array<i32>} : memref<32x2x8x128xi32, #tpu.memory_space<vmem>>, vector<1x1x8x128xi32>,
    %slice3A_118 = vector.extract_strided_slice %select_n3A {offsets = [48, 0], sizes = [8, 128], strides = [1, 1]} : vector<256x256xi32> to vector<8x128xi32>
    %swap3A_119 = arith.constant 6 : index
    %swap3A_120 = arith.constant 0 : index
    %swap3A_121 = arith.constant 0 : index
    %swap3A_122 = arith.constant 0 : index
    %swap3A_123 = vector.load %arg3[%swap3A_119, %swap3A_120, %swap3A_121, %swap3A_122] : memref<32x2x8x128xi32, #tpu.memory_space<vmem>>, vector<1x1x8x128xi32>
    %swap3A_124 = vector.shape_cast %swap3A_123 : vector<1x1x8x128xi32> to vector<8x128xi32>
    %swap3A_125 = vector.shape_cast %slice3A_118 : vector<8x128xi32> to vector<1x1x8x128xi32>
    tpu.vector_store %arg3[%swap3A_119, %swap3A_120, %swap3A_121, %swap3A_122], %swap3A_125 {strides = array<i32>} : memref<32x2x8x128xi32, #tpu.memory_space<vmem>>, vector<1x1x8x128xi32>,
    %slice3A_126 = vector.extract_strided_slice %select_n3A {offsets = [48, 128], sizes = [8, 128], strides = [1, 1]} : vector<256x256xi32> to vector<8x128xi32>
    %swap3A_127 = arith.constant 6 : index
    %swap3A_128 = arith.constant 1 : index
    %swap3A_129 = arith.constant 0 : index
    %swap3A_130 = arith.constant 0 : index
    %swap3A_131 = vector.load %arg3[%swap3A_127, %swap3A_128, %swap3A_129, %swap3A_130] : memref<32x2x8x128xi32, #tpu.memory_space<vmem>>, vector<1x1x8x128xi32>
    %swap3A_132 = vector.shape_cast %swap3A_131 : vector<1x1x8x128xi32> to vector<8x128xi32>
    %swap3A_133 = vector.shape_cast %slice3A_126 : vector<8x128xi32> to vector<1x1x8x128xi32>
    tpu.vector_store %arg3[%swap3A_127, %swap3A_128, %swap3A_129, %swap3A_130], %swap3A_133 {strides = array<i32>} : memref<32x2x8x128xi32, #tpu.memory_space<vmem>>, vector<1x1x8x128xi32>,
    %slice3A_134 = vector.extract_strided_slice %select_n3A {offsets = [56, 0], sizes = [8, 128], strides = [1, 1]} : vector<256x256xi32> to vector<8x128xi32>
    %swap3A_135 = arith.constant 7 : index
    %swap3A_136 = arith.constant 0 : index
    %swap3A_137 = arith.constant 0 : index
    %swap3A_138 = arith.constant 0 : index
    %swap3A_139 = vector.load %arg3[%swap3A_135, %swap3A_136, %swap3A_137, %swap3A_138] : memref<32x2x8x128xi32, #tpu.memory_space<vmem>>, vector<1x1x8x128xi32>
    %swap3A_140 = vector.shape_cast %swap3A_139 : vector<1x1x8x128xi32> to vector<8x128xi32>
    %swap3A_141 = vector.shape_cast %slice3A_134 : vector<8x128xi32> to vector<1x1x8x128xi32>
    tpu.vector_store %arg3[%swap3A_135, %swap3A_136, %swap3A_137, %swap3A_138], %swap3A_141 {strides = array<i32>} : memref<32x2x8x128xi32, #tpu.memory_space<vmem>>, vector<1x1x8x128xi32>,
    %slice3A_142 = vector.extract_strided_slice %select_n3A {offsets = [56, 128], sizes = [8, 128], strides = [1, 1]} : vector<256x256xi32> to vector<8x128xi32>
    %swap3A_143 = arith.constant 7 : index
    %swap3A_144 = arith.constant 1 : index
    %swap3A_145 = arith.constant 0 : index
    %swap3A_146 = arith.constant 0 : index
    %swap3A_147 = vector.load %arg3[%swap3A_143, %swap3A_144, %swap3A_145, %swap3A_146] : memref<32x2x8x128xi32, #tpu.memory_space<vmem>>, vector<1x1x8x128xi32>
    %swap3A_148 = vector.shape_cast %swap3A_147 : vector<1x1x8x128xi32> to vector<8x128xi32>
    %swap3A_149 = vector.shape_cast %slice3A_142 : vector<8x128xi32> to vector<1x1x8x128xi32>
    tpu.vector_store %arg3[%swap3A_143, %swap3A_144, %swap3A_145, %swap3A_146], %swap3A_149 {strides = array<i32>} : memref<32x2x8x128xi32, #tpu.memory_space<vmem>>, vector<1x1x8x128xi32>,
    %slice3A_150 = vector.extract_strided_slice %select_n3A {offsets = [64, 0], sizes = [8, 128], strides = [1, 1]} : vector<256x256xi32> to vector<8x128xi32>
    %swap3A_151 = arith.constant 8 : index
    %swap3A_152 = arith.constant 0 : index
    %swap3A_153 = arith.constant 0 : index
    %swap3A_154 = arith.constant 0 : index
    %swap3A_155 = vector.load %arg3[%swap3A_151, %swap3A_152, %swap3A_153, %swap3A_154] : memref<32x2x8x128xi32, #tpu.memory_space<vmem>>, vector<1x1x8x128xi32>
    %swap3A_156 = vector.shape_cast %swap3A_155 : vector<1x1x8x128xi32> to vector<8x128xi32>
    %swap3A_157 = vector.shape_cast %slice3A_150 : vector<8x128xi32> to vector<1x1x8x128xi32>
    tpu.vector_store %arg3[%swap3A_151, %swap3A_152, %swap3A_153, %swap3A_154], %swap3A_157 {strides = array<i32>} : memref<32x2x8x128xi32, #tpu.memory_space<vmem>>, vector<1x1x8x128xi32>,
    %slice3A_158 = vector.extract_strided_slice %select_n3A {offsets = [64, 128], sizes = [8, 128], strides = [1, 1]} : vector<256x256xi32> to vector<8x128xi32>
    %swap3A_159 = arith.constant 8 : index
    %swap3A_160 = arith.constant 1 : index
    %swap3A_161 = arith.constant 0 : index
    %swap3A_162 = arith.constant 0 : index
    %swap3A_163 = vector.load %arg3[%swap3A_159, %swap3A_160, %swap3A_161, %swap3A_162] : memref<32x2x8x128xi32, #tpu.memory_space<vmem>>, vector<1x1x8x128xi32>
    %swap3A_164 = vector.shape_cast %swap3A_163 : vector<1x1x8x128xi32> to vector<8x128xi32>
    %swap3A_165 = vector.shape_cast %slice3A_158 : vector<8x128xi32> to vector<1x1x8x128xi32>
    tpu.vector_store %arg3[%swap3A_159, %swap3A_160, %swap3A_161, %swap3A_162], %swap3A_165 {strides = array<i32>} : memref<32x2x8x128xi32, #tpu.memory_space<vmem>>, vector<1x1x8x128xi32>,
    %slice3A_166 = vector.extract_strided_slice %select_n3A {offsets = [72, 0], sizes = [8, 128], strides = [1, 1]} : vector<256x256xi32> to vector<8x128xi32>
    %swap3A_167 = arith.constant 9 : index
    %swap3A_168 = arith.constant 0 : index
    %swap3A_169 = arith.constant 0 : index
    %swap3A_170 = arith.constant 0 : index
    %swap3A_171 = vector.load %arg3[%swap3A_167, %swap3A_168, %swap3A_169, %swap3A_170] : memref<32x2x8x128xi32, #tpu.memory_space<vmem>>, vector<1x1x8x128xi32>
    %swap3A_172 = vector.shape_cast %swap3A_171 : vector<1x1x8x128xi32> to vector<8x128xi32>
    %swap3A_173 = vector.shape_cast %slice3A_166 : vector<8x128xi32> to vector<1x1x8x128xi32>
    tpu.vector_store %arg3[%swap3A_167, %swap3A_168, %swap3A_169, %swap3A_170], %swap3A_173 {strides = array<i32>} : memref<32x2x8x128xi32, #tpu.memory_space<vmem>>, vector<1x1x8x128xi32>,
    %slice3A_174 = vector.extract_strided_slice %select_n3A {offsets = [72, 128], sizes = [8, 128], strides = [1, 1]} : vector<256x256xi32> to vector<8x128xi32>
    %swap3A_175 = arith.constant 9 : index
    %swap3A_176 = arith.constant 1 : index
    %swap3A_177 = arith.constant 0 : index
    %swap3A_178 = arith.constant 0 : index
    %swap3A_179 = vector.load %arg3[%swap3A_175, %swap3A_176, %swap3A_177, %swap3A_178] : memref<32x2x8x128xi32, #tpu.memory_space<vmem>>, vector<1x1x8x128xi32>
    %swap3A_180 = vector.shape_cast %swap3A_179 : vector<1x1x8x128xi32> to vector<8x128xi32>
    %swap3A_181 = vector.shape_cast %slice3A_174 : vector<8x128xi32> to vector<1x1x8x128xi32>
    tpu.vector_store %arg3[%swap3A_175, %swap3A_176, %swap3A_177, %swap3A_178], %swap3A_181 {strides = array<i32>} : memref<32x2x8x128xi32, #tpu.memory_space<vmem>>, vector<1x1x8x128xi32>,
    %slice3A_182 = vector.extract_strided_slice %select_n3A {offsets = [80, 0], sizes = [8, 128], strides = [1, 1]} : vector<256x256xi32> to vector<8x128xi32>
    %swap3A_183 = arith.constant 10 : index
    %swap3A_184 = arith.constant 0 : index
    %swap3A_185 = arith.constant 0 : index
    %swap3A_186 = arith.constant 0 : index
    %swap3A_187 = vector.load %arg3[%swap3A_183, %swap3A_184, %swap3A_185, %swap3A_186] : memref<32x2x8x128xi32, #tpu.memory_space<vmem>>, vector<1x1x8x128xi32>
    %swap3A_188 = vector.shape_cast %swap3A_187 : vector<1x1x8x128xi32> to vector<8x128xi32>
    %swap3A_189 = vector.shape_cast %slice3A_182 : vector<8x128xi32> to vector<1x1x8x128xi32>
    tpu.vector_store %arg3[%swap3A_183, %swap3A_184, %swap3A_185, %swap3A_186], %swap3A_189 {strides = array<i32>} : memref<32x2x8x128xi32, #tpu.memory_space<vmem>>, vector<1x1x8x128xi32>,
    %slice3A_190 = vector.extract_strided_slice %select_n3A {offsets = [80, 128], sizes = [8, 128], strides = [1, 1]} : vector<256x256xi32> to vector<8x128xi32>
    %swap3A_191 = arith.constant 10 : index
    %swap3A_192 = arith.constant 1 : index
    %swap3A_193 = arith.constant 0 : index
    %swap3A_194 = arith.constant 0 : index
    %swap3A_195 = vector.load %arg3[%swap3A_191, %swap3A_192, %swap3A_193, %swap3A_194] : memref<32x2x8x128xi32, #tpu.memory_space<vmem>>, vector<1x1x8x128xi32>
    %swap3A_196 = vector.shape_cast %swap3A_195 : vector<1x1x8x128xi32> to vector<8x128xi32>
    %swap3A_197 = vector.shape_cast %slice3A_190 : vector<8x128xi32> to vector<1x1x8x128xi32>
    tpu.vector_store %arg3[%swap3A_191, %swap3A_192, %swap3A_193, %swap3A_194], %swap3A_197 {strides = array<i32>} : memref<32x2x8x128xi32, #tpu.memory_space<vmem>>, vector<1x1x8x128xi32>,
    %slice3A_198 = vector.extract_strided_slice %select_n3A {offsets = [88, 0], sizes = [8, 128], strides = [1, 1]} : vector<256x256xi32> to vector<8x128xi32>
    %swap3A_199 = arith.constant 11 : index
    %swap3A_200 = arith.constant 0 : index
    %swap3A_201 = arith.constant 0 : index
    %swap3A_202 = arith.constant 0 : index
    %swap3A_203 = vector.load %arg3[%swap3A_199, %swap3A_200, %swap3A_201, %swap3A_202] : memref<32x2x8x128xi32, #tpu.memory_space<vmem>>, vector<1x1x8x128xi32>
    %swap3A_204 = vector.shape_cast %swap3A_203 : vector<1x1x8x128xi32> to vector<8x128xi32>
    %swap3A_205 = vector.shape_cast %slice3A_198 : vector<8x128xi32> to vector<1x1x8x128xi32>
    tpu.vector_store %arg3[%swap3A_199, %swap3A_200, %swap3A_201, %swap3A_202], %swap3A_205 {strides = array<i32>} : memref<32x2x8x128xi32, #tpu.memory_space<vmem>>, vector<1x1x8x128xi32>,
    %slice3A_206 = vector.extract_strided_slice %select_n3A {offsets = [88, 128], sizes = [8, 128], strides = [1, 1]} : vector<256x256xi32> to vector<8x128xi32>
    %swap3A_207 = arith.constant 11 : index
    %swap3A_208 = arith.constant 1 : index
    %swap3A_209 = arith.constant 0 : index
    %swap3A_210 = arith.constant 0 : index
    %swap3A_211 = vector.load %arg3[%swap3A_207, %swap3A_208, %swap3A_209, %swap3A_210] : memref<32x2x8x128xi32, #tpu.memory_space<vmem>>, vector<1x1x8x128xi32>
    %swap3A_212 = vector.shape_cast %swap3A_211 : vector<1x1x8x128xi32> to vector<8x128xi32>
    %swap3A_213 = vector.shape_cast %slice3A_206 : vector<8x128xi32> to vector<1x1x8x128xi32>
    tpu.vector_store %arg3[%swap3A_207, %swap3A_208, %swap3A_209, %swap3A_210], %swap3A_213 {strides = array<i32>} : memref<32x2x8x128xi32, #tpu.memory_space<vmem>>, vector<1x1x8x128xi32>,
    %slice3A_214 = vector.extract_strided_slice %select_n3A {offsets = [96, 0], sizes = [8, 128], strides = [1, 1]} : vector<256x256xi32> to vector<8x128xi32>
    %swap3A_215 = arith.constant 12 : index
    %swap3A_216 = arith.constant 0 : index
    %swap3A_217 = arith.constant 0 : index
    %swap3A_218 = arith.constant 0 : index
    %swap3A_219 = vector.load %arg3[%swap3A_215, %swap3A_216, %swap3A_217, %swap3A_218] : memref<32x2x8x128xi32, #tpu.memory_space<vmem>>, vector<1x1x8x128xi32>
    %swap3A_220 = vector.shape_cast %swap3A_219 : vector<1x1x8x128xi32> to vector<8x128xi32>
    %swap3A_221 = vector.shape_cast %slice3A_214 : vector<8x128xi32> to vector<1x1x8x128xi32>
    tpu.vector_store %arg3[%swap3A_215, %swap3A_216, %swap3A_217, %swap3A_218], %swap3A_221 {strides = array<i32>} : memref<32x2x8x128xi32, #tpu.memory_space<vmem>>, vector<1x1x8x128xi32>,
    %slice3A_222 = vector.extract_strided_slice %select_n3A {offsets = [96, 128], sizes = [8, 128], strides = [1, 1]} : vector<256x256xi32> to vector<8x128xi32>
    %swap3A_223 = arith.constant 12 : index
    %swap3A_224 = arith.constant 1 : index
    %swap3A_225 = arith.constant 0 : index
    %swap3A_226 = arith.constant 0 : index
    %swap3A_227 = vector.load %arg3[%swap3A_223, %swap3A_224, %swap3A_225, %swap3A_226] : memref<32x2x8x128xi32, #tpu.memory_space<vmem>>, vector<1x1x8x128xi32>
    %swap3A_228 = vector.shape_cast %swap3A_227 : vector<1x1x8x128xi32> to vector<8x128xi32>
    %swap3A_229 = vector.shape_cast %slice3A_222 : vector<8x128xi32> to vector<1x1x8x128xi32>
    tpu.vector_store %arg3[%swap3A_223, %swap3A_224, %swap3A_225, %swap3A_226], %swap3A_229 {strides = array<i32>} : memref<32x2x8x128xi32, #tpu.memory_space<vmem>>, vector<1x1x8x128xi32>,
    %slice3A_230 = vector.extract_strided_slice %select_n3A {offsets = [104, 0], sizes = [8, 128], strides = [1, 1]} : vector<256x256xi32> to vector<8x128xi32>
    %swap3A_231 = arith.constant 13 : index
    %swap3A_232 = arith.constant 0 : index
    %swap3A_233 = arith.constant 0 : index
    %swap3A_234 = arith.constant 0 : index
    %swap3A_235 = vector.load %arg3[%swap3A_231, %swap3A_232, %swap3A_233, %swap3A_234] : memref<32x2x8x128xi32, #tpu.memory_space<vmem>>, vector<1x1x8x128xi32>
    %swap3A_236 = vector.shape_cast %swap3A_235 : vector<1x1x8x128xi32> to vector<8x128xi32>
    %swap3A_237 = vector.shape_cast %slice3A_230 : vector<8x128xi32> to vector<1x1x8x128xi32>
    tpu.vector_store %arg3[%swap3A_231, %swap3A_232, %swap3A_233, %swap3A_234], %swap3A_237 {strides = array<i32>} : memref<32x2x8x128xi32, #tpu.memory_space<vmem>>, vector<1x1x8x128xi32>,
    %slice3A_238 = vector.extract_strided_slice %select_n3A {offsets = [104, 128], sizes = [8, 128], strides = [1, 1]} : vector<256x256xi32> to vector<8x128xi32>
    %swap3A_239 = arith.constant 13 : index
    %swap3A_240 = arith.constant 1 : index
    %swap3A_241 = arith.constant 0 : index
    %swap3A_242 = arith.constant 0 : index
    %swap3A_243 = vector.load %arg3[%swap3A_239, %swap3A_240, %swap3A_241, %swap3A_242] : memref<32x2x8x128xi32, #tpu.memory_space<vmem>>, vector<1x1x8x128xi32>
    %swap3A_244 = vector.shape_cast %swap3A_243 : vector<1x1x8x128xi32> to vector<8x128xi32>
    %swap3A_245 = vector.shape_cast %slice3A_238 : vector<8x128xi32> to vector<1x1x8x128xi32>
    tpu.vector_store %arg3[%swap3A_239, %swap3A_240, %swap3A_241, %swap3A_242], %swap3A_245 {strides = array<i32>} : memref<32x2x8x128xi32, #tpu.memory_space<vmem>>, vector<1x1x8x128xi32>,
    %slice3A_246 = vector.extract_strided_slice %select_n3A {offsets = [112, 0], sizes = [8, 128], strides = [1, 1]} : vector<256x256xi32> to vector<8x128xi32>
    %swap3A_247 = arith.constant 14 : index
    %swap3A_248 = arith.constant 0 : index
    %swap3A_249 = arith.constant 0 : index
    %swap3A_250 = arith.constant 0 : index
    %swap3A_251 = vector.load %arg3[%swap3A_247, %swap3A_248, %swap3A_249, %swap3A_250] : memref<32x2x8x128xi32, #tpu.memory_space<vmem>>, vector<1x1x8x128xi32>
    %swap3A_252 = vector.shape_cast %swap3A_251 : vector<1x1x8x128xi32> to vector<8x128xi32>
    %swap3A_253 = vector.shape_cast %slice3A_246 : vector<8x128xi32> to vector<1x1x8x128xi32>
    tpu.vector_store %arg3[%swap3A_247, %swap3A_248, %swap3A_249, %swap3A_250], %swap3A_253 {strides = array<i32>} : memref<32x2x8x128xi32, #tpu.memory_space<vmem>>, vector<1x1x8x128xi32>,
    %slice3A_254 = vector.extract_strided_slice %select_n3A {offsets = [112, 128], sizes = [8, 128], strides = [1, 1]} : vector<256x256xi32> to vector<8x128xi32>
    %swap3A_255 = arith.constant 14 : index
    %swap3A_256 = arith.constant 1 : index
    %swap3A_257 = arith.constant 0 : index
    %swap3A_258 = arith.constant 0 : index
    %swap3A_259 = vector.load %arg3[%swap3A_255, %swap3A_256, %swap3A_257, %swap3A_258] : memref<32x2x8x128xi32, #tpu.memory_space<vmem>>, vector<1x1x8x128xi32>
    %swap3A_260 = vector.shape_cast %swap3A_259 : vector<1x1x8x128xi32> to vector<8x128xi32>
    %swap3A_261 = vector.shape_cast %slice3A_254 : vector<8x128xi32> to vector<1x1x8x128xi32>
    tpu.vector_store %arg3[%swap3A_255, %swap3A_256, %swap3A_257, %swap3A_258], %swap3A_261 {strides = array<i32>} : memref<32x2x8x128xi32, #tpu.memory_space<vmem>>, vector<1x1x8x128xi32>,
    %slice3A_262 = vector.extract_strided_slice %select_n3A {offsets = [120, 0], sizes = [8, 128], strides = [1, 1]} : vector<256x256xi32> to vector<8x128xi32>
    %swap3A_263 = arith.constant 15 : index
    %swap3A_264 = arith.constant 0 : index
    %swap3A_265 = arith.constant 0 : index
    %swap3A_266 = arith.constant 0 : index
    %swap3A_267 = vector.load %arg3[%swap3A_263, %swap3A_264, %swap3A_265, %swap3A_266] : memref<32x2x8x128xi32, #tpu.memory_space<vmem>>, vector<1x1x8x128xi32>
    %swap3A_268 = vector.shape_cast %swap3A_267 : vector<1x1x8x128xi32> to vector<8x128xi32>
    %swap3A_269 = vector.shape_cast %slice3A_262 : vector<8x128xi32> to vector<1x1x8x128xi32>
    tpu.vector_store %arg3[%swap3A_263, %swap3A_264, %swap3A_265, %swap3A_266], %swap3A_269 {strides = array<i32>} : memref<32x2x8x128xi32, #tpu.memory_space<vmem>>, vector<1x1x8x128xi32>,
    %slice3A_270 = vector.extract_strided_slice %select_n3A {offsets = [120, 128], sizes = [8, 128], strides = [1, 1]} : vector<256x256xi32> to vector<8x128xi32>
    %swap3A_271 = arith.constant 15 : index
    %swap3A_272 = arith.constant 1 : index
    %swap3A_273 = arith.constant 0 : index
    %swap3A_274 = arith.constant 0 : index
    %swap3A_275 = vector.load %arg3[%swap3A_271, %swap3A_272, %swap3A_273, %swap3A_274] : memref<32x2x8x128xi32, #tpu.memory_space<vmem>>, vector<1x1x8x128xi32>
    %swap3A_276 = vector.shape_cast %swap3A_275 : vector<1x1x8x128xi32> to vector<8x128xi32>
    %swap3A_277 = vector.shape_cast %slice3A_270 : vector<8x128xi32> to vector<1x1x8x128xi32>
    tpu.vector_store %arg3[%swap3A_271, %swap3A_272, %swap3A_273, %swap3A_274], %swap3A_277 {strides = array<i32>} : memref<32x2x8x128xi32, #tpu.memory_space<vmem>>, vector<1x1x8x128xi32>,
    %slice3A_278 = vector.extract_strided_slice %select_n3A {offsets = [128, 0], sizes = [8, 128], strides = [1, 1]} : vector<256x256xi32> to vector<8x128xi32>
    %swap3A_279 = arith.constant 16 : index
    %swap3A_280 = arith.constant 0 : index
    %swap3A_281 = arith.constant 0 : index
    %swap3A_282 = arith.constant 0 : index
    %swap3A_283 = vector.load %arg3[%swap3A_279, %swap3A_280, %swap3A_281, %swap3A_282] : memref<32x2x8x128xi32, #tpu.memory_space<vmem>>, vector<1x1x8x128xi32>
    %swap3A_284 = vector.shape_cast %swap3A_283 : vector<1x1x8x128xi32> to vector<8x128xi32>
    %swap3A_285 = vector.shape_cast %slice3A_278 : vector<8x128xi32> to vector<1x1x8x128xi32>
    tpu.vector_store %arg3[%swap3A_279, %swap3A_280, %swap3A_281, %swap3A_282], %swap3A_285 {strides = array<i32>} : memref<32x2x8x128xi32, #tpu.memory_space<vmem>>, vector<1x1x8x128xi32>,
    %slice3A_286 = vector.extract_strided_slice %select_n3A {offsets = [128, 128], sizes = [8, 128], strides = [1, 1]} : vector<256x256xi32> to vector<8x128xi32>
    %swap3A_287 = arith.constant 16 : index
    %swap3A_288 = arith.constant 1 : index
    %swap3A_289 = arith.constant 0 : index
    %swap3A_290 = arith.constant 0 : index
    %swap3A_291 = vector.load %arg3[%swap3A_287, %swap3A_288, %swap3A_289, %swap3A_290] : memref<32x2x8x128xi32, #tpu.memory_space<vmem>>, vector<1x1x8x128xi32>
    %swap3A_292 = vector.shape_cast %swap3A_291 : vector<1x1x8x128xi32> to vector<8x128xi32>
    %swap3A_293 = vector.shape_cast %slice3A_286 : vector<8x128xi32> to vector<1x1x8x128xi32>
    tpu.vector_store %arg3[%swap3A_287, %swap3A_288, %swap3A_289, %swap3A_290], %swap3A_293 {strides = array<i32>} : memref<32x2x8x128xi32, #tpu.memory_space<vmem>>, vector<1x1x8x128xi32>,
    %slice3A_294 = vector.extract_strided_slice %select_n3A {offsets = [136, 0], sizes = [8, 128], strides = [1, 1]} : vector<256x256xi32> to vector<8x128xi32>
    %swap3A_295 = arith.constant 17 : index
    %swap3A_296 = arith.constant 0 : index
    %swap3A_297 = arith.constant 0 : index
    %swap3A_298 = arith.constant 0 : index
    %swap3A_299 = vector.load %arg3[%swap3A_295, %swap3A_296, %swap3A_297, %swap3A_298] : memref<32x2x8x128xi32, #tpu.memory_space<vmem>>, vector<1x1x8x128xi32>
    %swap3A_300 = vector.shape_cast %swap3A_299 : vector<1x1x8x128xi32> to vector<8x128xi32>
    %swap3A_301 = vector.shape_cast %slice3A_294 : vector<8x128xi32> to vector<1x1x8x128xi32>
    tpu.vector_store %arg3[%swap3A_295, %swap3A_296, %swap3A_297, %swap3A_298], %swap3A_301 {strides = array<i32>} : memref<32x2x8x128xi32, #tpu.memory_space<vmem>>, vector<1x1x8x128xi32>,
    %slice3A_302 = vector.extract_strided_slice %select_n3A {offsets = [136, 128], sizes = [8, 128], strides = [1, 1]} : vector<256x256xi32> to vector<8x128xi32>
    %swap3A_303 = arith.constant 17 : index
    %swap3A_304 = arith.constant 1 : index
    %swap3A_305 = arith.constant 0 : index
    %swap3A_306 = arith.constant 0 : index
    %swap3A_307 = vector.load %arg3[%swap3A_303, %swap3A_304, %swap3A_305, %swap3A_306] : memref<32x2x8x128xi32, #tpu.memory_space<vmem>>, vector<1x1x8x128xi32>
    %swap3A_308 = vector.shape_cast %swap3A_307 : vector<1x1x8x128xi32> to vector<8x128xi32>
    %swap3A_309 = vector.shape_cast %slice3A_302 : vector<8x128xi32> to vector<1x1x8x128xi32>
    tpu.vector_store %arg3[%swap3A_303, %swap3A_304, %swap3A_305, %swap3A_306], %swap3A_309 {strides = array<i32>} : memref<32x2x8x128xi32, #tpu.memory_space<vmem>>, vector<1x1x8x128xi32>,
    %slice3A_310 = vector.extract_strided_slice %select_n3A {offsets = [144, 0], sizes = [8, 128], strides = [1, 1]} : vector<256x256xi32> to vector<8x128xi32>
    %swap3A_311 = arith.constant 18 : index
    %swap3A_312 = arith.constant 0 : index
    %swap3A_313 = arith.constant 0 : index
    %swap3A_314 = arith.constant 0 : index
    %swap3A_315 = vector.load %arg3[%swap3A_311, %swap3A_312, %swap3A_313, %swap3A_314] : memref<32x2x8x128xi32, #tpu.memory_space<vmem>>, vector<1x1x8x128xi32>
    %swap3A_316 = vector.shape_cast %swap3A_315 : vector<1x1x8x128xi32> to vector<8x128xi32>
    %swap3A_317 = vector.shape_cast %slice3A_310 : vector<8x128xi32> to vector<1x1x8x128xi32>
    tpu.vector_store %arg3[%swap3A_311, %swap3A_312, %swap3A_313, %swap3A_314], %swap3A_317 {strides = array<i32>} : memref<32x2x8x128xi32, #tpu.memory_space<vmem>>, vector<1x1x8x128xi32>,
    %slice3A_318 = vector.extract_strided_slice %select_n3A {offsets = [144, 128], sizes = [8, 128], strides = [1, 1]} : vector<256x256xi32> to vector<8x128xi32>
    %swap3A_319 = arith.constant 18 : index
    %swap3A_320 = arith.constant 1 : index
    %swap3A_321 = arith.constant 0 : index
    %swap3A_322 = arith.constant 0 : index
    %swap3A_323 = vector.load %arg3[%swap3A_319, %swap3A_320, %swap3A_321, %swap3A_322] : memref<32x2x8x128xi32, #tpu.memory_space<vmem>>, vector<1x1x8x128xi32>
    %swap3A_324 = vector.shape_cast %swap3A_323 : vector<1x1x8x128xi32> to vector<8x128xi32>
    %swap3A_325 = vector.shape_cast %slice3A_318 : vector<8x128xi32> to vector<1x1x8x128xi32>
    tpu.vector_store %arg3[%swap3A_319, %swap3A_320, %swap3A_321, %swap3A_322], %swap3A_325 {strides = array<i32>} : memref<32x2x8x128xi32, #tpu.memory_space<vmem>>, vector<1x1x8x128xi32>,
    %slice3A_326 = vector.extract_strided_slice %select_n3A {offsets = [152, 0], sizes = [8, 128], strides = [1, 1]} : vector<256x256xi32> to vector<8x128xi32>
    %swap3A_327 = arith.constant 19 : index
    %swap3A_328 = arith.constant 0 : index
    %swap3A_329 = arith.constant 0 : index
    %swap3A_330 = arith.constant 0 : index
    %swap3A_331 = vector.load %arg3[%swap3A_327, %swap3A_328, %swap3A_329, %swap3A_330] : memref<32x2x8x128xi32, #tpu.memory_space<vmem>>, vector<1x1x8x128xi32>
    %swap3A_332 = vector.shape_cast %swap3A_331 : vector<1x1x8x128xi32> to vector<8x128xi32>
    %swap3A_333 = vector.shape_cast %slice3A_326 : vector<8x128xi32> to vector<1x1x8x128xi32>
    tpu.vector_store %arg3[%swap3A_327, %swap3A_328, %swap3A_329, %swap3A_330], %swap3A_333 {strides = array<i32>} : memref<32x2x8x128xi32, #tpu.memory_space<vmem>>, vector<1x1x8x128xi32>,
    %slice3A_334 = vector.extract_strided_slice %select_n3A {offsets = [152, 128], sizes = [8, 128], strides = [1, 1]} : vector<256x256xi32> to vector<8x128xi32>
    %swap3A_335 = arith.constant 19 : index
    %swap3A_336 = arith.constant 1 : index
    %swap3A_337 = arith.constant 0 : index
    %swap3A_338 = arith.constant 0 : index
    %swap3A_339 = vector.load %arg3[%swap3A_335, %swap3A_336, %swap3A_337, %swap3A_338] : memref<32x2x8x128xi32, #tpu.memory_space<vmem>>, vector<1x1x8x128xi32>
    %swap3A_340 = vector.shape_cast %swap3A_339 : vector<1x1x8x128xi32> to vector<8x128xi32>
    %swap3A_341 = vector.shape_cast %slice3A_334 : vector<8x128xi32> to vector<1x1x8x128xi32>
    tpu.vector_store %arg3[%swap3A_335, %swap3A_336, %swap3A_337, %swap3A_338], %swap3A_341 {strides = array<i32>} : memref<32x2x8x128xi32, #tpu.memory_space<vmem>>, vector<1x1x8x128xi32>,
    %slice3A_342 = vector.extract_strided_slice %select_n3A {offsets = [160, 0], sizes = [8, 128], strides = [1, 1]} : vector<256x256xi32> to vector<8x128xi32>
    %swap3A_343 = arith.constant 20 : index
    %swap3A_344 = arith.constant 0 : index
    %swap3A_345 = arith.constant 0 : index
    %swap3A_346 = arith.constant 0 : index
    %swap3A_347 = vector.load %arg3[%swap3A_343, %swap3A_344, %swap3A_345, %swap3A_346] : memref<32x2x8x128xi32, #tpu.memory_space<vmem>>, vector<1x1x8x128xi32>
    %swap3A_348 = vector.shape_cast %swap3A_347 : vector<1x1x8x128xi32> to vector<8x128xi32>
    %swap3A_349 = vector.shape_cast %slice3A_342 : vector<8x128xi32> to vector<1x1x8x128xi32>
    tpu.vector_store %arg3[%swap3A_343, %swap3A_344, %swap3A_345, %swap3A_346], %swap3A_349 {strides = array<i32>} : memref<32x2x8x128xi32, #tpu.memory_space<vmem>>, vector<1x1x8x128xi32>,
    %slice3A_350 = vector.extract_strided_slice %select_n3A {offsets = [160, 128], sizes = [8, 128], strides = [1, 1]} : vector<256x256xi32> to vector<8x128xi32>
    %swap3A_351 = arith.constant 20 : index
    %swap3A_352 = arith.constant 1 : index
    %swap3A_353 = arith.constant 0 : index
    %swap3A_354 = arith.constant 0 : index
    %swap3A_355 = vector.load %arg3[%swap3A_351, %swap3A_352, %swap3A_353, %swap3A_354] : memref<32x2x8x128xi32, #tpu.memory_space<vmem>>, vector<1x1x8x128xi32>
    %swap3A_356 = vector.shape_cast %swap3A_355 : vector<1x1x8x128xi32> to vector<8x128xi32>
    %swap3A_357 = vector.shape_cast %slice3A_350 : vector<8x128xi32> to vector<1x1x8x128xi32>
    tpu.vector_store %arg3[%swap3A_351, %swap3A_352, %swap3A_353, %swap3A_354], %swap3A_357 {strides = array<i32>} : memref<32x2x8x128xi32, #tpu.memory_space<vmem>>, vector<1x1x8x128xi32>,
    %slice3A_358 = vector.extract_strided_slice %select_n3A {offsets = [168, 0], sizes = [8, 128], strides = [1, 1]} : vector<256x256xi32> to vector<8x128xi32>
    %swap3A_359 = arith.constant 21 : index
    %swap3A_360 = arith.constant 0 : index
    %swap3A_361 = arith.constant 0 : index
    %swap3A_362 = arith.constant 0 : index
    %swap3A_363 = vector.load %arg3[%swap3A_359, %swap3A_360, %swap3A_361, %swap3A_362] : memref<32x2x8x128xi32, #tpu.memory_space<vmem>>, vector<1x1x8x128xi32>
    %swap3A_364 = vector.shape_cast %swap3A_363 : vector<1x1x8x128xi32> to vector<8x128xi32>
    %swap3A_365 = vector.shape_cast %slice3A_358 : vector<8x128xi32> to vector<1x1x8x128xi32>
    tpu.vector_store %arg3[%swap3A_359, %swap3A_360, %swap3A_361, %swap3A_362], %swap3A_365 {strides = array<i32>} : memref<32x2x8x128xi32, #tpu.memory_space<vmem>>, vector<1x1x8x128xi32>,
    %slice3A_366 = vector.extract_strided_slice %select_n3A {offsets = [168, 128], sizes = [8, 128], strides = [1, 1]} : vector<256x256xi32> to vector<8x128xi32>
    %swap3A_367 = arith.constant 21 : index
    %swap3A_368 = arith.constant 1 : index
    %swap3A_369 = arith.constant 0 : index
    %swap3A_370 = arith.constant 0 : index
    %swap3A_371 = vector.load %arg3[%swap3A_367, %swap3A_368, %swap3A_369, %swap3A_370] : memref<32x2x8x128xi32, #tpu.memory_space<vmem>>, vector<1x1x8x128xi32>
    %swap3A_372 = vector.shape_cast %swap3A_371 : vector<1x1x8x128xi32> to vector<8x128xi32>
    %swap3A_373 = vector.shape_cast %slice3A_366 : vector<8x128xi32> to vector<1x1x8x128xi32>
    tpu.vector_store %arg3[%swap3A_367, %swap3A_368, %swap3A_369, %swap3A_370], %swap3A_373 {strides = array<i32>} : memref<32x2x8x128xi32, #tpu.memory_space<vmem>>, vector<1x1x8x128xi32>,
    %slice3A_374 = vector.extract_strided_slice %select_n3A {offsets = [176, 0], sizes = [8, 128], strides = [1, 1]} : vector<256x256xi32> to vector<8x128xi32>
    %swap3A_375 = arith.constant 22 : index
    %swap3A_376 = arith.constant 0 : index
    %swap3A_377 = arith.constant 0 : index
    %swap3A_378 = arith.constant 0 : index
    %swap3A_379 = vector.load %arg3[%swap3A_375, %swap3A_376, %swap3A_377, %swap3A_378] : memref<32x2x8x128xi32, #tpu.memory_space<vmem>>, vector<1x1x8x128xi32>
    %swap3A_380 = vector.shape_cast %swap3A_379 : vector<1x1x8x128xi32> to vector<8x128xi32>
    %swap3A_381 = vector.shape_cast %slice3A_374 : vector<8x128xi32> to vector<1x1x8x128xi32>
    tpu.vector_store %arg3[%swap3A_375, %swap3A_376, %swap3A_377, %swap3A_378], %swap3A_381 {strides = array<i32>} : memref<32x2x8x128xi32, #tpu.memory_space<vmem>>, vector<1x1x8x128xi32>,
    %slice3A_382 = vector.extract_strided_slice %select_n3A {offsets = [176, 128], sizes = [8, 128], strides = [1, 1]} : vector<256x256xi32> to vector<8x128xi32>
    %swap3A_383 = arith.constant 22 : index
    %swap3A_384 = arith.constant 1 : index
    %swap3A_385 = arith.constant 0 : index
    %swap3A_386 = arith.constant 0 : index
    %swap3A_387 = vector.load %arg3[%swap3A_383, %swap3A_384, %swap3A_385, %swap3A_386] : memref<32x2x8x128xi32, #tpu.memory_space<vmem>>, vector<1x1x8x128xi32>
    %swap3A_388 = vector.shape_cast %swap3A_387 : vector<1x1x8x128xi32> to vector<8x128xi32>
    %swap3A_389 = vector.shape_cast %slice3A_382 : vector<8x128xi32> to vector<1x1x8x128xi32>
    tpu.vector_store %arg3[%swap3A_383, %swap3A_384, %swap3A_385, %swap3A_386], %swap3A_389 {strides = array<i32>} : memref<32x2x8x128xi32, #tpu.memory_space<vmem>>, vector<1x1x8x128xi32>,
    %slice3A_390 = vector.extract_strided_slice %select_n3A {offsets = [184, 0], sizes = [8, 128], strides = [1, 1]} : vector<256x256xi32> to vector<8x128xi32>
    %swap3A_391 = arith.constant 23 : index
    %swap3A_392 = arith.constant 0 : index
    %swap3A_393 = arith.constant 0 : index
    %swap3A_394 = arith.constant 0 : index
    %swap3A_395 = vector.load %arg3[%swap3A_391, %swap3A_392, %swap3A_393, %swap3A_394] : memref<32x2x8x128xi32, #tpu.memory_space<vmem>>, vector<1x1x8x128xi32>
    %swap3A_396 = vector.shape_cast %swap3A_395 : vector<1x1x8x128xi32> to vector<8x128xi32>
    %swap3A_397 = vector.shape_cast %slice3A_390 : vector<8x128xi32> to vector<1x1x8x128xi32>
    tpu.vector_store %arg3[%swap3A_391, %swap3A_392, %swap3A_393, %swap3A_394], %swap3A_397 {strides = array<i32>} : memref<32x2x8x128xi32, #tpu.memory_space<vmem>>, vector<1x1x8x128xi32>,
    %slice3A_398 = vector.extract_strided_slice %select_n3A {offsets = [184, 128], sizes = [8, 128], strides = [1, 1]} : vector<256x256xi32> to vector<8x128xi32>
    %swap3A_399 = arith.constant 23 : index
    %swap3A_400 = arith.constant 1 : index
    %swap3A_401 = arith.constant 0 : index
    %swap3A_402 = arith.constant 0 : index
    %swap3A_403 = vector.load %arg3[%swap3A_399, %swap3A_400, %swap3A_401, %swap3A_402] : memref<32x2x8x128xi32, #tpu.memory_space<vmem>>, vector<1x1x8x128xi32>
    %swap3A_404 = vector.shape_cast %swap3A_403 : vector<1x1x8x128xi32> to vector<8x128xi32>
    %swap3A_405 = vector.shape_cast %slice3A_398 : vector<8x128xi32> to vector<1x1x8x128xi32>
    tpu.vector_store %arg3[%swap3A_399, %swap3A_400, %swap3A_401, %swap3A_402], %swap3A_405 {strides = array<i32>} : memref<32x2x8x128xi32, #tpu.memory_space<vmem>>, vector<1x1x8x128xi32>,
    %slice3A_406 = vector.extract_strided_slice %select_n3A {offsets = [192, 0], sizes = [8, 128], strides = [1, 1]} : vector<256x256xi32> to vector<8x128xi32>
    %swap3A_407 = arith.constant 24 : index
    %swap3A_408 = arith.constant 0 : index
    %swap3A_409 = arith.constant 0 : index
    %swap3A_410 = arith.constant 0 : index
    %swap3A_411 = vector.load %arg3[%swap3A_407, %swap3A_408, %swap3A_409, %swap3A_410] : memref<32x2x8x128xi32, #tpu.memory_space<vmem>>, vector<1x1x8x128xi32>
    %swap3A_412 = vector.shape_cast %swap3A_411 : vector<1x1x8x128xi32> to vector<8x128xi32>
    %swap3A_413 = vector.shape_cast %slice3A_406 : vector<8x128xi32> to vector<1x1x8x128xi32>
    tpu.vector_store %arg3[%swap3A_407, %swap3A_408, %swap3A_409, %swap3A_410], %swap3A_413 {strides = array<i32>} : memref<32x2x8x128xi32, #tpu.memory_space<vmem>>, vector<1x1x8x128xi32>,
    %slice3A_414 = vector.extract_strided_slice %select_n3A {offsets = [192, 128], sizes = [8, 128], strides = [1, 1]} : vector<256x256xi32> to vector<8x128xi32>
    %swap3A_415 = arith.constant 24 : index
    %swap3A_416 = arith.constant 1 : index
    %swap3A_417 = arith.constant 0 : index
    %swap3A_418 = arith.constant 0 : index
    %swap3A_419 = vector.load %arg3[%swap3A_415, %swap3A_416, %swap3A_417, %swap3A_418] : memref<32x2x8x128xi32, #tpu.memory_space<vmem>>, vector<1x1x8x128xi32>
    %swap3A_420 = vector.shape_cast %swap3A_419 : vector<1x1x8x128xi32> to vector<8x128xi32>
    %swap3A_421 = vector.shape_cast %slice3A_414 : vector<8x128xi32> to vector<1x1x8x128xi32>
    tpu.vector_store %arg3[%swap3A_415, %swap3A_416, %swap3A_417, %swap3A_418], %swap3A_421 {strides = array<i32>} : memref<32x2x8x128xi32, #tpu.memory_space<vmem>>, vector<1x1x8x128xi32>,
    %slice3A_422 = vector.extract_strided_slice %select_n3A {offsets = [200, 0], sizes = [8, 128], strides = [1, 1]} : vector<256x256xi32> to vector<8x128xi32>
    %swap3A_423 = arith.constant 25 : index
    %swap3A_424 = arith.constant 0 : index
    %swap3A_425 = arith.constant 0 : index
    %swap3A_426 = arith.constant 0 : index
    %swap3A_427 = vector.load %arg3[%swap3A_423, %swap3A_424, %swap3A_425, %swap3A_426] : memref<32x2x8x128xi32, #tpu.memory_space<vmem>>, vector<1x1x8x128xi32>
    %swap3A_428 = vector.shape_cast %swap3A_427 : vector<1x1x8x128xi32> to vector<8x128xi32>
    %swap3A_429 = vector.shape_cast %slice3A_422 : vector<8x128xi32> to vector<1x1x8x128xi32>
    tpu.vector_store %arg3[%swap3A_423, %swap3A_424, %swap3A_425, %swap3A_426], %swap3A_429 {strides = array<i32>} : memref<32x2x8x128xi32, #tpu.memory_space<vmem>>, vector<1x1x8x128xi32>,
    %slice3A_430 = vector.extract_strided_slice %select_n3A {offsets = [200, 128], sizes = [8, 128], strides = [1, 1]} : vector<256x256xi32> to vector<8x128xi32>
    %swap3A_431 = arith.constant 25 : index
    %swap3A_432 = arith.constant 1 : index
    %swap3A_433 = arith.constant 0 : index
    %swap3A_434 = arith.constant 0 : index
    %swap3A_435 = vector.load %arg3[%swap3A_431, %swap3A_432, %swap3A_433, %swap3A_434] : memref<32x2x8x128xi32, #tpu.memory_space<vmem>>, vector<1x1x8x128xi32>
    %swap3A_436 = vector.shape_cast %swap3A_435 : vector<1x1x8x128xi32> to vector<8x128xi32>
    %swap3A_437 = vector.shape_cast %slice3A_430 : vector<8x128xi32> to vector<1x1x8x128xi32>
    tpu.vector_store %arg3[%swap3A_431, %swap3A_432, %swap3A_433, %swap3A_434], %swap3A_437 {strides = array<i32>} : memref<32x2x8x128xi32, #tpu.memory_space<vmem>>, vector<1x1x8x128xi32>,
    %slice3A_438 = vector.extract_strided_slice %select_n3A {offsets = [208, 0], sizes = [8, 128], strides = [1, 1]} : vector<256x256xi32> to vector<8x128xi32>
    %swap3A_439 = arith.constant 26 : index
    %swap3A_440 = arith.constant 0 : index
    %swap3A_441 = arith.constant 0 : index
    %swap3A_442 = arith.constant 0 : index
    %swap3A_443 = vector.load %arg3[%swap3A_439, %swap3A_440, %swap3A_441, %swap3A_442] : memref<32x2x8x128xi32, #tpu.memory_space<vmem>>, vector<1x1x8x128xi32>
    %swap3A_444 = vector.shape_cast %swap3A_443 : vector<1x1x8x128xi32> to vector<8x128xi32>
    %swap3A_445 = vector.shape_cast %slice3A_438 : vector<8x128xi32> to vector<1x1x8x128xi32>
    tpu.vector_store %arg3[%swap3A_439, %swap3A_440, %swap3A_441, %swap3A_442], %swap3A_445 {strides = array<i32>} : memref<32x2x8x128xi32, #tpu.memory_space<vmem>>, vector<1x1x8x128xi32>,
    %slice3A_446 = vector.extract_strided_slice %select_n3A {offsets = [208, 128], sizes = [8, 128], strides = [1, 1]} : vector<256x256xi32> to vector<8x128xi32>
    %swap3A_447 = arith.constant 26 : index
    %swap3A_448 = arith.constant 1 : index
    %swap3A_449 = arith.constant 0 : index
    %swap3A_450 = arith.constant 0 : index
    %swap3A_451 = vector.load %arg3[%swap3A_447, %swap3A_448, %swap3A_449, %swap3A_450] : memref<32x2x8x128xi32, #tpu.memory_space<vmem>>, vector<1x1x8x128xi32>
    %swap3A_452 = vector.shape_cast %swap3A_451 : vector<1x1x8x128xi32> to vector<8x128xi32>
    %swap3A_453 = vector.shape_cast %slice3A_446 : vector<8x128xi32> to vector<1x1x8x128xi32>
    tpu.vector_store %arg3[%swap3A_447, %swap3A_448, %swap3A_449, %swap3A_450], %swap3A_453 {strides = array<i32>} : memref<32x2x8x128xi32, #tpu.memory_space<vmem>>, vector<1x1x8x128xi32>,
    %slice3A_454 = vector.extract_strided_slice %select_n3A {offsets = [216, 0], sizes = [8, 128], strides = [1, 1]} : vector<256x256xi32> to vector<8x128xi32>
    %swap3A_455 = arith.constant 27 : index
    %swap3A_456 = arith.constant 0 : index
    %swap3A_457 = arith.constant 0 : index
    %swap3A_458 = arith.constant 0 : index
    %swap3A_459 = vector.load %arg3[%swap3A_455, %swap3A_456, %swap3A_457, %swap3A_458] : memref<32x2x8x128xi32, #tpu.memory_space<vmem>>, vector<1x1x8x128xi32>
    %swap3A_460 = vector.shape_cast %swap3A_459 : vector<1x1x8x128xi32> to vector<8x128xi32>
    %swap3A_461 = vector.shape_cast %slice3A_454 : vector<8x128xi32> to vector<1x1x8x128xi32>
    tpu.vector_store %arg3[%swap3A_455, %swap3A_456, %swap3A_457, %swap3A_458], %swap3A_461 {strides = array<i32>} : memref<32x2x8x128xi32, #tpu.memory_space<vmem>>, vector<1x1x8x128xi32>,
    %slice3A_462 = vector.extract_strided_slice %select_n3A {offsets = [216, 128], sizes = [8, 128], strides = [1, 1]} : vector<256x256xi32> to vector<8x128xi32>
    %swap3A_463 = arith.constant 27 : index
    %swap3A_464 = arith.constant 1 : index
    %swap3A_465 = arith.constant 0 : index
    %swap3A_466 = arith.constant 0 : index
    %swap3A_467 = vector.load %arg3[%swap3A_463, %swap3A_464, %swap3A_465, %swap3A_466] : memref<32x2x8x128xi32, #tpu.memory_space<vmem>>, vector<1x1x8x128xi32>
    %swap3A_468 = vector.shape_cast %swap3A_467 : vector<1x1x8x128xi32> to vector<8x128xi32>
    %swap3A_469 = vector.shape_cast %slice3A_462 : vector<8x128xi32> to vector<1x1x8x128xi32>
    tpu.vector_store %arg3[%swap3A_463, %swap3A_464, %swap3A_465, %swap3A_466], %swap3A_469 {strides = array<i32>} : memref<32x2x8x128xi32, #tpu.memory_space<vmem>>, vector<1x1x8x128xi32>,
    %slice3A_470 = vector.extract_strided_slice %select_n3A {offsets = [224, 0], sizes = [8, 128], strides = [1, 1]} : vector<256x256xi32> to vector<8x128xi32>
    %swap3A_471 = arith.constant 28 : index
    %swap3A_472 = arith.constant 0 : index
    %swap3A_473 = arith.constant 0 : index
    %swap3A_474 = arith.constant 0 : index
    %swap3A_475 = vector.load %arg3[%swap3A_471, %swap3A_472, %swap3A_473, %swap3A_474] : memref<32x2x8x128xi32, #tpu.memory_space<vmem>>, vector<1x1x8x128xi32>
    %swap3A_476 = vector.shape_cast %swap3A_475 : vector<1x1x8x128xi32> to vector<8x128xi32>
    %swap3A_477 = vector.shape_cast %slice3A_470 : vector<8x128xi32> to vector<1x1x8x128xi32>
    tpu.vector_store %arg3[%swap3A_471, %swap3A_472, %swap3A_473, %swap3A_474], %swap3A_477 {strides = array<i32>} : memref<32x2x8x128xi32, #tpu.memory_space<vmem>>, vector<1x1x8x128xi32>,
    %slice3A_478 = vector.extract_strided_slice %select_n3A {offsets = [224, 128], sizes = [8, 128], strides = [1, 1]} : vector<256x256xi32> to vector<8x128xi32>
    %swap3A_479 = arith.constant 28 : index
    %swap3A_480 = arith.constant 1 : index
    %swap3A_481 = arith.constant 0 : index
    %swap3A_482 = arith.constant 0 : index
    %swap3A_483 = vector.load %arg3[%swap3A_479, %swap3A_480, %swap3A_481, %swap3A_482] : memref<32x2x8x128xi32, #tpu.memory_space<vmem>>, vector<1x1x8x128xi32>
    %swap3A_484 = vector.shape_cast %swap3A_483 : vector<1x1x8x128xi32> to vector<8x128xi32>
    %swap3A_485 = vector.shape_cast %slice3A_478 : vector<8x128xi32> to vector<1x1x8x128xi32>
    tpu.vector_store %arg3[%swap3A_479, %swap3A_480, %swap3A_481, %swap3A_482], %swap3A_485 {strides = array<i32>} : memref<32x2x8x128xi32, #tpu.memory_space<vmem>>, vector<1x1x8x128xi32>,
    %slice3A_486 = vector.extract_strided_slice %select_n3A {offsets = [232, 0], sizes = [8, 128], strides = [1, 1]} : vector<256x256xi32> to vector<8x128xi32>
    %swap3A_487 = arith.constant 29 : index
    %swap3A_488 = arith.constant 0 : index
    %swap3A_489 = arith.constant 0 : index
    %swap3A_490 = arith.constant 0 : index
    %swap3A_491 = vector.load %arg3[%swap3A_487, %swap3A_488, %swap3A_489, %swap3A_490] : memref<32x2x8x128xi32, #tpu.memory_space<vmem>>, vector<1x1x8x128xi32>
    %swap3A_492 = vector.shape_cast %swap3A_491 : vector<1x1x8x128xi32> to vector<8x128xi32>
    %swap3A_493 = vector.shape_cast %slice3A_486 : vector<8x128xi32> to vector<1x1x8x128xi32>
    tpu.vector_store %arg3[%swap3A_487, %swap3A_488, %swap3A_489, %swap3A_490], %swap3A_493 {strides = array<i32>} : memref<32x2x8x128xi32, #tpu.memory_space<vmem>>, vector<1x1x8x128xi32>,
    %slice3A_494 = vector.extract_strided_slice %select_n3A {offsets = [232, 128], sizes = [8, 128], strides = [1, 1]} : vector<256x256xi32> to vector<8x128xi32>
    %swap3A_495 = arith.constant 29 : index
    %swap3A_496 = arith.constant 1 : index
    %swap3A_497 = arith.constant 0 : index
    %swap3A_498 = arith.constant 0 : index
    %swap3A_499 = vector.load %arg3[%swap3A_495, %swap3A_496, %swap3A_497, %swap3A_498] : memref<32x2x8x128xi32, #tpu.memory_space<vmem>>, vector<1x1x8x128xi32>
    %swap3A_500 = vector.shape_cast %swap3A_499 : vector<1x1x8x128xi32> to vector<8x128xi32>
    %swap3A_501 = vector.shape_cast %slice3A_494 : vector<8x128xi32> to vector<1x1x8x128xi32>
    tpu.vector_store %arg3[%swap3A_495, %swap3A_496, %swap3A_497, %swap3A_498], %swap3A_501 {strides = array<i32>} : memref<32x2x8x128xi32, #tpu.memory_space<vmem>>, vector<1x1x8x128xi32>,
    %slice3A_502 = vector.extract_strided_slice %select_n3A {offsets = [240, 0], sizes = [8, 128], strides = [1, 1]} : vector<256x256xi32> to vector<8x128xi32>
    %swap3A_503 = arith.constant 30 : index
    %swap3A_504 = arith.constant 0 : index
    %swap3A_505 = arith.constant 0 : index
    %swap3A_506 = arith.constant 0 : index
    %swap3A_507 = vector.load %arg3[%swap3A_503, %swap3A_504, %swap3A_505, %swap3A_506] : memref<32x2x8x128xi32, #tpu.memory_space<vmem>>, vector<1x1x8x128xi32>
    %swap3A_508 = vector.shape_cast %swap3A_507 : vector<1x1x8x128xi32> to vector<8x128xi32>
    %swap3A_509 = vector.shape_cast %slice3A_502 : vector<8x128xi32> to vector<1x1x8x128xi32>
    tpu.vector_store %arg3[%swap3A_503, %swap3A_504, %swap3A_505, %swap3A_506], %swap3A_509 {strides = array<i32>} : memref<32x2x8x128xi32, #tpu.memory_space<vmem>>, vector<1x1x8x128xi32>,
    %slice3A_510 = vector.extract_strided_slice %select_n3A {offsets = [240, 128], sizes = [8, 128], strides = [1, 1]} : vector<256x256xi32> to vector<8x128xi32>
    %swap3A_511 = arith.constant 30 : index
    %swap3A_512 = arith.constant 1 : index
    %swap3A_513 = arith.constant 0 : index
    %swap3A_514 = arith.constant 0 : index
    %swap3A_515 = vector.load %arg3[%swap3A_511, %swap3A_512, %swap3A_513, %swap3A_514] : memref<32x2x8x128xi32, #tpu.memory_space<vmem>>, vector<1x1x8x128xi32>
    %swap3A_516 = vector.shape_cast %swap3A_515 : vector<1x1x8x128xi32> to vector<8x128xi32>
    %swap3A_517 = vector.shape_cast %slice3A_510 : vector<8x128xi32> to vector<1x1x8x128xi32>
    tpu.vector_store %arg3[%swap3A_511, %swap3A_512, %swap3A_513, %swap3A_514], %swap3A_517 {strides = array<i32>} : memref<32x2x8x128xi32, #tpu.memory_space<vmem>>, vector<1x1x8x128xi32>,
    %slice3A_518 = vector.extract_strided_slice %select_n3A {offsets = [248, 0], sizes = [8, 128], strides = [1, 1]} : vector<256x256xi32> to vector<8x128xi32>
    %swap3A_519 = arith.constant 31 : index
    %swap3A_520 = arith.constant 0 : index
    %swap3A_521 = arith.constant 0 : index
    %swap3A_522 = arith.constant 0 : index
    %swap3A_523 = vector.load %arg3[%swap3A_519, %swap3A_520, %swap3A_521, %swap3A_522] : memref<32x2x8x128xi32, #tpu.memory_space<vmem>>, vector<1x1x8x128xi32>
    %swap3A_524 = vector.shape_cast %swap3A_523 : vector<1x1x8x128xi32> to vector<8x128xi32>
    %swap3A_525 = vector.shape_cast %slice3A_518 : vector<8x128xi32> to vector<1x1x8x128xi32>
    tpu.vector_store %arg3[%swap3A_519, %swap3A_520, %swap3A_521, %swap3A_522], %swap3A_525 {strides = array<i32>} : memref<32x2x8x128xi32, #tpu.memory_space<vmem>>, vector<1x1x8x128xi32>,
    %slice3A_526 = vector.extract_strided_slice %select_n3A {offsets = [248, 128], sizes = [8, 128], strides = [1, 1]} : vector<256x256xi32> to vector<8x128xi32>
    %swap3A_527 = arith.constant 31 : index
    %swap3A_528 = arith.constant 1 : index
    %swap3A_529 = arith.constant 0 : index
    %swap3A_530 = arith.constant 0 : index
    %swap3A_531 = vector.load %arg3[%swap3A_527, %swap3A_528, %swap3A_529, %swap3A_530] : memref<32x2x8x128xi32, #tpu.memory_space<vmem>>, vector<1x1x8x128xi32>
    %swap3A_532 = vector.shape_cast %swap3A_531 : vector<1x1x8x128xi32> to vector<8x128xi32>
    %swap3A_533 = vector.shape_cast %slice3A_526 : vector<8x128xi32> to vector<1x1x8x128xi32>
    tpu.vector_store %arg3[%swap3A_527, %swap3A_528, %swap3A_529, %swap3A_530], %swap3A_533 {strides = array<i32>} : memref<32x2x8x128xi32, #tpu.memory_space<vmem>>, vector<1x1x8x128xi32>,
    return
  }
}

module attributes {stable_mosaic.version = 14 : i64} {
  func.func @_finish_kernel(%arg0: memref<8x256x256xf32, #tpu.memory_space<vmem>>, %arg1: memref<256x256xf32, #tpu.memory_space<vmem>>, %arg2: memref<256x1xf32, #tpu.memory_space<vmem>>, %arg3: memref<256x256xi32, #tpu.memory_space<vmem>>, %arg4: memref<1x256xi32, #tpu.memory_space<vmem>>, %arg5: memref<8x256x256xf32, #tpu.memory_space<vmem>>) attributes {dimension_semantics = [], scalar_prefetch = 0 : i64, scratch_operands = 0 : i64, tpu.core_type = #tpu.core_type<tc>} {
    %get3A = arith.constant 0 : index
    %get3A_0 = arith.constant 0 : index
    %get3A_1 = vector.load %arg3[%get3A, %get3A_0] : memref<256x256xi32, #tpu.memory_space<vmem>>, vector<256x256xi32>
    %get3A_2 = arith.constant 0 : index
    %get3A_3 = arith.constant 0 : index
    %get3A_4 = vector.load %arg4[%get3A_2, %get3A_3] : memref<1x256xi32, #tpu.memory_space<vmem>>, vector<1x256xi32>
    %gt3A = vector.broadcast %get3A_4 : vector<1x256xi32> to vector<256x256xi32>
    %gt3A_5 = arith.cmpi sgt, %get3A_1, %gt3A : vector<256x256xi32>
    %eq3A = vector.broadcast %get3A_4 : vector<1x256xi32> to vector<256x256xi32>
    %eq3A_6 = arith.cmpi eq, %get3A_1, %eq3A : vector<256x256xi32>
    %convert_element_type3A = arith.extui %gt3A_5 : vector<256x256xi1> to vector<256x256xi32>
    %reduce_sum3A = arith.constant dense<0> : vector<256xi32>
    %reduce_sum3A_7 = vector.multi_reduction <add>, %convert_element_type3A, %reduce_sum3A [0] : vector<256x256xi32> to vector<256xi32>
    %broadcast_in_dim3A = vector.shape_cast %reduce_sum3A_7 : vector<256xi32> to vector<1x256xi32>
    %sub3A = arith.constant 76 : i32
    %sub3A_8 = vector.broadcast %sub3A : i32 to vector<1x256xi32>
    %sub3A_9 = arith.subi %sub3A_8, %broadcast_in_dim3A : vector<1x256xi32>
    %convert_element_type3A_10 = arith.sitofp %sub3A_9 : vector<1x256xi32> to vector<1x256xf32>
    %convert_element_type3A_11 = arith.extui %eq3A_6 : vector<256x256xi1> to vector<256x256xi32>
    %convert_element_type3A_12 = arith.sitofp %convert_element_type3A_11 : vector<256x256xi32> to vector<256x256xf32>
    %broadcast_in_dim3A_13 = arith.constant 0.000000e+00 : f32
    %broadcast_in_dim3A_14 = vector.broadcast %broadcast_in_dim3A_13 : f32 to vector<1x256xf32>
    %slice3A = vector.extract_strided_slice %convert_element_type3A_12 {offsets = [0, 0], sizes = [255, 256], strides = [1, 1]} : vector<256x256xf32> to vector<255x256xf32>
    %concatenate3A = tpu.concatenate %broadcast_in_dim3A_14, %slice3A in 0 : vector<1x256xf32>, vector<255x256xf32> -> vector<256x256xf32>
    %add3A = arith.addf %convert_element_type3A_12, %concatenate3A : vector<256x256xf32>
    %broadcast_in_dim3A_15 = arith.constant 0.000000e+00 : f32
    %broadcast_in_dim3A_16 = vector.broadcast %broadcast_in_dim3A_15 : f32 to vector<2x256xf32>
    %slice3A_17 = vector.extract_strided_slice %add3A {offsets = [0, 0], sizes = [254, 256], strides = [1, 1]} : vector<256x256xf32> to vector<254x256xf32>
    %concatenate3A_18 = tpu.concatenate %broadcast_in_dim3A_16, %slice3A_17 in 0 : vector<2x256xf32>, vector<254x256xf32> -> vector<256x256xf32>
    %add3A_19 = arith.addf %add3A, %concatenate3A_18 : vector<256x256xf32>
    %broadcast_in_dim3A_20 = arith.constant 0.000000e+00 : f32
    %broadcast_in_dim3A_21 = vector.broadcast %broadcast_in_dim3A_20 : f32 to vector<4x256xf32>
    %slice3A_22 = vector.extract_strided_slice %add3A_19 {offsets = [0, 0], sizes = [252, 256], strides = [1, 1]} : vector<256x256xf32> to vector<252x256xf32>
    %concatenate3A_23 = tpu.concatenate %broadcast_in_dim3A_21, %slice3A_22 in 0 : vector<4x256xf32>, vector<252x256xf32> -> vector<256x256xf32>
    %add3A_24 = arith.addf %add3A_19, %concatenate3A_23 : vector<256x256xf32>
    %broadcast_in_dim3A_25 = arith.constant 0.000000e+00 : f32
    %broadcast_in_dim3A_26 = vector.broadcast %broadcast_in_dim3A_25 : f32 to vector<8x256xf32>
    %slice3A_27 = vector.extract_strided_slice %add3A_24 {offsets = [0, 0], sizes = [248, 256], strides = [1, 1]} : vector<256x256xf32> to vector<248x256xf32>
    %concatenate3A_28 = tpu.concatenate %broadcast_in_dim3A_26, %slice3A_27 in 0 : vector<8x256xf32>, vector<248x256xf32> -> vector<256x256xf32>
    %add3A_29 = arith.addf %add3A_24, %concatenate3A_28 : vector<256x256xf32>
    %broadcast_in_dim3A_30 = arith.constant 0.000000e+00 : f32
    %broadcast_in_dim3A_31 = vector.broadcast %broadcast_in_dim3A_30 : f32 to vector<16x256xf32>
    %slice3A_32 = vector.extract_strided_slice %add3A_29 {offsets = [0, 0], sizes = [240, 256], strides = [1, 1]} : vector<256x256xf32> to vector<240x256xf32>
    %concatenate3A_33 = tpu.concatenate %broadcast_in_dim3A_31, %slice3A_32 in 0 : vector<16x256xf32>, vector<240x256xf32> -> vector<256x256xf32>
    %add3A_34 = arith.addf %add3A_29, %concatenate3A_33 : vector<256x256xf32>
    %broadcast_in_dim3A_35 = arith.constant 0.000000e+00 : f32
    %broadcast_in_dim3A_36 = vector.broadcast %broadcast_in_dim3A_35 : f32 to vector<32x256xf32>
    %slice3A_37 = vector.extract_strided_slice %add3A_34 {offsets = [0, 0], sizes = [224, 256], strides = [1, 1]} : vector<256x256xf32> to vector<224x256xf32>
    %concatenate3A_38 = tpu.concatenate %broadcast_in_dim3A_36, %slice3A_37 in 0 : vector<32x256xf32>, vector<224x256xf32> -> vector<256x256xf32>
    %add3A_39 = arith.addf %add3A_34, %concatenate3A_38 : vector<256x256xf32>
    %broadcast_in_dim3A_40 = arith.constant 0.000000e+00 : f32
    %broadcast_in_dim3A_41 = vector.broadcast %broadcast_in_dim3A_40 : f32 to vector<64x256xf32>
    %slice3A_42 = vector.extract_strided_slice %add3A_39 {offsets = [0, 0], sizes = [192, 256], strides = [1, 1]} : vector<256x256xf32> to vector<192x256xf32>
    %concatenate3A_43 = tpu.concatenate %broadcast_in_dim3A_41, %slice3A_42 in 0 : vector<64x256xf32>, vector<192x256xf32> -> vector<256x256xf32>
    %add3A_44 = arith.addf %add3A_39, %concatenate3A_43 : vector<256x256xf32>
    %broadcast_in_dim3A_45 = arith.constant 0.000000e+00 : f32
    %broadcast_in_dim3A_46 = vector.broadcast %broadcast_in_dim3A_45 : f32 to vector<128x256xf32>
    %slice3A_47 = vector.extract_strided_slice %add3A_44 {offsets = [0, 0], sizes = [128, 256], strides = [1, 1]} : vector<256x256xf32> to vector<128x256xf32>
    %concatenate3A_48 = tpu.concatenate %broadcast_in_dim3A_46, %slice3A_47 in 0 : vector<128x256xf32>, vector<128x256xf32> -> vector<256x256xf32>
    %add3A_49 = arith.addf %add3A_44, %concatenate3A_48 : vector<256x256xf32>
    %sub3A_50 = arith.subf %add3A_49, %convert_element_type3A_12 : vector<256x256xf32>
    %lt3A = vector.broadcast %convert_element_type3A_10 : vector<1x256xf32> to vector<256x256xf32>
    %lt3A_51 = arith.cmpf olt, %sub3A_50, %lt3A : vector<256x256xf32>
    %and3A = arith.andi %eq3A_6, %lt3A_51 : vector<256x256xi1>
    %or3A = arith.ori %gt3A_5, %and3A : vector<256x256xi1>
    %jit3A = arith.constant 1.000000e+00 : f32
    %jit3A_52 = arith.constant 0.000000e+00 : f32
    %broadcast_in_dim3A_53 = vector.broadcast %jit3A : f32 to vector<256x256xf32>
    %broadcast_in_dim3A_54 = vector.broadcast %jit3A_52 : f32 to vector<256x256xf32>
    %select_n3A = arith.select %or3A, %broadcast_in_dim3A_53, %broadcast_in_dim3A_54 : vector<256x256xi1>, vector<256x256xf32>
    %iota3A = tpu.iota {dimensions = array<i32: 0>} : vector<256x256xi32>
    %iota3A_55 = tpu.iota {dimensions = array<i32: 1>} : vector<256x256xi32>
    %eq3A_56 = arith.cmpi eq, %iota3A, %iota3A_55 : vector<256x256xi32>
    %convert_element_type3A_57 = arith.extui %eq3A_56 : vector<256x256xi1> to vector<256x256xi32>
    %convert_element_type3A_58 = arith.sitofp %convert_element_type3A_57 : vector<256x256xi32> to vector<256x256xf32>
    %dot_general3A = arith.constant dense<0.000000e+00> : vector<256x256xf32>
    %dot_general3A_59 = tpu.matmul %select_n3A, %convert_element_type3A_58, %dot_general3A {dimension_numbers = #tpu.dot_dimension_numbers<[0], [0], [1], [1], [0, 1, 1, 1], [], []>, transpose_lhs_hint = false} : vector<256x256xf32>, vector<256x256xf32>, vector<256x256xf32> -> vector<256x256xf32>
    %add3A_60 = arith.addf %select_n3A, %dot_general3A_59 : vector<256x256xf32>
    %gt3A_61 = arith.constant 0.000000e+00 : f32
    %gt3A_62 = vector.broadcast %gt3A_61 : f32 to vector<256x256xf32>
    %gt3A_63 = arith.cmpf ogt, %add3A_60, %gt3A_62 : vector<256x256xf32>
    %jit3A_64 = arith.constant 1.000000e+00 : f32
    %jit3A_65 = arith.constant 0.000000e+00 : f32
    %broadcast_in_dim3A_66 = vector.broadcast %jit3A_64 : f32 to vector<256x256xf32>
    %broadcast_in_dim3A_67 = vector.broadcast %jit3A_65 : f32 to vector<256x256xf32>
    %select_n3A_68 = arith.select %gt3A_63, %broadcast_in_dim3A_66, %broadcast_in_dim3A_67 : vector<256x256xi1>, vector<256x256xf32>
    %max3A = arith.maximumf %select_n3A_68, %convert_element_type3A_58 : vector<256x256xf32>
    %dot_general3A_69 = arith.constant dense<0.000000e+00> : vector<256x256xf32>
    %dot_general3A_70 = tpu.matmul %max3A, %max3A, %dot_general3A_69 {dimension_numbers = #tpu.dot_dimension_numbers<[1], [1], [0], [0], [0, 0, 1, 0], [], []>, transpose_lhs_hint = false} : vector<256x256xf32>, vector<256x256xf32>, vector<256x256xf32> -> vector<256x256xf32>
    %reduce_max3A = arith.constant dense<0xFF800000> : vector<256xf32>
    %reduce_max3A_71 = vector.multi_reduction <maximumf>, %dot_general3A_70, %reduce_max3A [1] : vector<256x256xf32> to vector<256xf32>
    %broadcast_in_dim3A_72 = vector.shape_cast %reduce_max3A_71 : vector<256xf32> to vector<256x1xf32>
    %reduce_max3A_73 = arith.constant dense<0xFF800000> : vector<1xf32>
    %reduce_max3A_74 = vector.multi_reduction <maximumf>, %broadcast_in_dim3A_72, %reduce_max3A_73 [0] : vector<256x1xf32> to vector<1xf32>
    %broadcast_in_dim3A_75 = vector.shape_cast %reduce_max3A_74 : vector<1xf32> to vector<1x1xf32>
    %gt3A_76 = arith.constant 0.000000e+00 : f32
    %gt3A_77 = vector.broadcast %gt3A_76 : f32 to vector<256x256xf32>
    %gt3A_78 = arith.cmpf ogt, %select_n3A_68, %gt3A_77 : vector<256x256xf32>
    %gt3A_79 = arith.constant 1.000000e+00 : f32
    %gt3A_80 = vector.broadcast %gt3A_79 : f32 to vector<256x256xf32>
    %gt3A_81 = arith.cmpf ogt, %dot_general3A_70, %gt3A_80 : vector<256x256xf32>
    %and3A_82 = arith.andi %gt3A_78, %gt3A_81 : vector<256x256xi1>
    %div3A = vector.broadcast %broadcast_in_dim3A_75 : vector<1x1xf32> to vector<256x256xf32>
    %div3A_83 = arith.divf %dot_general3A_70, %div3A : vector<256x256xf32>
    %mul3A = arith.mulf %div3A_83, %dot_general3A_70 : vector<256x256xf32>
    %jit3A_84 = arith.constant 0.000000e+00 : f32
    %broadcast_in_dim3A_85 = vector.broadcast %jit3A_84 : f32 to vector<256x256xf32>
    %select_n3A_86 = arith.select %and3A_82, %mul3A, %broadcast_in_dim3A_85 : vector<256x256xi1>, vector<256x256xf32>
    %mul3A_87 = arith.mulf %select_n3A, %select_n3A_86 : vector<256x256xf32>
    %reduce_sum3A_88 = arith.constant dense<0.000000e+00> : vector<256xf32>
    %reduce_sum3A_89 = vector.multi_reduction <add>, %mul3A_87, %reduce_sum3A_88 [0] : vector<256x256xf32> to vector<256xf32>
    %broadcast_in_dim3A_90 = vector.shape_cast %reduce_sum3A_89 : vector<256xf32> to vector<1x256xf32>
    %gt3A_91 = arith.constant 0.000000e+00 : f32
    %gt3A_92 = vector.broadcast %gt3A_91 : f32 to vector<1x256xf32>
    %gt3A_93 = arith.cmpf ogt, %broadcast_in_dim3A_90, %gt3A_92 : vector<1x256xf32>
    %rsqrt3A = math.rsqrt %broadcast_in_dim3A_90 : vector<1x256xf32>
    %jit3A_94 = arith.constant 0.000000e+00 : f32
    %broadcast_in_dim3A_95 = vector.broadcast %jit3A_94 : f32 to vector<1x256xf32>
    %select_n3A_96 = arith.select %gt3A_93, %rsqrt3A, %broadcast_in_dim3A_95 : vector<1x256xi1>, vector<1x256xf32>
    %get3A_97 = arith.constant 0 : index
    %get3A_98 = arith.constant 0 : index
    %get3A_99 = vector.load %arg1[%get3A_97, %get3A_98] : memref<256x256xf32, #tpu.memory_space<vmem>>, vector<256x256xf32>
    %get3A_100 = arith.constant 0 : index
    %get3A_101 = arith.constant 0 : index
    %get3A_102 = vector.load %arg2[%get3A_100, %get3A_101] : memref<256x1xf32, #tpu.memory_space<vmem>>, vector<256x1xf32>
    %get3A_103 = arith.constant 0 : index
    %get3A_104 = arith.constant 0 : index
    %get3A_105 = arith.constant 0 : index
    %get3A_106 = vector.load %arg0[%get3A_103, %get3A_104, %get3A_105] : memref<8x256x256xf32, #tpu.memory_space<vmem>>, vector<1x256x256xf32>
    %get3A_107 = vector.shape_cast %get3A_106 : vector<1x256x256xf32> to vector<256x256xf32>
    %dot_general3A_108 = arith.constant dense<0.000000e+00> : vector<256x256xf32>
    %dot_general3A_109 = tpu.matmul %get3A_99, %get3A_107, %dot_general3A_108 {dimension_numbers = #tpu.dot_dimension_numbers<[1], [0], [0], [1], [0, 0, 1, 1], [], []>, transpose_lhs_hint = false} : vector<256x256xf32>, vector<256x256xf32>, vector<256x256xf32> -> vector<256x256xf32>
    %mul3A_110 = vector.broadcast %select_n3A_96 : vector<1x256xf32> to vector<256x256xf32>
    %mul3A_111 = arith.mulf %dot_general3A_109, %mul3A_110 : vector<256x256xf32>
    %dot_general3A_112 = arith.constant dense<0.000000e+00> : vector<256x256xf32>
    %dot_general3A_113 = tpu.matmul %mul3A_111, %mul3A_87, %dot_general3A_112 {dimension_numbers = #tpu.dot_dimension_numbers<[1], [0], [0], [1], [0, 0, 1, 1], [], []>, transpose_lhs_hint = false} : vector<256x256xf32>, vector<256x256xf32>, vector<256x256xf32> -> vector<256x256xf32>
    %mul3A_114 = vector.broadcast %select_n3A_96 : vector<1x256xf32> to vector<256x256xf32>
    %mul3A_115 = arith.mulf %dot_general3A_113, %mul3A_114 : vector<256x256xf32>
    %add3A_116 = vector.broadcast %get3A_102 : vector<256x1xf32> to vector<256x256xf32>
    %add3A_117 = arith.addf %mul3A_115, %add3A_116 : vector<256x256xf32>
    %swap3A = arith.constant 0 : index
    %swap3A_118 = arith.constant 0 : index
    %swap3A_119 = arith.constant 0 : index
    %swap3A_120 = vector.load %arg5[%swap3A, %swap3A_118, %swap3A_119] : memref<8x256x256xf32, #tpu.memory_space<vmem>>, vector<1x256x256xf32>
    %swap3A_121 = vector.shape_cast %swap3A_120 : vector<1x256x256xf32> to vector<256x256xf32>
    %swap3A_122 = vector.shape_cast %add3A_117 : vector<256x256xf32> to vector<1x256x256xf32>
    tpu.vector_store %arg5[%swap3A, %swap3A_118, %swap3A_119], %swap3A_122 {strides = array<i32>} : memref<8x256x256xf32, #tpu.memory_space<vmem>>, vector<1x256x256xf32>,
    %get3A_123 = arith.constant 1 : index
    %get3A_124 = arith.constant 0 : index
    %get3A_125 = arith.constant 0 : index
    %get3A_126 = vector.load %arg0[%get3A_123, %get3A_124, %get3A_125] : memref<8x256x256xf32, #tpu.memory_space<vmem>>, vector<1x256x256xf32>
    %get3A_127 = vector.shape_cast %get3A_126 : vector<1x256x256xf32> to vector<256x256xf32>
    %dot_general3A_128 = arith.constant dense<0.000000e+00> : vector<256x256xf32>
    %dot_general3A_129 = tpu.matmul %get3A_99, %get3A_127, %dot_general3A_128 {dimension_numbers = #tpu.dot_dimension_numbers<[1], [0], [0], [1], [0, 0, 1, 1], [], []>, transpose_lhs_hint = false} : vector<256x256xf32>, vector<256x256xf32>, vector<256x256xf32> -> vector<256x256xf32>
    %mul3A_130 = vector.broadcast %select_n3A_96 : vector<1x256xf32> to vector<256x256xf32>
    %mul3A_131 = arith.mulf %dot_general3A_129, %mul3A_130 : vector<256x256xf32>
    %dot_general3A_132 = arith.constant dense<0.000000e+00> : vector<256x256xf32>
    %dot_general3A_133 = tpu.matmul %mul3A_131, %mul3A_87, %dot_general3A_132 {dimension_numbers = #tpu.dot_dimension_numbers<[1], [0], [0], [1], [0, 0, 1, 1], [], []>, transpose_lhs_hint = false} : vector<256x256xf32>, vector<256x256xf32>, vector<256x256xf32> -> vector<256x256xf32>
    %mul3A_134 = vector.broadcast %select_n3A_96 : vector<1x256xf32> to vector<256x256xf32>
    %mul3A_135 = arith.mulf %dot_general3A_133, %mul3A_134 : vector<256x256xf32>
    %add3A_136 = vector.broadcast %get3A_102 : vector<256x1xf32> to vector<256x256xf32>
    %add3A_137 = arith.addf %mul3A_135, %add3A_136 : vector<256x256xf32>
    %swap3A_138 = arith.constant 1 : index
    %swap3A_139 = arith.constant 0 : index
    %swap3A_140 = arith.constant 0 : index
    %swap3A_141 = vector.load %arg5[%swap3A_138, %swap3A_139, %swap3A_140] : memref<8x256x256xf32, #tpu.memory_space<vmem>>, vector<1x256x256xf32>
    %swap3A_142 = vector.shape_cast %swap3A_141 : vector<1x256x256xf32> to vector<256x256xf32>
    %swap3A_143 = vector.shape_cast %add3A_137 : vector<256x256xf32> to vector<1x256x256xf32>
    tpu.vector_store %arg5[%swap3A_138, %swap3A_139, %swap3A_140], %swap3A_143 {strides = array<i32>} : memref<8x256x256xf32, #tpu.memory_space<vmem>>, vector<1x256x256xf32>,
    %get3A_144 = arith.constant 2 : index
    %get3A_145 = arith.constant 0 : index
    %get3A_146 = arith.constant 0 : index
    %get3A_147 = vector.load %arg0[%get3A_144, %get3A_145, %get3A_146] : memref<8x256x256xf32, #tpu.memory_space<vmem>>, vector<1x256x256xf32>
    %get3A_148 = vector.shape_cast %get3A_147 : vector<1x256x256xf32> to vector<256x256xf32>
    %dot_general3A_149 = arith.constant dense<0.000000e+00> : vector<256x256xf32>
    %dot_general3A_150 = tpu.matmul %get3A_99, %get3A_148, %dot_general3A_149 {dimension_numbers = #tpu.dot_dimension_numbers<[1], [0], [0], [1], [0, 0, 1, 1], [], []>, transpose_lhs_hint = false} : vector<256x256xf32>, vector<256x256xf32>, vector<256x256xf32> -> vector<256x256xf32>
    %mul3A_151 = vector.broadcast %select_n3A_96 : vector<1x256xf32> to vector<256x256xf32>
    %mul3A_152 = arith.mulf %dot_general3A_150, %mul3A_151 : vector<256x256xf32>
    %dot_general3A_153 = arith.constant dense<0.000000e+00> : vector<256x256xf32>
    %dot_general3A_154 = tpu.matmul %mul3A_152, %mul3A_87, %dot_general3A_153 {dimension_numbers = #tpu.dot_dimension_numbers<[1], [0], [0], [1], [0, 0, 1, 1], [], []>, transpose_lhs_hint = false} : vector<256x256xf32>, vector<256x256xf32>, vector<256x256xf32> -> vector<256x256xf32>
    %mul3A_155 = vector.broadcast %select_n3A_96 : vector<1x256xf32> to vector<256x256xf32>
    %mul3A_156 = arith.mulf %dot_general3A_154, %mul3A_155 : vector<256x256xf32>
    %add3A_157 = vector.broadcast %get3A_102 : vector<256x1xf32> to vector<256x256xf32>
    %add3A_158 = arith.addf %mul3A_156, %add3A_157 : vector<256x256xf32>
    %swap3A_159 = arith.constant 2 : index
    %swap3A_160 = arith.constant 0 : index
    %swap3A_161 = arith.constant 0 : index
    %swap3A_162 = vector.load %arg5[%swap3A_159, %swap3A_160, %swap3A_161] : memref<8x256x256xf32, #tpu.memory_space<vmem>>, vector<1x256x256xf32>
    %swap3A_163 = vector.shape_cast %swap3A_162 : vector<1x256x256xf32> to vector<256x256xf32>
    %swap3A_164 = vector.shape_cast %add3A_158 : vector<256x256xf32> to vector<1x256x256xf32>
    tpu.vector_store %arg5[%swap3A_159, %swap3A_160, %swap3A_161], %swap3A_164 {strides = array<i32>} : memref<8x256x256xf32, #tpu.memory_space<vmem>>, vector<1x256x256xf32>,
    %get3A_165 = arith.constant 3 : index
    %get3A_166 = arith.constant 0 : index
    %get3A_167 = arith.constant 0 : index
    %get3A_168 = vector.load %arg0[%get3A_165, %get3A_166, %get3A_167] : memref<8x256x256xf32, #tpu.memory_space<vmem>>, vector<1x256x256xf32>
    %get3A_169 = vector.shape_cast %get3A_168 : vector<1x256x256xf32> to vector<256x256xf32>
    %dot_general3A_170 = arith.constant dense<0.000000e+00> : vector<256x256xf32>
    %dot_general3A_171 = tpu.matmul %get3A_99, %get3A_169, %dot_general3A_170 {dimension_numbers = #tpu.dot_dimension_numbers<[1], [0], [0], [1], [0, 0, 1, 1], [], []>, transpose_lhs_hint = false} : vector<256x256xf32>, vector<256x256xf32>, vector<256x256xf32> -> vector<256x256xf32>
    %mul3A_172 = vector.broadcast %select_n3A_96 : vector<1x256xf32> to vector<256x256xf32>
    %mul3A_173 = arith.mulf %dot_general3A_171, %mul3A_172 : vector<256x256xf32>
    %dot_general3A_174 = arith.constant dense<0.000000e+00> : vector<256x256xf32>
    %dot_general3A_175 = tpu.matmul %mul3A_173, %mul3A_87, %dot_general3A_174 {dimension_numbers = #tpu.dot_dimension_numbers<[1], [0], [0], [1], [0, 0, 1, 1], [], []>, transpose_lhs_hint = false} : vector<256x256xf32>, vector<256x256xf32>, vector<256x256xf32> -> vector<256x256xf32>
    %mul3A_176 = vector.broadcast %select_n3A_96 : vector<1x256xf32> to vector<256x256xf32>
    %mul3A_177 = arith.mulf %dot_general3A_175, %mul3A_176 : vector<256x256xf32>
    %add3A_178 = vector.broadcast %get3A_102 : vector<256x1xf32> to vector<256x256xf32>
    %add3A_179 = arith.addf %mul3A_177, %add3A_178 : vector<256x256xf32>
    %swap3A_180 = arith.constant 3 : index
    %swap3A_181 = arith.constant 0 : index
    %swap3A_182 = arith.constant 0 : index
    %swap3A_183 = vector.load %arg5[%swap3A_180, %swap3A_181, %swap3A_182] : memref<8x256x256xf32, #tpu.memory_space<vmem>>, vector<1x256x256xf32>
    %swap3A_184 = vector.shape_cast %swap3A_183 : vector<1x256x256xf32> to vector<256x256xf32>
    %swap3A_185 = vector.shape_cast %add3A_179 : vector<256x256xf32> to vector<1x256x256xf32>
    tpu.vector_store %arg5[%swap3A_180, %swap3A_181, %swap3A_182], %swap3A_185 {strides = array<i32>} : memref<8x256x256xf32, #tpu.memory_space<vmem>>, vector<1x256x256xf32>,
    %get3A_186 = arith.constant 4 : index
    %get3A_187 = arith.constant 0 : index
    %get3A_188 = arith.constant 0 : index
    %get3A_189 = vector.load %arg0[%get3A_186, %get3A_187, %get3A_188] : memref<8x256x256xf32, #tpu.memory_space<vmem>>, vector<1x256x256xf32>
    %get3A_190 = vector.shape_cast %get3A_189 : vector<1x256x256xf32> to vector<256x256xf32>
    %dot_general3A_191 = arith.constant dense<0.000000e+00> : vector<256x256xf32>
    %dot_general3A_192 = tpu.matmul %get3A_99, %get3A_190, %dot_general3A_191 {dimension_numbers = #tpu.dot_dimension_numbers<[1], [0], [0], [1], [0, 0, 1, 1], [], []>, transpose_lhs_hint = false} : vector<256x256xf32>, vector<256x256xf32>, vector<256x256xf32> -> vector<256x256xf32>
    %mul3A_193 = vector.broadcast %select_n3A_96 : vector<1x256xf32> to vector<256x256xf32>
    %mul3A_194 = arith.mulf %dot_general3A_192, %mul3A_193 : vector<256x256xf32>
    %dot_general3A_195 = arith.constant dense<0.000000e+00> : vector<256x256xf32>
    %dot_general3A_196 = tpu.matmul %mul3A_194, %mul3A_87, %dot_general3A_195 {dimension_numbers = #tpu.dot_dimension_numbers<[1], [0], [0], [1], [0, 0, 1, 1], [], []>, transpose_lhs_hint = false} : vector<256x256xf32>, vector<256x256xf32>, vector<256x256xf32> -> vector<256x256xf32>
    %mul3A_197 = vector.broadcast %select_n3A_96 : vector<1x256xf32> to vector<256x256xf32>
    %mul3A_198 = arith.mulf %dot_general3A_196, %mul3A_197 : vector<256x256xf32>
    %add3A_199 = vector.broadcast %get3A_102 : vector<256x1xf32> to vector<256x256xf32>
    %add3A_200 = arith.addf %mul3A_198, %add3A_199 : vector<256x256xf32>
    %swap3A_201 = arith.constant 4 : index
    %swap3A_202 = arith.constant 0 : index
    %swap3A_203 = arith.constant 0 : index
    %swap3A_204 = vector.load %arg5[%swap3A_201, %swap3A_202, %swap3A_203] : memref<8x256x256xf32, #tpu.memory_space<vmem>>, vector<1x256x256xf32>
    %swap3A_205 = vector.shape_cast %swap3A_204 : vector<1x256x256xf32> to vector<256x256xf32>
    %swap3A_206 = vector.shape_cast %add3A_200 : vector<256x256xf32> to vector<1x256x256xf32>
    tpu.vector_store %arg5[%swap3A_201, %swap3A_202, %swap3A_203], %swap3A_206 {strides = array<i32>} : memref<8x256x256xf32, #tpu.memory_space<vmem>>, vector<1x256x256xf32>,
    %get3A_207 = arith.constant 5 : index
    %get3A_208 = arith.constant 0 : index
    %get3A_209 = arith.constant 0 : index
    %get3A_210 = vector.load %arg0[%get3A_207, %get3A_208, %get3A_209] : memref<8x256x256xf32, #tpu.memory_space<vmem>>, vector<1x256x256xf32>
    %get3A_211 = vector.shape_cast %get3A_210 : vector<1x256x256xf32> to vector<256x256xf32>
    %dot_general3A_212 = arith.constant dense<0.000000e+00> : vector<256x256xf32>
    %dot_general3A_213 = tpu.matmul %get3A_99, %get3A_211, %dot_general3A_212 {dimension_numbers = #tpu.dot_dimension_numbers<[1], [0], [0], [1], [0, 0, 1, 1], [], []>, transpose_lhs_hint = false} : vector<256x256xf32>, vector<256x256xf32>, vector<256x256xf32> -> vector<256x256xf32>
    %mul3A_214 = vector.broadcast %select_n3A_96 : vector<1x256xf32> to vector<256x256xf32>
    %mul3A_215 = arith.mulf %dot_general3A_213, %mul3A_214 : vector<256x256xf32>
    %dot_general3A_216 = arith.constant dense<0.000000e+00> : vector<256x256xf32>
    %dot_general3A_217 = tpu.matmul %mul3A_215, %mul3A_87, %dot_general3A_216 {dimension_numbers = #tpu.dot_dimension_numbers<[1], [0], [0], [1], [0, 0, 1, 1], [], []>, transpose_lhs_hint = false} : vector<256x256xf32>, vector<256x256xf32>, vector<256x256xf32> -> vector<256x256xf32>
    %mul3A_218 = vector.broadcast %select_n3A_96 : vector<1x256xf32> to vector<256x256xf32>
    %mul3A_219 = arith.mulf %dot_general3A_217, %mul3A_218 : vector<256x256xf32>
    %add3A_220 = vector.broadcast %get3A_102 : vector<256x1xf32> to vector<256x256xf32>
    %add3A_221 = arith.addf %mul3A_219, %add3A_220 : vector<256x256xf32>
    %swap3A_222 = arith.constant 5 : index
    %swap3A_223 = arith.constant 0 : index
    %swap3A_224 = arith.constant 0 : index
    %swap3A_225 = vector.load %arg5[%swap3A_222, %swap3A_223, %swap3A_224] : memref<8x256x256xf32, #tpu.memory_space<vmem>>, vector<1x256x256xf32>
    %swap3A_226 = vector.shape_cast %swap3A_225 : vector<1x256x256xf32> to vector<256x256xf32>
    %swap3A_227 = vector.shape_cast %add3A_221 : vector<256x256xf32> to vector<1x256x256xf32>
    tpu.vector_store %arg5[%swap3A_222, %swap3A_223, %swap3A_224], %swap3A_227 {strides = array<i32>} : memref<8x256x256xf32, #tpu.memory_space<vmem>>, vector<1x256x256xf32>,
    %get3A_228 = arith.constant 6 : index
    %get3A_229 = arith.constant 0 : index
    %get3A_230 = arith.constant 0 : index
    %get3A_231 = vector.load %arg0[%get3A_228, %get3A_229, %get3A_230] : memref<8x256x256xf32, #tpu.memory_space<vmem>>, vector<1x256x256xf32>
    %get3A_232 = vector.shape_cast %get3A_231 : vector<1x256x256xf32> to vector<256x256xf32>
    %dot_general3A_233 = arith.constant dense<0.000000e+00> : vector<256x256xf32>
    %dot_general3A_234 = tpu.matmul %get3A_99, %get3A_232, %dot_general3A_233 {dimension_numbers = #tpu.dot_dimension_numbers<[1], [0], [0], [1], [0, 0, 1, 1], [], []>, transpose_lhs_hint = false} : vector<256x256xf32>, vector<256x256xf32>, vector<256x256xf32> -> vector<256x256xf32>
    %mul3A_235 = vector.broadcast %select_n3A_96 : vector<1x256xf32> to vector<256x256xf32>
    %mul3A_236 = arith.mulf %dot_general3A_234, %mul3A_235 : vector<256x256xf32>
    %dot_general3A_237 = arith.constant dense<0.000000e+00> : vector<256x256xf32>
    %dot_general3A_238 = tpu.matmul %mul3A_236, %mul3A_87, %dot_general3A_237 {dimension_numbers = #tpu.dot_dimension_numbers<[1], [0], [0], [1], [0, 0, 1, 1], [], []>, transpose_lhs_hint = false} : vector<256x256xf32>, vector<256x256xf32>, vector<256x256xf32> -> vector<256x256xf32>
    %mul3A_239 = vector.broadcast %select_n3A_96 : vector<1x256xf32> to vector<256x256xf32>
    %mul3A_240 = arith.mulf %dot_general3A_238, %mul3A_239 : vector<256x256xf32>
    %add3A_241 = vector.broadcast %get3A_102 : vector<256x1xf32> to vector<256x256xf32>
    %add3A_242 = arith.addf %mul3A_240, %add3A_241 : vector<256x256xf32>
    %swap3A_243 = arith.constant 6 : index
    %swap3A_244 = arith.constant 0 : index
    %swap3A_245 = arith.constant 0 : index
    %swap3A_246 = vector.load %arg5[%swap3A_243, %swap3A_244, %swap3A_245] : memref<8x256x256xf32, #tpu.memory_space<vmem>>, vector<1x256x256xf32>
    %swap3A_247 = vector.shape_cast %swap3A_246 : vector<1x256x256xf32> to vector<256x256xf32>
    %swap3A_248 = vector.shape_cast %add3A_242 : vector<256x256xf32> to vector<1x256x256xf32>
    tpu.vector_store %arg5[%swap3A_243, %swap3A_244, %swap3A_245], %swap3A_248 {strides = array<i32>} : memref<8x256x256xf32, #tpu.memory_space<vmem>>, vector<1x256x256xf32>,
    %get3A_249 = arith.constant 7 : index
    %get3A_250 = arith.constant 0 : index
    %get3A_251 = arith.constant 0 : index
    %get3A_252 = vector.load %arg0[%get3A_249, %get3A_250, %get3A_251] : memref<8x256x256xf32, #tpu.memory_space<vmem>>, vector<1x256x256xf32>
    %get3A_253 = vector.shape_cast %get3A_252 : vector<1x256x256xf32> to vector<256x256xf32>
    %dot_general3A_254 = arith.constant dense<0.000000e+00> : vector<256x256xf32>
    %dot_general3A_255 = tpu.matmul %get3A_99, %get3A_253, %dot_general3A_254 {dimension_numbers = #tpu.dot_dimension_numbers<[1], [0], [0], [1], [0, 0, 1, 1], [], []>, transpose_lhs_hint = false} : vector<256x256xf32>, vector<256x256xf32>, vector<256x256xf32> -> vector<256x256xf32>
    %mul3A_256 = vector.broadcast %select_n3A_96 : vector<1x256xf32> to vector<256x256xf32>
    %mul3A_257 = arith.mulf %dot_general3A_255, %mul3A_256 : vector<256x256xf32>
    %dot_general3A_258 = arith.constant dense<0.000000e+00> : vector<256x256xf32>
    %dot_general3A_259 = tpu.matmul %mul3A_257, %mul3A_87, %dot_general3A_258 {dimension_numbers = #tpu.dot_dimension_numbers<[1], [0], [0], [1], [0, 0, 1, 1], [], []>, transpose_lhs_hint = false} : vector<256x256xf32>, vector<256x256xf32>, vector<256x256xf32> -> vector<256x256xf32>
    %mul3A_260 = vector.broadcast %select_n3A_96 : vector<1x256xf32> to vector<256x256xf32>
    %mul3A_261 = arith.mulf %dot_general3A_259, %mul3A_260 : vector<256x256xf32>
    %add3A_262 = vector.broadcast %get3A_102 : vector<256x1xf32> to vector<256x256xf32>
    %add3A_263 = arith.addf %mul3A_261, %add3A_262 : vector<256x256xf32>
    %swap3A_264 = arith.constant 7 : index
    %swap3A_265 = arith.constant 0 : index
    %swap3A_266 = arith.constant 0 : index
    %swap3A_267 = vector.load %arg5[%swap3A_264, %swap3A_265, %swap3A_266] : memref<8x256x256xf32, #tpu.memory_space<vmem>>, vector<1x256x256xf32>
    %swap3A_268 = vector.shape_cast %swap3A_267 : vector<1x256x256xf32> to vector<256x256xf32>
    %swap3A_269 = vector.shape_cast %add3A_263 : vector<256x256xf32> to vector<1x256x256xf32>
    tpu.vector_store %arg5[%swap3A_264, %swap3A_265, %swap3A_266], %swap3A_269 {strides = array<i32>} : memref<8x256x256xf32, #tpu.memory_space<vmem>>, vector<1x256x256xf32>,
    return
  }
}

</mosaic_0001>

<sc_bundles>
// kernel: kernel.5.cloned.1.call-start
scs
__scs_entry_jumppad:
0x0: {  	(pc) =	sbr.rel $0x88, $3  }
0x1: {  	(tag) =	ssettag $0x0;
	lr =	simm.s32 $0x1  }
0x2: {  	[smem:$0x3F9D] =	sst lr;
	_ =	strace $0xD0000000  }
0x3: {  	_ = 	snop  }
0x4: {  	_ = 	snop  }
0x5: {  	_ = 	snop  }
0x6: {  	_ = 	snop  }
0x7: {  	_ = 	snop  }
__scs_overlays_trampoline_lowered:
0x8: {  	[smem:$0x3FAC] =	sst s0  }
0x9: {  	[smem:$0x3FAD] =	sst s1  }
0xa: {  	[smem:$0x3FAE] =	sst s2  }
0xb: {  	[smem:$0x3FAF] =	sst s3  }
0xc: {  	[smem:$0x3FB0] =	sst s4  }
0xd: {  	[smem:$0x3FB1] =	sst s5  }
0xe: {  	[smem:$0x3FB2] =	sst s6  }
0xf: {  	[smem:$0x3FB3] =	sst s7  }
0x10: {  	[smem:$0x3FB4] =	sst s8  }
0x11: {  	[smem:$0x3FB5] =	sst s9;
	s0 =	simm.s32 @!p0 $0x0  }
0x12: {  	s1 =	sld [smem:$0x3F9B];
	s0 =	simm.s32 @p0 $0x1  }
0x13: {  	[smem:$0x3FB6] =	sst s0;
	s0 =	simm.s32 @!p1 $0x0  }
0x14: {  	s2 =	sld [smem:$0x3F9A];
	s0 =	simm.s32 @p1 $0x1  }
0x15: {  	[smem:$0x3FB7] =	sst s0;
	s0 =	simm.s32 @!p2 $0x0  }
0x16: {  	s3 =	sld [smem:$0x3FDB];
	s0 =	simm.s32 @p2 $0x1  }
0x17: {  	s4 =	simm.s32 $0x1BF5;
	[smem:$0x3FB9] =	sst s0  }
0x18: {  	s0 =	sld [smem:$0x3F9C];
	_ =	swait.ge [sflag:s4], $0x0  }
0x19: {  	s7 =	sld [smem:$0x3F9D]  }
0x1a: {  	s8 =	sadd.s32 $0xFFFFE003, lr  }
0x1b: {  	s9 =	sadd.s32 $0xFFFFFEF7, lr;
	s5 =	simm.s32 $0xFFFFFFFF;
	p2 =	slt.u32 s8, $0xFFFFF086  }
0x1c: {  	p1 =	slt.u32 s9, $0xF7A;
	s5 =	simm.s32 @!p2 $0x0  }
0x1d: {  	s5 =	simm.s32 @p1 $0x1;
	p0 =	seq.s32 s7, s2  }
0x1e: {  	s7 =	smul.u32 @!p0 $0xF7A, s2;
	p2 =	seq.s32 @!p0 s5, $0x0  }
0x1f: {  	s9 =	smul.u32 $0xF7A, s1;
	s8 =	simm.s32 @!p0 $0x1BF5;
	p2 =	por !p2, p0  }
0x20: {  	[sflag:s8] =	ssyncset.s32 @!p0 $0xFFFFF086;
	s6 =	sadd.s32 @!p0 s3, s7;
	s7 =	simm.s32 @!p0 $0x108  }
0x21: {  	s3 =	sadd.s32 s3, s9;
	s6 =	sadd.s32 @!p0 $0x88, s6;
	s7 =	simm.s32 @p2 $0x1082  }
0x22: {  	[simem:s7], [sflag:s8] =	dma.local @!p0 [hbm:s6], $0xF7A  }
0x23: {  	s9 =	sor.u32 $0xD0000000, s2;
	s6 =	simm.s32 $0x108;
	_ =	swait.ge @!p0 [sflag:s8], $0x0  }
0x24: {  	s3 =	sadd.s32 $0x88, s3;
	s6 =	simm.s32 @!p1 $0x1082;
	[sflag:s4] =	ssyncset.s32 $0xFFFFF086  }
0x25: {  	[simem:s6], [sflag:s4] =	dma.local [hbm:s3], $0xF7A  }
0x26: {  	[smem:$0x3F9D] =	sst s1;
	(tag) =	ssettag s2;
	_ =	strace s9  }
0x27: {  	s1 =	sld [smem:$0x3FAD]  }
0x28: {  	s2 =	sld [smem:$0x3FAE]  }
0x29: {  	s4 =	sld [smem:$0x3FB0]  }
0x2a: {  	p0 =	seq.s32 s5, $0x0;
	s5 =	sld [smem:$0x3FB1]  }
0x2b: {  	s6 =	sld [smem:$0x3FB2]  }
0x2c: {  	s7 =	sld [smem:$0x3FB3]  }
0x2d: {  	s3 =	simm.s32 $0x108;
	s8 =	sld [smem:$0x3FB4]  }
0x2e: {  	s3 =	simm.s32 @!p0 $0x1082;
	s9 =	sld [smem:$0x3FB5]  }
0x2f: {  	lr =	sadd.s32 s0, s3;
	s0 =	sld [smem:$0x3FAC]  }
0x30: {  	s3 =	sld [smem:$0x3FAF]  }
0x31: {  	[smem:$0x3FB8] =	sst s10  }
0x32: {  	s10 =	sld [smem:$0x3FB6];
	_ =	sdelay $0x3  }
0x33: {  	p0 =	seq.s32 s10, $0x1;
	s10 =	sld [smem:$0x3FB8];
	_ =	sdelay $0x3  }
0x34: {  	[smem:$0x3FB8] =	sst s10  }
0x35: {  	s10 =	sld [smem:$0x3FB7];
	_ =	sdelay $0x3  }
0x36: {  	p1 =	seq.s32 s10, $0x1;
	s10 =	sld [smem:$0x3FB8];
	_ =	sdelay $0x3  }
0x37: {  	[smem:$0x3FB8] =	sst s10  }
0x38: {  	s10 =	sld [smem:$0x3FB9]  }
0x39: {  	_ = 	snop;
	(pc) =	sbr.ind lr, $3  }
0x3a: {  	_ = 	snop  }
0x3b: {  	_ = 	snop  }
0x3c: {  	p2 =	seq.s32 s10, $0x1;
	s10 =	sld [smem:$0x3FB8]  }
0x3d: {  	_ =	shalt  }
0x3e: {  	_ =	shalt  }
0x3f: {  	_ =	shalt  }
0x40: {  	_ =	shalt  }
0x41: {  	_ =	shalt  }
0x42: {  	_ =	shalt  }
0x43: {  	_ =	shalt  }
0x44: {  	_ =	shalt  }
0x45: {  	_ =	shalt  }
0x46: {  	_ =	shalt  }
0x47: {  	_ =	shalt  }
0x48: {  	_ =	shalt  }
0x49: {  	_ =	shalt  }
0x4a: {  	_ =	shalt  }
0x4b: {  	_ =	shalt  }
0x4c: {  	_ =	shalt  }
0x4d: {  	_ =	shalt  }
0x4e: {  	_ =	shalt  }
0x4f: {  	_ =	shalt  }
0x50: {  	_ =	shalt  }
0x51: {  	_ =	shalt  }
0x52: {  	_ =	shalt  }
0x53: {  	_ =	shalt  }
0x54: {  	_ =	shalt  }
0x55: {  	_ =	shalt  }
0x56: {  	_ =	shalt  }
0x57: {  	_ =	shalt  }
0x58: {  	_ =	shalt  }
0x59: {  	_ =	shalt  }
0x5a: {  	_ =	shalt  }
0x5b: {  	_ =	shalt  }
0x5c: {  	_ =	shalt  }
0x5d: {  	_ =	shalt  }
0x5e: {  	_ =	shalt  }
0x5f: {  	_ =	shalt  }
0x60: {  	_ =	shalt  }
0x61: {  	_ =	shalt  }
0x62: {  	_ =	shalt  }
0x63: {  	_ =	shalt  }
0x64: {  	_ =	shalt  }
0x65: {  	_ =	shalt  }
0x66: {  	_ =	shalt  }
0x67: {  	_ =	shalt  }
0x68: {  	_ =	shalt  }
0x69: {  	_ =	shalt  }
0x6a: {  	_ =	shalt  }
0x6b: {  	_ =	shalt  }
0x6c: {  	_ =	shalt  }
0x6d: {  	_ =	shalt  }
0x6e: {  	_ =	shalt  }
0x6f: {  	_ =	shalt  }
0x70: {  	_ =	shalt  }
0x71: {  	_ =	shalt  }
0x72: {  	_ =	shalt  }
0x73: {  	_ =	shalt  }
0x74: {  	_ =	shalt  }
0x75: {  	_ =	shalt  }
0x76: {  	_ =	shalt  }
0x77: {  	_ =	shalt  }
0x78: {  	_ =	shalt  }
0x79: {  	_ =	shalt  }
0x7a: {  	_ =	shalt  }
0x7b: {  	_ =	shalt  }
0x7c: {  	_ =	shalt  }
0x7d: {  	_ =	shalt  }
0x7e: {  	_ =	shalt  }
0x7f: {  	_ =	shalt  }
0x80: {  	_ =	shalt  }
0x81: {  	_ =	shalt  }
0x82: {  	_ =	shalt  }
0x83: {  	_ =	shalt  }
0x84: {  	_ =	shalt  }
0x85: {  	_ =	shalt  }
0x86: {  	_ =	shalt  }
0x87: {  	_ =	shalt  }
.Lfunc_end0:
.L_simem_size_0:
called_computation_lowered:
.L_overlay_start_0:
0x88: {  	s2 =	sld [smem:$0x3FD9]  }
0x89: {  	s3 =	sld [smem:$0x3FFE];
	_ =	sdelay $0x1  }
0x8a: {  	s1 =	srdreg.scid  }
0x8b: {  	s0 =	sand.u32 $0x1, s1  }
0x8c: {  	s17 =	sshll.u32 s0, $0xA;
	s2 =	sadd.s32 s3, s2  }
0x8d: {  	s2 =	sadd.s32 s2, s17  }
0x8e: {  	[smem:$0x3FC4] =	sst s2  }
0x8f: {  	_ = 	snop  }
0x90: {  	s2 =	sld [smem:$0x3FD0];
	(tm) =	ssettm $0x1  }
0x91: {  	s18 =	sld [smem:$0x3FFB];
	_ =	sdelay $0x3  }
0x92: {  	_ =	strace s18  }
0x93: {  	s3 =	sld [smem:$0x3FFC];
	_ =	sdelay $0x3  }
0x94: {  	_ =	strace s3  }
0x95: {  	s3 =	sld [smem:$0x3FFD];
	_ =	sdelay $0x3  }
0x96: {  	_ =	strace s3  }
0x97: {  	_ =	strace $0x8FFFFFFF  }
0x98: {  	s19 =	sld [smem:$0x3FDB];
	_ =	sdelay $0x1  }
0x99: {  	s4 =	simm.s32 $_scs_section_size  }
0x9a: {  	s5 =	simm.s32 $_size__tile_overlayer_lowered;
	s6 =	simm.s32 $_tile_overlayer_lowered  }
0x9b: {  	s22 =	simm.s32 $0x1BFF;
	s21 =	sshll.u32 s6, $0x1;
	s3 =	sadd.s32 s4, s19  }
0x9c: {  	s7 =	simm.s32 $0x0;
	s20 =	sshll.u32 s5, $0x1;
	s5 =	sadd.s32 s21, s3  }
0x9d: {  	[timem:s7], [sflag:s22] =	dma.local [hbm:s5], s20  }
0x9e: {  	_ =	swait.ge [sflag:s22], s20  }
0x9f: {  	s4 =	ssub.s32 $0x0, s20;
	[sflag:s22] =	ssyncset.done $0x0  }
0xa0: {  	[sflag:s22] =	ssyncadd.s32 s4;
	_ =	sdelay $0x1  }
0xa1: {  	s23 =	simm.s32 $0x1B8B  }
0xa2: {  	_ =	swait.ge [sflag:s23], $0x1  }
0xa3: {  	[sflag:s23] =	ssyncset.done $0x0  }
0xa4: {  	s25 =	simm.s32 $0x1B8E;
	s24 =	sld [smem:$0x3FFE];
	[sflag:s23] =	ssyncadd.s32 $0xFFFFFFFF  }
0xa5: {  	s26 =	simm.s32 $execute0_lowered;
	[smem:$0x3FD2] =	sst s25  }
0xa6: {  	s5 =	sshll.u32 s26, $0x1;
	_ =	strace $0x80000046;
	[dreg:$0x1] =	wrdreg $0xFFFFFFFF  }
0xa7: {  	s28 =	simm.s32 $_size_execute0_lowered;
	s3 =	sadd.s32 s3, s5;
	[dreg:$0x0] =	wrdreg $0x0  }
0xa8: {  	s5 =	sshll.u32 s28, $0x1;
	[dreg:$0x2] =	wrdreg s3  }
0xa9: {  	[dreg:$0x3] =	wrdreg s5  }
0xaa: {  	[dreg:$0x4] =	wrdreg $0xC0  }
0xab: {  	_ =	task [dreg:s7], $0x5FFFF  }
0xac: {  	[dreg:$0x1] =	wrdreg $0xFFFFFFFF  }
0xad: {  	[dreg:$0x0] =	wrdreg $0x60  }
0xae: {  	[dreg:$0x2] =	wrdreg s2  }
0xaf: {  	[dreg:$0x3] =	wrdreg s24  }
0xb0: {  	[dreg:$0x4] =	wrdreg $0x9  }
0xb1: {  	_ =	task.clear_ibuf [dreg:s7], $0x5FFFF;
	_ =	strace $0x90000046  }
0xb2: {  	s29 =	simm.s32 $0x9;
	_ =	strace $0x80000048  }
0xb3: {  	_ =	swait.ge [sflag:s29], $0x1  }
0xb4: {  	[sflag:s29] =	ssyncadd.s32 $0xFFFFFFFF  }
0xb5: {  	_ =	strace $0x90000048  }
0xb6: {  	_ =	sfence  }
0xb7: {  	s30 =	sld [smem:$0x0];
	_ =	sdelay $0x2  }
0xb8: {  	s31 =	sshll.u32 s1, $0xD;
	s1 =	sshrl.u32 s1, $0x2  }
0xb9: {  	s3 =	sand.u32 $0x4000, s31;
	s1 =	sadd.s32 s1, s30  }
0xba: {  	s0 =	sor.u32 s3, s0;
	s1 =	sshll.u32 s1, $0x11  }
0xbb: {  	s0 =	sor.u32 s1, s0  }
0xbc: {  	s0 =	sadd.s32 $0x8F2B, s0  }
0xbd: {  	[sflag:s0] =	ssyncadd.remote.s32 $0x1  }
0xbe: {  	_ =	sfence.sel $0xFFFF  }
0xbf: {  	[dreg:$0x0] =	wrdreg $0xFFFFFFFF;
	(pc) =	sbr.abs _section_cstart, $3  }
0xc0: {  	[dreg:$0x1] =	wrdreg $0xFFFFFFFF  }
0xc1: {  	_ =	task.clear_ibuf [dreg:s7], $0x2FFFF;
	_ =	strace $0x9FFFFFFF  }
0xc2: {  	(tm) =	ssettm $0x7FFFFFFF  }
0xc3: {  	_ =	shalt  }
tec
execute0_lowered:
.L_overlay_start_1:
0x0: {  	(tag) =	ssettag $0x1  }
0x1: {  	s1 =	srdreg.scid  }
0x2: {  	s1 =	sand.u32 $0x1, s1  }
0x3: {  	p0 =	seq.s32 s1, $0x1  }
.Ltmp0:
0x4: {  	_ = 	snop;
	(pc) =	sbr.rel @p0 .LBB2_6-.Ltmp0, $4  }
0x5: {  	s4 =	rddreg [dreg:$0x0]  }
0x6: {  	s2 =	rddreg [dreg:$0x1];
	s3 =	simm.s32 $0x0  }
0x7: {  	[smem:$0x7FF] =	sst s3  }
0x8: {  	s0 =	rddreg [dreg:$0x2];
	_ =	strace $0x80000047;
	s1 =	stileid.u32  }
0x9: {  	s5 =	sshll.u32 s1, $0x1  }
0xa: {  	s6 =	sshll.u32 s1, $0x4;
	s2 =	sadd.s32 s5, s2;
	s5 =	sand.u32 $0xE, s5  }
0xb: {  	s7 =	simm.s32 $0x100;
	s31 =	sand.u32 $0x80, s6;
	s4 =	sadd.s32 s4, s5  }
0xc: {  	s8 =	simm.s32 $0x80;
	s6 =	simm.s32 $0x80;
	s5 =	sadd.s32 s31, s4  }
0xd: {  	s2 =	sadd.s32 $0xE00, s2;
	s4 =	simm.s32 $0x10;
	s9 =	sadd.s32 $0x0, s5  }
.LBB2_2:
0xe: {  	[tilespmem:s3], [sflag:$0x1] =	stream.strided.gather [hbm4b:s9+s4], $0x80, s6, s4, $0x38;
	[tilespmem:$0x1010] =	vst v63  }
0xf: {  	s9 =	smov.u32 s7;
	s3 =	smov.u32 s8;
	p0 =	sne.s32 s7, $0x1F00  }
.Ltmp1:
0x10: {  	s7 =	sadd.s32 $0x100, s7;
	(pc) =	sbr.rel @p0 .LBB2_2-.Ltmp1, $2  }
0x11: {  	_ =	sdelay $0x2  }
0x12: {  	s8 =	sadd.s32 $0x80, s8;
	s9 =	sadd.s32 s9, s5  }
0x13: {  	[tilespmem:s3], [sflag:$0x1] =	stream.strided.gather [hbm4b:s9+s4], $0x80, s6, s4, $0x38;
	[tilespmem:$0x1010] =	vst v63  }
0x14: {  	s31 =	simm.s32 $0x1  }
0x15: {  	_ =	swait.ge [sflag:s31], $0x1000  }
0x16: {  	[sflag:s31] =	ssyncset.done $0x0  }
0x17: {  	[sflag:s31] =	ssyncadd.s32 $0xFFFFF000  }
0x18: {  	v0 =	vld [tilespmem:$0x380];
	_ =	sdelay $0x4  }
0x19: {  	[tilespmem:$0x1F380] =	vst v0;
	v0 =	vld [tilespmem:$0x390];
	_ =	sdelay $0x4  }
0x1a: {  	[tilespmem:$0x1F390] =	vst v0;
	v0 =	vld [tilespmem:$0x3A0];
	_ =	sdelay $0x4  }
0x1b: {  	[tilespmem:$0x1F3A0] =	vst v0;
	v0 =	vld [tilespmem:$0x3B0];
	_ =	sdelay $0x4  }
0x1c: {  	[tilespmem:$0x1F3B0] =	vst v0;
	v0 =	vld [tilespmem:$0x3C0];
	_ =	sdelay $0x4  }
0x1d: {  	[tilespmem:$0x1F3C0] =	vst v0;
	v0 =	vld [tilespmem:$0x3D0];
	_ =	sdelay $0x4  }
0x1e: {  	[tilespmem:$0x1F3D0] =	vst v0;
	v0 =	vld [tilespmem:$0x3E0];
	_ =	sdelay $0x4  }
0x1f: {  	[tilespmem:$0x1F3E0] =	vst v0;
	v0 =	vld [tilespmem:$0x3F0];
	_ =	sdelay $0x4  }
0x20: {  	[tilespmem:$0x1F3F0] =	vst v0;
	v0 =	vld [tilespmem:$0x400];
	_ =	sdelay $0x4  }
0x21: {  	[tilespmem:$0x1F400] =	vst v0;
	v0 =	vld [tilespmem:$0x410];
	_ =	sdelay $0x4  }
0x22: {  	[tilespmem:$0x1F410] =	vst v0;
	v0 =	vld [tilespmem:$0x420];
	_ =	sdelay $0x4  }
0x23: {  	[tilespmem:$0x1F420] =	vst v0;
	v0 =	vld [tilespmem:$0x430];
	_ =	sdelay $0x4  }
0x24: {  	[tilespmem:$0x1F430] =	vst v0;
	v0 =	vld [tilespmem:$0x440];
	_ =	sdelay $0x4  }
0x25: {  	[tilespmem:$0x1F440] =	vst v0;
	v0 =	vld [tilespmem:$0x450];
	_ =	sdelay $0x4  }
0x26: {  	[tilespmem:$0x1F450] =	vst v0;
	v0 =	vld [tilespmem:$0x460];
	_ =	sdelay $0x4  }
0x27: {  	[tilespmem:$0x1F460] =	vst v0;
	v0 =	vld [tilespmem:$0x470];
	_ =	sdelay $0x4  }
0x28: {  	[tilespmem:$0x1F470] =	vst v0;
	v0 =	vld [tilespmem:$0x480];
	_ =	sdelay $0x4  }
0x29: {  	[tilespmem:$0x1F480] =	vst v0;
	v0 =	vld [tilespmem:$0x490];
	_ =	sdelay $0x4  }
0x2a: {  	[tilespmem:$0x1F490] =	vst v0;
	v0 =	vld [tilespmem:$0x4A0];
	_ =	sdelay $0x4  }
0x2b: {  	[tilespmem:$0x1F4A0] =	vst v0;
	v0 =	vld [tilespmem:$0x4B0];
	_ =	sdelay $0x4  }
0x2c: {  	[tilespmem:$0x1F4B0] =	vst v0;
	v0 =	vld [tilespmem:$0x4C0];
	_ =	sdelay $0x4  }
0x2d: {  	[tilespmem:$0x1F4C0] =	vst v0;
	v0 =	vld [tilespmem:$0x4D0];
	_ =	sdelay $0x4  }
0x2e: {  	[tilespmem:$0x1F4D0] =	vst v0;
	v0 =	vld [tilespmem:$0x4E0];
	_ =	sdelay $0x4  }
0x2f: {  	[tilespmem:$0x1F4E0] =	vst v0;
	v0 =	vld [tilespmem:$0x4F0];
	_ =	sdelay $0x4  }
0x30: {  	[tilespmem:$0x1F4F0] =	vst v0;
	v0 =	vld [tilespmem:$0x500];
	_ =	sdelay $0x4  }
0x31: {  	[tilespmem:$0x1F500] =	vst v0;
	v0 =	vld [tilespmem:$0x510];
	_ =	sdelay $0x4  }
0x32: {  	[tilespmem:$0x1F510] =	vst v0;
	v0 =	vld [tilespmem:$0x520];
	_ =	sdelay $0x4  }
0x33: {  	[tilespmem:$0x1F520] =	vst v0;
	v0 =	vld [tilespmem:$0x530];
	_ =	sdelay $0x4  }
0x34: {  	[tilespmem:$0x1F530] =	vst v0;
	v0 =	vld [tilespmem:$0x540];
	_ =	sdelay $0x4  }
0x35: {  	[tilespmem:$0x1F540] =	vst v0;
	v0 =	vld [tilespmem:$0x550];
	_ =	sdelay $0x4  }
0x36: {  	[tilespmem:$0x1F550] =	vst v0;
	v0 =	vld [tilespmem:$0x560];
	_ =	sdelay $0x4  }
0x37: {  	[tilespmem:$0x1F560] =	vst v0;
	v0 =	vld [tilespmem:$0x570];
	_ =	sdelay $0x4  }
0x38: {  	[tilespmem:$0x1F570] =	vst v0;
	v0 =	vld [tilespmem:$0x580];
	_ =	sdelay $0x4  }
0x39: {  	[tilespmem:$0x1F580] =	vst v0;
	v0 =	vld [tilespmem:$0x590];
	_ =	sdelay $0x4  }
0x3a: {  	[tilespmem:$0x1F590] =	vst v0;
	v0 =	vld [tilespmem:$0x5A0];
	_ =	sdelay $0x4  }
0x3b: {  	[tilespmem:$0x1F5A0] =	vst v0;
	v0 =	vld [tilespmem:$0x5B0];
	_ =	sdelay $0x4  }
0x3c: {  	[tilespmem:$0x1F5B0] =	vst v0;
	v0 =	vld [tilespmem:$0x5C0];
	_ =	sdelay $0x4  }
0x3d: {  	[tilespmem:$0x1F5C0] =	vst v0;
	v0 =	vld [tilespmem:$0x5D0];
	_ =	sdelay $0x4  }
0x3e: {  	[tilespmem:$0x1F5D0] =	vst v0;
	v0 =	vld [tilespmem:$0x5E0];
	_ =	sdelay $0x4  }
0x3f: {  	[tilespmem:$0x1F5E0] =	vst v0;
	v0 =	vld [tilespmem:$0x5F0];
	_ =	sdelay $0x4  }
0x40: {  	[tilespmem:$0x1F5F0] =	vst v0;
	v0 =	vld [tilespmem:$0x600];
	_ =	sdelay $0x4  }
0x41: {  	[tilespmem:$0x1F600] =	vst v0;
	v0 =	vld [tilespmem:$0x610];
	_ =	sdelay $0x4  }
0x42: {  	[tilespmem:$0x1F610] =	vst v0;
	v0 =	vld [tilespmem:$0x620];
	_ =	sdelay $0x4  }
0x43: {  	[tilespmem:$0x1F620] =	vst v0;
	v0 =	vld [tilespmem:$0x630];
	_ =	sdelay $0x4  }
0x44: {  	[tilespmem:$0x1F630] =	vst v0;
	v0 =	vld [tilespmem:$0x640];
	_ =	sdelay $0x4  }
0x45: {  	[tilespmem:$0x1F640] =	vst v0;
	v0 =	vld [tilespmem:$0x650];
	_ =	sdelay $0x4  }
0x46: {  	[tilespmem:$0x1F650] =	vst v0;
	v0 =	vld [tilespmem:$0x660];
	_ =	sdelay $0x4  }
0x47: {  	[tilespmem:$0x1F660] =	vst v0;
	v0 =	vld [tilespmem:$0x670];
	_ =	sdelay $0x4  }
0x48: {  	[tilespmem:$0x1F670] =	vst v0;
	v0 =	vld [tilespmem:$0x680];
	_ =	sdelay $0x4  }
0x49: {  	[tilespmem:$0x1F680] =	vst v0;
	v0 =	vld [tilespmem:$0x690];
	_ =	sdelay $0x4  }
0x4a: {  	[tilespmem:$0x1F690] =	vst v0;
	v0 =	vld [tilespmem:$0x6A0];
	_ =	sdelay $0x4  }
0x4b: {  	[tilespmem:$0x1F6A0] =	vst v0;
	v0 =	vld [tilespmem:$0x6B0];
	_ =	sdelay $0x4  }
0x4c: {  	[tilespmem:$0x1F6B0] =	vst v0;
	v0 =	vld [tilespmem:$0x6C0];
	_ =	sdelay $0x4  }
0x4d: {  	[tilespmem:$0x1F6C0] =	vst v0;
	v0 =	vld [tilespmem:$0x6D0];
	_ =	sdelay $0x4  }
0x4e: {  	[tilespmem:$0x1F6D0] =	vst v0;
	v0 =	vld [tilespmem:$0x6E0];
	_ =	sdelay $0x4  }
0x4f: {  	[tilespmem:$0x1F6E0] =	vst v0;
	v0 =	vld [tilespmem:$0x6F0];
	_ =	sdelay $0x4  }
0x50: {  	[tilespmem:$0x1F6F0] =	vst v0;
	v0 =	vld [tilespmem:$0x700];
	_ =	sdelay $0x4  }
0x51: {  	[tilespmem:$0x1F700] =	vst v0;
	v0 =	vld [tilespmem:$0x710];
	_ =	sdelay $0x4  }
0x52: {  	[tilespmem:$0x1F710] =	vst v0;
	v0 =	vld [tilespmem:$0x720];
	_ =	sdelay $0x4  }
0x53: {  	[tilespmem:$0x1F720] =	vst v0;
	v0 =	vld [tilespmem:$0x730];
	_ =	sdelay $0x4  }
0x54: {  	[tilespmem:$0x1F730] =	vst v0;
	v0 =	vld [tilespmem:$0x740];
	_ =	sdelay $0x4  }
0x55: {  	[tilespmem:$0x1F740] =	vst v0;
	v0 =	vld [tilespmem:$0x750];
	_ =	sdelay $0x4  }
0x56: {  	[tilespmem:$0x1F750] =	vst v0;
	v0 =	vld [tilespmem:$0x760];
	_ =	sdelay $0x4  }
0x57: {  	[tilespmem:$0x1F760] =	vst v0;
	v0 =	vld [tilespmem:$0x770];
	_ =	sdelay $0x4  }
0x58: {  	[tilespmem:$0x1F770] =	vst v0;
	v0 =	vld [tilespmem:$0x780];
	_ =	sdelay $0x4  }
0x59: {  	[tilespmem:$0x1F780] =	vst v0;
	v0 =	vld [tilespmem:$0x790];
	_ =	sdelay $0x4  }
0x5a: {  	[tilespmem:$0x1F790] =	vst v0;
	v0 =	vld [tilespmem:$0x7A0];
	_ =	sdelay $0x4  }
0x5b: {  	[tilespmem:$0x1F7A0] =	vst v0;
	v0 =	vld [tilespmem:$0x7B0];
	_ =	sdelay $0x4  }
0x5c: {  	[tilespmem:$0x1F7B0] =	vst v0;
	v0 =	vld [tilespmem:$0x7C0];
	_ =	sdelay $0x4  }
0x5d: {  	[tilespmem:$0x1F7C0] =	vst v0;
	v0 =	vld [tilespmem:$0x7D0];
	_ =	sdelay $0x4  }
0x5e: {  	[tilespmem:$0x1F7D0] =	vst v0;
	v0 =	vld [tilespmem:$0x7E0];
	_ =	sdelay $0x4  }
0x5f: {  	[tilespmem:$0x1F7E0] =	vst v0;
	v0 =	vld [tilespmem:$0x7F0];
	_ =	sdelay $0x4  }
0x60: {  	[tilespmem:$0x1F7F0] =	vst v0;
	v0 =	vld [tilespmem:$0x800];
	_ =	sdelay $0x4  }
0x61: {  	[tilespmem:$0x1F800] =	vst v0;
	v0 =	vld [tilespmem:$0x810];
	_ =	sdelay $0x4  }
0x62: {  	[tilespmem:$0x1F810] =	vst v0;
	v0 =	vld [tilespmem:$0x820];
	_ =	sdelay $0x4  }
0x63: {  	[tilespmem:$0x1F820] =	vst v0;
	v0 =	vld [tilespmem:$0x830];
	_ =	sdelay $0x4  }
0x64: {  	[tilespmem:$0x1F830] =	vst v0;
	v0 =	vld [tilespmem:$0x840];
	_ =	sdelay $0x4  }
0x65: {  	[tilespmem:$0x1F840] =	vst v0;
	v0 =	vld [tilespmem:$0x850];
	_ =	sdelay $0x4  }
0x66: {  	[tilespmem:$0x1F850] =	vst v0;
	v0 =	vld [tilespmem:$0x860];
	_ =	sdelay $0x4  }
0x67: {  	[tilespmem:$0x1F860] =	vst v0;
	v0 =	vld [tilespmem:$0x870];
	_ =	sdelay $0x4  }
0x68: {  	[tilespmem:$0x1F870] =	vst v0;
	v0 =	vld [tilespmem:$0x880];
	_ =	sdelay $0x4  }
0x69: {  	[tilespmem:$0x1F880] =	vst v0;
	v0 =	vld [tilespmem:$0x890];
	_ =	sdelay $0x4  }
0x6a: {  	[tilespmem:$0x1F890] =	vst v0;
	v0 =	vld [tilespmem:$0x8A0];
	_ =	sdelay $0x4  }
0x6b: {  	[tilespmem:$0x1F8A0] =	vst v0;
	v0 =	vld [tilespmem:$0x8B0];
	_ =	sdelay $0x4  }
0x6c: {  	[tilespmem:$0x1F8B0] =	vst v0;
	v0 =	vld [tilespmem:$0x8C0];
	_ =	sdelay $0x4  }
0x6d: {  	[tilespmem:$0x1F8C0] =	vst v0;
	v0 =	vld [tilespmem:$0x8D0];
	_ =	sdelay $0x4  }
0x6e: {  	[tilespmem:$0x1F8D0] =	vst v0;
	v0 =	vld [tilespmem:$0x8E0];
	_ =	sdelay $0x4  }
0x6f: {  	[tilespmem:$0x1F8E0] =	vst v0;
	v0 =	vld [tilespmem:$0x8F0];
	_ =	sdelay $0x4  }
0x70: {  	[tilespmem:$0x1F8F0] =	vst v0;
	v0 =	vld [tilespmem:$0x900];
	_ =	sdelay $0x4  }
0x71: {  	[tilespmem:$0x1F900] =	vst v0;
	v0 =	vld [tilespmem:$0x910];
	_ =	sdelay $0x4  }
0x72: {  	[tilespmem:$0x1F910] =	vst v0;
	v0 =	vld [tilespmem:$0x920];
	_ =	sdelay $0x4  }
0x73: {  	[tilespmem:$0x1F920] =	vst v0;
	v0 =	vld [tilespmem:$0x930];
	_ =	sdelay $0x4  }
0x74: {  	[tilespmem:$0x1F930] =	vst v0;
	v0 =	vld [tilespmem:$0x940];
	_ =	sdelay $0x4  }
0x75: {  	[tilespmem:$0x1F940] =	vst v0;
	v0 =	vld [tilespmem:$0x950];
	_ =	sdelay $0x4  }
0x76: {  	[tilespmem:$0x1F950] =	vst v0;
	v0 =	vld [tilespmem:$0x960];
	_ =	sdelay $0x4  }
0x77: {  	[tilespmem:$0x1F960] =	vst v0;
	v0 =	vld [tilespmem:$0x970];
	_ =	sdelay $0x4  }
0x78: {  	[tilespmem:$0x1F970] =	vst v0;
	v0 =	vld [tilespmem:$0x980];
	_ =	sdelay $0x4  }
0x79: {  	[tilespmem:$0x1F980] =	vst v0;
	v0 =	vld [tilespmem:$0x990];
	_ =	sdelay $0x4  }
0x7a: {  	[tilespmem:$0x1F990] =	vst v0;
	v0 =	vld [tilespmem:$0x9A0];
	_ =	sdelay $0x4  }
0x7b: {  	[tilespmem:$0x1F9A0] =	vst v0;
	v0 =	vld [tilespmem:$0x9B0];
	_ =	sdelay $0x4  }
0x7c: {  	[tilespmem:$0x1F9B0] =	vst v0;
	v0 =	vld [tilespmem:$0x9C0];
	_ =	sdelay $0x4  }
0x7d: {  	[tilespmem:$0x1F9C0] =	vst v0;
	v0 =	vld [tilespmem:$0x9D0];
	_ =	sdelay $0x4  }
0x7e: {  	[tilespmem:$0x1F9D0] =	vst v0;
	v0 =	vld [tilespmem:$0x9E0];
	_ =	sdelay $0x4  }
0x7f: {  	[tilespmem:$0x1F9E0] =	vst v0;
	v0 =	vld [tilespmem:$0x9F0];
	_ =	sdelay $0x4  }
0x80: {  	[tilespmem:$0x1F9F0] =	vst v0;
	v0 =	vld [tilespmem:$0xA00];
	_ =	sdelay $0x4  }
0x81: {  	[tilespmem:$0x1FA00] =	vst v0;
	v0 =	vld [tilespmem:$0xA10];
	_ =	sdelay $0x4  }
0x82: {  	[tilespmem:$0x1FA10] =	vst v0;
	v0 =	vld [tilespmem:$0xA20];
	_ =	sdelay $0x4  }
0x83: {  	[tilespmem:$0x1FA20] =	vst v0;
	v0 =	vld [tilespmem:$0xA30];
	_ =	sdelay $0x4  }
0x84: {  	[tilespmem:$0x1FA30] =	vst v0;
	v0 =	vld [tilespmem:$0xA40];
	_ =	sdelay $0x4  }
0x85: {  	[tilespmem:$0x1FA40] =	vst v0;
	v0 =	vld [tilespmem:$0xA50];
	_ =	sdelay $0x4  }
0x86: {  	[tilespmem:$0x1FA50] =	vst v0;
	v0 =	vld [tilespmem:$0xA60];
	_ =	sdelay $0x4  }
0x87: {  	[tilespmem:$0x1FA60] =	vst v0;
	v0 =	vld [tilespmem:$0xA70];
	_ =	sdelay $0x4  }
0x88: {  	[tilespmem:$0x1FA70] =	vst v0;
	v0 =	vld [tilespmem:$0xA80];
	_ =	sdelay $0x4  }
0x89: {  	[tilespmem:$0x1FA80] =	vst v0;
	v0 =	vld [tilespmem:$0xA90];
	_ =	sdelay $0x4  }
0x8a: {  	[tilespmem:$0x1FA90] =	vst v0;
	v0 =	vld [tilespmem:$0xAA0];
	_ =	sdelay $0x4  }
0x8b: {  	[tilespmem:$0x1FAA0] =	vst v0;
	v0 =	vld [tilespmem:$0xAB0];
	_ =	sdelay $0x4  }
0x8c: {  	[tilespmem:$0x1FAB0] =	vst v0;
	v0 =	vld [tilespmem:$0xAC0];
	_ =	sdelay $0x4  }
0x8d: {  	[tilespmem:$0x1FAC0] =	vst v0;
	v0 =	vld [tilespmem:$0xAD0];
	_ =	sdelay $0x4  }
0x8e: {  	[tilespmem:$0x1FAD0] =	vst v0;
	v0 =	vld [tilespmem:$0xAE0];
	_ =	sdelay $0x4  }
0x8f: {  	[tilespmem:$0x1FAE0] =	vst v0;
	v0 =	vld [tilespmem:$0xAF0];
	_ =	sdelay $0x4  }
0x90: {  	[tilespmem:$0x1FAF0] =	vst v0;
	v0 =	vld [tilespmem:$0xB00];
	_ =	sdelay $0x4  }
0x91: {  	[tilespmem:$0x1FB00] =	vst v0;
	v0 =	vld [tilespmem:$0xB10];
	_ =	sdelay $0x4  }
0x92: {  	[tilespmem:$0x1FB10] =	vst v0;
	v0 =	vld [tilespmem:$0xB20];
	_ =	sdelay $0x4  }
0x93: {  	[tilespmem:$0x1FB20] =	vst v0;
	v0 =	vld [tilespmem:$0xB30];
	_ =	sdelay $0x4  }
0x94: {  	[tilespmem:$0x1FB30] =	vst v0;
	v0 =	vld [tilespmem:$0xB40];
	_ =	sdelay $0x4  }
0x95: {  	[tilespmem:$0x1FB40] =	vst v0;
	v0 =	vld [tilespmem:$0xB50];
	_ =	sdelay $0x4  }
0x96: {  	[tilespmem:$0x1FB50] =	vst v0;
	v0 =	vld [tilespmem:$0xB60];
	_ =	sdelay $0x4  }
0x97: {  	[tilespmem:$0x1FB60] =	vst v0;
	v0 =	vld [tilespmem:$0xB70];
	_ =	sdelay $0x4  }
0x98: {  	[tilespmem:$0x1FB70] =	vst v0;
	v0 =	vld [tilespmem:$0xB80];
	_ =	sdelay $0x4  }
0x99: {  	[tilespmem:$0x1FB80] =	vst v0;
	v0 =	vld [tilespmem:$0xB90];
	_ =	sdelay $0x4  }
0x9a: {  	[tilespmem:$0x1FB90] =	vst v0;
	v0 =	vld [tilespmem:$0xBA0];
	_ =	sdelay $0x4  }
0x9b: {  	[tilespmem:$0x1FBA0] =	vst v0;
	v0 =	vld [tilespmem:$0xBB0];
	_ =	sdelay $0x4  }
0x9c: {  	[tilespmem:$0x1FBB0] =	vst v0;
	v0 =	vld [tilespmem:$0xBC0];
	_ =	sdelay $0x4  }
0x9d: {  	[tilespmem:$0x1FBC0] =	vst v0;
	v0 =	vld [tilespmem:$0xBD0];
	_ =	sdelay $0x4  }
0x9e: {  	[tilespmem:$0x1FBD0] =	vst v0;
	v0 =	vld [tilespmem:$0xBE0];
	_ =	sdelay $0x4  }
0x9f: {  	[tilespmem:$0x1FBE0] =	vst v0;
	v0 =	vld [tilespmem:$0xBF0];
	_ =	sdelay $0x4  }
0xa0: {  	[tilespmem:$0x1FBF0] =	vst v0;
	v0 =	vld [tilespmem:$0xC00];
	_ =	sdelay $0x4  }
0xa1: {  	[tilespmem:$0x1FC00] =	vst v0;
	v0 =	vld [tilespmem:$0xC10];
	_ =	sdelay $0x4  }
0xa2: {  	[tilespmem:$0x1FC10] =	vst v0;
	v0 =	vld [tilespmem:$0xC20];
	_ =	sdelay $0x4  }
0xa3: {  	[tilespmem:$0x1FC20] =	vst v0;
	v0 =	vld [tilespmem:$0xC30];
	_ =	sdelay $0x4  }
0xa4: {  	[tilespmem:$0x1FC30] =	vst v0;
	v0 =	vld [tilespmem:$0xC40];
	_ =	sdelay $0x4  }
0xa5: {  	[tilespmem:$0x1FC40] =	vst v0;
	v0 =	vld [tilespmem:$0xC50];
	_ =	sdelay $0x4  }
0xa6: {  	[tilespmem:$0x1FC50] =	vst v0;
	v0 =	vld [tilespmem:$0xC60];
	_ =	sdelay $0x4  }
0xa7: {  	[tilespmem:$0x1FC60] =	vst v0;
	v0 =	vld [tilespmem:$0xC70];
	_ =	sdelay $0x4  }
0xa8: {  	[tilespmem:$0x1FC70] =	vst v0;
	v0 =	vld [tilespmem:$0xC80];
	_ =	sdelay $0x4  }
0xa9: {  	[tilespmem:$0x1FC80] =	vst v0;
	v0 =	vld [tilespmem:$0xC90];
	_ =	sdelay $0x4  }
0xaa: {  	[tilespmem:$0x1FC90] =	vst v0;
	v0 =	vld [tilespmem:$0xCA0];
	_ =	sdelay $0x4  }
0xab: {  	[tilespmem:$0x1FCA0] =	vst v0;
	v0 =	vld [tilespmem:$0xCB0];
	_ =	sdelay $0x4  }
0xac: {  	[tilespmem:$0x1FCB0] =	vst v0;
	v0 =	vld [tilespmem:$0xCC0];
	_ =	sdelay $0x4  }
0xad: {  	[tilespmem:$0x1FCC0] =	vst v0;
	v0 =	vld [tilespmem:$0xCD0];
	_ =	sdelay $0x4  }
0xae: {  	[tilespmem:$0x1FCD0] =	vst v0;
	v0 =	vld [tilespmem:$0xCE0];
	_ =	sdelay $0x4  }
0xaf: {  	[tilespmem:$0x1FCE0] =	vst v0;
	v0 =	vld [tilespmem:$0xCF0];
	_ =	sdelay $0x4  }
0xb0: {  	[tilespmem:$0x1FCF0] =	vst v0;
	v0 =	vld [tilespmem:$0xD00];
	_ =	sdelay $0x4  }
0xb1: {  	[tilespmem:$0x1FD00] =	vst v0;
	v0 =	vld [tilespmem:$0xD10];
	_ =	sdelay $0x4  }
0xb2: {  	[tilespmem:$0x1FD10] =	vst v0;
	v0 =	vld [tilespmem:$0xD20];
	_ =	sdelay $0x4  }
0xb3: {  	[tilespmem:$0x1FD20] =	vst v0;
	v0 =	vld [tilespmem:$0xD30];
	_ =	sdelay $0x4  }
0xb4: {  	[tilespmem:$0x1FD30] =	vst v0;
	v0 =	vld [tilespmem:$0xD40];
	_ =	sdelay $0x4  }
0xb5: {  	[tilespmem:$0x1FD40] =	vst v0;
	v0 =	vld [tilespmem:$0xD50];
	_ =	sdelay $0x4  }
0xb6: {  	[tilespmem:$0x1FD50] =	vst v0;
	v0 =	vld [tilespmem:$0xD60];
	_ =	sdelay $0x4  }
0xb7: {  	[tilespmem:$0x1FD60] =	vst v0;
	v0 =	vld [tilespmem:$0xD70];
	_ =	sdelay $0x4  }
0xb8: {  	[tilespmem:$0x1FD70] =	vst v0;
	v0 =	vld [tilespmem:$0xD80];
	_ =	sdelay $0x4  }
0xb9: {  	[tilespmem:$0x1FD80] =	vst v0;
	v0 =	vld [tilespmem:$0xD90];
	_ =	sdelay $0x4  }
0xba: {  	[tilespmem:$0x1FD90] =	vst v0;
	v0 =	vld [tilespmem:$0xDA0];
	_ =	sdelay $0x4  }
0xbb: {  	[tilespmem:$0x1FDA0] =	vst v0;
	v0 =	vld [tilespmem:$0xDB0];
	_ =	sdelay $0x4  }
0xbc: {  	[tilespmem:$0x1FDB0] =	vst v0;
	v0 =	vld [tilespmem:$0xDC0];
	_ =	sdelay $0x4  }
0xbd: {  	[tilespmem:$0x1FDC0] =	vst v0;
	v0 =	vld [tilespmem:$0xDD0];
	_ =	sdelay $0x4  }
0xbe: {  	[tilespmem:$0x1FDD0] =	vst v0;
	v0 =	vld [tilespmem:$0xDE0];
	_ =	sdelay $0x4  }
0xbf: {  	[tilespmem:$0x1FDE0] =	vst v0;
	v0 =	vld [tilespmem:$0xDF0];
	_ =	sdelay $0x4  }
0xc0: {  	[tilespmem:$0x1FDF0] =	vst v0;
	v0 =	vld [tilespmem:$0xE00];
	_ =	sdelay $0x4  }
0xc1: {  	[tilespmem:$0x1FE00] =	vst v0;
	v0 =	vld [tilespmem:$0xE10];
	_ =	sdelay $0x4  }
0xc2: {  	[tilespmem:$0x1FE10] =	vst v0;
	v0 =	vld [tilespmem:$0xE20];
	_ =	sdelay $0x4  }
0xc3: {  	[tilespmem:$0x1FE20] =	vst v0;
	v0 =	vld [tilespmem:$0xE30];
	_ =	sdelay $0x4  }
0xc4: {  	[tilespmem:$0x1FE30] =	vst v0;
	v0 =	vld [tilespmem:$0xE40];
	_ =	sdelay $0x4  }
0xc5: {  	[tilespmem:$0x1FE40] =	vst v0;
	v0 =	vld [tilespmem:$0xE50];
	_ =	sdelay $0x4  }
0xc6: {  	[tilespmem:$0x1FE50] =	vst v0;
	v0 =	vld [tilespmem:$0xE60];
	_ =	sdelay $0x4  }
0xc7: {  	[tilespmem:$0x1FE60] =	vst v0;
	v0 =	vld [tilespmem:$0xE70];
	_ =	sdelay $0x4  }
0xc8: {  	[tilespmem:$0x1FE70] =	vst v0;
	v0 =	vld [tilespmem:$0xE80];
	_ =	sdelay $0x4  }
0xc9: {  	[tilespmem:$0x1FE80] =	vst v0;
	v0 =	vld [tilespmem:$0xE90];
	_ =	sdelay $0x4  }
0xca: {  	[tilespmem:$0x1FE90] =	vst v0;
	v0 =	vld [tilespmem:$0xEA0];
	_ =	sdelay $0x4  }
0xcb: {  	[tilespmem:$0x1FEA0] =	vst v0;
	v0 =	vld [tilespmem:$0xEB0];
	_ =	sdelay $0x4  }
0xcc: {  	[tilespmem:$0x1FEB0] =	vst v0;
	v0 =	vld [tilespmem:$0xEC0];
	_ =	sdelay $0x4  }
0xcd: {  	[tilespmem:$0x1FEC0] =	vst v0;
	v0 =	vld [tilespmem:$0xED0];
	_ =	sdelay $0x4  }
0xce: {  	[tilespmem:$0x1FED0] =	vst v0;
	v0 =	vld [tilespmem:$0xEE0];
	_ =	sdelay $0x4  }
0xcf: {  	[tilespmem:$0x1FEE0] =	vst v0;
	v0 =	vld [tilespmem:$0xEF0];
	_ =	sdelay $0x4  }
0xd0: {  	[tilespmem:$0x1FEF0] =	vst v0;
	v0 =	vld [tilespmem:$0xF00];
	_ =	sdelay $0x4  }
0xd1: {  	[tilespmem:$0x1FF00] =	vst v0;
	v0 =	vld [tilespmem:$0xF10];
	_ =	sdelay $0x4  }
0xd2: {  	[tilespmem:$0x1FF10] =	vst v0;
	v0 =	vld [tilespmem:$0xF20];
	_ =	sdelay $0x1  }
0xd3: {  	v7 =	vld [tilespmem:$0x0]  }
0xd4: {  	v8 =	vld [tilespmem:$0x10]  }
0xd5: {  	v9 =	vld [tilespmem:$0x20]  }
0xd6: {  	[tilespmem:$0x1FF20] =	vst v0;
	v0 =	vld [tilespmem:$0xF30]  }
0xd7: {  	v6 =	vld [tilespmem:$0x30]  }
0xd8: {  	v5 =	vld [tilespmem:$0x40]  }
0xd9: {  	v4 =	vld [tilespmem:$0x50]  }
0xda: {  	v3 =	vld [tilespmem:$0x60]  }
0xdb: {  	[tilespmem:$0x1FF30] =	vst v0;
	v0 =	vld [tilespmem:$0xF40]  }
0xdc: {  	v2 =	vld [tilespmem:$0x70]  }
0xdd: {  	v63 =	vld [tilespmem:$0x80]  }
0xde: {  	v62 =	vld [tilespmem:$0x90]  }
0xdf: {  	v61 =	vld [tilespmem:$0xA0]  }
0xe0: {  	[tilespmem:$0x1FF40] =	vst v0;
	v0 =	vld [tilespmem:$0xF50]  }
0xe1: {  	v60 =	vld [tilespmem:$0xB0]  }
0xe2: {  	v59 =	vld [tilespmem:$0xC0]  }
0xe3: {  	v58 =	vld [tilespmem:$0xD0]  }
0xe4: {  	v57 =	vld [tilespmem:$0xE0]  }
0xe5: {  	[tilespmem:$0x1FF50] =	vst v0;
	v0 =	vld [tilespmem:$0xF60]  }
0xe6: {  	v56 =	vld [tilespmem:$0xF0]  }
0xe7: {  	v55 =	vld [tilespmem:$0x100]  }
0xe8: {  	v54 =	vld [tilespmem:$0x110]  }
0xe9: {  	v53 =	vld [tilespmem:$0x120]  }
0xea: {  	[tilespmem:$0x1FF60] =	vst v0;
	v0 =	vld [tilespmem:$0xF70]  }
0xeb: {  	v52 =	vld [tilespmem:$0x130]  }
0xec: {  	v51 =	vld [tilespmem:$0x140]  }
0xed: {  	v50 =	vld [tilespmem:$0x150]  }
0xee: {  	v49 =	vld [tilespmem:$0x160]  }
0xef: {  	[tilespmem:$0x1FF70] =	vst v0;
	v0 =	vld [tilespmem:$0xF80]  }
0xf0: {  	v48 =	vld [tilespmem:$0x170]  }
0xf1: {  	v47 =	vld [tilespmem:$0x180]  }
0xf2: {  	v46 =	vld [tilespmem:$0x190]  }
0xf3: {  	v45 =	vld [tilespmem:$0x1A0]  }
0xf4: {  	[tilespmem:$0x1FF80] =	vst v0;
	v0 =	vld [tilespmem:$0xF90]  }
0xf5: {  	v44 =	vld [tilespmem:$0x1B0]  }
0xf6: {  	v43 =	vld [tilespmem:$0x1C0]  }
0xf7: {  	v42 =	vld [tilespmem:$0x1D0]  }
0xf8: {  	v41 =	vld [tilespmem:$0x1E0]  }
0xf9: {  	[tilespmem:$0x1FF90] =	vst v0;
	v0 =	vld [tilespmem:$0xFA0]  }
0xfa: {  	v40 =	vld [tilespmem:$0x1F0]  }
0xfb: {  	v39 =	vld [tilespmem:$0x200]  }
0xfc: {  	v38 =	vld [tilespmem:$0x210]  }
0xfd: {  	v37 =	vld [tilespmem:$0x220]  }
0xfe: {  	[tilespmem:$0x1FFA0] =	vst v0;
	v0 =	vld [tilespmem:$0xFB0]  }
0xff: {  	v36 =	vld [tilespmem:$0x230]  }
0x100: {  	v35 =	vld [tilespmem:$0x240]  }
0x101: {  	v34 =	vld [tilespmem:$0x250]  }
0x102: {  	v33 =	vld [tilespmem:$0x260]  }
0x103: {  	[tilespmem:$0x1FFB0] =	vst v0;
	v0 =	vld [tilespmem:$0xFC0]  }
0x104: {  	v32 =	vld [tilespmem:$0x270]  }
0x105: {  	v31 =	vld [tilespmem:$0x280]  }
0x106: {  	v30 =	vld [tilespmem:$0x290]  }
0x107: {  	v29 =	vld [tilespmem:$0x2A0]  }
0x108: {  	[tilespmem:$0x1FFC0] =	vst v0;
	v0 =	vld [tilespmem:$0xFD0]  }
0x109: {  	v28 =	vld [tilespmem:$0x2B0]  }
0x10a: {  	v27 =	vld [tilespmem:$0x2C0]  }
0x10b: {  	v26 =	vld [tilespmem:$0x2D0]  }
0x10c: {  	v25 =	vld [tilespmem:$0x2E0]  }
0x10d: {  	[tilespmem:$0x1FFD0] =	vst v0;
	v0 =	vld [tilespmem:$0xFE0]  }
0x10e: {  	v24 =	vld [tilespmem:$0x2F0]  }
0x10f: {  	v23 =	vld [tilespmem:$0x300]  }
0x110: {  	v22 =	vld [tilespmem:$0x310]  }
0x111: {  	v21 =	vld [tilespmem:$0x320]  }
0x112: {  	[tilespmem:$0x1FFE0] =	vst v0;
	v0 =	vld [tilespmem:$0xFF0]  }
0x113: {  	v20 =	vld [tilespmem:$0x330]  }
0x114: {  	v19 =	vld [tilespmem:$0x340]  }
0x115: {  	v18 =	vld [tilespmem:$0x350]  }
0x116: {  	v17 =	vld [tilespmem:$0x360]  }
0x117: {  	s3 =	simm.s32 $0x80000000;
	s5 =	simm.s32 $0x80000000;
	s4 =	simm.s32 $0x1;
	v1 =	vimm.s32 $0x0;
	v16 =	vld [tilespmem:$0x370];
	[tilespmem:$0x1FFF0] =	vst v0;
	v0 =	vimm.s32 $0x0  }
.LBB2_4:
0x118: {  	v10 =	vor.u32 s5, v0  }
0x119: {  	v11 =	vxor.u32 $0x80000000, v10  }
0x11a: {  	vm0 =	vge.s32 v7, v11;
	vm1 =	vge.s32 v8, v11  }
0x11b: {  	vm13 =	vge.s32 v9, v11;
	v12 =	vsel vm0, $0x1, v1;
	v13 =	vsel vm1, $0x1, v1  }
0x11c: {  	vm14 =	vge.s32 v6, v11;
	v14 =	vsel vm13, $0x1, v1;
	v12 =	vadd.s32 v12, v13  }
0x11d: {  	vm15 =	vge.s32 v5, v11;
	v13 =	vsel vm14, $0x1, v1;
	v12 =	vadd.s32 v14, v12  }
0x11e: {  	vm4 =	vge.s32 v4, v11;
	v14 =	vsel vm15, $0x1, v1;
	v12 =	vadd.s32 v13, v12  }
0x11f: {  	vm5 =	vge.s32 v3, v11;
	v13 =	vsel vm4, $0x1, v1;
	v12 =	vadd.s32 v14, v12  }
0x120: {  	vm6 =	vge.s32 v2, v11;
	v14 =	vsel vm5, $0x1, v1;
	v12 =	vadd.s32 v13, v12  }
0x121: {  	vm7 =	vge.s32 v63, v11;
	v13 =	vsel vm6, $0x1, v1;
	v12 =	vadd.s32 v14, v12  }
0x122: {  	vm8 =	vge.s32 v62, v11;
	v14 =	vsel vm7, $0x1, v1;
	v12 =	vadd.s32 v13, v12  }
0x123: {  	vm9 =	vge.s32 v61, v11;
	v13 =	vsel vm8, $0x1, v1;
	v12 =	vadd.s32 v14, v12  }
0x124: {  	vm10 =	vge.s32 v60, v11;
	v14 =	vsel vm9, $0x1, v1;
	v12 =	vadd.s32 v13, v12  }
0x125: {  	vm11 =	vge.s32 v59, v11;
	v13 =	vsel vm10, $0x1, v1;
	v12 =	vadd.s32 v14, v12  }
0x126: {  	vm12 =	vge.s32 v58, v11;
	v14 =	vsel vm11, $0x1, v1;
	v12 =	vadd.s32 v13, v12  }
0x127: {  	vm13 =	vge.s32 v57, v11;
	v13 =	vsel vm12, $0x1, v1;
	v12 =	vadd.s32 v14, v12  }
0x128: {  	vm14 =	vge.s32 v56, v11;
	v14 =	vsel vm13, $0x1, v1;
	v12 =	vadd.s32 v13, v12  }
0x129: {  	vm15 =	vge.s32 v55, v11;
	v13 =	vsel vm14, $0x1, v1;
	v12 =	vadd.s32 v14, v12  }
0x12a: {  	vm4 =	vge.s32 v54, v11;
	v14 =	vsel vm15, $0x1, v1;
	v12 =	vadd.s32 v13, v12  }
0x12b: {  	vm5 =	vge.s32 v53, v11;
	v13 =	vsel vm4, $0x1, v1;
	v12 =	vadd.s32 v14, v12  }
0x12c: {  	vm6 =	vge.s32 v52, v11;
	v14 =	vsel vm5, $0x1, v1;
	v12 =	vadd.s32 v13, v12  }
0x12d: {  	vm7 =	vge.s32 v51, v11;
	v13 =	vsel vm6, $0x1, v1;
	v12 =	vadd.s32 v14, v12  }
0x12e: {  	vm8 =	vge.s32 v50, v11;
	v14 =	vsel vm7, $0x1, v1;
	v12 =	vadd.s32 v13, v12  }
0x12f: {  	vm9 =	vge.s32 v49, v11;
	v13 =	vsel vm8, $0x1, v1;
	v12 =	vadd.s32 v14, v12  }
0x130: {  	vm10 =	vge.s32 v48, v11;
	v14 =	vsel vm9, $0x1, v1;
	v12 =	vadd.s32 v13, v12  }
0x131: {  	vm11 =	vge.s32 v47, v11;
	v13 =	vsel vm10, $0x1, v1;
	v12 =	vadd.s32 v14, v12  }
0x132: {  	vm12 =	vge.s32 v46, v11;
	v14 =	vsel vm11, $0x1, v1;
	v12 =	vadd.s32 v13, v12  }
0x133: {  	vm13 =	vge.s32 v45, v11;
	v13 =	vsel vm12, $0x1, v1;
	v12 =	vadd.s32 v14, v12  }
0x134: {  	vm14 =	vge.s32 v44, v11;
	v14 =	vsel vm13, $0x1, v1;
	v12 =	vadd.s32 v13, v12  }
0x135: {  	vm15 =	vge.s32 v43, v11;
	v13 =	vsel vm14, $0x1, v1;
	v12 =	vadd.s32 v14, v12  }
0x136: {  	vm4 =	vge.s32 v42, v11;
	v14 =	vsel vm15, $0x1, v1;
	v12 =	vadd.s32 v13, v12  }
0x137: {  	vm5 =	vge.s32 v41, v11;
	v13 =	vsel vm4, $0x1, v1;
	v12 =	vadd.s32 v14, v12  }
0x138: {  	vm6 =	vge.s32 v40, v11;
	v14 =	vsel vm5, $0x1, v1;
	v12 =	vadd.s32 v13, v12  }
0x139: {  	vm7 =	vge.s32 v39, v11;
	v13 =	vsel vm6, $0x1, v1;
	v12 =	vadd.s32 v14, v12  }
0x13a: {  	vm8 =	vge.s32 v38, v11;
	v14 =	vsel vm7, $0x1, v1;
	v12 =	vadd.s32 v13, v12  }
0x13b: {  	vm9 =	vge.s32 v37, v11;
	v13 =	vsel vm8, $0x1, v1;
	v12 =	vadd.s32 v14, v12  }
0x13c: {  	vm10 =	vge.s32 v36, v11;
	v14 =	vsel vm9, $0x1, v1;
	v12 =	vadd.s32 v13, v12  }
0x13d: {  	vm11 =	vge.s32 v35, v11;
	v13 =	vsel vm10, $0x1, v1;
	v12 =	vadd.s32 v14, v12  }
0x13e: {  	vm12 =	vge.s32 v34, v11;
	v14 =	vsel vm11, $0x1, v1;
	v12 =	vadd.s32 v13, v12  }
0x13f: {  	vm13 =	vge.s32 v33, v11;
	v13 =	vsel vm12, $0x1, v1;
	v12 =	vadd.s32 v14, v12  }
0x140: {  	v15 =	vld [tilespmem:$0x1F380];
	vm14 =	vge.s32 v32, v11;
	v14 =	vsel vm13, $0x1, v1;
	v12 =	vadd.s32 v13, v12  }
0x141: {  	vm15 =	vge.s32 v31, v11;
	v13 =	vsel vm14, $0x1, v1;
	v12 =	vadd.s32 v14, v12  }
0x142: {  	vm4 =	vge.s32 v30, v11;
	v14 =	vsel vm15, $0x1, v1;
	v12 =	vadd.s32 v13, v12  }
0x143: {  	vm5 =	vge.s32 v29, v11;
	v13 =	vsel vm4, $0x1, v1;
	v12 =	vadd.s32 v14, v12  }
0x144: {  	vm7 =	vge.s32 v27, v11;
	v14 =	vsel vm5, $0x1, v1;
	v12 =	vadd.s32 v13, v12  }
0x145: {  	v12 =	vadd.s32 v14, v12;
	v14 =	vsel vm7, $0x1, v1;
	vm7 =	vge.s32 v15, v11;
	v15 =	vld [tilespmem:$0x1F390];
	_ =	sdelay $0x2  }
0x146: {  	vm6 =	vge.s32 v28, v11  }
0x147: {  	vm8 =	vge.s32 v26, v11;
	v13 =	vsel vm6, $0x1, v1  }
0x148: {  	v12 =	vadd.s32 v13, v12;
	v13 =	vsel vm8, $0x1, v1;
	vm8 =	vge.s32 v15, v11;
	v15 =	vld [tilespmem:$0x1F3A0];
	_ =	sdelay $0x3  }
0x149: {  	vm9 =	vge.s32 v25, v11  }
0x14a: {  	v12 =	vadd.s32 v14, v12;
	v14 =	vsel vm9, $0x1, v1;
	vm9 =	vge.s32 v15, v11;
	v15 =	vld [tilespmem:$0x1F3B0];
	_ =	sdelay $0x3  }
0x14b: {  	vm10 =	vge.s32 v24, v11  }
0x14c: {  	v12 =	vadd.s32 v13, v12;
	v13 =	vsel vm10, $0x1, v1;
	vm10 =	vge.s32 v15, v11;
	v15 =	vld [tilespmem:$0x1F3C0];
	_ =	sdelay $0x3  }
0x14d: {  	vm11 =	vge.s32 v23, v11  }
0x14e: {  	v12 =	vadd.s32 v14, v12;
	v14 =	vsel vm11, $0x1, v1;
	vm11 =	vge.s32 v15, v11;
	v15 =	vld [tilespmem:$0x1F3D0];
	_ =	sdelay $0x3  }
0x14f: {  	vm12 =	vge.s32 v22, v11  }
0x150: {  	v12 =	vadd.s32 v13, v12;
	v13 =	vsel vm12, $0x1, v1;
	vm12 =	vge.s32 v15, v11;
	v15 =	vld [tilespmem:$0x1F3E0];
	_ =	sdelay $0x3  }
0x151: {  	vm13 =	vge.s32 v21, v11  }
0x152: {  	v12 =	vadd.s32 v14, v12;
	v14 =	vsel vm13, $0x1, v1;
	vm13 =	vge.s32 v15, v11;
	v15 =	vld [tilespmem:$0x1F3F0];
	_ =	sdelay $0x3  }
0x153: {  	vm14 =	vge.s32 v20, v11  }
0x154: {  	v12 =	vadd.s32 v13, v12;
	v13 =	vsel vm14, $0x1, v1;
	vm14 =	vge.s32 v15, v11;
	v15 =	vld [tilespmem:$0x1F400];
	_ =	sdelay $0x3  }
0x155: {  	vm15 =	vge.s32 v19, v11  }
0x156: {  	v12 =	vadd.s32 v14, v12;
	v14 =	vsel vm15, $0x1, v1;
	vm15 =	vge.s32 v15, v11;
	v15 =	vld [tilespmem:$0x1F410];
	_ =	sdelay $0x3  }
0x157: {  	vm4 =	vge.s32 v18, v11  }
0x158: {  	v12 =	vadd.s32 v13, v12;
	v13 =	vsel vm4, $0x1, v1;
	vm4 =	vge.s32 v15, v11;
	v15 =	vld [tilespmem:$0x1F420];
	_ =	sdelay $0x3  }
0x159: {  	vm5 =	vge.s32 v17, v11  }
0x15a: {  	v12 =	vadd.s32 v14, v12;
	v14 =	vsel vm5, $0x1, v1;
	vm5 =	vge.s32 v15, v11;
	v15 =	vld [tilespmem:$0x1F430];
	_ =	sdelay $0x3  }
0x15b: {  	vm6 =	vge.s32 v16, v11  }
0x15c: {  	v12 =	vadd.s32 v13, v12;
	v13 =	vsel vm6, $0x1, v1;
	vm6 =	vge.s32 v15, v11;
	v15 =	vld [tilespmem:$0x1F440];
	_ =	sdelay $0x4  }
0x15d: {  	v12 =	vadd.s32 v14, v12;
	v14 =	vsel vm7, $0x1, v1;
	vm7 =	vge.s32 v15, v11;
	v15 =	vld [tilespmem:$0x1F450];
	_ =	sdelay $0x4  }
0x15e: {  	v12 =	vadd.s32 v13, v12;
	v13 =	vsel vm8, $0x1, v1;
	vm8 =	vge.s32 v15, v11;
	v15 =	vld [tilespmem:$0x1F460];
	_ =	sdelay $0x4  }
0x15f: {  	v12 =	vadd.s32 v14, v12;
	v14 =	vsel vm9, $0x1, v1;
	vm9 =	vge.s32 v15, v11;
	v15 =	vld [tilespmem:$0x1F470];
	_ =	sdelay $0x4  }
0x160: {  	v12 =	vadd.s32 v13, v12;
	v13 =	vsel vm10, $0x1, v1;
	vm10 =	vge.s32 v15, v11;
	v15 =	vld [tilespmem:$0x1F480];
	_ =	sdelay $0x4  }
0x161: {  	v12 =	vadd.s32 v14, v12;
	v14 =	vsel vm11, $0x1, v1;
	vm11 =	vge.s32 v15, v11;
	v15 =	vld [tilespmem:$0x1F490];
	_ =	sdelay $0x4  }
0x162: {  	v12 =	vadd.s32 v13, v12;
	v13 =	vsel vm12, $0x1, v1;
	vm12 =	vge.s32 v15, v11;
	v15 =	vld [tilespmem:$0x1F4A0];
	_ =	sdelay $0x4  }
0x163: {  	v12 =	vadd.s32 v14, v12;
	v14 =	vsel vm13, $0x1, v1;
	vm13 =	vge.s32 v15, v11;
	v15 =	vld [tilespmem:$0x1F4B0];
	_ =	sdelay $0x4  }
0x164: {  	v12 =	vadd.s32 v13, v12;
	v13 =	vsel vm14, $0x1, v1;
	vm14 =	vge.s32 v15, v11;
	v15 =	vld [tilespmem:$0x1F4C0];
	_ =	sdelay $0x4  }
0x165: {  	v12 =	vadd.s32 v14, v12;
	v14 =	vsel vm15, $0x1, v1;
	vm15 =	vge.s32 v15, v11;
	v15 =	vld [tilespmem:$0x1F4D0];
	_ =	sdelay $0x4  }
0x166: {  	v12 =	vadd.s32 v13, v12;
	v13 =	vsel vm4, $0x1, v1;
	vm4 =	vge.s32 v15, v11;
	v15 =	vld [tilespmem:$0x1F4E0];
	_ =	sdelay $0x4  }
0x167: {  	v12 =	vadd.s32 v14, v12;
	v14 =	vsel vm5, $0x1, v1;
	vm5 =	vge.s32 v15, v11;
	v15 =	vld [tilespmem:$0x1F4F0];
	_ =	sdelay $0x4  }
0x168: {  	v12 =	vadd.s32 v13, v12;
	v13 =	vsel vm6, $0x1, v1;
	vm6 =	vge.s32 v15, v11;
	v15 =	vld [tilespmem:$0x1F500];
	_ =	sdelay $0x4  }
0x169: {  	v12 =	vadd.s32 v14, v12;
	v14 =	vsel vm7, $0x1, v1;
	vm7 =	vge.s32 v15, v11;
	v15 =	vld [tilespmem:$0x1F510];
	_ =	sdelay $0x4  }
0x16a: {  	v12 =	vadd.s32 v13, v12;
	v13 =	vsel vm8, $0x1, v1;
	vm8 =	vge.s32 v15, v11;
	v15 =	vld [tilespmem:$0x1F520];
	_ =	sdelay $0x4  }
0x16b: {  	v12 =	vadd.s32 v14, v12;
	v14 =	vsel vm9, $0x1, v1;
	vm9 =	vge.s32 v15, v11;
	v15 =	vld [tilespmem:$0x1F530];
	_ =	sdelay $0x4  }
0x16c: {  	v12 =	vadd.s32 v13, v12;
	v13 =	vsel vm10, $0x1, v1;
	vm10 =	vge.s32 v15, v11;
	v15 =	vld [tilespmem:$0x1F540];
	_ =	sdelay $0x4  }
0x16d: {  	v12 =	vadd.s32 v14, v12;
	v14 =	vsel vm11, $0x1, v1;
	vm11 =	vge.s32 v15, v11;
	v15 =	vld [tilespmem:$0x1F550];
	_ =	sdelay $0x4  }
0x16e: {  	v12 =	vadd.s32 v13, v12;
	v13 =	vsel vm12, $0x1, v1;
	vm12 =	vge.s32 v15, v11;
	v15 =	vld [tilespmem:$0x1F560];
	_ =	sdelay $0x4  }
0x16f: {  	v12 =	vadd.s32 v14, v12;
	v14 =	vsel vm13, $0x1, v1;
	vm13 =	vge.s32 v15, v11;
	v15 =	vld [tilespmem:$0x1F570];
	_ =	sdelay $0x4  }
0x170: {  	v12 =	vadd.s32 v13, v12;
	v13 =	vsel vm14, $0x1, v1;
	vm14 =	vge.s32 v15, v11;
	v15 =	vld [tilespmem:$0x1F580];
	_ =	sdelay $0x4  }
0x171: {  	v12 =	vadd.s32 v14, v12;
	v14 =	vsel vm15, $0x1, v1;
	vm15 =	vge.s32 v15, v11;
	v15 =	vld [tilespmem:$0x1F590];
	_ =	sdelay $0x4  }
0x172: {  	v12 =	vadd.s32 v13, v12;
	v13 =	vsel vm4, $0x1, v1;
	vm4 =	vge.s32 v15, v11;
	v15 =	vld [tilespmem:$0x1F5A0];
	_ =	sdelay $0x4  }
0x173: {  	v12 =	vadd.s32 v14, v12;
	v14 =	vsel vm5, $0x1, v1;
	vm5 =	vge.s32 v15, v11;
	v15 =	vld [tilespmem:$0x1F5B0];
	_ =	sdelay $0x4  }
0x174: {  	v12 =	vadd.s32 v13, v12;
	v13 =	vsel vm6, $0x1, v1;
	vm6 =	vge.s32 v15, v11;
	v15 =	vld [tilespmem:$0x1F5C0];
	_ =	sdelay $0x4  }
0x175: {  	v12 =	vadd.s32 v14, v12;
	v14 =	vsel vm7, $0x1, v1;
	vm7 =	vge.s32 v15, v11;
	v15 =	vld [tilespmem:$0x1F5D0];
	_ =	sdelay $0x4  }
0x176: {  	v12 =	vadd.s32 v13, v12;
	v13 =	vsel vm8, $0x1, v1;
	vm8 =	vge.s32 v15, v11;
	v15 =	vld [tilespmem:$0x1F5E0];
	_ =	sdelay $0x4  }
0x177: {  	v12 =	vadd.s32 v14, v12;
	v14 =	vsel vm9, $0x1, v1;
	vm9 =	vge.s32 v15, v11;
	v15 =	vld [tilespmem:$0x1F5F0];
	_ =	sdelay $0x4  }
0x178: {  	v12 =	vadd.s32 v13, v12;
	v13 =	vsel vm10, $0x1, v1;
	vm10 =	vge.s32 v15, v11;
	v15 =	vld [tilespmem:$0x1F600];
	_ =	sdelay $0x4  }
0x179: {  	v12 =	vadd.s32 v14, v12;
	v14 =	vsel vm11, $0x1, v1;
	vm11 =	vge.s32 v15, v11;
	v15 =	vld [tilespmem:$0x1F610];
	_ =	sdelay $0x4  }
0x17a: {  	v12 =	vadd.s32 v13, v12;
	v13 =	vsel vm12, $0x1, v1;
	vm12 =	vge.s32 v15, v11;
	v15 =	vld [tilespmem:$0x1F620];
	_ =	sdelay $0x4  }
0x17b: {  	v12 =	vadd.s32 v14, v12;
	v14 =	vsel vm13, $0x1, v1;
	vm13 =	vge.s32 v15, v11;
	v15 =	vld [tilespmem:$0x1F630];
	_ =	sdelay $0x4  }
0x17c: {  	v12 =	vadd.s32 v13, v12;
	v13 =	vsel vm14, $0x1, v1;
	vm14 =	vge.s32 v15, v11;
	v15 =	vld [tilespmem:$0x1F640];
	_ =	sdelay $0x4  }
0x17d: {  	v12 =	vadd.s32 v14, v12;
	v14 =	vsel vm15, $0x1, v1;
	vm15 =	vge.s32 v15, v11;
	v15 =	vld [tilespmem:$0x1F650];
	_ =	sdelay $0x4  }
0x17e: {  	v12 =	vadd.s32 v13, v12;
	v13 =	vsel vm4, $0x1, v1;
	vm4 =	vge.s32 v15, v11;
	v15 =	vld [tilespmem:$0x1F660];
	_ =	sdelay $0x4  }
0x17f: {  	v12 =	vadd.s32 v14, v12;
	v14 =	vsel vm5, $0x1, v1;
	vm5 =	vge.s32 v15, v11;
	v15 =	vld [tilespmem:$0x1F670];
	_ =	sdelay $0x4  }
0x180: {  	v12 =	vadd.s32 v13, v12;
	v13 =	vsel vm6, $0x1, v1;
	vm6 =	vge.s32 v15, v11;
	v15 =	vld [tilespmem:$0x1F680];
	_ =	sdelay $0x4  }
0x181: {  	v12 =	vadd.s32 v14, v12;
	v14 =	vsel vm7, $0x1, v1;
	vm7 =	vge.s32 v15, v11;
	v15 =	vld [tilespmem:$0x1F690];
	_ =	sdelay $0x4  }
0x182: {  	v12 =	vadd.s32 v13, v12;
	v13 =	vsel vm8, $0x1, v1;
	vm8 =	vge.s32 v15, v11;
	v15 =	vld [tilespmem:$0x1F6A0];
	_ =	sdelay $0x4  }
0x183: {  	v12 =	vadd.s32 v14, v12;
	v14 =	vsel vm9, $0x1, v1;
	vm9 =	vge.s32 v15, v11;
	v15 =	vld [tilespmem:$0x1F6B0];
	_ =	sdelay $0x4  }
0x184: {  	v12 =	vadd.s32 v13, v12;
	v13 =	vsel vm10, $0x1, v1;
	vm10 =	vge.s32 v15, v11;
	v15 =	vld [tilespmem:$0x1F6C0];
	_ =	sdelay $0x4  }
0x185: {  	v12 =	vadd.s32 v14, v12;
	v14 =	vsel vm11, $0x1, v1;
	vm11 =	vge.s32 v15, v11;
	v15 =	vld [tilespmem:$0x1F6D0];
	_ =	sdelay $0x4  }
0x186: {  	v12 =	vadd.s32 v13, v12;
	v13 =	vsel vm12, $0x1, v1;
	vm12 =	vge.s32 v15, v11;
	v15 =	vld [tilespmem:$0x1F6E0];
	_ =	sdelay $0x4  }
0x187: {  	v12 =	vadd.s32 v14, v12;
	v14 =	vsel vm13, $0x1, v1;
	vm13 =	vge.s32 v15, v11;
	v15 =	vld [tilespmem:$0x1F6F0];
	_ =	sdelay $0x4  }
0x188: {  	v12 =	vadd.s32 v13, v12;
	v13 =	vsel vm14, $0x1, v1;
	vm14 =	vge.s32 v15, v11;
	v15 =	vld [tilespmem:$0x1F700];
	_ =	sdelay $0x4  }
0x189: {  	v12 =	vadd.s32 v14, v12;
	v14 =	vsel vm15, $0x1, v1;
	vm15 =	vge.s32 v15, v11;
	v15 =	vld [tilespmem:$0x1F710];
	_ =	sdelay $0x4  }
0x18a: {  	v12 =	vadd.s32 v13, v12;
	v13 =	vsel vm4, $0x1, v1;
	vm4 =	vge.s32 v15, v11;
	v15 =	vld [tilespmem:$0x1F720];
	_ =	sdelay $0x4  }
0x18b: {  	v12 =	vadd.s32 v14, v12;
	v14 =	vsel vm5, $0x1, v1;
	vm5 =	vge.s32 v15, v11;
	v15 =	vld [tilespmem:$0x1F730];
	_ =	sdelay $0x4  }
0x18c: {  	v12 =	vadd.s32 v13, v12;
	v13 =	vsel vm6, $0x1, v1;
	vm6 =	vge.s32 v15, v11;
	v15 =	vld [tilespmem:$0x1F740];
	_ =	sdelay $0x4  }
0x18d: {  	v12 =	vadd.s32 v14, v12;
	v14 =	vsel vm7, $0x1, v1;
	vm7 =	vge.s32 v15, v11;
	v15 =	vld [tilespmem:$0x1F750];
	_ =	sdelay $0x4  }
0x18e: {  	v12 =	vadd.s32 v13, v12;
	v13 =	vsel vm8, $0x1, v1;
	vm8 =	vge.s32 v15, v11;
	v15 =	vld [tilespmem:$0x1F760];
	_ =	sdelay $0x4  }
0x18f: {  	v12 =	vadd.s32 v14, v12;
	v14 =	vsel vm9, $0x1, v1;
	vm9 =	vge.s32 v15, v11;
	v15 =	vld [tilespmem:$0x1F770];
	_ =	sdelay $0x4  }
0x190: {  	v12 =	vadd.s32 v13, v12;
	v13 =	vsel vm10, $0x1, v1;
	vm10 =	vge.s32 v15, v11;
	v15 =	vld [tilespmem:$0x1F780];
	_ =	sdelay $0x4  }
0x191: {  	v12 =	vadd.s32 v14, v12;
	v14 =	vsel vm11, $0x1, v1;
	vm11 =	vge.s32 v15, v11;
	v15 =	vld [tilespmem:$0x1F790];
	_ =	sdelay $0x4  }
0x192: {  	v12 =	vadd.s32 v13, v12;
	v13 =	vsel vm12, $0x1, v1;
	vm12 =	vge.s32 v15, v11;
	v15 =	vld [tilespmem:$0x1F7A0];
	_ =	sdelay $0x4  }
0x193: {  	v12 =	vadd.s32 v14, v12;
	v14 =	vsel vm13, $0x1, v1;
	vm13 =	vge.s32 v15, v11;
	v15 =	vld [tilespmem:$0x1F7B0];
	_ =	sdelay $0x4  }
0x194: {  	v12 =	vadd.s32 v13, v12;
	v13 =	vsel vm14, $0x1, v1;
	vm14 =	vge.s32 v15, v11;
	v15 =	vld [tilespmem:$0x1F7C0];
	_ =	sdelay $0x4  }
0x195: {  	v12 =	vadd.s32 v14, v12;
	v14 =	vsel vm15, $0x1, v1;
	vm15 =	vge.s32 v15, v11;
	v15 =	vld [tilespmem:$0x1F7D0];
	_ =	sdelay $0x4  }
0x196: {  	v12 =	vadd.s32 v13, v12;
	v13 =	vsel vm4, $0x1, v1;
	vm4 =	vge.s32 v15, v11;
	v15 =	vld [tilespmem:$0x1F7E0];
	_ =	sdelay $0x4  }
0x197: {  	v12 =	vadd.s32 v14, v12;
	v14 =	vsel vm5, $0x1, v1;
	vm5 =	vge.s32 v15, v11;
	v15 =	vld [tilespmem:$0x1F7F0];
	_ =	sdelay $0x4  }
0x198: {  	v12 =	vadd.s32 v13, v12;
	v13 =	vsel vm6, $0x1, v1;
	vm6 =	vge.s32 v15, v11;
	v15 =	vld [tilespmem:$0x1F800];
	_ =	sdelay $0x4  }
0x199: {  	v12 =	vadd.s32 v14, v12;
	v14 =	vsel vm7, $0x1, v1;
	vm7 =	vge.s32 v15, v11;
	v15 =	vld [tilespmem:$0x1F810];
	_ =	sdelay $0x4  }
0x19a: {  	v12 =	vadd.s32 v13, v12;
	v13 =	vsel vm8, $0x1, v1;
	vm8 =	vge.s32 v15, v11;
	v15 =	vld [tilespmem:$0x1F820];
	_ =	sdelay $0x4  }
0x19b: {  	v12 =	vadd.s32 v14, v12;
	v14 =	vsel vm9, $0x1, v1;
	vm9 =	vge.s32 v15, v11;
	v15 =	vld [tilespmem:$0x1F830];
	_ =	sdelay $0x4  }
0x19c: {  	v12 =	vadd.s32 v13, v12;
	v13 =	vsel vm10, $0x1, v1;
	vm10 =	vge.s32 v15, v11;
	v15 =	vld [tilespmem:$0x1F840];
	_ =	sdelay $0x4  }
0x19d: {  	v12 =	vadd.s32 v14, v12;
	v14 =	vsel vm11, $0x1, v1;
	vm11 =	vge.s32 v15, v11;
	v15 =	vld [tilespmem:$0x1F850];
	_ =	sdelay $0x4  }
0x19e: {  	v12 =	vadd.s32 v13, v12;
	v13 =	vsel vm12, $0x1, v1;
	vm12 =	vge.s32 v15, v11;
	v15 =	vld [tilespmem:$0x1F860];
	_ =	sdelay $0x4  }
0x19f: {  	v12 =	vadd.s32 v14, v12;
	v14 =	vsel vm13, $0x1, v1;
	vm13 =	vge.s32 v15, v11;
	v15 =	vld [tilespmem:$0x1F870];
	_ =	sdelay $0x4  }
0x1a0: {  	v12 =	vadd.s32 v13, v12;
	v13 =	vsel vm14, $0x1, v1;
	vm14 =	vge.s32 v15, v11;
	v15 =	vld [tilespmem:$0x1F880];
	_ =	sdelay $0x4  }
0x1a1: {  	v12 =	vadd.s32 v14, v12;
	v14 =	vsel vm15, $0x1, v1;
	vm15 =	vge.s32 v15, v11;
	v15 =	vld [tilespmem:$0x1F890];
	_ =	sdelay $0x4  }
0x1a2: {  	v12 =	vadd.s32 v13, v12;
	v13 =	vsel vm4, $0x1, v1;
	vm4 =	vge.s32 v15, v11;
	v15 =	vld [tilespmem:$0x1F8A0];
	_ =	sdelay $0x4  }
0x1a3: {  	v12 =	vadd.s32 v14, v12;
	v14 =	vsel vm5, $0x1, v1;
	vm5 =	vge.s32 v15, v11;
	v15 =	vld [tilespmem:$0x1F8B0];
	_ =	sdelay $0x4  }
0x1a4: {  	v12 =	vadd.s32 v13, v12;
	v13 =	vsel vm6, $0x1, v1;
	vm6 =	vge.s32 v15, v11;
	v15 =	vld [tilespmem:$0x1F8C0];
	_ =	sdelay $0x4  }
0x1a5: {  	v12 =	vadd.s32 v14, v12;
	v14 =	vsel vm7, $0x1, v1;
	vm7 =	vge.s32 v15, v11;
	v15 =	vld [tilespmem:$0x1F8D0];
	_ =	sdelay $0x4  }
0x1a6: {  	v12 =	vadd.s32 v13, v12;
	v13 =	vsel vm8, $0x1, v1;
	vm8 =	vge.s32 v15, v11;
	v15 =	vld [tilespmem:$0x1F8E0];
	_ =	sdelay $0x4  }
0x1a7: {  	v12 =	vadd.s32 v14, v12;
	v14 =	vsel vm9, $0x1, v1;
	vm9 =	vge.s32 v15, v11;
	v15 =	vld [tilespmem:$0x1F8F0];
	_ =	sdelay $0x4  }
0x1a8: {  	v12 =	vadd.s32 v13, v12;
	v13 =	vsel vm10, $0x1, v1;
	vm10 =	vge.s32 v15, v11;
	v15 =	vld [tilespmem:$0x1F900];
	_ =	sdelay $0x4  }
0x1a9: {  	v12 =	vadd.s32 v14, v12;
	v14 =	vsel vm11, $0x1, v1;
	vm11 =	vge.s32 v15, v11;
	v15 =	vld [tilespmem:$0x1F910];
	_ =	sdelay $0x4  }
0x1aa: {  	v12 =	vadd.s32 v13, v12;
	v13 =	vsel vm12, $0x1, v1;
	vm12 =	vge.s32 v15, v11;
	v15 =	vld [tilespmem:$0x1F920];
	_ =	sdelay $0x4  }
0x1ab: {  	v12 =	vadd.s32 v14, v12;
	v14 =	vsel vm13, $0x1, v1;
	vm13 =	vge.s32 v15, v11;
	v15 =	vld [tilespmem:$0x1F930];
	_ =	sdelay $0x4  }
0x1ac: {  	v12 =	vadd.s32 v13, v12;
	v13 =	vsel vm14, $0x1, v1;
	vm14 =	vge.s32 v15, v11;
	v15 =	vld [tilespmem:$0x1F940];
	_ =	sdelay $0x4  }
0x1ad: {  	v12 =	vadd.s32 v14, v12;
	v14 =	vsel vm15, $0x1, v1;
	vm15 =	vge.s32 v15, v11;
	v15 =	vld [tilespmem:$0x1F950];
	_ =	sdelay $0x4  }
0x1ae: {  	v12 =	vadd.s32 v13, v12;
	v13 =	vsel vm4, $0x1, v1;
	vm4 =	vge.s32 v15, v11;
	v15 =	vld [tilespmem:$0x1F960];
	_ =	sdelay $0x4  }
0x1af: {  	v12 =	vadd.s32 v14, v12;
	v14 =	vsel vm5, $0x1, v1;
	vm5 =	vge.s32 v15, v11;
	v15 =	vld [tilespmem:$0x1F970];
	_ =	sdelay $0x4  }
0x1b0: {  	v12 =	vadd.s32 v13, v12;
	v13 =	vsel vm6, $0x1, v1;
	vm6 =	vge.s32 v15, v11;
	v15 =	vld [tilespmem:$0x1F980];
	_ =	sdelay $0x4  }
0x1b1: {  	v12 =	vadd.s32 v14, v12;
	v14 =	vsel vm7, $0x1, v1;
	vm7 =	vge.s32 v15, v11;
	v15 =	vld [tilespmem:$0x1F990];
	_ =	sdelay $0x4  }
0x1b2: {  	v12 =	vadd.s32 v13, v12;
	v13 =	vsel vm8, $0x1, v1;
	vm8 =	vge.s32 v15, v11;
	v15 =	vld [tilespmem:$0x1F9A0];
	_ =	sdelay $0x4  }
0x1b3: {  	v12 =	vadd.s32 v14, v12;
	v14 =	vsel vm9, $0x1, v1;
	vm9 =	vge.s32 v15, v11;
	v15 =	vld [tilespmem:$0x1F9B0];
	_ =	sdelay $0x4  }
0x1b4: {  	v12 =	vadd.s32 v13, v12;
	v13 =	vsel vm10, $0x1, v1;
	vm10 =	vge.s32 v15, v11;
	v15 =	vld [tilespmem:$0x1F9C0];
	_ =	sdelay $0x4  }
0x1b5: {  	v12 =	vadd.s32 v14, v12;
	v14 =	vsel vm11, $0x1, v1;
	vm11 =	vge.s32 v15, v11;
	v15 =	vld [tilespmem:$0x1F9D0];
	_ =	sdelay $0x4  }
0x1b6: {  	v12 =	vadd.s32 v13, v12;
	v13 =	vsel vm12, $0x1, v1;
	vm12 =	vge.s32 v15, v11;
	v15 =	vld [tilespmem:$0x1F9E0];
	_ =	sdelay $0x4  }
0x1b7: {  	v12 =	vadd.s32 v14, v12;
	v14 =	vsel vm13, $0x1, v1;
	vm13 =	vge.s32 v15, v11;
	v15 =	vld [tilespmem:$0x1F9F0];
	_ =	sdelay $0x4  }
0x1b8: {  	v12 =	vadd.s32 v13, v12;
	v13 =	vsel vm14, $0x1, v1;
	vm14 =	vge.s32 v15, v11;
	v15 =	vld [tilespmem:$0x1FA00];
	_ =	sdelay $0x4  }
0x1b9: {  	v12 =	vadd.s32 v14, v12;
	v14 =	vsel vm15, $0x1, v1;
	vm15 =	vge.s32 v15, v11;
	v15 =	vld [tilespmem:$0x1FA10];
	_ =	sdelay $0x4  }
0x1ba: {  	v12 =	vadd.s32 v13, v12;
	v13 =	vsel vm4, $0x1, v1;
	vm4 =	vge.s32 v15, v11;
	v15 =	vld [tilespmem:$0x1FA20];
	_ =	sdelay $0x4  }
0x1bb: {  	v12 =	vadd.s32 v14, v12;
	v14 =	vsel vm5, $0x1, v1;
	vm5 =	vge.s32 v15, v11;
	v15 =	vld [tilespmem:$0x1FA30];
	_ =	sdelay $0x4  }
0x1bc: {  	v12 =	vadd.s32 v13, v12;
	v13 =	vsel vm6, $0x1, v1;
	vm6 =	vge.s32 v15, v11;
	v15 =	vld [tilespmem:$0x1FA40];
	_ =	sdelay $0x4  }
0x1bd: {  	v12 =	vadd.s32 v14, v12;
	v14 =	vsel vm7, $0x1, v1;
	vm7 =	vge.s32 v15, v11;
	v15 =	vld [tilespmem:$0x1FA50];
	_ =	sdelay $0x4  }
0x1be: {  	v12 =	vadd.s32 v13, v12;
	v13 =	vsel vm8, $0x1, v1;
	vm8 =	vge.s32 v15, v11;
	v15 =	vld [tilespmem:$0x1FA60];
	_ =	sdelay $0x4  }
0x1bf: {  	v12 =	vadd.s32 v14, v12;
	v14 =	vsel vm9, $0x1, v1;
	vm9 =	vge.s32 v15, v11;
	v15 =	vld [tilespmem:$0x1FA70];
	_ =	sdelay $0x4  }
0x1c0: {  	v12 =	vadd.s32 v13, v12;
	v13 =	vsel vm10, $0x1, v1;
	vm10 =	vge.s32 v15, v11;
	v15 =	vld [tilespmem:$0x1FA80];
	_ =	sdelay $0x4  }
0x1c1: {  	v12 =	vadd.s32 v14, v12;
	v14 =	vsel vm11, $0x1, v1;
	vm11 =	vge.s32 v15, v11;
	v15 =	vld [tilespmem:$0x1FA90];
	_ =	sdelay $0x4  }
0x1c2: {  	v12 =	vadd.s32 v13, v12;
	v13 =	vsel vm12, $0x1, v1;
	vm12 =	vge.s32 v15, v11;
	v15 =	vld [tilespmem:$0x1FAA0];
	_ =	sdelay $0x4  }
0x1c3: {  	v12 =	vadd.s32 v14, v12;
	v14 =	vsel vm13, $0x1, v1;
	vm13 =	vge.s32 v15, v11;
	v15 =	vld [tilespmem:$0x1FAB0];
	_ =	sdelay $0x4  }
0x1c4: {  	v12 =	vadd.s32 v13, v12;
	v13 =	vsel vm14, $0x1, v1;
	vm14 =	vge.s32 v15, v11;
	v15 =	vld [tilespmem:$0x1FAC0];
	_ =	sdelay $0x4  }
0x1c5: {  	v12 =	vadd.s32 v14, v12;
	v14 =	vsel vm15, $0x1, v1;
	vm15 =	vge.s32 v15, v11;
	v15 =	vld [tilespmem:$0x1FAD0];
	_ =	sdelay $0x4  }
0x1c6: {  	v12 =	vadd.s32 v13, v12;
	v13 =	vsel vm4, $0x1, v1;
	vm4 =	vge.s32 v15, v11;
	v15 =	vld [tilespmem:$0x1FAE0];
	_ =	sdelay $0x4  }
0x1c7: {  	v12 =	vadd.s32 v14, v12;
	v14 =	vsel vm5, $0x1, v1;
	vm5 =	vge.s32 v15, v11;
	v15 =	vld [tilespmem:$0x1FAF0];
	_ =	sdelay $0x4  }
0x1c8: {  	v12 =	vadd.s32 v13, v12;
	v13 =	vsel vm6, $0x1, v1;
	vm6 =	vge.s32 v15, v11;
	v15 =	vld [tilespmem:$0x1FB00];
	_ =	sdelay $0x4  }
0x1c9: {  	v12 =	vadd.s32 v14, v12;
	v14 =	vsel vm7, $0x1, v1;
	vm7 =	vge.s32 v15, v11;
	v15 =	vld [tilespmem:$0x1FB10];
	_ =	sdelay $0x4  }
0x1ca: {  	v12 =	vadd.s32 v13, v12;
	v13 =	vsel vm8, $0x1, v1;
	vm8 =	vge.s32 v15, v11;
	v15 =	vld [tilespmem:$0x1FB20];
	_ =	sdelay $0x4  }
0x1cb: {  	v12 =	vadd.s32 v14, v12;
	v14 =	vsel vm9, $0x1, v1;
	vm9 =	vge.s32 v15, v11;
	v15 =	vld [tilespmem:$0x1FB30];
	_ =	sdelay $0x4  }
0x1cc: {  	v12 =	vadd.s32 v13, v12;
	v13 =	vsel vm10, $0x1, v1;
	vm10 =	vge.s32 v15, v11;
	v15 =	vld [tilespmem:$0x1FB40];
	_ =	sdelay $0x4  }
0x1cd: {  	v12 =	vadd.s32 v14, v12;
	v14 =	vsel vm11, $0x1, v1;
	vm11 =	vge.s32 v15, v11;
	v15 =	vld [tilespmem:$0x1FB50];
	_ =	sdelay $0x4  }
0x1ce: {  	v12 =	vadd.s32 v13, v12;
	v13 =	vsel vm12, $0x1, v1;
	vm12 =	vge.s32 v15, v11;
	v15 =	vld [tilespmem:$0x1FB60];
	_ =	sdelay $0x4  }
0x1cf: {  	v12 =	vadd.s32 v14, v12;
	v14 =	vsel vm13, $0x1, v1;
	vm13 =	vge.s32 v15, v11;
	v15 =	vld [tilespmem:$0x1FB70];
	_ =	sdelay $0x4  }
0x1d0: {  	v12 =	vadd.s32 v13, v12;
	v13 =	vsel vm14, $0x1, v1;
	vm14 =	vge.s32 v15, v11;
	v15 =	vld [tilespmem:$0x1FB80];
	_ =	sdelay $0x4  }
0x1d1: {  	v12 =	vadd.s32 v14, v12;
	v14 =	vsel vm15, $0x1, v1;
	vm15 =	vge.s32 v15, v11;
	v15 =	vld [tilespmem:$0x1FB90];
	_ =	sdelay $0x4  }
0x1d2: {  	v12 =	vadd.s32 v13, v12;
	v13 =	vsel vm4, $0x1, v1;
	vm4 =	vge.s32 v15, v11;
	v15 =	vld [tilespmem:$0x1FBA0];
	_ =	sdelay $0x4  }
0x1d3: {  	v12 =	vadd.s32 v14, v12;
	v14 =	vsel vm5, $0x1, v1;
	vm5 =	vge.s32 v15, v11;
	v15 =	vld [tilespmem:$0x1FBB0];
	_ =	sdelay $0x4  }
0x1d4: {  	v12 =	vadd.s32 v13, v12;
	v13 =	vsel vm6, $0x1, v1;
	vm6 =	vge.s32 v15, v11;
	v15 =	vld [tilespmem:$0x1FBC0];
	_ =	sdelay $0x4  }
0x1d5: {  	v12 =	vadd.s32 v14, v12;
	v14 =	vsel vm7, $0x1, v1;
	vm7 =	vge.s32 v15, v11;
	v15 =	vld [tilespmem:$0x1FBD0];
	_ =	sdelay $0x4  }
0x1d6: {  	v12 =	vadd.s32 v13, v12;
	v13 =	vsel vm8, $0x1, v1;
	vm8 =	vge.s32 v15, v11;
	v15 =	vld [tilespmem:$0x1FBE0];
	_ =	sdelay $0x4  }
0x1d7: {  	v12 =	vadd.s32 v14, v12;
	v14 =	vsel vm9, $0x1, v1;
	vm9 =	vge.s32 v15, v11;
	v15 =	vld [tilespmem:$0x1FBF0];
	_ =	sdelay $0x4  }
0x1d8: {  	v12 =	vadd.s32 v13, v12;
	v13 =	vsel vm10, $0x1, v1;
	vm10 =	vge.s32 v15, v11;
	v15 =	vld [tilespmem:$0x1FC00];
	_ =	sdelay $0x4  }
0x1d9: {  	v12 =	vadd.s32 v14, v12;
	v14 =	vsel vm11, $0x1, v1;
	vm11 =	vge.s32 v15, v11;
	v15 =	vld [tilespmem:$0x1FC10];
	_ =	sdelay $0x4  }
0x1da: {  	v12 =	vadd.s32 v13, v12;
	v13 =	vsel vm12, $0x1, v1;
	vm12 =	vge.s32 v15, v11;
	v15 =	vld [tilespmem:$0x1FC20];
	_ =	sdelay $0x4  }
0x1db: {  	v12 =	vadd.s32 v14, v12;
	v14 =	vsel vm13, $0x1, v1;
	vm13 =	vge.s32 v15, v11;
	v15 =	vld [tilespmem:$0x1FC30];
	_ =	sdelay $0x4  }
0x1dc: {  	v12 =	vadd.s32 v13, v12;
	v13 =	vsel vm14, $0x1, v1;
	vm14 =	vge.s32 v15, v11;
	v15 =	vld [tilespmem:$0x1FC40];
	_ =	sdelay $0x4  }
0x1dd: {  	v12 =	vadd.s32 v14, v12;
	v14 =	vsel vm15, $0x1, v1;
	vm15 =	vge.s32 v15, v11;
	v15 =	vld [tilespmem:$0x1FC50];
	_ =	sdelay $0x4  }
0x1de: {  	v12 =	vadd.s32 v13, v12;
	v13 =	vsel vm4, $0x1, v1;
	vm4 =	vge.s32 v15, v11;
	v15 =	vld [tilespmem:$0x1FC60];
	_ =	sdelay $0x4  }
0x1df: {  	v12 =	vadd.s32 v14, v12;
	v14 =	vsel vm5, $0x1, v1;
	vm5 =	vge.s32 v15, v11;
	v15 =	vld [tilespmem:$0x1FC70];
	_ =	sdelay $0x4  }
0x1e0: {  	v12 =	vadd.s32 v13, v12;
	v13 =	vsel vm6, $0x1, v1;
	vm6 =	vge.s32 v15, v11;
	v15 =	vld [tilespmem:$0x1FC80];
	_ =	sdelay $0x4  }
0x1e1: {  	v12 =	vadd.s32 v14, v12;
	v14 =	vsel vm7, $0x1, v1;
	vm7 =	vge.s32 v15, v11;
	v15 =	vld [tilespmem:$0x1FC90];
	_ =	sdelay $0x4  }
0x1e2: {  	v12 =	vadd.s32 v13, v12;
	v13 =	vsel vm8, $0x1, v1;
	vm8 =	vge.s32 v15, v11;
	v15 =	vld [tilespmem:$0x1FCA0];
	_ =	sdelay $0x4  }
0x1e3: {  	v12 =	vadd.s32 v14, v12;
	v14 =	vsel vm9, $0x1, v1;
	vm9 =	vge.s32 v15, v11;
	v15 =	vld [tilespmem:$0x1FCB0];
	_ =	sdelay $0x4  }
0x1e4: {  	v12 =	vadd.s32 v13, v12;
	v13 =	vsel vm10, $0x1, v1;
	vm10 =	vge.s32 v15, v11;
	v15 =	vld [tilespmem:$0x1FCC0];
	_ =	sdelay $0x4  }
0x1e5: {  	v12 =	vadd.s32 v14, v12;
	v14 =	vsel vm11, $0x1, v1;
	vm11 =	vge.s32 v15, v11;
	v15 =	vld [tilespmem:$0x1FCD0];
	_ =	sdelay $0x4  }
0x1e6: {  	v12 =	vadd.s32 v13, v12;
	v13 =	vsel vm12, $0x1, v1;
	vm12 =	vge.s32 v15, v11;
	v15 =	vld [tilespmem:$0x1FCE0];
	_ =	sdelay $0x4  }
0x1e7: {  	v12 =	vadd.s32 v14, v12;
	v14 =	vsel vm13, $0x1, v1;
	vm13 =	vge.s32 v15, v11;
	v15 =	vld [tilespmem:$0x1FCF0];
	_ =	sdelay $0x4  }
0x1e8: {  	v12 =	vadd.s32 v13, v12;
	v13 =	vsel vm14, $0x1, v1;
	vm14 =	vge.s32 v15, v11;
	v15 =	vld [tilespmem:$0x1FD00];
	_ =	sdelay $0x4  }
0x1e9: {  	v12 =	vadd.s32 v14, v12;
	v14 =	vsel vm15, $0x1, v1;
	vm15 =	vge.s32 v15, v11;
	v15 =	vld [tilespmem:$0x1FD10];
	_ =	sdelay $0x4  }
0x1ea: {  	v12 =	vadd.s32 v13, v12;
	v13 =	vsel vm4, $0x1, v1;
	vm4 =	vge.s32 v15, v11;
	v15 =	vld [tilespmem:$0x1FD20];
	_ =	sdelay $0x4  }
0x1eb: {  	v12 =	vadd.s32 v14, v12;
	v14 =	vsel vm5, $0x1, v1;
	vm5 =	vge.s32 v15, v11;
	v15 =	vld [tilespmem:$0x1FD30];
	_ =	sdelay $0x4  }
0x1ec: {  	v12 =	vadd.s32 v13, v12;
	v13 =	vsel vm6, $0x1, v1;
	vm6 =	vge.s32 v15, v11;
	v15 =	vld [tilespmem:$0x1FD40];
	_ =	sdelay $0x4  }
0x1ed: {  	v12 =	vadd.s32 v14, v12;
	v14 =	vsel vm7, $0x1, v1;
	vm7 =	vge.s32 v15, v11;
	v15 =	vld [tilespmem:$0x1FD50];
	_ =	sdelay $0x4  }
0x1ee: {  	v12 =	vadd.s32 v13, v12;
	v13 =	vsel vm8, $0x1, v1;
	vm8 =	vge.s32 v15, v11;
	v15 =	vld [tilespmem:$0x1FD60];
	_ =	sdelay $0x4  }
0x1ef: {  	v12 =	vadd.s32 v14, v12;
	v14 =	vsel vm9, $0x1, v1;
	vm9 =	vge.s32 v15, v11;
	v15 =	vld [tilespmem:$0x1FD70];
	_ =	sdelay $0x4  }
0x1f0: {  	v12 =	vadd.s32 v13, v12;
	v13 =	vsel vm10, $0x1, v1;
	vm10 =	vge.s32 v15, v11;
	v15 =	vld [tilespmem:$0x1FD80];
	_ =	sdelay $0x4  }
0x1f1: {  	v12 =	vadd.s32 v14, v12;
	v14 =	vsel vm11, $0x1, v1;
	vm11 =	vge.s32 v15, v11;
	v15 =	vld [tilespmem:$0x1FD90];
	_ =	sdelay $0x4  }
0x1f2: {  	v12 =	vadd.s32 v13, v12;
	v13 =	vsel vm12, $0x1, v1;
	vm12 =	vge.s32 v15, v11;
	v15 =	vld [tilespmem:$0x1FDA0];
	_ =	sdelay $0x4  }
0x1f3: {  	v12 =	vadd.s32 v14, v12;
	v14 =	vsel vm13, $0x1, v1;
	vm13 =	vge.s32 v15, v11;
	v15 =	vld [tilespmem:$0x1FDB0];
	_ =	sdelay $0x4  }
0x1f4: {  	v12 =	vadd.s32 v13, v12;
	v13 =	vsel vm14, $0x1, v1;
	vm14 =	vge.s32 v15, v11;
	v15 =	vld [tilespmem:$0x1FDC0];
	_ =	sdelay $0x4  }
0x1f5: {  	v12 =	vadd.s32 v14, v12;
	v14 =	vsel vm15, $0x1, v1;
	vm15 =	vge.s32 v15, v11;
	v15 =	vld [tilespmem:$0x1FDD0];
	_ =	sdelay $0x4  }
0x1f6: {  	v12 =	vadd.s32 v13, v12;
	v13 =	vsel vm4, $0x1, v1;
	vm4 =	vge.s32 v15, v11;
	v15 =	vld [tilespmem:$0x1FDE0];
	_ =	sdelay $0x4  }
0x1f7: {  	v12 =	vadd.s32 v14, v12;
	v14 =	vsel vm5, $0x1, v1;
	vm5 =	vge.s32 v15, v11;
	v15 =	vld [tilespmem:$0x1FDF0];
	_ =	sdelay $0x4  }
0x1f8: {  	v12 =	vadd.s32 v13, v12;
	v13 =	vsel vm6, $0x1, v1;
	vm6 =	vge.s32 v15, v11;
	v15 =	vld [tilespmem:$0x1FE00];
	_ =	sdelay $0x4  }
0x1f9: {  	v12 =	vadd.s32 v14, v12;
	v14 =	vsel vm7, $0x1, v1;
	vm7 =	vge.s32 v15, v11;
	v15 =	vld [tilespmem:$0x1FE10];
	_ =	sdelay $0x4  }
0x1fa: {  	v12 =	vadd.s32 v13, v12;
	v13 =	vsel vm8, $0x1, v1;
	vm8 =	vge.s32 v15, v11;
	v15 =	vld [tilespmem:$0x1FE20];
	_ =	sdelay $0x4  }
0x1fb: {  	v12 =	vadd.s32 v14, v12;
	v14 =	vsel vm9, $0x1, v1;
	vm9 =	vge.s32 v15, v11;
	v15 =	vld [tilespmem:$0x1FE30];
	_ =	sdelay $0x4  }
0x1fc: {  	v12 =	vadd.s32 v13, v12;
	v13 =	vsel vm10, $0x1, v1;
	vm10 =	vge.s32 v15, v11;
	v15 =	vld [tilespmem:$0x1FE40];
	_ =	sdelay $0x4  }
0x1fd: {  	v12 =	vadd.s32 v14, v12;
	v14 =	vsel vm11, $0x1, v1;
	vm11 =	vge.s32 v15, v11;
	v15 =	vld [tilespmem:$0x1FE50];
	_ =	sdelay $0x4  }
0x1fe: {  	v12 =	vadd.s32 v13, v12;
	v13 =	vsel vm12, $0x1, v1;
	vm12 =	vge.s32 v15, v11;
	v15 =	vld [tilespmem:$0x1FE60];
	_ =	sdelay $0x4  }
0x1ff: {  	v12 =	vadd.s32 v14, v12;
	v14 =	vsel vm13, $0x1, v1;
	vm13 =	vge.s32 v15, v11;
	v15 =	vld [tilespmem:$0x1FE70];
	_ =	sdelay $0x4  }
0x200: {  	v12 =	vadd.s32 v13, v12;
	v13 =	vsel vm14, $0x1, v1;
	vm14 =	vge.s32 v15, v11;
	v15 =	vld [tilespmem:$0x1FE80];
	_ =	sdelay $0x4  }
0x201: {  	v12 =	vadd.s32 v14, v12;
	v14 =	vsel vm15, $0x1, v1;
	vm15 =	vge.s32 v15, v11;
	v15 =	vld [tilespmem:$0x1FE90];
	_ =	sdelay $0x4  }
0x202: {  	v12 =	vadd.s32 v13, v12;
	v13 =	vsel vm4, $0x1, v1;
	vm4 =	vge.s32 v15, v11;
	v15 =	vld [tilespmem:$0x1FEA0];
	_ =	sdelay $0x4  }
0x203: {  	v12 =	vadd.s32 v14, v12;
	v14 =	vsel vm5, $0x1, v1;
	vm5 =	vge.s32 v15, v11;
	v15 =	vld [tilespmem:$0x1FEB0];
	_ =	sdelay $0x4  }
0x204: {  	v12 =	vadd.s32 v13, v12;
	v13 =	vsel vm6, $0x1, v1;
	vm6 =	vge.s32 v15, v11;
	v15 =	vld [tilespmem:$0x1FEC0];
	_ =	sdelay $0x4  }
0x205: {  	v12 =	vadd.s32 v14, v12;
	v14 =	vsel vm7, $0x1, v1;
	vm7 =	vge.s32 v15, v11;
	v15 =	vld [tilespmem:$0x1FED0];
	_ =	sdelay $0x4  }
0x206: {  	v12 =	vadd.s32 v13, v12;
	v13 =	vsel vm8, $0x1, v1;
	vm8 =	vge.s32 v15, v11;
	v15 =	vld [tilespmem:$0x1FEE0];
	_ =	sdelay $0x4  }
0x207: {  	v12 =	vadd.s32 v14, v12;
	v14 =	vsel vm9, $0x1, v1;
	vm9 =	vge.s32 v15, v11;
	v15 =	vld [tilespmem:$0x1FEF0];
	_ =	sdelay $0x4  }
0x208: {  	v12 =	vadd.s32 v13, v12;
	v13 =	vsel vm10, $0x1, v1;
	vm10 =	vge.s32 v15, v11;
	v15 =	vld [tilespmem:$0x1FF00];
	_ =	sdelay $0x4  }
0x209: {  	v12 =	vadd.s32 v14, v12;
	v14 =	vsel vm11, $0x1, v1;
	vm11 =	vge.s32 v15, v11;
	v15 =	vld [tilespmem:$0x1FF10];
	_ =	sdelay $0x4  }
0x20a: {  	v12 =	vadd.s32 v13, v12;
	v13 =	vsel vm12, $0x1, v1;
	vm12 =	vge.s32 v15, v11;
	v15 =	vld [tilespmem:$0x1FF20];
	_ =	sdelay $0x4  }
0x20b: {  	v12 =	vadd.s32 v14, v12;
	v14 =	vsel vm13, $0x1, v1;
	vm13 =	vge.s32 v15, v11;
	v15 =	vld [tilespmem:$0x1FF30];
	_ =	sdelay $0x4  }
0x20c: {  	v12 =	vadd.s32 v13, v12;
	v13 =	vsel vm14, $0x1, v1;
	vm14 =	vge.s32 v15, v11;
	v15 =	vld [tilespmem:$0x1FF40];
	_ =	sdelay $0x4  }
0x20d: {  	v12 =	vadd.s32 v14, v12;
	v14 =	vsel vm15, $0x1, v1;
	vm15 =	vge.s32 v15, v11;
	v15 =	vld [tilespmem:$0x1FF50];
	_ =	sdelay $0x4  }
0x20e: {  	v12 =	vadd.s32 v13, v12;
	v13 =	vsel vm4, $0x1, v1;
	vm4 =	vge.s32 v15, v11;
	v15 =	vld [tilespmem:$0x1FF60];
	_ =	sdelay $0x4  }
0x20f: {  	v12 =	vadd.s32 v14, v12;
	v14 =	vsel vm5, $0x1, v1;
	vm5 =	vge.s32 v15, v11;
	v15 =	vld [tilespmem:$0x1FF70];
	_ =	sdelay $0x4  }
0x210: {  	v12 =	vadd.s32 v13, v12;
	v13 =	vsel vm6, $0x1, v1;
	vm6 =	vge.s32 v15, v11;
	v15 =	vld [tilespmem:$0x1FF80];
	_ =	sdelay $0x4  }
0x211: {  	v12 =	vadd.s32 v14, v12;
	v14 =	vsel vm7, $0x1, v1;
	vm7 =	vge.s32 v15, v11;
	v15 =	vld [tilespmem:$0x1FF90];
	_ =	sdelay $0x4  }
0x212: {  	v12 =	vadd.s32 v13, v12;
	v13 =	vsel vm8, $0x1, v1;
	vm8 =	vge.s32 v15, v11;
	v15 =	vld [tilespmem:$0x1FFA0];
	_ =	sdelay $0x4  }
0x213: {  	v12 =	vadd.s32 v14, v12;
	v14 =	vsel vm9, $0x1, v1;
	vm9 =	vge.s32 v15, v11;
	v15 =	vld [tilespmem:$0x1FFB0];
	_ =	sdelay $0x4  }
0x214: {  	v12 =	vadd.s32 v13, v12;
	v13 =	vsel vm10, $0x1, v1;
	vm10 =	vge.s32 v15, v11;
	v15 =	vld [tilespmem:$0x1FFC0];
	_ =	sdelay $0x4  }
0x215: {  	v12 =	vadd.s32 v14, v12;
	v14 =	vsel vm11, $0x1, v1;
	vm11 =	vge.s32 v15, v11;
	v15 =	vld [tilespmem:$0x1FFD0]  }
0x216: {  	v12 =	vadd.s32 v13, v12  }
0x217: {  	v12 =	vadd.s32 v14, v12;
	v13 =	vsel vm12, $0x1, v1  }
0x218: {  	v12 =	vadd.s32 v13, v12;
	v14 =	vsel vm13, $0x1, v1  }
0x219: {  	v12 =	vadd.s32 v14, v12;
	v13 =	vsel vm14, $0x1, v1  }
0x21a: {  	v12 =	vadd.s32 v13, v12;
	v14 =	vsel vm15, $0x1, v1;
	vm12 =	vge.s32 v15, v11;
	v15 =	vld [tilespmem:$0x1FFE0]  }
0x21b: {  	v12 =	vadd.s32 v14, v12;
	v13 =	vsel vm4, $0x1, v1  }
0x21c: {  	v12 =	vadd.s32 v13, v12;
	v14 =	vsel vm5, $0x1, v1  }
0x21d: {  	v12 =	vadd.s32 v14, v12;
	v13 =	vsel vm6, $0x1, v1  }
0x21e: {  	v12 =	vadd.s32 v13, v12;
	v14 =	vsel vm7, $0x1, v1  }
0x21f: {  	v12 =	vadd.s32 v14, v12;
	v13 =	vsel vm8, $0x1, v1;
	vm13 =	vge.s32 v15, v11;
	v15 =	vld [tilespmem:$0x1FFF0]  }
0x220: {  	v12 =	vadd.s32 v13, v12;
	v14 =	vsel vm9, $0x1, v1  }
0x221: {  	v12 =	vadd.s32 v14, v12;
	v13 =	vsel vm10, $0x1, v1  }
0x222: {  	v12 =	vadd.s32 v13, v12;
	v14 =	vsel vm11, $0x1, v1  }
0x223: {  	p0 =	sne.s32 s4, $0x1F;
	v12 =	vadd.s32 v14, v12;
	v13 =	vsel vm12, $0x1, v1  }
.Ltmp2:
0x224: {  	v14 =	vsel vm13, $0x1, v1;
	vm14 =	vge.s32 v15, v11;
	v11 =	vadd.s32 v13, v12;
	(pc) =	sbr.rel @p0 .LBB2_4-.Ltmp2, $4  }
0x225: {  	v12 =	vsel vm14, $0x1, v1;
	v11 =	vadd.s32 v14, v11  }
0x226: {  	v11 =	vadd.s32 v12, v11  }
0x227: {  	vm15 =	vgt.s32 v11, $0x4B  }
0x228: {  	s5 =	sshrl.u32 s3, s4;
	s4 =	sadd.s32 $0x1, s4;
	v0 =	vsel vm15, v10, v0  }
0x229: {  	v10 =	vor.u32 s5, v0  }
0x22a: {  	v11 =	vxor.u32 $0x80000000, v10  }
0x22b: {  	vm0 =	vge.s32 v7, v11;
	vm1 =	vge.s32 v8, v11  }
0x22c: {  	vm2 =	vge.s32 v9, v11;
	v7 =	vsel vm0, $0x1, v1;
	v8 =	vsel vm1, $0x1, v1  }
0x22d: {  	vm14 =	vge.s32 v6, v11;
	v15 =	vsel vm2, $0x1, v1;
	v7 =	vadd.s32 v7, v8  }
0x22e: {  	vm15 =	vge.s32 v5, v11;
	v9 =	vsel vm14, $0x1, v1;
	v6 =	vadd.s32 v15, v7  }
0x22f: {  	vm4 =	vge.s32 v4, v11;
	v12 =	vsel vm15, $0x1, v1;
	v5 =	vadd.s32 v9, v6  }
0x230: {  	vm5 =	vge.s32 v3, v11;
	v13 =	vsel vm4, $0x1, v1;
	v4 =	vadd.s32 v12, v5  }
0x231: {  	vm6 =	vge.s32 v2, v11;
	v14 =	vsel vm5, $0x1, v1;
	v3 =	vadd.s32 v13, v4  }
0x232: {  	vm7 =	vge.s32 v63, v11;
	v15 =	vsel vm6, $0x1, v1;
	v2 =	vadd.s32 v14, v3  }
0x233: {  	vm8 =	vge.s32 v62, v11;
	v63 =	vsel vm7, $0x1, v1;
	v2 =	vadd.s32 v15, v2  }
0x234: {  	vm9 =	vge.s32 v61, v11;
	v6 =	vsel vm8, $0x1, v1;
	v2 =	vadd.s32 v63, v2  }
0x235: {  	vm10 =	vge.s32 v60, v11;
	v7 =	vsel vm9, $0x1, v1;
	v2 =	vadd.s32 v6, v2  }
0x236: {  	vm11 =	vge.s32 v59, v11;
	v8 =	vsel vm10, $0x1, v1;
	v2 =	vadd.s32 v7, v2  }
0x237: {  	vm12 =	vge.s32 v58, v11;
	v9 =	vsel vm11, $0x1, v1;
	v2 =	vadd.s32 v8, v2  }
0x238: {  	vm13 =	vge.s32 v57, v11;
	v12 =	vsel vm12, $0x1, v1;
	v2 =	vadd.s32 v9, v2  }
0x239: {  	vm14 =	vge.s32 v56, v11;
	v13 =	vsel vm13, $0x1, v1;
	v2 =	vadd.s32 v12, v2  }
0x23a: {  	vm15 =	vge.s32 v55, v11;
	v14 =	vsel vm14, $0x1, v1;
	v2 =	vadd.s32 v13, v2  }
0x23b: {  	vm4 =	vge.s32 v54, v11;
	v15 =	vsel vm15, $0x1, v1;
	v2 =	vadd.s32 v14, v2  }
0x23c: {  	vm5 =	vge.s32 v53, v11;
	v54 =	vsel vm4, $0x1, v1;
	v2 =	vadd.s32 v15, v2  }
0x23d: {  	v55 =	vsel vm5, $0x1, v1;
	vm6 =	vge.s32 v52, v11;
	v2 =	vadd.s32 v54, v2  }
0x23e: {  	vm7 =	vge.s32 v51, v11;
	v56 =	vsel vm6, $0x1, v1;
	v2 =	vadd.s32 v55, v2  }
0x23f: {  	v57 =	vsel vm7, $0x1, v1;
	vm8 =	vge.s32 v50, v11;
	v2 =	vadd.s32 v56, v2  }
0x240: {  	vm9 =	vge.s32 v49, v11;
	v58 =	vsel vm8, $0x1, v1;
	v2 =	vadd.s32 v57, v2  }
0x241: {  	vm10 =	vge.s32 v48, v11;
	v59 =	vsel vm9, $0x1, v1;
	v2 =	vadd.s32 v58, v2  }
0x242: {  	v60 =	vsel vm10, $0x1, v1;
	vm11 =	vge.s32 v47, v11;
	v2 =	vadd.s32 v59, v2  }
0x243: {  	vm12 =	vge.s32 v46, v11;
	v61 =	vsel vm11, $0x1, v1;
	v2 =	vadd.s32 v60, v2  }
0x244: {  	vm13 =	vge.s32 v45, v11;
	v62 =	vsel vm12, $0x1, v1;
	v2 =	vadd.s32 v61, v2  }
0x245: {  	vm14 =	vge.s32 v44, v11;
	v63 =	vsel vm13, $0x1, v1;
	v2 =	vadd.s32 v62, v2  }
0x246: {  	vm15 =	vge.s32 v43, v11;
	v6 =	vsel vm14, $0x1, v1;
	v2 =	vadd.s32 v63, v2  }
0x247: {  	vm4 =	vge.s32 v42, v11;
	v7 =	vsel vm15, $0x1, v1;
	v2 =	vadd.s32 v6, v2  }
0x248: {  	vm5 =	vge.s32 v41, v11;
	v8 =	vsel vm4, $0x1, v1;
	v2 =	vadd.s32 v7, v2  }
0x249: {  	vm6 =	vge.s32 v40, v11;
	v9 =	vsel vm5, $0x1, v1;
	v2 =	vadd.s32 v8, v2  }
0x24a: {  	vm7 =	vge.s32 v39, v11;
	v12 =	vsel vm6, $0x1, v1;
	v2 =	vadd.s32 v9, v2  }
0x24b: {  	vm8 =	vge.s32 v38, v11;
	v13 =	vsel vm7, $0x1, v1;
	v2 =	vadd.s32 v12, v2  }
0x24c: {  	vm9 =	vge.s32 v37, v11;
	v14 =	vsel vm8, $0x1, v1;
	v2 =	vadd.s32 v13, v2  }
0x24d: {  	vm10 =	vge.s32 v36, v11;
	v15 =	vsel vm9, $0x1, v1;
	v2 =	vadd.s32 v14, v2  }
0x24e: {  	vm11 =	vge.s32 v35, v11;
	v35 =	vsel vm10, $0x1, v1;
	v2 =	vadd.s32 v15, v2  }
0x24f: {  	vm12 =	vge.s32 v34, v11;
	v36 =	vsel vm11, $0x1, v1;
	v2 =	vadd.s32 v35, v2  }
0x250: {  	v37 =	vsel vm12, $0x1, v1;
	vm13 =	vge.s32 v33, v11;
	v2 =	vadd.s32 v36, v2  }
0x251: {  	vm14 =	vge.s32 v32, v11;
	v38 =	vsel vm13, $0x1, v1;
	v2 =	vadd.s32 v37, v2  }
0x252: {  	vm15 =	vge.s32 v31, v11;
	v39 =	vsel vm14, $0x1, v1;
	v2 =	vadd.s32 v38, v2  }
0x253: {  	vm4 =	vge.s32 v30, v11;
	v40 =	vsel vm15, $0x1, v1;
	v2 =	vadd.s32 v39, v2  }
0x254: {  	vm5 =	vge.s32 v29, v11;
	v41 =	vsel vm4, $0x1, v1;
	v2 =	vadd.s32 v40, v2  }
0x255: {  	vm6 =	vge.s32 v28, v11;
	v42 =	vsel vm5, $0x1, v1;
	v2 =	vadd.s32 v41, v2  }
0x256: {  	vm7 =	vge.s32 v27, v11;
	v43 =	vsel vm6, $0x1, v1;
	v2 =	vadd.s32 v42, v2  }
0x257: {  	vm8 =	vge.s32 v26, v11;
	v44 =	vsel vm7, $0x1, v1;
	v2 =	vadd.s32 v43, v2  }
0x258: {  	vm9 =	vge.s32 v25, v11;
	v45 =	vsel vm8, $0x1, v1;
	v2 =	vadd.s32 v44, v2  }
0x259: {  	vm10 =	vge.s32 v24, v11;
	v46 =	vsel vm9, $0x1, v1;
	v2 =	vadd.s32 v45, v2  }
0x25a: {  	vm11 =	vge.s32 v23, v11;
	v47 =	vsel vm10, $0x1, v1;
	v2 =	vadd.s32 v46, v2  }
0x25b: {  	vm12 =	vge.s32 v22, v11;
	v48 =	vsel vm11, $0x1, v1;
	v2 =	vadd.s32 v47, v2  }
0x25c: {  	v49 =	vsel vm12, $0x1, v1;
	vm13 =	vge.s32 v21, v11;
	v2 =	vadd.s32 v48, v2  }
0x25d: {  	vm14 =	vge.s32 v20, v11;
	v50 =	vsel vm13, $0x1, v1;
	v55 =	vld [tilespmem:$0x1F380];
	v2 =	vadd.s32 v49, v2  }
0x25e: {  	vm15 =	vge.s32 v19, v11;
	v51 =	vsel vm14, $0x1, v1;
	v57 =	vld [tilespmem:$0x1F390];
	v2 =	vadd.s32 v50, v2  }
0x25f: {  	vm4 =	vge.s32 v18, v11;
	v52 =	vsel vm15, $0x1, v1;
	v59 =	vld [tilespmem:$0x1F3A0];
	v2 =	vadd.s32 v51, v2  }
0x260: {  	vm5 =	vge.s32 v17, v11;
	v53 =	vsel vm4, $0x1, v1;
	v61 =	vld [tilespmem:$0x1F3B0];
	v2 =	vadd.s32 v52, v2  }
0x261: {  	vm6 =	vge.s32 v16, v11;
	v54 =	vsel vm5, $0x1, v1;
	v63 =	vld [tilespmem:$0x1F3C0];
	v2 =	vadd.s32 v53, v2  }
0x262: {  	v56 =	vsel vm6, $0x1, v1;
	vm7 =	vge.s32 v55, v11;
	v7 =	vld [tilespmem:$0x1F3D0];
	v2 =	vadd.s32 v54, v2  }
0x263: {  	v58 =	vsel vm7, $0x1, v1;
	vm8 =	vge.s32 v57, v11;
	v9 =	vld [tilespmem:$0x1F3E0];
	v2 =	vadd.s32 v56, v2  }
0x264: {  	v60 =	vsel vm8, $0x1, v1;
	vm9 =	vge.s32 v59, v11;
	v13 =	vld [tilespmem:$0x1F3F0];
	v2 =	vadd.s32 v58, v2  }
0x265: {  	v62 =	vsel vm9, $0x1, v1;
	vm10 =	vge.s32 v61, v11;
	v15 =	vld [tilespmem:$0x1F400];
	v2 =	vadd.s32 v60, v2  }
0x266: {  	v17 =	vld [tilespmem:$0x1F410];
	v6 =	vsel vm10, $0x1, v1;
	vm11 =	vge.s32 v63, v11;
	v2 =	vadd.s32 v62, v2  }
0x267: {  	v19 =	vld [tilespmem:$0x1F420];
	v8 =	vsel vm11, $0x1, v1;
	vm12 =	vge.s32 v7, v11;
	v2 =	vadd.s32 v6, v2  }
0x268: {  	v21 =	vld [tilespmem:$0x1F430];
	v12 =	vsel vm12, $0x1, v1;
	vm13 =	vge.s32 v9, v11;
	v2 =	vadd.s32 v8, v2  }
0x269: {  	v23 =	vld [tilespmem:$0x1F440];
	v14 =	vsel vm13, $0x1, v1;
	vm14 =	vge.s32 v13, v11;
	v2 =	vadd.s32 v12, v2  }
0x26a: {  	v25 =	vld [tilespmem:$0x1F450];
	v16 =	vsel vm14, $0x1, v1;
	vm15 =	vge.s32 v15, v11;
	v2 =	vadd.s32 v14, v2  }
0x26b: {  	v27 =	vld [tilespmem:$0x1F460];
	vm4 =	vge.s32 v17, v11;
	v18 =	vsel vm15, $0x1, v1;
	v2 =	vadd.s32 v16, v2  }
0x26c: {  	v29 =	vld [tilespmem:$0x1F470];
	vm5 =	vge.s32 v19, v11;
	v20 =	vsel vm4, $0x1, v1;
	v2 =	vadd.s32 v18, v2  }
0x26d: {  	v31 =	vld [tilespmem:$0x1F480];
	v22 =	vsel vm5, $0x1, v1;
	vm6 =	vge.s32 v21, v11;
	v2 =	vadd.s32 v20, v2  }
0x26e: {  	v33 =	vld [tilespmem:$0x1F490];
	v24 =	vsel vm6, $0x1, v1;
	vm7 =	vge.s32 v23, v11;
	v2 =	vadd.s32 v22, v2  }
0x26f: {  	v26 =	vsel vm7, $0x1, v1;
	vm8 =	vge.s32 v25, v11;
	v35 =	vld [tilespmem:$0x1F4A0];
	v2 =	vadd.s32 v24, v2  }
0x270: {  	v28 =	vsel vm8, $0x1, v1;
	vm9 =	vge.s32 v27, v11;
	v37 =	vld [tilespmem:$0x1F4B0];
	v2 =	vadd.s32 v26, v2  }
0x271: {  	v30 =	vsel vm9, $0x1, v1;
	vm10 =	vge.s32 v29, v11;
	v39 =	vld [tilespmem:$0x1F4C0];
	v2 =	vadd.s32 v28, v2  }
0x272: {  	v32 =	vsel vm10, $0x1, v1;
	vm11 =	vge.s32 v31, v11;
	v41 =	vld [tilespmem:$0x1F4D0];
	v2 =	vadd.s32 v30, v2  }
0x273: {  	v34 =	vsel vm11, $0x1, v1;
	vm12 =	vge.s32 v33, v11;
	v43 =	vld [tilespmem:$0x1F4E0];
	v2 =	vadd.s32 v32, v2  }
0x274: {  	v36 =	vsel vm12, $0x1, v1;
	vm13 =	vge.s32 v35, v11;
	v45 =	vld [tilespmem:$0x1F4F0];
	v2 =	vadd.s32 v34, v2  }
0x275: {  	v38 =	vsel vm13, $0x1, v1;
	vm14 =	vge.s32 v37, v11;
	v47 =	vld [tilespmem:$0x1F500];
	v2 =	vadd.s32 v36, v2  }
0x276: {  	v40 =	vsel vm14, $0x1, v1;
	vm15 =	vge.s32 v39, v11;
	v49 =	vld [tilespmem:$0x1F510];
	v2 =	vadd.s32 v38, v2  }
0x277: {  	v42 =	vsel vm15, $0x1, v1;
	vm4 =	vge.s32 v41, v11;
	v51 =	vld [tilespmem:$0x1F520];
	v2 =	vadd.s32 v40, v2  }
0x278: {  	v44 =	vsel vm4, $0x1, v1;
	vm5 =	vge.s32 v43, v11;
	v53 =	vld [tilespmem:$0x1F530];
	v2 =	vadd.s32 v42, v2  }
0x279: {  	v55 =	vld [tilespmem:$0x1F540];
	v46 =	vsel vm5, $0x1, v1;
	vm6 =	vge.s32 v45, v11;
	v2 =	vadd.s32 v44, v2  }
0x27a: {  	v57 =	vld [tilespmem:$0x1F550];
	v48 =	vsel vm6, $0x1, v1;
	vm7 =	vge.s32 v47, v11;
	v2 =	vadd.s32 v46, v2  }
0x27b: {  	v59 =	vld [tilespmem:$0x1F560];
	v50 =	vsel vm7, $0x1, v1;
	vm8 =	vge.s32 v49, v11;
	v2 =	vadd.s32 v48, v2  }
0x27c: {  	v61 =	vld [tilespmem:$0x1F570];
	v52 =	vsel vm8, $0x1, v1;
	vm9 =	vge.s32 v51, v11;
	v2 =	vadd.s32 v50, v2  }
0x27d: {  	v63 =	vld [tilespmem:$0x1F580];
	v54 =	vsel vm9, $0x1, v1;
	vm10 =	vge.s32 v53, v11;
	v2 =	vadd.s32 v52, v2  }
0x27e: {  	vm11 =	vge.s32 v55, v11;
	v7 =	vld [tilespmem:$0x1F590];
	v56 =	vsel vm10, $0x1, v1;
	v2 =	vadd.s32 v54, v2  }
0x27f: {  	v9 =	vld [tilespmem:$0x1F5A0];
	vm12 =	vge.s32 v57, v11;
	v58 =	vsel vm11, $0x1, v1;
	v2 =	vadd.s32 v56, v2  }
0x280: {  	v13 =	vld [tilespmem:$0x1F5B0];
	vm13 =	vge.s32 v59, v11;
	v60 =	vsel vm12, $0x1, v1;
	v2 =	vadd.s32 v58, v2  }
0x281: {  	v15 =	vld [tilespmem:$0x1F5C0];
	vm14 =	vge.s32 v61, v11;
	v62 =	vsel vm13, $0x1, v1;
	v2 =	vadd.s32 v60, v2  }
0x282: {  	v17 =	vld [tilespmem:$0x1F5D0];
	vm15 =	vge.s32 v63, v11;
	v6 =	vsel vm14, $0x1, v1;
	v2 =	vadd.s32 v62, v2  }
0x283: {  	v19 =	vld [tilespmem:$0x1F5E0];
	vm4 =	vge.s32 v7, v11;
	v8 =	vsel vm15, $0x1, v1;
	v2 =	vadd.s32 v6, v2  }
0x284: {  	v21 =	vld [tilespmem:$0x1F5F0];
	vm5 =	vge.s32 v9, v11;
	v12 =	vsel vm4, $0x1, v1;
	v2 =	vadd.s32 v8, v2  }
0x285: {  	v23 =	vld [tilespmem:$0x1F600];
	vm6 =	vge.s32 v13, v11;
	v14 =	vsel vm5, $0x1, v1;
	v2 =	vadd.s32 v12, v2  }
0x286: {  	v25 =	vld [tilespmem:$0x1F610];
	vm7 =	vge.s32 v15, v11;
	v16 =	vsel vm6, $0x1, v1;
	v2 =	vadd.s32 v14, v2  }
0x287: {  	v27 =	vld [tilespmem:$0x1F620];
	vm8 =	vge.s32 v17, v11;
	v18 =	vsel vm7, $0x1, v1;
	v2 =	vadd.s32 v16, v2  }
0x288: {  	v29 =	vld [tilespmem:$0x1F630];
	vm9 =	vge.s32 v19, v11;
	v20 =	vsel vm8, $0x1, v1;
	v2 =	vadd.s32 v18, v2  }
0x289: {  	v31 =	vld [tilespmem:$0x1F640];
	vm10 =	vge.s32 v21, v11;
	v22 =	vsel vm9, $0x1, v1;
	v2 =	vadd.s32 v20, v2  }
0x28a: {  	v33 =	vld [tilespmem:$0x1F650];
	vm11 =	vge.s32 v23, v11;
	v24 =	vsel vm10, $0x1, v1;
	v2 =	vadd.s32 v22, v2  }
0x28b: {  	v35 =	vld [tilespmem:$0x1F660];
	vm12 =	vge.s32 v25, v11;
	v26 =	vsel vm11, $0x1, v1;
	v2 =	vadd.s32 v24, v2  }
0x28c: {  	v37 =	vld [tilespmem:$0x1F670];
	vm13 =	vge.s32 v27, v11;
	v28 =	vsel vm12, $0x1, v1;
	v2 =	vadd.s32 v26, v2  }
0x28d: {  	v39 =	vld [tilespmem:$0x1F680];
	vm14 =	vge.s32 v29, v11;
	v30 =	vsel vm13, $0x1, v1;
	v2 =	vadd.s32 v28, v2  }
0x28e: {  	v41 =	vld [tilespmem:$0x1F690];
	vm15 =	vge.s32 v31, v11;
	v32 =	vsel vm14, $0x1, v1;
	v2 =	vadd.s32 v30, v2  }
0x28f: {  	v43 =	vld [tilespmem:$0x1F6A0];
	vm4 =	vge.s32 v33, v11;
	v34 =	vsel vm15, $0x1, v1;
	v2 =	vadd.s32 v32, v2  }
0x290: {  	v45 =	vld [tilespmem:$0x1F6B0];
	vm5 =	vge.s32 v35, v11;
	v36 =	vsel vm4, $0x1, v1;
	v2 =	vadd.s32 v34, v2  }
0x291: {  	v47 =	vld [tilespmem:$0x1F6C0];
	vm6 =	vge.s32 v37, v11;
	v38 =	vsel vm5, $0x1, v1;
	v2 =	vadd.s32 v36, v2  }
0x292: {  	v49 =	vld [tilespmem:$0x1F6D0];
	vm7 =	vge.s32 v39, v11;
	v40 =	vsel vm6, $0x1, v1;
	v2 =	vadd.s32 v38, v2  }
0x293: {  	v51 =	vld [tilespmem:$0x1F6E0];
	vm8 =	vge.s32 v41, v11;
	v42 =	vsel vm7, $0x1, v1;
	v2 =	vadd.s32 v40, v2  }
0x294: {  	v53 =	vld [tilespmem:$0x1F6F0];
	vm9 =	vge.s32 v43, v11;
	v44 =	vsel vm8, $0x1, v1;
	v2 =	vadd.s32 v42, v2  }
0x295: {  	v55 =	vld [tilespmem:$0x1F700];
	vm10 =	vge.s32 v45, v11;
	v46 =	vsel vm9, $0x1, v1;
	v2 =	vadd.s32 v44, v2  }
0x296: {  	v57 =	vld [tilespmem:$0x1F710];
	vm11 =	vge.s32 v47, v11;
	v48 =	vsel vm10, $0x1, v1;
	v2 =	vadd.s32 v46, v2  }
0x297: {  	v59 =	vld [tilespmem:$0x1F720];
	vm12 =	vge.s32 v49, v11;
	v50 =	vsel vm11, $0x1, v1;
	v2 =	vadd.s32 v48, v2  }
0x298: {  	v61 =	vld [tilespmem:$0x1F730];
	vm13 =	vge.s32 v51, v11;
	v52 =	vsel vm12, $0x1, v1;
	v2 =	vadd.s32 v50, v2  }
0x299: {  	v63 =	vld [tilespmem:$0x1F740];
	vm14 =	vge.s32 v53, v11;
	v54 =	vsel vm13, $0x1, v1;
	v2 =	vadd.s32 v52, v2  }
0x29a: {  	v7 =	vld [tilespmem:$0x1F750];
	vm15 =	vge.s32 v55, v11;
	v56 =	vsel vm14, $0x1, v1;
	v2 =	vadd.s32 v54, v2  }
0x29b: {  	v9 =	vld [tilespmem:$0x1F760];
	vm4 =	vge.s32 v57, v11;
	v58 =	vsel vm15, $0x1, v1;
	v2 =	vadd.s32 v56, v2  }
0x29c: {  	v13 =	vld [tilespmem:$0x1F770];
	vm5 =	vge.s32 v59, v11;
	v60 =	vsel vm4, $0x1, v1;
	v2 =	vadd.s32 v58, v2  }
0x29d: {  	v15 =	vld [tilespmem:$0x1F780];
	vm6 =	vge.s32 v61, v11;
	v62 =	vsel vm5, $0x1, v1;
	v2 =	vadd.s32 v60, v2  }
0x29e: {  	v17 =	vld [tilespmem:$0x1F790];
	vm7 =	vge.s32 v63, v11;
	v6 =	vsel vm6, $0x1, v1;
	v2 =	vadd.s32 v62, v2  }
0x29f: {  	v19 =	vld [tilespmem:$0x1F7A0];
	vm8 =	vge.s32 v7, v11;
	v8 =	vsel vm7, $0x1, v1;
	v2 =	vadd.s32 v6, v2  }
0x2a0: {  	v21 =	vld [tilespmem:$0x1F7B0];
	vm9 =	vge.s32 v9, v11;
	v12 =	vsel vm8, $0x1, v1;
	v2 =	vadd.s32 v8, v2  }
0x2a1: {  	v23 =	vld [tilespmem:$0x1F7C0];
	vm10 =	vge.s32 v13, v11;
	v14 =	vsel vm9, $0x1, v1;
	v2 =	vadd.s32 v12, v2  }
0x2a2: {  	v25 =	vld [tilespmem:$0x1F7D0];
	vm11 =	vge.s32 v15, v11;
	v16 =	vsel vm10, $0x1, v1;
	v2 =	vadd.s32 v14, v2  }
0x2a3: {  	v27 =	vld [tilespmem:$0x1F7E0];
	vm12 =	vge.s32 v17, v11;
	v18 =	vsel vm11, $0x1, v1;
	v2 =	vadd.s32 v16, v2  }
0x2a4: {  	v29 =	vld [tilespmem:$0x1F7F0];
	vm13 =	vge.s32 v19, v11;
	v20 =	vsel vm12, $0x1, v1;
	v2 =	vadd.s32 v18, v2  }
0x2a5: {  	v31 =	vld [tilespmem:$0x1F800];
	vm14 =	vge.s32 v21, v11;
	v22 =	vsel vm13, $0x1, v1;
	v2 =	vadd.s32 v20, v2  }
0x2a6: {  	v33 =	vld [tilespmem:$0x1F810];
	vm15 =	vge.s32 v23, v11;
	v24 =	vsel vm14, $0x1, v1;
	v2 =	vadd.s32 v22, v2  }
0x2a7: {  	v35 =	vld [tilespmem:$0x1F820];
	vm4 =	vge.s32 v25, v11;
	v26 =	vsel vm15, $0x1, v1;
	v2 =	vadd.s32 v24, v2  }
0x2a8: {  	v37 =	vld [tilespmem:$0x1F830];
	vm5 =	vge.s32 v27, v11;
	v28 =	vsel vm4, $0x1, v1;
	v2 =	vadd.s32 v26, v2  }
0x2a9: {  	v39 =	vld [tilespmem:$0x1F840];
	vm6 =	vge.s32 v29, v11;
	v30 =	vsel vm5, $0x1, v1;
	v2 =	vadd.s32 v28, v2  }
0x2aa: {  	v41 =	vld [tilespmem:$0x1F850];
	vm7 =	vge.s32 v31, v11;
	v32 =	vsel vm6, $0x1, v1;
	v2 =	vadd.s32 v30, v2  }
0x2ab: {  	v43 =	vld [tilespmem:$0x1F860];
	vm8 =	vge.s32 v33, v11;
	v34 =	vsel vm7, $0x1, v1;
	v2 =	vadd.s32 v32, v2  }
0x2ac: {  	v45 =	vld [tilespmem:$0x1F870];
	vm9 =	vge.s32 v35, v11;
	v36 =	vsel vm8, $0x1, v1;
	v2 =	vadd.s32 v34, v2  }
0x2ad: {  	v47 =	vld [tilespmem:$0x1F880];
	vm10 =	vge.s32 v37, v11;
	v38 =	vsel vm9, $0x1, v1;
	v2 =	vadd.s32 v36, v2  }
0x2ae: {  	v49 =	vld [tilespmem:$0x1F890];
	vm11 =	vge.s32 v39, v11;
	v40 =	vsel vm10, $0x1, v1;
	v2 =	vadd.s32 v38, v2  }
0x2af: {  	v51 =	vld [tilespmem:$0x1F8A0];
	vm12 =	vge.s32 v41, v11;
	v42 =	vsel vm11, $0x1, v1;
	v2 =	vadd.s32 v40, v2  }
0x2b0: {  	v53 =	vld [tilespmem:$0x1F8B0];
	vm13 =	vge.s32 v43, v11;
	v44 =	vsel vm12, $0x1, v1;
	v2 =	vadd.s32 v42, v2  }
0x2b1: {  	v55 =	vld [tilespmem:$0x1F8C0];
	vm14 =	vge.s32 v45, v11;
	v46 =	vsel vm13, $0x1, v1;
	v2 =	vadd.s32 v44, v2  }
0x2b2: {  	v57 =	vld [tilespmem:$0x1F8D0];
	vm15 =	vge.s32 v47, v11;
	v48 =	vsel vm14, $0x1, v1;
	v2 =	vadd.s32 v46, v2  }
0x2b3: {  	v59 =	vld [tilespmem:$0x1F8E0];
	vm4 =	vge.s32 v49, v11;
	v50 =	vsel vm15, $0x1, v1;
	v2 =	vadd.s32 v48, v2  }
0x2b4: {  	v61 =	vld [tilespmem:$0x1F8F0];
	vm5 =	vge.s32 v51, v11;
	v52 =	vsel vm4, $0x1, v1;
	v2 =	vadd.s32 v50, v2  }
0x2b5: {  	v63 =	vld [tilespmem:$0x1F900];
	vm6 =	vge.s32 v53, v11;
	v54 =	vsel vm5, $0x1, v1;
	v2 =	vadd.s32 v52, v2  }
0x2b6: {  	v7 =	vld [tilespmem:$0x1F910];
	vm7 =	vge.s32 v55, v11;
	v56 =	vsel vm6, $0x1, v1;
	v2 =	vadd.s32 v54, v2  }
0x2b7: {  	v9 =	vld [tilespmem:$0x1F920];
	vm8 =	vge.s32 v57, v11;
	v58 =	vsel vm7, $0x1, v1;
	v2 =	vadd.s32 v56, v2  }
0x2b8: {  	v13 =	vld [tilespmem:$0x1F930];
	vm9 =	vge.s32 v59, v11;
	v60 =	vsel vm8, $0x1, v1;
	v2 =	vadd.s32 v58, v2  }
0x2b9: {  	v15 =	vld [tilespmem:$0x1F940];
	vm10 =	vge.s32 v61, v11;
	v62 =	vsel vm9, $0x1, v1;
	v2 =	vadd.s32 v60, v2  }
0x2ba: {  	v17 =	vld [tilespmem:$0x1F950];
	vm11 =	vge.s32 v63, v11;
	v6 =	vsel vm10, $0x1, v1;
	v2 =	vadd.s32 v62, v2  }
0x2bb: {  	v19 =	vld [tilespmem:$0x1F960];
	vm12 =	vge.s32 v7, v11;
	v8 =	vsel vm11, $0x1, v1;
	v2 =	vadd.s32 v6, v2  }
0x2bc: {  	v21 =	vld [tilespmem:$0x1F970];
	vm13 =	vge.s32 v9, v11;
	v12 =	vsel vm12, $0x1, v1;
	v2 =	vadd.s32 v8, v2  }
0x2bd: {  	v23 =	vld [tilespmem:$0x1F980];
	vm14 =	vge.s32 v13, v11;
	v14 =	vsel vm13, $0x1, v1;
	v2 =	vadd.s32 v12, v2  }
0x2be: {  	v25 =	vld [tilespmem:$0x1F990];
	vm15 =	vge.s32 v15, v11;
	v16 =	vsel vm14, $0x1, v1;
	v2 =	vadd.s32 v14, v2  }
0x2bf: {  	v27 =	vld [tilespmem:$0x1F9A0];
	vm4 =	vge.s32 v17, v11;
	v18 =	vsel vm15, $0x1, v1;
	v2 =	vadd.s32 v16, v2  }
0x2c0: {  	v29 =	vld [tilespmem:$0x1F9B0];
	vm5 =	vge.s32 v19, v11;
	v20 =	vsel vm4, $0x1, v1;
	v2 =	vadd.s32 v18, v2  }
0x2c1: {  	v31 =	vld [tilespmem:$0x1F9C0];
	vm6 =	vge.s32 v21, v11;
	v22 =	vsel vm5, $0x1, v1;
	v2 =	vadd.s32 v20, v2  }
0x2c2: {  	v33 =	vld [tilespmem:$0x1F9D0];
	vm7 =	vge.s32 v23, v11;
	v24 =	vsel vm6, $0x1, v1;
	v2 =	vadd.s32 v22, v2  }
0x2c3: {  	v35 =	vld [tilespmem:$0x1F9E0];
	vm8 =	vge.s32 v25, v11;
	v26 =	vsel vm7, $0x1, v1;
	v2 =	vadd.s32 v24, v2  }
0x2c4: {  	v37 =	vld [tilespmem:$0x1F9F0];
	vm9 =	vge.s32 v27, v11;
	v28 =	vsel vm8, $0x1, v1;
	v2 =	vadd.s32 v26, v2  }
0x2c5: {  	v39 =	vld [tilespmem:$0x1FA00];
	vm10 =	vge.s32 v29, v11;
	v30 =	vsel vm9, $0x1, v1;
	v2 =	vadd.s32 v28, v2  }
0x2c6: {  	v41 =	vld [tilespmem:$0x1FA10];
	vm11 =	vge.s32 v31, v11;
	v32 =	vsel vm10, $0x1, v1;
	v2 =	vadd.s32 v30, v2  }
0x2c7: {  	v43 =	vld [tilespmem:$0x1FA20];
	vm12 =	vge.s32 v33, v11;
	v34 =	vsel vm11, $0x1, v1;
	v2 =	vadd.s32 v32, v2  }
0x2c8: {  	v45 =	vld [tilespmem:$0x1FA30];
	vm13 =	vge.s32 v35, v11;
	v36 =	vsel vm12, $0x1, v1;
	v2 =	vadd.s32 v34, v2  }
0x2c9: {  	v47 =	vld [tilespmem:$0x1FA40];
	vm14 =	vge.s32 v37, v11;
	v38 =	vsel vm13, $0x1, v1;
	v2 =	vadd.s32 v36, v2  }
0x2ca: {  	v49 =	vld [tilespmem:$0x1FA50];
	vm15 =	vge.s32 v39, v11;
	v40 =	vsel vm14, $0x1, v1;
	v2 =	vadd.s32 v38, v2  }
0x2cb: {  	v51 =	vld [tilespmem:$0x1FA60];
	vm4 =	vge.s32 v41, v11;
	v42 =	vsel vm15, $0x1, v1;
	v2 =	vadd.s32 v40, v2  }
0x2cc: {  	v53 =	vld [tilespmem:$0x1FA70];
	vm5 =	vge.s32 v43, v11;
	v44 =	vsel vm4, $0x1, v1;
	v2 =	vadd.s32 v42, v2  }
0x2cd: {  	v55 =	vld [tilespmem:$0x1FA80];
	vm6 =	vge.s32 v45, v11;
	v46 =	vsel vm5, $0x1, v1;
	v2 =	vadd.s32 v44, v2  }
0x2ce: {  	v57 =	vld [tilespmem:$0x1FA90];
	vm7 =	vge.s32 v47, v11;
	v48 =	vsel vm6, $0x1, v1;
	v2 =	vadd.s32 v46, v2  }
0x2cf: {  	v59 =	vld [tilespmem:$0x1FAA0];
	vm8 =	vge.s32 v49, v11;
	v50 =	vsel vm7, $0x1, v1;
	v2 =	vadd.s32 v48, v2  }
0x2d0: {  	v61 =	vld [tilespmem:$0x1FAB0];
	vm9 =	vge.s32 v51, v11;
	v52 =	vsel vm8, $0x1, v1;
	v2 =	vadd.s32 v50, v2  }
0x2d1: {  	v63 =	vld [tilespmem:$0x1FAC0];
	vm10 =	vge.s32 v53, v11;
	v54 =	vsel vm9, $0x1, v1;
	v2 =	vadd.s32 v52, v2  }
0x2d2: {  	v7 =	vld [tilespmem:$0x1FAD0];
	vm11 =	vge.s32 v55, v11;
	v56 =	vsel vm10, $0x1, v1;
	v2 =	vadd.s32 v54, v2  }
0x2d3: {  	v9 =	vld [tilespmem:$0x1FAE0];
	vm12 =	vge.s32 v57, v11;
	v58 =	vsel vm11, $0x1, v1;
	v2 =	vadd.s32 v56, v2  }
0x2d4: {  	v13 =	vld [tilespmem:$0x1FAF0];
	vm13 =	vge.s32 v59, v11;
	v60 =	vsel vm12, $0x1, v1;
	v2 =	vadd.s32 v58, v2  }
0x2d5: {  	v15 =	vld [tilespmem:$0x1FB00];
	vm14 =	vge.s32 v61, v11;
	v62 =	vsel vm13, $0x1, v1;
	v2 =	vadd.s32 v60, v2  }
0x2d6: {  	v17 =	vld [tilespmem:$0x1FB10];
	vm15 =	vge.s32 v63, v11;
	v6 =	vsel vm14, $0x1, v1;
	v2 =	vadd.s32 v62, v2  }
0x2d7: {  	v19 =	vld [tilespmem:$0x1FB20];
	vm4 =	vge.s32 v7, v11;
	v8 =	vsel vm15, $0x1, v1;
	v2 =	vadd.s32 v6, v2  }
0x2d8: {  	v21 =	vld [tilespmem:$0x1FB30];
	vm5 =	vge.s32 v9, v11;
	v12 =	vsel vm4, $0x1, v1;
	v2 =	vadd.s32 v8, v2  }
0x2d9: {  	v23 =	vld [tilespmem:$0x1FB40];
	vm6 =	vge.s32 v13, v11;
	v14 =	vsel vm5, $0x1, v1;
	v2 =	vadd.s32 v12, v2  }
0x2da: {  	v25 =	vld [tilespmem:$0x1FB50];
	vm7 =	vge.s32 v15, v11;
	v16 =	vsel vm6, $0x1, v1;
	v2 =	vadd.s32 v14, v2  }
0x2db: {  	v27 =	vld [tilespmem:$0x1FB60];
	vm8 =	vge.s32 v17, v11;
	v18 =	vsel vm7, $0x1, v1;
	v2 =	vadd.s32 v16, v2  }
0x2dc: {  	v29 =	vld [tilespmem:$0x1FB70];
	vm9 =	vge.s32 v19, v11;
	v20 =	vsel vm8, $0x1, v1;
	v2 =	vadd.s32 v18, v2  }
0x2dd: {  	v31 =	vld [tilespmem:$0x1FB80];
	vm10 =	vge.s32 v21, v11;
	v22 =	vsel vm9, $0x1, v1;
	v2 =	vadd.s32 v20, v2  }
0x2de: {  	v33 =	vld [tilespmem:$0x1FB90];
	vm11 =	vge.s32 v23, v11;
	v24 =	vsel vm10, $0x1, v1;
	v2 =	vadd.s32 v22, v2  }
0x2df: {  	v35 =	vld [tilespmem:$0x1FBA0];
	vm12 =	vge.s32 v25, v11;
	v26 =	vsel vm11, $0x1, v1;
	v2 =	vadd.s32 v24, v2  }
0x2e0: {  	v37 =	vld [tilespmem:$0x1FBB0];
	vm13 =	vge.s32 v27, v11;
	v28 =	vsel vm12, $0x1, v1;
	v2 =	vadd.s32 v26, v2  }
0x2e1: {  	v39 =	vld [tilespmem:$0x1FBC0];
	vm14 =	vge.s32 v29, v11;
	v30 =	vsel vm13, $0x1, v1;
	v2 =	vadd.s32 v28, v2  }
0x2e2: {  	v41 =	vld [tilespmem:$0x1FBD0];
	vm15 =	vge.s32 v31, v11;
	v32 =	vsel vm14, $0x1, v1;
	v2 =	vadd.s32 v30, v2  }
0x2e3: {  	v43 =	vld [tilespmem:$0x1FBE0];
	vm4 =	vge.s32 v33, v11;
	v34 =	vsel vm15, $0x1, v1;
	v2 =	vadd.s32 v32, v2  }
0x2e4: {  	v45 =	vld [tilespmem:$0x1FBF0];
	vm5 =	vge.s32 v35, v11;
	v36 =	vsel vm4, $0x1, v1;
	v2 =	vadd.s32 v34, v2  }
0x2e5: {  	v47 =	vld [tilespmem:$0x1FC00];
	vm6 =	vge.s32 v37, v11;
	v38 =	vsel vm5, $0x1, v1;
	v2 =	vadd.s32 v36, v2  }
0x2e6: {  	v49 =	vld [tilespmem:$0x1FC10];
	vm7 =	vge.s32 v39, v11;
	v40 =	vsel vm6, $0x1, v1;
	v2 =	vadd.s32 v38, v2  }
0x2e7: {  	v51 =	vld [tilespmem:$0x1FC20];
	vm8 =	vge.s32 v41, v11;
	v42 =	vsel vm7, $0x1, v1;
	v2 =	vadd.s32 v40, v2  }
0x2e8: {  	v53 =	vld [tilespmem:$0x1FC30];
	vm9 =	vge.s32 v43, v11;
	v44 =	vsel vm8, $0x1, v1;
	v2 =	vadd.s32 v42, v2  }
0x2e9: {  	v55 =	vld [tilespmem:$0x1FC40];
	vm10 =	vge.s32 v45, v11;
	v46 =	vsel vm9, $0x1, v1;
	v2 =	vadd.s32 v44, v2  }
0x2ea: {  	v57 =	vld [tilespmem:$0x1FC50];
	vm11 =	vge.s32 v47, v11;
	v48 =	vsel vm10, $0x1, v1;
	v2 =	vadd.s32 v46, v2  }
0x2eb: {  	v59 =	vld [tilespmem:$0x1FC60];
	vm12 =	vge.s32 v49, v11;
	v50 =	vsel vm11, $0x1, v1;
	v2 =	vadd.s32 v48, v2  }
0x2ec: {  	v61 =	vld [tilespmem:$0x1FC70];
	vm13 =	vge.s32 v51, v11;
	v52 =	vsel vm12, $0x1, v1;
	v2 =	vadd.s32 v50, v2  }
0x2ed: {  	v63 =	vld [tilespmem:$0x1FC80];
	vm14 =	vge.s32 v53, v11;
	v54 =	vsel vm13, $0x1, v1;
	v2 =	vadd.s32 v52, v2  }
0x2ee: {  	v7 =	vld [tilespmem:$0x1FC90];
	vm15 =	vge.s32 v55, v11;
	v56 =	vsel vm14, $0x1, v1;
	v2 =	vadd.s32 v54, v2  }
0x2ef: {  	v9 =	vld [tilespmem:$0x1FCA0];
	vm4 =	vge.s32 v57, v11;
	v58 =	vsel vm15, $0x1, v1;
	v2 =	vadd.s32 v56, v2  }
0x2f0: {  	v13 =	vld [tilespmem:$0x1FCB0];
	vm5 =	vge.s32 v59, v11;
	v60 =	vsel vm4, $0x1, v1;
	v2 =	vadd.s32 v58, v2  }
0x2f1: {  	v15 =	vld [tilespmem:$0x1FCC0];
	vm6 =	vge.s32 v61, v11;
	v62 =	vsel vm5, $0x1, v1;
	v2 =	vadd.s32 v60, v2  }
0x2f2: {  	v17 =	vld [tilespmem:$0x1FCD0];
	vm7 =	vge.s32 v63, v11;
	v6 =	vsel vm6, $0x1, v1;
	v2 =	vadd.s32 v62, v2  }
0x2f3: {  	v19 =	vld [tilespmem:$0x1FCE0];
	vm8 =	vge.s32 v7, v11;
	v8 =	vsel vm7, $0x1, v1;
	v2 =	vadd.s32 v6, v2  }
0x2f4: {  	v21 =	vld [tilespmem:$0x1FCF0];
	vm9 =	vge.s32 v9, v11;
	v12 =	vsel vm8, $0x1, v1;
	v2 =	vadd.s32 v8, v2  }
0x2f5: {  	v23 =	vld [tilespmem:$0x1FD00];
	vm10 =	vge.s32 v13, v11;
	v14 =	vsel vm9, $0x1, v1;
	v2 =	vadd.s32 v12, v2  }
0x2f6: {  	v25 =	vld [tilespmem:$0x1FD10];
	vm11 =	vge.s32 v15, v11;
	v16 =	vsel vm10, $0x1, v1;
	v2 =	vadd.s32 v14, v2  }
0x2f7: {  	v27 =	vld [tilespmem:$0x1FD20];
	vm12 =	vge.s32 v17, v11;
	v18 =	vsel vm11, $0x1, v1;
	v2 =	vadd.s32 v16, v2  }
0x2f8: {  	v29 =	vld [tilespmem:$0x1FD30];
	vm13 =	vge.s32 v19, v11;
	v20 =	vsel vm12, $0x1, v1;
	v2 =	vadd.s32 v18, v2  }
0x2f9: {  	v31 =	vld [tilespmem:$0x1FD40];
	vm14 =	vge.s32 v21, v11;
	v22 =	vsel vm13, $0x1, v1;
	v2 =	vadd.s32 v20, v2  }
0x2fa: {  	v33 =	vld [tilespmem:$0x1FD50];
	vm15 =	vge.s32 v23, v11;
	v24 =	vsel vm14, $0x1, v1;
	v2 =	vadd.s32 v22, v2  }
0x2fb: {  	v35 =	vld [tilespmem:$0x1FD60];
	vm4 =	vge.s32 v25, v11;
	v26 =	vsel vm15, $0x1, v1;
	v2 =	vadd.s32 v24, v2  }
0x2fc: {  	v37 =	vld [tilespmem:$0x1FD70];
	vm5 =	vge.s32 v27, v11;
	v28 =	vsel vm4, $0x1, v1;
	v2 =	vadd.s32 v26, v2  }
0x2fd: {  	v39 =	vld [tilespmem:$0x1FD80];
	vm6 =	vge.s32 v29, v11;
	v30 =	vsel vm5, $0x1, v1;
	v2 =	vadd.s32 v28, v2  }
0x2fe: {  	v41 =	vld [tilespmem:$0x1FD90];
	vm7 =	vge.s32 v31, v11;
	v32 =	vsel vm6, $0x1, v1;
	v2 =	vadd.s32 v30, v2  }
0x2ff: {  	v43 =	vld [tilespmem:$0x1FDA0];
	vm8 =	vge.s32 v33, v11;
	v34 =	vsel vm7, $0x1, v1;
	v2 =	vadd.s32 v32, v2  }
0x300: {  	v45 =	vld [tilespmem:$0x1FDB0];
	vm9 =	vge.s32 v35, v11;
	v36 =	vsel vm8, $0x1, v1;
	v2 =	vadd.s32 v34, v2  }
0x301: {  	v47 =	vld [tilespmem:$0x1FDC0];
	vm10 =	vge.s32 v37, v11;
	v38 =	vsel vm9, $0x1, v1;
	v2 =	vadd.s32 v36, v2  }
0x302: {  	v49 =	vld [tilespmem:$0x1FDD0];
	vm11 =	vge.s32 v39, v11;
	v40 =	vsel vm10, $0x1, v1;
	v2 =	vadd.s32 v38, v2  }
0x303: {  	v51 =	vld [tilespmem:$0x1FDE0];
	vm12 =	vge.s32 v41, v11;
	v42 =	vsel vm11, $0x1, v1;
	v2 =	vadd.s32 v40, v2  }
0x304: {  	v53 =	vld [tilespmem:$0x1FDF0];
	vm13 =	vge.s32 v43, v11;
	v44 =	vsel vm12, $0x1, v1;
	v2 =	vadd.s32 v42, v2  }
0x305: {  	v55 =	vld [tilespmem:$0x1FE00];
	vm14 =	vge.s32 v45, v11;
	v46 =	vsel vm13, $0x1, v1;
	v2 =	vadd.s32 v44, v2  }
0x306: {  	v57 =	vld [tilespmem:$0x1FE10];
	vm15 =	vge.s32 v47, v11;
	v48 =	vsel vm14, $0x1, v1;
	v2 =	vadd.s32 v46, v2  }
0x307: {  	v59 =	vld [tilespmem:$0x1FE20];
	vm4 =	vge.s32 v49, v11;
	v50 =	vsel vm15, $0x1, v1;
	v2 =	vadd.s32 v48, v2  }
0x308: {  	v61 =	vld [tilespmem:$0x1FE30];
	vm5 =	vge.s32 v51, v11;
	v52 =	vsel vm4, $0x1, v1;
	v2 =	vadd.s32 v50, v2  }
0x309: {  	v63 =	vld [tilespmem:$0x1FE40];
	vm6 =	vge.s32 v53, v11;
	v54 =	vsel vm5, $0x1, v1;
	v2 =	vadd.s32 v52, v2  }
0x30a: {  	v7 =	vld [tilespmem:$0x1FE50];
	vm7 =	vge.s32 v55, v11;
	v56 =	vsel vm6, $0x1, v1;
	v2 =	vadd.s32 v54, v2  }
0x30b: {  	v9 =	vld [tilespmem:$0x1FE60];
	vm8 =	vge.s32 v57, v11;
	v58 =	vsel vm7, $0x1, v1;
	v2 =	vadd.s32 v56, v2  }
0x30c: {  	v13 =	vld [tilespmem:$0x1FE70];
	vm9 =	vge.s32 v59, v11;
	v60 =	vsel vm8, $0x1, v1;
	v2 =	vadd.s32 v58, v2  }
0x30d: {  	v15 =	vld [tilespmem:$0x1FE80];
	vm10 =	vge.s32 v61, v11;
	v62 =	vsel vm9, $0x1, v1;
	v2 =	vadd.s32 v60, v2  }
0x30e: {  	v17 =	vld [tilespmem:$0x1FE90];
	vm11 =	vge.s32 v63, v11;
	v6 =	vsel vm10, $0x1, v1;
	v2 =	vadd.s32 v62, v2  }
0x30f: {  	v19 =	vld [tilespmem:$0x1FEA0];
	vm12 =	vge.s32 v7, v11;
	v8 =	vsel vm11, $0x1, v1;
	v2 =	vadd.s32 v6, v2  }
0x310: {  	v21 =	vld [tilespmem:$0x1FEB0];
	vm13 =	vge.s32 v9, v11;
	v12 =	vsel vm12, $0x1, v1;
	v2 =	vadd.s32 v8, v2  }
0x311: {  	v23 =	vld [tilespmem:$0x1FEC0];
	vm14 =	vge.s32 v13, v11;
	v14 =	vsel vm13, $0x1, v1;
	v2 =	vadd.s32 v12, v2  }
0x312: {  	v25 =	vld [tilespmem:$0x1FED0];
	vm15 =	vge.s32 v15, v11;
	v16 =	vsel vm14, $0x1, v1;
	v2 =	vadd.s32 v14, v2  }
0x313: {  	v27 =	vld [tilespmem:$0x1FEE0];
	vm4 =	vge.s32 v17, v11;
	v18 =	vsel vm15, $0x1, v1;
	v2 =	vadd.s32 v16, v2  }
0x314: {  	v29 =	vld [tilespmem:$0x1FEF0];
	vm5 =	vge.s32 v19, v11;
	v20 =	vsel vm4, $0x1, v1;
	v2 =	vadd.s32 v18, v2  }
0x315: {  	v31 =	vld [tilespmem:$0x1FF00];
	vm6 =	vge.s32 v21, v11;
	v22 =	vsel vm5, $0x1, v1;
	v2 =	vadd.s32 v20, v2  }
0x316: {  	v33 =	vld [tilespmem:$0x1FF10];
	vm7 =	vge.s32 v23, v11;
	v24 =	vsel vm6, $0x1, v1;
	v2 =	vadd.s32 v22, v2  }
0x317: {  	v35 =	vld [tilespmem:$0x1FF20];
	vm8 =	vge.s32 v25, v11;
	v26 =	vsel vm7, $0x1, v1;
	v2 =	vadd.s32 v24, v2  }
0x318: {  	v37 =	vld [tilespmem:$0x1FF30];
	vm9 =	vge.s32 v27, v11;
	v28 =	vsel vm8, $0x1, v1;
	v2 =	vadd.s32 v26, v2  }
0x319: {  	v39 =	vld [tilespmem:$0x1FF40];
	vm10 =	vge.s32 v29, v11;
	v30 =	vsel vm9, $0x1, v1;
	v2 =	vadd.s32 v28, v2  }
0x31a: {  	v41 =	vld [tilespmem:$0x1FF50];
	vm11 =	vge.s32 v31, v11;
	v32 =	vsel vm10, $0x1, v1;
	v2 =	vadd.s32 v30, v2  }
0x31b: {  	v43 =	vld [tilespmem:$0x1FF60];
	vm12 =	vge.s32 v33, v11;
	v34 =	vsel vm11, $0x1, v1;
	v2 =	vadd.s32 v32, v2  }
0x31c: {  	v45 =	vld [tilespmem:$0x1FF70];
	vm13 =	vge.s32 v35, v11;
	v36 =	vsel vm12, $0x1, v1;
	v2 =	vadd.s32 v34, v2  }
0x31d: {  	v47 =	vld [tilespmem:$0x1FF80];
	vm14 =	vge.s32 v37, v11;
	v38 =	vsel vm13, $0x1, v1;
	v2 =	vadd.s32 v36, v2  }
0x31e: {  	v49 =	vld [tilespmem:$0x1FF90];
	vm15 =	vge.s32 v39, v11;
	v40 =	vsel vm14, $0x1, v1;
	v2 =	vadd.s32 v38, v2  }
0x31f: {  	v51 =	vld [tilespmem:$0x1FFA0];
	vm4 =	vge.s32 v41, v11;
	v42 =	vsel vm15, $0x1, v1;
	v2 =	vadd.s32 v40, v2  }
0x320: {  	v53 =	vld [tilespmem:$0x1FFB0];
	vm5 =	vge.s32 v43, v11;
	v44 =	vsel vm4, $0x1, v1;
	v2 =	vadd.s32 v42, v2  }
0x321: {  	v55 =	vld [tilespmem:$0x1FFC0];
	vm6 =	vge.s32 v45, v11;
	v46 =	vsel vm5, $0x1, v1;
	v2 =	vadd.s32 v44, v2  }
0x322: {  	v57 =	vld [tilespmem:$0x1FFD0];
	vm7 =	vge.s32 v47, v11;
	v48 =	vsel vm6, $0x1, v1;
	v2 =	vadd.s32 v46, v2  }
0x323: {  	v59 =	vld [tilespmem:$0x1FFE0];
	vm8 =	vge.s32 v49, v11;
	v50 =	vsel vm7, $0x1, v1;
	v2 =	vadd.s32 v48, v2  }
0x324: {  	v61 =	vld [tilespmem:$0x1FFF0];
	vm9 =	vge.s32 v51, v11;
	v52 =	vsel vm8, $0x1, v1;
	v2 =	vadd.s32 v50, v2  }
0x325: {  	vm10 =	vge.s32 v53, v11;
	v54 =	vsel vm9, $0x1, v1;
	v2 =	vadd.s32 v52, v2  }
0x326: {  	vm11 =	vge.s32 v55, v11;
	v56 =	vsel vm10, $0x1, v1;
	v2 =	vadd.s32 v54, v2  }
0x327: {  	vm12 =	vge.s32 v57, v11;
	v58 =	vsel vm11, $0x1, v1;
	v2 =	vadd.s32 v56, v2  }
0x328: {  	vm13 =	vge.s32 v59, v11;
	v60 =	vsel vm12, $0x1, v1;
	v2 =	vadd.s32 v58, v2  }
0x329: {  	vm14 =	vge.s32 v61, v11;
	v62 =	vsel vm13, $0x1, v1;
	v2 =	vadd.s32 v60, v2  }
0x32a: {  	v63 =	vsel vm14, $0x1, v1;
	v2 =	vadd.s32 v62, v2  }
0x32b: {  	v1 =	vadd.s32 v63, v2  }
0x32c: {  	vm15 =	vgt.s32 v1, $0x4B  }
0x32d: {  	v0 =	vsel vm15, v10, v0  }
0x32e: {  	v0 =	vxor.u32 $0x80000000, v0  }
0x32f: {  	s3 =	simm.s32 $0x0;
	s4 =	simm.s32 $0x1000;
	s31 =	simm.s32 $0x1;
	[tilespmem:$0x1000] =	vst v0  }
0x330: {  	[hbm4b:s2+s3] =	stream.linear.scatter [tilespmem:s4], [sflag:$0x1], $0x10, $0x38;
	[tilespmem:$0x1010] =	vst v63  }
0x331: {  	_ =	swait.ge [sflag:s31], $0x10  }
0x332: {  	[sflag:s31] =	ssyncset.done $0x0  }
0x333: {  	[sflag:s31] =	ssyncadd.s32 $0xFFFFFFF0  }
.LBB2_6:
0x334: {  	_ =	sfence.sel $0x180000  }
0x335: {  	[bflag:$0x0] =	sbarrier.arrive $0xFFFF  }
0x336: {  	p0 =	sne.s32 s1, $0x0;
	_ =	strace $0x90000047  }
0x337: {  	s0 =	sadd.s32 @!p0 $0x100000, s0;
	[bflag:$0x2] =	sbarrier.arrive $0xFFFF  }
0x338: {  	[sflag:s0] =	ssyncadd.tile.s32 @!p0 $0x1;
	_ =	shalt  }
.Lfunc_end2:
_tile_overlayer_lowered:
.L_overlay_start_2:
0x339: {  	(tag) =	ssettag $0x2  }
0x33a: {  	s0 =	rddreg [dreg:$0x0];
	s2 =	stileid.u32  }
0x33b: {  	s1 =	rddreg [dreg:$0x1];
	p0 =	sne.s32 s2, $0x0  }
0x33c: {  	s3 =	rddreg [dreg:$0x2];
	[bflag:$0x3] =	sbarrier.arrive $0xFFFF;
	s2 =	simm.s32 @!p0 $0x1C01  }
0x33d: {  	[timem:s3], [sflag:s2] =	dma.local @!p0 [hbm:s0], s1  }
0x33e: {  	s0 =	simm.s32 @!p0 $0x1  }
0x33f: {  	_ =	swait.ge @!p0 [sflag:s0], s1  }
0x340: {  	s1 =	ssub.s32 @!p0 $0x0, s1;
	[sflag:s0] =	ssyncset.done @!p0 $0x0  }
0x341: {  	[sflag:s0] =	ssyncadd.s32 @!p0 s1  }
0x342: {  	[bflag:$0x3] =	sbarrier.arrive $0xFFFF  }
0x343: {  	_ =	shalt  }

</sc_bundles>
